<compile_context>
chip_gen: v7x
topology: tpu7x:2x2x1
jax: 0.10.2.dev20260603
libtpu: 0.0.44.dev20260713+nightly
codegen_flags: <defaults>
</compile_context>

<pallas_src>
import functools

import jax
import jax.numpy as jnp
from jax import lax
from jax.experimental import pallas as pl
from jax.experimental.pallas import tpu as pltpu
from jax.experimental.pallas import tpu_sc as plsc

_V = 10000
_D = 256
_B = 16384
_S = 200

_NC, _NS, _L = 2, 16, 16
_NW = _NC * _NS
_RPW = _B // _NW
_G = 16
_NG = _RPW // _G
_PIECES = ((0, 56), (56, 48), (104, 48), (152, 48))
_SCA = 56
_DV = _D // _L
_PK = _D // (2 * _L)
_TCH = 4


def _rsqrt_nr(x):
    xi = plsc.bitcast(x, jnp.int32)
    yi = jnp.int32(0x5F3759DF) - (xi >> 1)
    y = plsc.bitcast(yi, jnp.float32)
    for _ in range(3):
        y = y * (1.5 - 0.5 * x * y * y)
    return y


_SCHED = ((0, 0), (1, 0), (0, 1), (1, 1), (0, 2), (1, 2), (0, 3), (1, 3))


def _sc_body(pred_hbm, gt_hbm, table_hbm, out_hbm,
             idx_p, idx_g, bufs, tshared, sums_p, sums_g, rewards,
             sem0, sem1, sem2, sem3):
    sid = lax.axis_index("s")
    wid = sid * _NC + lax.axis_index("c")
    base = wid * _RPW
    zero = jnp.zeros((_L,), jnp.float32)
    rows16 = lax.iota(jnp.int32, _L) * _D
    sems = (sem0, sem1, sem2, sem3)
    idxs = (idx_p, idx_g)

    @pl.when(sid == 0)
    def _():
        pltpu.sync_copy(table_hbm, tshared)
    plsc.subcore_barrier()

    def chunk_copy(i, c):
        side, piece = _SCHED[c % 8]
        slot = c % 4
        off, n = _PIECES[piece]
        dst = bufs.at[slot] if n == _SCA else bufs.at[slot, pl.ds(0, n)]
        return pltpu.make_async_copy(
            tshared.at[idxs[side].at[i, pl.ds(off, n)]], dst, sems[slot])

    def reduce_chunk(par, accs, side, ntok):
        def run(jj, accs_):
            f = list(accs_)
            j0 = jj * _TCH
            for k in range(_PK):
                b = bufs[par, j0, pl.ds(k * 2 * _L, 2 * _L)]
                for t in range(1, _TCH):
                    b = b + bufs[par, j0 + t, pl.ds(k * 2 * _L, 2 * _L)]
                lo, hi = plsc.unpack(b, format=plsc.PackFormat.INTERLEAVED)
                f[side * _DV + 2 * k] += lo
                f[side * _DV + 2 * k + 1] += hi
            return tuple(f)

        return plsc.parallel_loop(0, ntok // _TCH, 1, unroll=2,
                                  carry=accs)(run)

    def stage_group(g):
        rbase = base + g * _G
        pltpu.sync_copy(pred_hbm.at[pl.ds(rbase, _G)], idx_p)
        pltpu.sync_copy(gt_hbm.at[pl.ds(rbase, _G)], idx_g)
        chunk_copy(0, 0).start()
        chunk_copy(0, 1).start()
        chunk_copy(0, 2).start()

    stage_group(0)

    def group_body(g, carry):
        def row_body(i, c2):
            accs = (zero,) * (2 * _DV)
            for c in range(8):
                if c + 3 < 8:
                    chunk_copy(i, c + 3).start()
                else:
                    @pl.when(i + 1 < _G)
                    def _():
                        chunk_copy(i + 1, c + 3 - 8).start()
                chunk_copy(i, c).wait()
                side, piece = _SCHED[c]
                accs = reduce_chunk(c % 4, accs, side, _PIECES[piece][1])
            for k in range(_DV):
                sums_p[pl.ds(i * _D + k * _L, _L)] = accs[k]
                sums_g[pl.ds(i * _D + k * _L, _L)] = accs[_DV + k]
            return c2

        lax.fori_loop(0, _G, row_body, 0)

        @pl.when(g + 1 < _NG)
        def _():
            stage_group(g + 1)

        def fin(d, carry3):
            dot, np_, ng_ = carry3
            idxv = rows16 + d
            p = plsc.load_gather(sums_p, [idxv])
            q = plsc.load_gather(sums_g, [idxv])
            return dot + p * q, np_ + p * p, ng_ + q * q

        dot, np_, ng_ = lax.fori_loop(0, _D, fin, (zero, zero, zero))
        inv2 = jnp.float32(1.0 / (_S * _S))
        np_m = jnp.maximum(np_ * inv2, 1e-16)
        ng_m = jnp.maximum(ng_ * inv2, 1e-16)
        sim = dot * inv2 * _rsqrt_nr(np_m * ng_m)
        rewards[pl.ds(g * _G, _G)] = 0.7 * jnp.maximum(sim, 0.0)
        return carry

    lax.fori_loop(0, _NG, group_body, 0)
    pltpu.sync_copy(rewards, out_hbm.at[pl.ds(base, _RPW)])


def _make_sc_kernel(interpret=False):
    mesh = plsc.VectorSubcoreMesh(core_axis_name="c", subcore_axis_name="s",
                                  num_cores=_NC, num_subcores=_NS)
    return pl.kernel(
        _sc_body,
        out_type=jax.ShapeDtypeStruct((_B,), jnp.float32),
        mesh=mesh,
        scratch_types=[
            pltpu.VMEM((_G, _S), jnp.int32),
            pltpu.VMEM((_G, _S), jnp.int32),
            pltpu.VMEM((4, _SCA, _D), jnp.bfloat16),
            pltpu.VMEM_SHARED((_V, _D), jnp.bfloat16),
            pltpu.VMEM((_G * _D,), jnp.float32),
            pltpu.VMEM((_G * _D,), jnp.float32),
            pltpu.VMEM((_RPW,), jnp.float32),
            pltpu.SemaphoreType.DMA,
            pltpu.SemaphoreType.DMA,
            pltpu.SemaphoreType.DMA,
            pltpu.SemaphoreType.DMA,
        ],
        compiler_params=pltpu.CompilerParams(use_tc_tiling_on_sc=False,
                                             needs_layout_passes=False),
        interpret=interpret,
    )


@jax.jit
def kernel(pred_ids, gt_ids, table):
    table_bf = table.astype(jnp.bfloat16)
    return _make_sc_kernel()(pred_ids, gt_ids, table_bf)

# --- scband reference (transcript-rebuilt; emitter-appended) ---
"""Pipeline reference for scband-answer-reward-model-14242111554086 (READ-ONLY COPY).

The authoritative reference and input builder live on the scoring server;
editing this copy changes nothing except your own understanding.
"""

import jax, jax.numpy as jnp
import numpy as np

VOCAB = 10000
EMBED_DIM = 256
BATCH = 16384
SEQ = 200

def setup_inputs(seed: int = 0) -> dict:
    key = jax.random.key(seed)
    k1, k2, k3 = jax.random.split(key, 3)
    pred_ids = jax.random.randint(k1, (BATCH, SEQ), 0, VOCAB, dtype=jnp.int64 if jax.config.jax_enable_x64 else jnp.int32)
    gt_ids = jax.random.randint(k2, (BATCH, SEQ), 0, VOCAB, dtype=jnp.int64 if jax.config.jax_enable_x64 else jnp.int32)
    table = jax.random.normal(k3, (VOCAB, EMBED_DIM), dtype=jnp.float32) * 0.02
    return {"pred_ids": pred_ids, "gt_ids": gt_ids, "table": table}

def reference(pred_ids, gt_ids, table):
    # Batched version of AnswerRewardModel.encode_text fallback path:
    #   embeddings = self.simple_embedding(token_tensor); embeddings.mean(dim=0)
    pred_emb = jnp.take(table, pred_ids, axis=0).mean(axis=1)  # [B, D]
    gt_emb = jnp.take(table, gt_ids, axis=0).mean(axis=1)      # [B, D]
    # F.cosine_similarity(pred_emb, gt_emb), eps=1e-8 semantics
    pred_norm = jnp.maximum(jnp.linalg.norm(pred_emb, axis=-1), 1e-8)
    gt_norm = jnp.maximum(jnp.linalg.norm(gt_emb, axis=-1), 1e-8)
    sim = jnp.sum(pred_emb * gt_emb, axis=-1) / (pred_norm * gt_norm)
    # compute_reward: similarity_reward = max(0, sim); total = 0.7 * sim_reward (+ 0.3 * exact_match, string-only, omitted)
    reward = 0.7 * jnp.maximum(sim, 0.0)
    return reward

if __name__ == "__main__":
    import jax
    _d = setup_inputs()
    print(jax.jit(kernel)(*tuple(_d.values())))

</pallas_src>

<mosaic_0001>
#map = affine_map<(d0, d1) -> (0, 0)>
#map1 = affine_map<(d0, d1) -> (0)>
module attributes {stable_mosaic.version = 14 : i64} {
  func.func @_sc_body(%arg0: i32, %arg1: i32, %arg2: memref<16384x200xi32, #tpu.memory_space<hbm>>, %arg3: memref<16384x200xi32, #tpu.memory_space<hbm>>, %arg4: memref<10000x256xbf16, #tpu.memory_space<hbm>>, %arg5: memref<16384xf32, #tpu.memory_space<hbm>>, %arg6: memref<16x200xi32, #tpu.memory_space<vmem>>, %arg7: memref<16x200xi32, #tpu.memory_space<vmem>>, %arg8: memref<4x56x256xbf16, #tpu.memory_space<vmem>>, %arg9: memref<10000x256xbf16, #tpu.memory_space<vmem_shared>>, %arg10: memref<4096xf32, #tpu.memory_space<vmem>>, %arg11: memref<4096xf32, #tpu.memory_space<vmem>>, %arg12: memref<512xf32, #tpu.memory_space<vmem>>, %arg13: memref<!tpu.dma_semaphore, #tpu.memory_space<semaphore_mem>>, %arg14: memref<!tpu.dma_semaphore, #tpu.memory_space<semaphore_mem>>, %arg15: memref<!tpu.dma_semaphore, #tpu.memory_space<semaphore_mem>>, %arg16: memref<!tpu.dma_semaphore, #tpu.memory_space<semaphore_mem>>) attributes {dimension_semantics = [#tpu.dimension_semantics<core_parallel>, #tpu.dimension_semantics<subcore_parallel>], iteration_bounds = array<i64: 2, 16>, scalar_prefetch = 0 : i64, scratch_operands = 11 : i64, tpu.core_type = #tpu.core_type<sc_vector_subcore>, window_params = [{transform_indices = #map}, {transform_indices = #map}, {transform_indices = #map}, {transform_indices = #map1}]} {
    %mul3A = arith.constant 2 : i32
    %mul3A_0 = arith.muli %arg1, %mul3A : i32
    %add3A = arith.addi %mul3A_0, %arg0 : i32
    %mul3A_1 = arith.constant 512 : i32
    %mul3A_2 = arith.muli %add3A, %mul3A_1 : i32
    %broadcast_in_dim3A = arith.constant 0.000000e+00 : f32
    %broadcast_in_dim3A_3 = vector.broadcast %broadcast_in_dim3A : f32 to vector<16xf32>
    %iota3A = tpu.iota {dimensions = array<i32: 0>} : vector<16xi32>
    %mul3A_4 = arith.constant 256 : i32
    %mul3A_5 = vector.broadcast %mul3A_4 : i32 to vector<16xi32>
    %mul3A_6 = arith.muli %iota3A, %mul3A_5 : vector<16xi32>
    %eq3A = arith.constant 0 : i32
    %eq3A_7 = arith.cmpi eq, %arg1, %eq3A : i32
    %convert_element_type3A = arith.extui %eq3A_7 : i1 to i32
    %cond3A = arith.constant 0 : i32
    %cond3A_8 = arith.cmpi ne, %convert_element_type3A, %cond3A : i32
    scf.if %cond3A_8 {
      "tpu.region"() ({
        %run_scoped3A = tpu.sem_alloc : memref<!tpu.dma_semaphore, #tpu.memory_space<semaphore_mem>>
        tpu.enqueue_dma source(%arg4 : memref<10000x256xbf16, #tpu.memory_space<hbm>>) target(%arg9 : memref<10000x256xbf16, #tpu.memory_space<vmem_shared>>) target_semaphore(%run_scoped3A : memref<!tpu.dma_semaphore, #tpu.memory_space<semaphore_mem>>)
        tpu.wait_dma2 semaphore(%run_scoped3A : memref<!tpu.dma_semaphore, #tpu.memory_space<semaphore_mem>>) src(%arg4 : memref<10000x256xbf16, #tpu.memory_space<hbm>>) dst(%arg9 : memref<10000x256xbf16, #tpu.memory_space<vmem_shared>>)
        tpu.yield
      }) : () -> ()
    } else {
    }
    %barrier3A = arith.constant 0 : index
    tpu.barrier barrier_id(%barrier3A)
    %add3A_9 = arith.constant 0 : i32
    %add3A_10 = arith.addi %mul3A_2, %add3A_9 : i32
    "tpu.region"() ({
      %run_scoped3A = tpu.sem_alloc : memref<!tpu.dma_semaphore, #tpu.memory_space<semaphore_mem>>
      %dma_start3A_51 = arith.constant 0 : i32
      %dma_start3A_52 = tpu.memref_slice %arg2[%add3A_10, %dma_start3A_51] : memref<16384x200xi32, #tpu.memory_space<hbm>> -> memref<16x200xi32, #tpu.memory_space<hbm>>
      %dma_start3A_53 = arith.constant 0 : i32
      %dma_start3A_54 = tpu.memref_slice %arg2[%add3A_10, %dma_start3A_53] : memref<16384x200xi32, #tpu.memory_space<hbm>> -> memref<16x200xi32, #tpu.memory_space<hbm>>
      tpu.enqueue_dma source(%dma_start3A_54 : memref<16x200xi32, #tpu.memory_space<hbm>>) target(%arg6 : memref<16x200xi32, #tpu.memory_space<vmem>>) target_semaphore(%run_scoped3A : memref<!tpu.dma_semaphore, #tpu.memory_space<semaphore_mem>>)
      %dma_wait3A = arith.constant 0 : i32
      %dma_wait3A_55 = tpu.memref_slice %arg2[%add3A_10, %dma_wait3A] : memref<16384x200xi32, #tpu.memory_space<hbm>> -> memref<16x200xi32, #tpu.memory_space<hbm>>
      %dma_wait3A_56 = arith.constant 0 : i32
      %dma_wait3A_57 = tpu.memref_slice %arg2[%add3A_10, %dma_wait3A_56] : memref<16384x200xi32, #tpu.memory_space<hbm>> -> memref<16x200xi32, #tpu.memory_space<hbm>>
      tpu.wait_dma2 semaphore(%run_scoped3A : memref<!tpu.dma_semaphore, #tpu.memory_space<semaphore_mem>>) src(%dma_wait3A_57 : memref<16x200xi32, #tpu.memory_space<hbm>>) dst(%arg6 : memref<16x200xi32, #tpu.memory_space<vmem>>)
      tpu.yield
    }) : () -> ()
    "tpu.region"() ({
      %run_scoped3A = tpu.sem_alloc : memref<!tpu.dma_semaphore, #tpu.memory_space<semaphore_mem>>
      %dma_start3A_51 = arith.constant 0 : i32
      %dma_start3A_52 = tpu.memref_slice %arg3[%add3A_10, %dma_start3A_51] : memref<16384x200xi32, #tpu.memory_space<hbm>> -> memref<16x200xi32, #tpu.memory_space<hbm>>
      %dma_start3A_53 = arith.constant 0 : i32
      %dma_start3A_54 = tpu.memref_slice %arg3[%add3A_10, %dma_start3A_53] : memref<16384x200xi32, #tpu.memory_space<hbm>> -> memref<16x200xi32, #tpu.memory_space<hbm>>
      tpu.enqueue_dma source(%dma_start3A_54 : memref<16x200xi32, #tpu.memory_space<hbm>>) target(%arg7 : memref<16x200xi32, #tpu.memory_space<vmem>>) target_semaphore(%run_scoped3A : memref<!tpu.dma_semaphore, #tpu.memory_space<semaphore_mem>>)
      %dma_wait3A = arith.constant 0 : i32
      %dma_wait3A_55 = tpu.memref_slice %arg3[%add3A_10, %dma_wait3A] : memref<16384x200xi32, #tpu.memory_space<hbm>> -> memref<16x200xi32, #tpu.memory_space<hbm>>
      %dma_wait3A_56 = arith.constant 0 : i32
      %dma_wait3A_57 = tpu.memref_slice %arg3[%add3A_10, %dma_wait3A_56] : memref<16384x200xi32, #tpu.memory_space<hbm>> -> memref<16x200xi32, #tpu.memory_space<hbm>>
      tpu.wait_dma2 semaphore(%run_scoped3A : memref<!tpu.dma_semaphore, #tpu.memory_space<semaphore_mem>>) src(%dma_wait3A_57 : memref<16x200xi32, #tpu.memory_space<hbm>>) dst(%arg7 : memref<16x200xi32, #tpu.memory_space<vmem>>)
      tpu.yield
    }) : () -> ()
    %dma_start3A = arith.constant 0 : i32
    %dma_start3A_11 = arith.constant 0 : i32
    %dma_start3A_12 = arith.constant 0 : i32
    %dma_start3A_13 = arith.constant 0 : i32
    %dma_start3A_14 = tpu.memref_slice %arg8[%dma_start3A_11, %dma_start3A_12, %dma_start3A_13] : memref<4x56x256xbf16, #tpu.memory_space<vmem>> -> memref<1x56x256xbf16, #tpu.memory_space<vmem>>
    %dma_start3A_15 = tpu.memref_squeeze %dma_start3A_14 : memref<1x56x256xbf16, #tpu.memory_space<vmem>> -> memref<56x256xbf16, #tpu.memory_space<vmem>>
    %dma_start3A_16 = arith.constant 0 : i32
    %dma_start3A_17 = tpu.memref_slice %arg6[%dma_start3A, %dma_start3A_16] : memref<16x200xi32, #tpu.memory_space<vmem>> -> memref<1x56xi32, #tpu.memory_space<vmem>>
    %dma_start3A_18 = tpu.memref_squeeze %dma_start3A_17 : memref<1x56xi32, #tpu.memory_space<vmem>> -> memref<56xi32, #tpu.memory_space<vmem>>
    %dma_start3A_19 = arith.constant 0 : i32
    %dma_start3A_20 = arith.constant 0 : i32
    %dma_start3A_21 = tpu.memref_slice %arg9[%dma_start3A_19, %dma_start3A_20] : memref<10000x256xbf16, #tpu.memory_space<vmem_shared>> -> memref<10000x256xbf16, #tpu.memory_space<vmem_shared>>
    tpu.enqueue_indirect_dma source(%dma_start3A_21 : memref<10000x256xbf16, #tpu.memory_space<vmem_shared>>) target(%dma_start3A_15 : memref<56x256xbf16, #tpu.memory_space<vmem>>) offsets(%dma_start3A_18 : memref<56xi32, #tpu.memory_space<vmem>>) semaphore(%arg13 : memref<!tpu.dma_semaphore, #tpu.memory_space<semaphore_mem>>)
    %dma_start3A_22 = arith.constant 0 : i32
    %dma_start3A_23 = arith.constant 1 : i32
    %dma_start3A_24 = arith.constant 0 : i32
    %dma_start3A_25 = arith.constant 0 : i32
    %dma_start3A_26 = tpu.memref_slice %arg8[%dma_start3A_23, %dma_start3A_24, %dma_start3A_25] : memref<4x56x256xbf16, #tpu.memory_space<vmem>> -> memref<1x56x256xbf16, #tpu.memory_space<vmem>>
    %dma_start3A_27 = tpu.memref_squeeze %dma_start3A_26 : memref<1x56x256xbf16, #tpu.memory_space<vmem>> -> memref<56x256xbf16, #tpu.memory_space<vmem>>
    %dma_start3A_28 = arith.constant 0 : i32
    %dma_start3A_29 = tpu.memref_slice %arg7[%dma_start3A_22, %dma_start3A_28] : memref<16x200xi32, #tpu.memory_space<vmem>> -> memref<1x56xi32, #tpu.memory_space<vmem>>
    %dma_start3A_30 = tpu.memref_squeeze %dma_start3A_29 : memref<1x56xi32, #tpu.memory_space<vmem>> -> memref<56xi32, #tpu.memory_space<vmem>>
    %dma_start3A_31 = arith.constant 0 : i32
    %dma_start3A_32 = arith.constant 0 : i32
    %dma_start3A_33 = tpu.memref_slice %arg9[%dma_start3A_31, %dma_start3A_32] : memref<10000x256xbf16, #tpu.memory_space<vmem_shared>> -> memref<10000x256xbf16, #tpu.memory_space<vmem_shared>>
    tpu.enqueue_indirect_dma source(%dma_start3A_33 : memref<10000x256xbf16, #tpu.memory_space<vmem_shared>>) target(%dma_start3A_27 : memref<56x256xbf16, #tpu.memory_space<vmem>>) offsets(%dma_start3A_30 : memref<56xi32, #tpu.memory_space<vmem>>) semaphore(%arg14 : memref<!tpu.dma_semaphore, #tpu.memory_space<semaphore_mem>>)
    %dma_start3A_34 = arith.constant 0 : i32
    %dma_start3A_35 = arith.constant 2 : i32
    %dma_start3A_36 = arith.constant 0 : i32
    %dma_start3A_37 = arith.constant 0 : i32
    %dma_start3A_38 = tpu.memref_slice %arg8[%dma_start3A_35, %dma_start3A_36, %dma_start3A_37] : memref<4x56x256xbf16, #tpu.memory_space<vmem>> -> memref<1x48x256xbf16, #tpu.memory_space<vmem>>
    %dma_start3A_39 = tpu.memref_squeeze %dma_start3A_38 : memref<1x48x256xbf16, #tpu.memory_space<vmem>> -> memref<48x256xbf16, #tpu.memory_space<vmem>>
    %dma_start3A_40 = arith.constant 56 : i32
    %dma_start3A_41 = tpu.memref_slice %arg6[%dma_start3A_34, %dma_start3A_40] : memref<16x200xi32, #tpu.memory_space<vmem>> -> memref<1x48xi32, #tpu.memory_space<vmem>>
    %dma_start3A_42 = tpu.memref_squeeze %dma_start3A_41 : memref<1x48xi32, #tpu.memory_space<vmem>> -> memref<48xi32, #tpu.memory_space<vmem>>
    %dma_start3A_43 = arith.constant 0 : i32
    %dma_start3A_44 = arith.constant 0 : i32
    %dma_start3A_45 = tpu.memref_slice %arg9[%dma_start3A_43, %dma_start3A_44] : memref<10000x256xbf16, #tpu.memory_space<vmem_shared>> -> memref<10000x256xbf16, #tpu.memory_space<vmem_shared>>
    tpu.enqueue_indirect_dma source(%dma_start3A_45 : memref<10000x256xbf16, #tpu.memory_space<vmem_shared>>) target(%dma_start3A_39 : memref<48x256xbf16, #tpu.memory_space<vmem>>) offsets(%dma_start3A_42 : memref<48xi32, #tpu.memory_space<vmem>>) semaphore(%arg15 : memref<!tpu.dma_semaphore, #tpu.memory_space<semaphore_mem>>)
    %scan3A = arith.constant 0 : i32
    %scan3A_46 = arith.constant 0 : i32
    %scan3A_47 = arith.constant 32 : i32
    %scan3A_48 = arith.addi %scan3A_46, %scan3A_47 : i32
    %scan3A_49 = arith.constant 1 : i32
    scf.for %scan3A_51 = %scan3A_46 to %scan3A_48 step %scan3A_49  : i32 {
      %scan3A_52 = arith.constant 0 : i32
      %scan3A_53 = arith.constant 0 : i32
      %scan3A_54 = arith.constant 16 : i32
      %scan3A_55 = arith.addi %scan3A_53, %scan3A_54 : i32
      %scan3A_56 = arith.constant 1 : i32
      scf.for %scan3A_127 = %scan3A_53 to %scan3A_55 step %scan3A_56  : i32 {
        %dma_start3A_128 = arith.constant 3 : i32
        %dma_start3A_129 = arith.constant 0 : i32
        %dma_start3A_130 = arith.constant 0 : i32
        %dma_start3A_131 = tpu.memref_slice %arg8[%dma_start3A_128, %dma_start3A_129, %dma_start3A_130] : memref<4x56x256xbf16, #tpu.memory_space<vmem>> -> memref<1x48x256xbf16, #tpu.memory_space<vmem>>
        %dma_start3A_132 = tpu.memref_squeeze %dma_start3A_131 : memref<1x48x256xbf16, #tpu.memory_space<vmem>> -> memref<48x256xbf16, #tpu.memory_space<vmem>>
        %dma_start3A_133 = arith.constant 56 : i32
        %dma_start3A_134 = tpu.memref_slice %arg7[%scan3A_127, %dma_start3A_133] : memref<16x200xi32, #tpu.memory_space<vmem>> -> memref<1x48xi32, #tpu.memory_space<vmem>>
        %dma_start3A_135 = tpu.memref_squeeze %dma_start3A_134 : memref<1x48xi32, #tpu.memory_space<vmem>> -> memref<48xi32, #tpu.memory_space<vmem>>
        %dma_start3A_136 = arith.constant 0 : i32
        %dma_start3A_137 = arith.constant 0 : i32
        %dma_start3A_138 = tpu.memref_slice %arg9[%dma_start3A_136, %dma_start3A_137] : memref<10000x256xbf16, #tpu.memory_space<vmem_shared>> -> memref<10000x256xbf16, #tpu.memory_space<vmem_shared>>
        tpu.enqueue_indirect_dma source(%dma_start3A_138 : memref<10000x256xbf16, #tpu.memory_space<vmem_shared>>) target(%dma_start3A_132 : memref<48x256xbf16, #tpu.memory_space<vmem>>) offsets(%dma_start3A_135 : memref<48xi32, #tpu.memory_space<vmem>>) semaphore(%arg16 : memref<!tpu.dma_semaphore, #tpu.memory_space<semaphore_mem>>)
        %dma_wait3A = arith.constant 0 : i32
        %dma_wait3A_139 = arith.constant 0 : i32
        %dma_wait3A_140 = arith.constant 0 : i32
        %dma_wait3A_141 = tpu.memref_slice %arg8[%dma_wait3A, %dma_wait3A_139, %dma_wait3A_140] : memref<4x56x256xbf16, #tpu.memory_space<vmem>> -> memref<1x56x256xbf16, #tpu.memory_space<vmem>>
        %dma_wait3A_142 = tpu.memref_squeeze %dma_wait3A_141 : memref<1x56x256xbf16, #tpu.memory_space<vmem>> -> memref<56x256xbf16, #tpu.memory_space<vmem>>
        %dma_wait3A_143 = arith.constant 0 : i32
        %dma_wait3A_144 = tpu.memref_slice %arg6[%scan3A_127, %dma_wait3A_143] : memref<16x200xi32, #tpu.memory_space<vmem>> -> memref<1x56xi32, #tpu.memory_space<vmem>>
        %dma_wait3A_145 = tpu.memref_squeeze %dma_wait3A_144 : memref<1x56xi32, #tpu.memory_space<vmem>> -> memref<56xi32, #tpu.memory_space<vmem>>
        %dma_wait3A_146 = arith.constant 0 : i32
        %dma_wait3A_147 = arith.constant 0 : i32
        %dma_wait3A_148 = tpu.memref_slice %arg9[%dma_wait3A_146, %dma_wait3A_147] : memref<10000x256xbf16, #tpu.memory_space<vmem_shared>> -> memref<10000x256xbf16, #tpu.memory_space<vmem_shared>>
        tpu.wait_indirect_dma semaphore(%arg13 : memref<!tpu.dma_semaphore, #tpu.memory_space<semaphore_mem>>) src(%dma_wait3A_148 : memref<10000x256xbf16, #tpu.memory_space<vmem_shared>>) dst(%dma_wait3A_142 : memref<56x256xbf16, #tpu.memory_space<vmem>>)
        %parallel_loop3A = arith.constant 0 : i32
        %parallel_loop3A_149 = arith.constant 14 : i32
        %parallel_loop3A_150 = arith.constant 1 : i32
        %parallel_loop3A_151:32 = scf.for %parallel_loop3A_514 = %parallel_loop3A to %parallel_loop3A_149 step %parallel_loop3A_150 iter_args(%parallel_loop3A_515 = %broadcast_in_dim3A_3, %parallel_loop3A_516 = %broadcast_in_dim3A_3, %parallel_loop3A_517 = %broadcast_in_dim3A_3, %parallel_loop3A_518 = %broadcast_in_dim3A_3, %parallel_loop3A_519 = %broadcast_in_dim3A_3, %parallel_loop3A_520 = %broadcast_in_dim3A_3, %parallel_loop3A_521 = %broadcast_in_dim3A_3, %parallel_loop3A_522 = %broadcast_in_dim3A_3, %parallel_loop3A_523 = %broadcast_in_dim3A_3, %parallel_loop3A_524 = %broadcast_in_dim3A_3, %parallel_loop3A_525 = %broadcast_in_dim3A_3, %parallel_loop3A_526 = %broadcast_in_dim3A_3, %parallel_loop3A_527 = %broadcast_in_dim3A_3, %parallel_loop3A_528 = %broadcast_in_dim3A_3, %parallel_loop3A_529 = %broadcast_in_dim3A_3, %parallel_loop3A_530 = %broadcast_in_dim3A_3, %parallel_loop3A_531 = %broadcast_in_dim3A_3, %parallel_loop3A_532 = %broadcast_in_dim3A_3, %parallel_loop3A_533 = %broadcast_in_dim3A_3, %parallel_loop3A_534 = %broadcast_in_dim3A_3, %parallel_loop3A_535 = %broadcast_in_dim3A_3, %parallel_loop3A_536 = %broadcast_in_dim3A_3, %parallel_loop3A_537 = %broadcast_in_dim3A_3, %parallel_loop3A_538 = %broadcast_in_dim3A_3, %parallel_loop3A_539 = %broadcast_in_dim3A_3, %parallel_loop3A_540 = %broadcast_in_dim3A_3, %parallel_loop3A_541 = %broadcast_in_dim3A_3, %parallel_loop3A_542 = %broadcast_in_dim3A_3, %parallel_loop3A_543 = %broadcast_in_dim3A_3, %parallel_loop3A_544 = %broadcast_in_dim3A_3, %parallel_loop3A_545 = %broadcast_in_dim3A_3, %parallel_loop3A_546 = %broadcast_in_dim3A_3) -> (vector<16xf32>, vector<16xf32>, vector<16xf32>, vector<16xf32>, vector<16xf32>, vector<16xf32>, vector<16xf32>, vector<16xf32>, vector<16xf32>, vector<16xf32>, vector<16xf32>, vector<16xf32>, vector<16xf32>, vector<16xf32>, vector<16xf32>, vector<16xf32>, vector<16xf32>, vector<16xf32>, vector<16xf32>, vector<16xf32>, vector<16xf32>, vector<16xf32>, vector<16xf32>, vector<16xf32>, vector<16xf32>, vector<16xf32>, vector<16xf32>, vector<16xf32>, vector<16xf32>, vector<16xf32>, vector<16xf32>, vector<16xf32>)  : i32 {
          %parallel_loop3A_547 = arith.constant 4 : i32
          %parallel_loop3A_548 = arith.muli %parallel_loop3A_514, %parallel_loop3A_547 : i32
          %parallel_loop3A_549 = arith.constant 0 : i32
          %parallel_loop3A_550 = arith.index_cast %parallel_loop3A_549 : i32 to index
          %parallel_loop3A_551 = arith.index_cast %parallel_loop3A_548 : i32 to index
          %parallel_loop3A_552 = arith.constant 0 : index
          %parallel_loop3A_553 = tpu.vector_load %arg8[%parallel_loop3A_550, %parallel_loop3A_551, %parallel_loop3A_552] {strides = array<i32>} : memref<4x56x256xbf16, #tpu.memory_space<vmem>>, vector<32xbf16>,
          %parallel_loop3A_554 = arith.constant 1 : i32
          %parallel_loop3A_555 = arith.addi %parallel_loop3A_548, %parallel_loop3A_554 : i32
          %parallel_loop3A_556 = arith.constant 0 : i32
          %parallel_loop3A_557 = arith.index_cast %parallel_loop3A_556 : i32 to index
          %parallel_loop3A_558 = arith.index_cast %parallel_loop3A_555 : i32 to index
          %parallel_loop3A_559 = arith.constant 0 : index
          %parallel_loop3A_560 = tpu.vector_load %arg8[%parallel_loop3A_557, %parallel_loop3A_558, %parallel_loop3A_559] {strides = array<i32>} : memref<4x56x256xbf16, #tpu.memory_space<vmem>>, vector<32xbf16>,
          %parallel_loop3A_561 = arith.addf %parallel_loop3A_553, %parallel_loop3A_560 : vector<32xbf16>
          %parallel_loop3A_562 = arith.constant 2 : i32
          %parallel_loop3A_563 = arith.addi %parallel_loop3A_548, %parallel_loop3A_562 : i32
          %parallel_loop3A_564 = arith.constant 0 : i32
          %parallel_loop3A_565 = arith.index_cast %parallel_loop3A_564 : i32 to index
          %parallel_loop3A_566 = arith.index_cast %parallel_loop3A_563 : i32 to index
          %parallel_loop3A_567 = arith.constant 0 : index
          %parallel_loop3A_568 = tpu.vector_load %arg8[%parallel_loop3A_565, %parallel_loop3A_566, %parallel_loop3A_567] {strides = array<i32>} : memref<4x56x256xbf16, #tpu.memory_space<vmem>>, vector<32xbf16>,
          %parallel_loop3A_569 = arith.addf %parallel_loop3A_561, %parallel_loop3A_568 : vector<32xbf16>
          %parallel_loop3A_570 = arith.constant 3 : i32
          %parallel_loop3A_571 = arith.addi %parallel_loop3A_548, %parallel_loop3A_570 : i32
          %parallel_loop3A_572 = arith.constant 0 : i32
          %parallel_loop3A_573 = arith.index_cast %parallel_loop3A_572 : i32 to index
          %parallel_loop3A_574 = arith.index_cast %parallel_loop3A_571 : i32 to index
          %parallel_loop3A_575 = arith.constant 0 : index
          %parallel_loop3A_576 = tpu.vector_load %arg8[%parallel_loop3A_573, %parallel_loop3A_574, %parallel_loop3A_575] {strides = array<i32>} : memref<4x56x256xbf16, #tpu.memory_space<vmem>>, vector<32xbf16>,
          %parallel_loop3A_577 = arith.addf %parallel_loop3A_569, %parallel_loop3A_576 : vector<32xbf16>
          %parallel_loop3A_578 = tpu.unpack_subelements %parallel_loop3A_577, 0 {pack_format = #tpu.pack_format<interleaved>} : vector<32xbf16> -> vector<16xf32>
          %parallel_loop3A_579 = tpu.unpack_subelements %parallel_loop3A_577, 1 {pack_format = #tpu.pack_format<interleaved>} : vector<32xbf16> -> vector<16xf32>
          %parallel_loop3A_580 = arith.addf %parallel_loop3A_515, %parallel_loop3A_578 : vector<16xf32>
          %parallel_loop3A_581 = arith.addf %parallel_loop3A_516, %parallel_loop3A_579 : vector<16xf32>
          %parallel_loop3A_582 = arith.constant 0 : i32
          %parallel_loop3A_583 = arith.index_cast %parallel_loop3A_582 : i32 to index
          %parallel_loop3A_584 = arith.index_cast %parallel_loop3A_548 : i32 to index
          %parallel_loop3A_585 = arith.constant 32 : index
          %parallel_loop3A_586 = tpu.vector_load %arg8[%parallel_loop3A_583, %parallel_loop3A_584, %parallel_loop3A_585] {strides = array<i32>} : memref<4x56x256xbf16, #tpu.memory_space<vmem>>, vector<32xbf16>,
          %parallel_loop3A_587 = arith.constant 1 : i32
          %parallel_loop3A_588 = arith.addi %parallel_loop3A_548, %parallel_loop3A_587 : i32
          %parallel_loop3A_589 = arith.constant 0 : i32
          %parallel_loop3A_590 = arith.index_cast %parallel_loop3A_589 : i32 to index
          %parallel_loop3A_591 = arith.index_cast %parallel_loop3A_588 : i32 to index
          %parallel_loop3A_592 = arith.constant 32 : index
          %parallel_loop3A_593 = tpu.vector_load %arg8[%parallel_loop3A_590, %parallel_loop3A_591, %parallel_loop3A_592] {strides = array<i32>} : memref<4x56x256xbf16, #tpu.memory_space<vmem>>, vector<32xbf16>,
          %parallel_loop3A_594 = arith.addf %parallel_loop3A_586, %parallel_loop3A_593 : vector<32xbf16>
          %parallel_loop3A_595 = arith.constant 2 : i32
          %parallel_loop3A_596 = arith.addi %parallel_loop3A_548, %parallel_loop3A_595 : i32
          %parallel_loop3A_597 = arith.constant 0 : i32
          %parallel_loop3A_598 = arith.index_cast %parallel_loop3A_597 : i32 to index
          %parallel_loop3A_599 = arith.index_cast %parallel_loop3A_596 : i32 to index
          %parallel_loop3A_600 = arith.constant 32 : index
          %parallel_loop3A_601 = tpu.vector_load %arg8[%parallel_loop3A_598, %parallel_loop3A_599, %parallel_loop3A_600] {strides = array<i32>} : memref<4x56x256xbf16, #tpu.memory_space<vmem>>, vector<32xbf16>,
          %parallel_loop3A_602 = arith.addf %parallel_loop3A_594, %parallel_loop3A_601 : vector<32xbf16>
          %parallel_loop3A_603 = arith.constant 3 : i32
          %parallel_loop3A_604 = arith.addi %parallel_loop3A_548, %parallel_loop3A_603 : i32
          %parallel_loop3A_605 = arith.constant 0 : i32
          %parallel_loop3A_606 = arith.index_cast %parallel_loop3A_605 : i32 to index
          %parallel_loop3A_607 = arith.index_cast %parallel_loop3A_604 : i32 to index
          %parallel_loop3A_608 = arith.constant 32 : index
          %parallel_loop3A_609 = tpu.vector_load %arg8[%parallel_loop3A_606, %parallel_loop3A_607, %parallel_loop3A_608] {strides = array<i32>} : memref<4x56x256xbf16, #tpu.memory_space<vmem>>, vector<32xbf16>,
          %parallel_loop3A_610 = arith.addf %parallel_loop3A_602, %parallel_loop3A_609 : vector<32xbf16>
          %parallel_loop3A_611 = tpu.unpack_subelements %parallel_loop3A_610, 0 {pack_format = #tpu.pack_format<interleaved>} : vector<32xbf16> -> vector<16xf32>
          %parallel_loop3A_612 = tpu.unpack_subelements %parallel_loop3A_610, 1 {pack_format = #tpu.pack_format<interleaved>} : vector<32xbf16> -> vector<16xf32>
          %parallel_loop3A_613 = arith.addf %parallel_loop3A_517, %parallel_loop3A_611 : vector<16xf32>
          %parallel_loop3A_614 = arith.addf %parallel_loop3A_518, %parallel_loop3A_612 : vector<16xf32>
          %parallel_loop3A_615 = arith.constant 0 : i32
          %parallel_loop3A_616 = arith.index_cast %parallel_loop3A_615 : i32 to index
          %parallel_loop3A_617 = arith.index_cast %parallel_loop3A_548 : i32 to index
          %parallel_loop3A_618 = arith.constant 64 : index
          %parallel_loop3A_619 = tpu.vector_load %arg8[%parallel_loop3A_616, %parallel_loop3A_617, %parallel_loop3A_618] {strides = array<i32>} : memref<4x56x256xbf16, #tpu.memory_space<vmem>>, vector<32xbf16>,
          %parallel_loop3A_620 = arith.constant 1 : i32
          %parallel_loop3A_621 = arith.addi %parallel_loop3A_548, %parallel_loop3A_620 : i32
          %parallel_loop3A_622 = arith.constant 0 : i32
          %parallel_loop3A_623 = arith.index_cast %parallel_loop3A_622 : i32 to index
          %parallel_loop3A_624 = arith.index_cast %parallel_loop3A_621 : i32 to index
          %parallel_loop3A_625 = arith.constant 64 : index
          %parallel_loop3A_626 = tpu.vector_load %arg8[%parallel_loop3A_623, %parallel_loop3A_624, %parallel_loop3A_625] {strides = array<i32>} : memref<4x56x256xbf16, #tpu.memory_space<vmem>>, vector<32xbf16>,
          %parallel_loop3A_627 = arith.addf %parallel_loop3A_619, %parallel_loop3A_626 : vector<32xbf16>
          %parallel_loop3A_628 = arith.constant 2 : i32
          %parallel_loop3A_629 = arith.addi %parallel_loop3A_548, %parallel_loop3A_628 : i32
          %parallel_loop3A_630 = arith.constant 0 : i32
          %parallel_loop3A_631 = arith.index_cast %parallel_loop3A_630 : i32 to index
          %parallel_loop3A_632 = arith.index_cast %parallel_loop3A_629 : i32 to index
          %parallel_loop3A_633 = arith.constant 64 : index
          %parallel_loop3A_634 = tpu.vector_load %arg8[%parallel_loop3A_631, %parallel_loop3A_632, %parallel_loop3A_633] {strides = array<i32>} : memref<4x56x256xbf16, #tpu.memory_space<vmem>>, vector<32xbf16>,
          %parallel_loop3A_635 = arith.addf %parallel_loop3A_627, %parallel_loop3A_634 : vector<32xbf16>
          %parallel_loop3A_636 = arith.constant 3 : i32
          %parallel_loop3A_637 = arith.addi %parallel_loop3A_548, %parallel_loop3A_636 : i32
          %parallel_loop3A_638 = arith.constant 0 : i32
          %parallel_loop3A_639 = arith.index_cast %parallel_loop3A_638 : i32 to index
          %parallel_loop3A_640 = arith.index_cast %parallel_loop3A_637 : i32 to index
          %parallel_loop3A_641 = arith.constant 64 : index
          %parallel_loop3A_642 = tpu.vector_load %arg8[%parallel_loop3A_639, %parallel_loop3A_640, %parallel_loop3A_641] {strides = array<i32>} : memref<4x56x256xbf16, #tpu.memory_space<vmem>>, vector<32xbf16>,
          %parallel_loop3A_643 = arith.addf %parallel_loop3A_635, %parallel_loop3A_642 : vector<32xbf16>
          %parallel_loop3A_644 = tpu.unpack_subelements %parallel_loop3A_643, 0 {pack_format = #tpu.pack_format<interleaved>} : vector<32xbf16> -> vector<16xf32>
          %parallel_loop3A_645 = tpu.unpack_subelements %parallel_loop3A_643, 1 {pack_format = #tpu.pack_format<interleaved>} : vector<32xbf16> -> vector<16xf32>
          %parallel_loop3A_646 = arith.addf %parallel_loop3A_519, %parallel_loop3A_644 : vector<16xf32>
          %parallel_loop3A_647 = arith.addf %parallel_loop3A_520, %parallel_loop3A_645 : vector<16xf32>
          %parallel_loop3A_648 = arith.constant 0 : i32
          %parallel_loop3A_649 = arith.index_cast %parallel_loop3A_648 : i32 to index
          %parallel_loop3A_650 = arith.index_cast %parallel_loop3A_548 : i32 to index
          %parallel_loop3A_651 = arith.constant 96 : index
          %parallel_loop3A_652 = tpu.vector_load %arg8[%parallel_loop3A_649, %parallel_loop3A_650, %parallel_loop3A_651] {strides = array<i32>} : memref<4x56x256xbf16, #tpu.memory_space<vmem>>, vector<32xbf16>,
          %parallel_loop3A_653 = arith.constant 1 : i32
          %parallel_loop3A_654 = arith.addi %parallel_loop3A_548, %parallel_loop3A_653 : i32
          %parallel_loop3A_655 = arith.constant 0 : i32
          %parallel_loop3A_656 = arith.index_cast %parallel_loop3A_655 : i32 to index
          %parallel_loop3A_657 = arith.index_cast %parallel_loop3A_654 : i32 to index
          %parallel_loop3A_658 = arith.constant 96 : index
          %parallel_loop3A_659 = tpu.vector_load %arg8[%parallel_loop3A_656, %parallel_loop3A_657, %parallel_loop3A_658] {strides = array<i32>} : memref<4x56x256xbf16, #tpu.memory_space<vmem>>, vector<32xbf16>,
          %parallel_loop3A_660 = arith.addf %parallel_loop3A_652, %parallel_loop3A_659 : vector<32xbf16>
          %parallel_loop3A_661 = arith.constant 2 : i32
          %parallel_loop3A_662 = arith.addi %parallel_loop3A_548, %parallel_loop3A_661 : i32
          %parallel_loop3A_663 = arith.constant 0 : i32
          %parallel_loop3A_664 = arith.index_cast %parallel_loop3A_663 : i32 to index
          %parallel_loop3A_665 = arith.index_cast %parallel_loop3A_662 : i32 to index
          %parallel_loop3A_666 = arith.constant 96 : index
          %parallel_loop3A_667 = tpu.vector_load %arg8[%parallel_loop3A_664, %parallel_loop3A_665, %parallel_loop3A_666] {strides = array<i32>} : memref<4x56x256xbf16, #tpu.memory_space<vmem>>, vector<32xbf16>,
          %parallel_loop3A_668 = arith.addf %parallel_loop3A_660, %parallel_loop3A_667 : vector<32xbf16>
          %parallel_loop3A_669 = arith.constant 3 : i32
          %parallel_loop3A_670 = arith.addi %parallel_loop3A_548, %parallel_loop3A_669 : i32
          %parallel_loop3A_671 = arith.constant 0 : i32
          %parallel_loop3A_672 = arith.index_cast %parallel_loop3A_671 : i32 to index
          %parallel_loop3A_673 = arith.index_cast %parallel_loop3A_670 : i32 to index
          %parallel_loop3A_674 = arith.constant 96 : index
          %parallel_loop3A_675 = tpu.vector_load %arg8[%parallel_loop3A_672, %parallel_loop3A_673, %parallel_loop3A_674] {strides = array<i32>} : memref<4x56x256xbf16, #tpu.memory_space<vmem>>, vector<32xbf16>,
          %parallel_loop3A_676 = arith.addf %parallel_loop3A_668, %parallel_loop3A_675 : vector<32xbf16>
          %parallel_loop3A_677 = tpu.unpack_subelements %parallel_loop3A_676, 0 {pack_format = #tpu.pack_format<interleaved>} : vector<32xbf16> -> vector<16xf32>
          %parallel_loop3A_678 = tpu.unpack_subelements %parallel_loop3A_676, 1 {pack_format = #tpu.pack_format<interleaved>} : vector<32xbf16> -> vector<16xf32>
          %parallel_loop3A_679 = arith.addf %parallel_loop3A_521, %parallel_loop3A_677 : vector<16xf32>
          %parallel_loop3A_680 = arith.addf %parallel_loop3A_522, %parallel_loop3A_678 : vector<16xf32>
          %parallel_loop3A_681 = arith.constant 0 : i32
          %parallel_loop3A_682 = arith.index_cast %parallel_loop3A_681 : i32 to index
          %parallel_loop3A_683 = arith.index_cast %parallel_loop3A_548 : i32 to index
          %parallel_loop3A_684 = arith.constant 128 : index
          %parallel_loop3A_685 = tpu.vector_load %arg8[%parallel_loop3A_682, %parallel_loop3A_683, %parallel_loop3A_684] {strides = array<i32>} : memref<4x56x256xbf16, #tpu.memory_space<vmem>>, vector<32xbf16>,
          %parallel_loop3A_686 = arith.constant 1 : i32
          %parallel_loop3A_687 = arith.addi %parallel_loop3A_548, %parallel_loop3A_686 : i32
          %parallel_loop3A_688 = arith.constant 0 : i32
          %parallel_loop3A_689 = arith.index_cast %parallel_loop3A_688 : i32 to index
          %parallel_loop3A_690 = arith.index_cast %parallel_loop3A_687 : i32 to index
          %parallel_loop3A_691 = arith.constant 128 : index
          %parallel_loop3A_692 = tpu.vector_load %arg8[%parallel_loop3A_689, %parallel_loop3A_690, %parallel_loop3A_691] {strides = array<i32>} : memref<4x56x256xbf16, #tpu.memory_space<vmem>>, vector<32xbf16>,
          %parallel_loop3A_693 = arith.addf %parallel_loop3A_685, %parallel_loop3A_692 : vector<32xbf16>
          %parallel_loop3A_694 = arith.constant 2 : i32
          %parallel_loop3A_695 = arith.addi %parallel_loop3A_548, %parallel_loop3A_694 : i32
          %parallel_loop3A_696 = arith.constant 0 : i32
          %parallel_loop3A_697 = arith.index_cast %parallel_loop3A_696 : i32 to index
          %parallel_loop3A_698 = arith.index_cast %parallel_loop3A_695 : i32 to index
          %parallel_loop3A_699 = arith.constant 128 : index
          %parallel_loop3A_700 = tpu.vector_load %arg8[%parallel_loop3A_697, %parallel_loop3A_698, %parallel_loop3A_699] {strides = array<i32>} : memref<4x56x256xbf16, #tpu.memory_space<vmem>>, vector<32xbf16>,
          %parallel_loop3A_701 = arith.addf %parallel_loop3A_693, %parallel_loop3A_700 : vector<32xbf16>
          %parallel_loop3A_702 = arith.constant 3 : i32
          %parallel_loop3A_703 = arith.addi %parallel_loop3A_548, %parallel_loop3A_702 : i32
          %parallel_loop3A_704 = arith.constant 0 : i32
          %parallel_loop3A_705 = arith.index_cast %parallel_loop3A_704 : i32 to index
          %parallel_loop3A_706 = arith.index_cast %parallel_loop3A_703 : i32 to index
          %parallel_loop3A_707 = arith.constant 128 : index
          %parallel_loop3A_708 = tpu.vector_load %arg8[%parallel_loop3A_705, %parallel_loop3A_706, %parallel_loop3A_707] {strides = array<i32>} : memref<4x56x256xbf16, #tpu.memory_space<vmem>>, vector<32xbf16>,
          %parallel_loop3A_709 = arith.addf %parallel_loop3A_701, %parallel_loop3A_708 : vector<32xbf16>
          %parallel_loop3A_710 = tpu.unpack_subelements %parallel_loop3A_709, 0 {pack_format = #tpu.pack_format<interleaved>} : vector<32xbf16> -> vector<16xf32>
          %parallel_loop3A_711 = tpu.unpack_subelements %parallel_loop3A_709, 1 {pack_format = #tpu.pack_format<interleaved>} : vector<32xbf16> -> vector<16xf32>
          %parallel_loop3A_712 = arith.addf %parallel_loop3A_523, %parallel_loop3A_710 : vector<16xf32>
          %parallel_loop3A_713 = arith.addf %parallel_loop3A_524, %parallel_loop3A_711 : vector<16xf32>
          %parallel_loop3A_714 = arith.constant 0 : i32
          %parallel_loop3A_715 = arith.index_cast %parallel_loop3A_714 : i32 to index
          %parallel_loop3A_716 = arith.index_cast %parallel_loop3A_548 : i32 to index
          %parallel_loop3A_717 = arith.constant 160 : index
          %parallel_loop3A_718 = tpu.vector_load %arg8[%parallel_loop3A_715, %parallel_loop3A_716, %parallel_loop3A_717] {strides = array<i32>} : memref<4x56x256xbf16, #tpu.memory_space<vmem>>, vector<32xbf16>,
          %parallel_loop3A_719 = arith.constant 1 : i32
          %parallel_loop3A_720 = arith.addi %parallel_loop3A_548, %parallel_loop3A_719 : i32
          %parallel_loop3A_721 = arith.constant 0 : i32
          %parallel_loop3A_722 = arith.index_cast %parallel_loop3A_721 : i32 to index
          %parallel_loop3A_723 = arith.index_cast %parallel_loop3A_720 : i32 to index
          %parallel_loop3A_724 = arith.constant 160 : index
          %parallel_loop3A_725 = tpu.vector_load %arg8[%parallel_loop3A_722, %parallel_loop3A_723, %parallel_loop3A_724] {strides = array<i32>} : memref<4x56x256xbf16, #tpu.memory_space<vmem>>, vector<32xbf16>,
          %parallel_loop3A_726 = arith.addf %parallel_loop3A_718, %parallel_loop3A_725 : vector<32xbf16>
          %parallel_loop3A_727 = arith.constant 2 : i32
          %parallel_loop3A_728 = arith.addi %parallel_loop3A_548, %parallel_loop3A_727 : i32
          %parallel_loop3A_729 = arith.constant 0 : i32
          %parallel_loop3A_730 = arith.index_cast %parallel_loop3A_729 : i32 to index
          %parallel_loop3A_731 = arith.index_cast %parallel_loop3A_728 : i32 to index
          %parallel_loop3A_732 = arith.constant 160 : index
          %parallel_loop3A_733 = tpu.vector_load %arg8[%parallel_loop3A_730, %parallel_loop3A_731, %parallel_loop3A_732] {strides = array<i32>} : memref<4x56x256xbf16, #tpu.memory_space<vmem>>, vector<32xbf16>,
          %parallel_loop3A_734 = arith.addf %parallel_loop3A_726, %parallel_loop3A_733 : vector<32xbf16>
          %parallel_loop3A_735 = arith.constant 3 : i32
          %parallel_loop3A_736 = arith.addi %parallel_loop3A_548, %parallel_loop3A_735 : i32
          %parallel_loop3A_737 = arith.constant 0 : i32
          %parallel_loop3A_738 = arith.index_cast %parallel_loop3A_737 : i32 to index
          %parallel_loop3A_739 = arith.index_cast %parallel_loop3A_736 : i32 to index
          %parallel_loop3A_740 = arith.constant 160 : index
          %parallel_loop3A_741 = tpu.vector_load %arg8[%parallel_loop3A_738, %parallel_loop3A_739, %parallel_loop3A_740] {strides = array<i32>} : memref<4x56x256xbf16, #tpu.memory_space<vmem>>, vector<32xbf16>,
          %parallel_loop3A_742 = arith.addf %parallel_loop3A_734, %parallel_loop3A_741 : vector<32xbf16>
          %parallel_loop3A_743 = tpu.unpack_subelements %parallel_loop3A_742, 0 {pack_format = #tpu.pack_format<interleaved>} : vector<32xbf16> -> vector<16xf32>
          %parallel_loop3A_744 = tpu.unpack_subelements %parallel_loop3A_742, 1 {pack_format = #tpu.pack_format<interleaved>} : vector<32xbf16> -> vector<16xf32>
          %parallel_loop3A_745 = arith.addf %parallel_loop3A_525, %parallel_loop3A_743 : vector<16xf32>
          %parallel_loop3A_746 = arith.addf %parallel_loop3A_526, %parallel_loop3A_744 : vector<16xf32>
          %parallel_loop3A_747 = arith.constant 0 : i32
          %parallel_loop3A_748 = arith.index_cast %parallel_loop3A_747 : i32 to index
          %parallel_loop3A_749 = arith.index_cast %parallel_loop3A_548 : i32 to index
          %parallel_loop3A_750 = arith.constant 192 : index
          %parallel_loop3A_751 = tpu.vector_load %arg8[%parallel_loop3A_748, %parallel_loop3A_749, %parallel_loop3A_750] {strides = array<i32>} : memref<4x56x256xbf16, #tpu.memory_space<vmem>>, vector<32xbf16>,
          %parallel_loop3A_752 = arith.constant 1 : i32
          %parallel_loop3A_753 = arith.addi %parallel_loop3A_548, %parallel_loop3A_752 : i32
          %parallel_loop3A_754 = arith.constant 0 : i32
          %parallel_loop3A_755 = arith.index_cast %parallel_loop3A_754 : i32 to index
          %parallel_loop3A_756 = arith.index_cast %parallel_loop3A_753 : i32 to index
          %parallel_loop3A_757 = arith.constant 192 : index
          %parallel_loop3A_758 = tpu.vector_load %arg8[%parallel_loop3A_755, %parallel_loop3A_756, %parallel_loop3A_757] {strides = array<i32>} : memref<4x56x256xbf16, #tpu.memory_space<vmem>>, vector<32xbf16>,
          %parallel_loop3A_759 = arith.addf %parallel_loop3A_751, %parallel_loop3A_758 : vector<32xbf16>
          %parallel_loop3A_760 = arith.constant 2 : i32
          %parallel_loop3A_761 = arith.addi %parallel_loop3A_548, %parallel_loop3A_760 : i32
          %parallel_loop3A_762 = arith.constant 0 : i32
          %parallel_loop3A_763 = arith.index_cast %parallel_loop3A_762 : i32 to index
          %parallel_loop3A_764 = arith.index_cast %parallel_loop3A_761 : i32 to index
          %parallel_loop3A_765 = arith.constant 192 : index
          %parallel_loop3A_766 = tpu.vector_load %arg8[%parallel_loop3A_763, %parallel_loop3A_764, %parallel_loop3A_765] {strides = array<i32>} : memref<4x56x256xbf16, #tpu.memory_space<vmem>>, vector<32xbf16>,
          %parallel_loop3A_767 = arith.addf %parallel_loop3A_759, %parallel_loop3A_766 : vector<32xbf16>
          %parallel_loop3A_768 = arith.constant 3 : i32
          %parallel_loop3A_769 = arith.addi %parallel_loop3A_548, %parallel_loop3A_768 : i32
          %parallel_loop3A_770 = arith.constant 0 : i32
          %parallel_loop3A_771 = arith.index_cast %parallel_loop3A_770 : i32 to index
          %parallel_loop3A_772 = arith.index_cast %parallel_loop3A_769 : i32 to index
          %parallel_loop3A_773 = arith.constant 192 : index
          %parallel_loop3A_774 = tpu.vector_load %arg8[%parallel_loop3A_771, %parallel_loop3A_772, %parallel_loop3A_773] {strides = array<i32>} : memref<4x56x256xbf16, #tpu.memory_space<vmem>>, vector<32xbf16>,
          %parallel_loop3A_775 = arith.addf %parallel_loop3A_767, %parallel_loop3A_774 : vector<32xbf16>
          %parallel_loop3A_776 = tpu.unpack_subelements %parallel_loop3A_775, 0 {pack_format = #tpu.pack_format<interleaved>} : vector<32xbf16> -> vector<16xf32>
          %parallel_loop3A_777 = tpu.unpack_subelements %parallel_loop3A_775, 1 {pack_format = #tpu.pack_format<interleaved>} : vector<32xbf16> -> vector<16xf32>
          %parallel_loop3A_778 = arith.addf %parallel_loop3A_527, %parallel_loop3A_776 : vector<16xf32>
          %parallel_loop3A_779 = arith.addf %parallel_loop3A_528, %parallel_loop3A_777 : vector<16xf32>
          %parallel_loop3A_780 = arith.constant 0 : i32
          %parallel_loop3A_781 = arith.index_cast %parallel_loop3A_780 : i32 to index
          %parallel_loop3A_782 = arith.index_cast %parallel_loop3A_548 : i32 to index
          %parallel_loop3A_783 = arith.constant 224 : index
          %parallel_loop3A_784 = tpu.vector_load %arg8[%parallel_loop3A_781, %parallel_loop3A_782, %parallel_loop3A_783] {strides = array<i32>} : memref<4x56x256xbf16, #tpu.memory_space<vmem>>, vector<32xbf16>,
          %parallel_loop3A_785 = arith.constant 1 : i32
          %parallel_loop3A_786 = arith.addi %parallel_loop3A_548, %parallel_loop3A_785 : i32
          %parallel_loop3A_787 = arith.constant 0 : i32
          %parallel_loop3A_788 = arith.index_cast %parallel_loop3A_787 : i32 to index
          %parallel_loop3A_789 = arith.index_cast %parallel_loop3A_786 : i32 to index
          %parallel_loop3A_790 = arith.constant 224 : index
          %parallel_loop3A_791 = tpu.vector_load %arg8[%parallel_loop3A_788, %parallel_loop3A_789, %parallel_loop3A_790] {strides = array<i32>} : memref<4x56x256xbf16, #tpu.memory_space<vmem>>, vector<32xbf16>,
          %parallel_loop3A_792 = arith.addf %parallel_loop3A_784, %parallel_loop3A_791 : vector<32xbf16>
          %parallel_loop3A_793 = arith.constant 2 : i32
          %parallel_loop3A_794 = arith.addi %parallel_loop3A_548, %parallel_loop3A_793 : i32
          %parallel_loop3A_795 = arith.constant 0 : i32
          %parallel_loop3A_796 = arith.index_cast %parallel_loop3A_795 : i32 to index
          %parallel_loop3A_797 = arith.index_cast %parallel_loop3A_794 : i32 to index
          %parallel_loop3A_798 = arith.constant 224 : index
          %parallel_loop3A_799 = tpu.vector_load %arg8[%parallel_loop3A_796, %parallel_loop3A_797, %parallel_loop3A_798] {strides = array<i32>} : memref<4x56x256xbf16, #tpu.memory_space<vmem>>, vector<32xbf16>,
          %parallel_loop3A_800 = arith.addf %parallel_loop3A_792, %parallel_loop3A_799 : vector<32xbf16>
          %parallel_loop3A_801 = arith.constant 3 : i32
          %parallel_loop3A_802 = arith.addi %parallel_loop3A_548, %parallel_loop3A_801 : i32
          %parallel_loop3A_803 = arith.constant 0 : i32
          %parallel_loop3A_804 = arith.index_cast %parallel_loop3A_803 : i32 to index
          %parallel_loop3A_805 = arith.index_cast %parallel_loop3A_802 : i32 to index
          %parallel_loop3A_806 = arith.constant 224 : index
          %parallel_loop3A_807 = tpu.vector_load %arg8[%parallel_loop3A_804, %parallel_loop3A_805, %parallel_loop3A_806] {strides = array<i32>} : memref<4x56x256xbf16, #tpu.memory_space<vmem>>, vector<32xbf16>,
          %parallel_loop3A_808 = arith.addf %parallel_loop3A_800, %parallel_loop3A_807 : vector<32xbf16>
          %parallel_loop3A_809 = tpu.unpack_subelements %parallel_loop3A_808, 0 {pack_format = #tpu.pack_format<interleaved>} : vector<32xbf16> -> vector<16xf32>
          %parallel_loop3A_810 = tpu.unpack_subelements %parallel_loop3A_808, 1 {pack_format = #tpu.pack_format<interleaved>} : vector<32xbf16> -> vector<16xf32>
          %parallel_loop3A_811 = arith.addf %parallel_loop3A_529, %parallel_loop3A_809 : vector<16xf32>
          %parallel_loop3A_812 = arith.addf %parallel_loop3A_530, %parallel_loop3A_810 : vector<16xf32>
          scf.yield %parallel_loop3A_580, %parallel_loop3A_581, %parallel_loop3A_613, %parallel_loop3A_614, %parallel_loop3A_646, %parallel_loop3A_647, %parallel_loop3A_679, %parallel_loop3A_680, %parallel_loop3A_712, %parallel_loop3A_713, %parallel_loop3A_745, %parallel_loop3A_746, %parallel_loop3A_778, %parallel_loop3A_779, %parallel_loop3A_811, %parallel_loop3A_812, %parallel_loop3A_531, %parallel_loop3A_532, %parallel_loop3A_533, %parallel_loop3A_534, %parallel_loop3A_535, %parallel_loop3A_536, %parallel_loop3A_537, %parallel_loop3A_538, %parallel_loop3A_539, %parallel_loop3A_540, %parallel_loop3A_541, %parallel_loop3A_542, %parallel_loop3A_543, %parallel_loop3A_544, %parallel_loop3A_545, %parallel_loop3A_546 : vector<16xf32>, vector<16xf32>, vector<16xf32>, vector<16xf32>, vector<16xf32>, vector<16xf32>, vector<16xf32>, vector<16xf32>, vector<16xf32>, vector<16xf32>, vector<16xf32>, vector<16xf32>, vector<16xf32>, vector<16xf32>, vector<16xf32>, vector<16xf32>, vector<16xf32>, vector<16xf32>, vector<16xf32>, vector<16xf32>, vector<16xf32>, vector<16xf32>, vector<16xf32>, vector<16xf32>, vector<16xf32>, vector<16xf32>, vector<16xf32>, vector<16xf32>, vector<16xf32>, vector<16xf32>, vector<16xf32>, vector<16xf32>
        } {sc.loop_unroll_factor = 2 : i64, sc.parallel_access}
        %dma_start3A_152 = arith.constant 0 : i32
        %dma_start3A_153 = arith.constant 0 : i32
        %dma_start3A_154 = arith.constant 0 : i32
        %dma_start3A_155 = tpu.memref_slice %arg8[%dma_start3A_152, %dma_start3A_153, %dma_start3A_154] : memref<4x56x256xbf16, #tpu.memory_space<vmem>> -> memref<1x48x256xbf16, #tpu.memory_space<vmem>>
        %dma_start3A_156 = tpu.memref_squeeze %dma_start3A_155 : memref<1x48x256xbf16, #tpu.memory_space<vmem>> -> memref<48x256xbf16, #tpu.memory_space<vmem>>
        %dma_start3A_157 = arith.constant 104 : i32
        %dma_start3A_158 = tpu.memref_slice %arg6[%scan3A_127, %dma_start3A_157] : memref<16x200xi32, #tpu.memory_space<vmem>> -> memref<1x48xi32, #tpu.memory_space<vmem>>
        %dma_start3A_159 = tpu.memref_squeeze %dma_start3A_158 : memref<1x48xi32, #tpu.memory_space<vmem>> -> memref<48xi32, #tpu.memory_space<vmem>>
        %dma_start3A_160 = arith.constant 0 : i32
        %dma_start3A_161 = arith.constant 0 : i32
        %dma_start3A_162 = tpu.memref_slice %arg9[%dma_start3A_160, %dma_start3A_161] : memref<10000x256xbf16, #tpu.memory_space<vmem_shared>> -> memref<10000x256xbf16, #tpu.memory_space<vmem_shared>>
        tpu.enqueue_indirect_dma source(%dma_start3A_162 : memref<10000x256xbf16, #tpu.memory_space<vmem_shared>>) target(%dma_start3A_156 : memref<48x256xbf16, #tpu.memory_space<vmem>>) offsets(%dma_start3A_159 : memref<48xi32, #tpu.memory_space<vmem>>) semaphore(%arg13 : memref<!tpu.dma_semaphore, #tpu.memory_space<semaphore_mem>>)
        %dma_wait3A_163 = arith.constant 1 : i32
        %dma_wait3A_164 = arith.constant 0 : i32
        %dma_wait3A_165 = arith.constant 0 : i32
        %dma_wait3A_166 = tpu.memref_slice %arg8[%dma_wait3A_163, %dma_wait3A_164, %dma_wait3A_165] : memref<4x56x256xbf16, #tpu.memory_space<vmem>> -> memref<1x56x256xbf16, #tpu.memory_space<vmem>>
        %dma_wait3A_167 = tpu.memref_squeeze %dma_wait3A_166 : memref<1x56x256xbf16, #tpu.memory_space<vmem>> -> memref<56x256xbf16, #tpu.memory_space<vmem>>
        %dma_wait3A_168 = arith.constant 0 : i32
        %dma_wait3A_169 = tpu.memref_slice %arg7[%scan3A_127, %dma_wait3A_168] : memref<16x200xi32, #tpu.memory_space<vmem>> -> memref<1x56xi32, #tpu.memory_space<vmem>>
        %dma_wait3A_170 = tpu.memref_squeeze %dma_wait3A_169 : memref<1x56xi32, #tpu.memory_space<vmem>> -> memref<56xi32, #tpu.memory_space<vmem>>
        %dma_wait3A_171 = arith.constant 0 : i32
        %dma_wait3A_172 = arith.constant 0 : i32
        %dma_wait3A_173 = tpu.memref_slice %arg9[%dma_wait3A_171, %dma_wait3A_172] : memref<10000x256xbf16, #tpu.memory_space<vmem_shared>> -> memref<10000x256xbf16, #tpu.memory_space<vmem_shared>>
        tpu.wait_indirect_dma semaphore(%arg14 : memref<!tpu.dma_semaphore, #tpu.memory_space<semaphore_mem>>) src(%dma_wait3A_173 : memref<10000x256xbf16, #tpu.memory_space<vmem_shared>>) dst(%dma_wait3A_167 : memref<56x256xbf16, #tpu.memory_space<vmem>>)
        %parallel_loop3A_174 = arith.constant 0 : i32
        %parallel_loop3A_175 = arith.constant 14 : i32
        %parallel_loop3A_176 = arith.constant 1 : i32
        %parallel_loop3A_177:32 = scf.for %parallel_loop3A_514 = %parallel_loop3A_174 to %parallel_loop3A_175 step %parallel_loop3A_176 iter_args(%parallel_loop3A_515 = %parallel_loop3A_151#0, %parallel_loop3A_516 = %parallel_loop3A_151#1, %parallel_loop3A_517 = %parallel_loop3A_151#2, %parallel_loop3A_518 = %parallel_loop3A_151#3, %parallel_loop3A_519 = %parallel_loop3A_151#4, %parallel_loop3A_520 = %parallel_loop3A_151#5, %parallel_loop3A_521 = %parallel_loop3A_151#6, %parallel_loop3A_522 = %parallel_loop3A_151#7, %parallel_loop3A_523 = %parallel_loop3A_151#8, %parallel_loop3A_524 = %parallel_loop3A_151#9, %parallel_loop3A_525 = %parallel_loop3A_151#10, %parallel_loop3A_526 = %parallel_loop3A_151#11, %parallel_loop3A_527 = %parallel_loop3A_151#12, %parallel_loop3A_528 = %parallel_loop3A_151#13, %parallel_loop3A_529 = %parallel_loop3A_151#14, %parallel_loop3A_530 = %parallel_loop3A_151#15, %parallel_loop3A_531 = %parallel_loop3A_151#16, %parallel_loop3A_532 = %parallel_loop3A_151#17, %parallel_loop3A_533 = %parallel_loop3A_151#18, %parallel_loop3A_534 = %parallel_loop3A_151#19, %parallel_loop3A_535 = %parallel_loop3A_151#20, %parallel_loop3A_536 = %parallel_loop3A_151#21, %parallel_loop3A_537 = %parallel_loop3A_151#22, %parallel_loop3A_538 = %parallel_loop3A_151#23, %parallel_loop3A_539 = %parallel_loop3A_151#24, %parallel_loop3A_540 = %parallel_loop3A_151#25, %parallel_loop3A_541 = %parallel_loop3A_151#26, %parallel_loop3A_542 = %parallel_loop3A_151#27, %parallel_loop3A_543 = %parallel_loop3A_151#28, %parallel_loop3A_544 = %parallel_loop3A_151#29, %parallel_loop3A_545 = %parallel_loop3A_151#30, %parallel_loop3A_546 = %parallel_loop3A_151#31) -> (vector<16xf32>, vector<16xf32>, vector<16xf32>, vector<16xf32>, vector<16xf32>, vector<16xf32>, vector<16xf32>, vector<16xf32>, vector<16xf32>, vector<16xf32>, vector<16xf32>, vector<16xf32>, vector<16xf32>, vector<16xf32>, vector<16xf32>, vector<16xf32>, vector<16xf32>, vector<16xf32>, vector<16xf32>, vector<16xf32>, vector<16xf32>, vector<16xf32>, vector<16xf32>, vector<16xf32>, vector<16xf32>, vector<16xf32>, vector<16xf32>, vector<16xf32>, vector<16xf32>, vector<16xf32>, vector<16xf32>, vector<16xf32>)  : i32 {
          %parallel_loop3A_547 = arith.constant 4 : i32
          %parallel_loop3A_548 = arith.muli %parallel_loop3A_514, %parallel_loop3A_547 : i32
          %parallel_loop3A_549 = arith.constant 1 : i32
          %parallel_loop3A_550 = arith.index_cast %parallel_loop3A_549 : i32 to index
          %parallel_loop3A_551 = arith.index_cast %parallel_loop3A_548 : i32 to index
          %parallel_loop3A_552 = arith.constant 0 : index
          %parallel_loop3A_553 = tpu.vector_load %arg8[%parallel_loop3A_550, %parallel_loop3A_551, %parallel_loop3A_552] {strides = array<i32>} : memref<4x56x256xbf16, #tpu.memory_space<vmem>>, vector<32xbf16>,
          %parallel_loop3A_554 = arith.constant 1 : i32
          %parallel_loop3A_555 = arith.addi %parallel_loop3A_548, %parallel_loop3A_554 : i32
          %parallel_loop3A_556 = arith.constant 1 : i32
          %parallel_loop3A_557 = arith.index_cast %parallel_loop3A_556 : i32 to index
          %parallel_loop3A_558 = arith.index_cast %parallel_loop3A_555 : i32 to index
          %parallel_loop3A_559 = arith.constant 0 : index
          %parallel_loop3A_560 = tpu.vector_load %arg8[%parallel_loop3A_557, %parallel_loop3A_558, %parallel_loop3A_559] {strides = array<i32>} : memref<4x56x256xbf16, #tpu.memory_space<vmem>>, vector<32xbf16>,
          %parallel_loop3A_561 = arith.addf %parallel_loop3A_553, %parallel_loop3A_560 : vector<32xbf16>
          %parallel_loop3A_562 = arith.constant 2 : i32
          %parallel_loop3A_563 = arith.addi %parallel_loop3A_548, %parallel_loop3A_562 : i32
          %parallel_loop3A_564 = arith.constant 1 : i32
          %parallel_loop3A_565 = arith.index_cast %parallel_loop3A_564 : i32 to index
          %parallel_loop3A_566 = arith.index_cast %parallel_loop3A_563 : i32 to index
          %parallel_loop3A_567 = arith.constant 0 : index
          %parallel_loop3A_568 = tpu.vector_load %arg8[%parallel_loop3A_565, %parallel_loop3A_566, %parallel_loop3A_567] {strides = array<i32>} : memref<4x56x256xbf16, #tpu.memory_space<vmem>>, vector<32xbf16>,
          %parallel_loop3A_569 = arith.addf %parallel_loop3A_561, %parallel_loop3A_568 : vector<32xbf16>
          %parallel_loop3A_570 = arith.constant 3 : i32
          %parallel_loop3A_571 = arith.addi %parallel_loop3A_548, %parallel_loop3A_570 : i32
          %parallel_loop3A_572 = arith.constant 1 : i32
          %parallel_loop3A_573 = arith.index_cast %parallel_loop3A_572 : i32 to index
          %parallel_loop3A_574 = arith.index_cast %parallel_loop3A_571 : i32 to index
          %parallel_loop3A_575 = arith.constant 0 : index
          %parallel_loop3A_576 = tpu.vector_load %arg8[%parallel_loop3A_573, %parallel_loop3A_574, %parallel_loop3A_575] {strides = array<i32>} : memref<4x56x256xbf16, #tpu.memory_space<vmem>>, vector<32xbf16>,
          %parallel_loop3A_577 = arith.addf %parallel_loop3A_569, %parallel_loop3A_576 : vector<32xbf16>
          %parallel_loop3A_578 = tpu.unpack_subelements %parallel_loop3A_577, 0 {pack_format = #tpu.pack_format<interleaved>} : vector<32xbf16> -> vector<16xf32>
          %parallel_loop3A_579 = tpu.unpack_subelements %parallel_loop3A_577, 1 {pack_format = #tpu.pack_format<interleaved>} : vector<32xbf16> -> vector<16xf32>
          %parallel_loop3A_580 = arith.addf %parallel_loop3A_531, %parallel_loop3A_578 : vector<16xf32>
          %parallel_loop3A_581 = arith.addf %parallel_loop3A_532, %parallel_loop3A_579 : vector<16xf32>
          %parallel_loop3A_582 = arith.constant 1 : i32
          %parallel_loop3A_583 = arith.index_cast %parallel_loop3A_582 : i32 to index
          %parallel_loop3A_584 = arith.index_cast %parallel_loop3A_548 : i32 to index
          %parallel_loop3A_585 = arith.constant 32 : index
          %parallel_loop3A_586 = tpu.vector_load %arg8[%parallel_loop3A_583, %parallel_loop3A_584, %parallel_loop3A_585] {strides = array<i32>} : memref<4x56x256xbf16, #tpu.memory_space<vmem>>, vector<32xbf16>,
          %parallel_loop3A_587 = arith.constant 1 : i32
          %parallel_loop3A_588 = arith.addi %parallel_loop3A_548, %parallel_loop3A_587 : i32
          %parallel_loop3A_589 = arith.constant 1 : i32
          %parallel_loop3A_590 = arith.index_cast %parallel_loop3A_589 : i32 to index
          %parallel_loop3A_591 = arith.index_cast %parallel_loop3A_588 : i32 to index
          %parallel_loop3A_592 = arith.constant 32 : index
          %parallel_loop3A_593 = tpu.vector_load %arg8[%parallel_loop3A_590, %parallel_loop3A_591, %parallel_loop3A_592] {strides = array<i32>} : memref<4x56x256xbf16, #tpu.memory_space<vmem>>, vector<32xbf16>,
          %parallel_loop3A_594 = arith.addf %parallel_loop3A_586, %parallel_loop3A_593 : vector<32xbf16>
          %parallel_loop3A_595 = arith.constant 2 : i32
          %parallel_loop3A_596 = arith.addi %parallel_loop3A_548, %parallel_loop3A_595 : i32
          %parallel_loop3A_597 = arith.constant 1 : i32
          %parallel_loop3A_598 = arith.index_cast %parallel_loop3A_597 : i32 to index
          %parallel_loop3A_599 = arith.index_cast %parallel_loop3A_596 : i32 to index
          %parallel_loop3A_600 = arith.constant 32 : index
          %parallel_loop3A_601 = tpu.vector_load %arg8[%parallel_loop3A_598, %parallel_loop3A_599, %parallel_loop3A_600] {strides = array<i32>} : memref<4x56x256xbf16, #tpu.memory_space<vmem>>, vector<32xbf16>,
          %parallel_loop3A_602 = arith.addf %parallel_loop3A_594, %parallel_loop3A_601 : vector<32xbf16>
          %parallel_loop3A_603 = arith.constant 3 : i32
          %parallel_loop3A_604 = arith.addi %parallel_loop3A_548, %parallel_loop3A_603 : i32
          %parallel_loop3A_605 = arith.constant 1 : i32
          %parallel_loop3A_606 = arith.index_cast %parallel_loop3A_605 : i32 to index
          %parallel_loop3A_607 = arith.index_cast %parallel_loop3A_604 : i32 to index
          %parallel_loop3A_608 = arith.constant 32 : index
          %parallel_loop3A_609 = tpu.vector_load %arg8[%parallel_loop3A_606, %parallel_loop3A_607, %parallel_loop3A_608] {strides = array<i32>} : memref<4x56x256xbf16, #tpu.memory_space<vmem>>, vector<32xbf16>,
          %parallel_loop3A_610 = arith.addf %parallel_loop3A_602, %parallel_loop3A_609 : vector<32xbf16>
          %parallel_loop3A_611 = tpu.unpack_subelements %parallel_loop3A_610, 0 {pack_format = #tpu.pack_format<interleaved>} : vector<32xbf16> -> vector<16xf32>
          %parallel_loop3A_612 = tpu.unpack_subelements %parallel_loop3A_610, 1 {pack_format = #tpu.pack_format<interleaved>} : vector<32xbf16> -> vector<16xf32>
          %parallel_loop3A_613 = arith.addf %parallel_loop3A_533, %parallel_loop3A_611 : vector<16xf32>
          %parallel_loop3A_614 = arith.addf %parallel_loop3A_534, %parallel_loop3A_612 : vector<16xf32>
          %parallel_loop3A_615 = arith.constant 1 : i32
          %parallel_loop3A_616 = arith.index_cast %parallel_loop3A_615 : i32 to index
          %parallel_loop3A_617 = arith.index_cast %parallel_loop3A_548 : i32 to index
          %parallel_loop3A_618 = arith.constant 64 : index
          %parallel_loop3A_619 = tpu.vector_load %arg8[%parallel_loop3A_616, %parallel_loop3A_617, %parallel_loop3A_618] {strides = array<i32>} : memref<4x56x256xbf16, #tpu.memory_space<vmem>>, vector<32xbf16>,
          %parallel_loop3A_620 = arith.constant 1 : i32
          %parallel_loop3A_621 = arith.addi %parallel_loop3A_548, %parallel_loop3A_620 : i32
          %parallel_loop3A_622 = arith.constant 1 : i32
          %parallel_loop3A_623 = arith.index_cast %parallel_loop3A_622 : i32 to index
          %parallel_loop3A_624 = arith.index_cast %parallel_loop3A_621 : i32 to index
          %parallel_loop3A_625 = arith.constant 64 : index
          %parallel_loop3A_626 = tpu.vector_load %arg8[%parallel_loop3A_623, %parallel_loop3A_624, %parallel_loop3A_625] {strides = array<i32>} : memref<4x56x256xbf16, #tpu.memory_space<vmem>>, vector<32xbf16>,
          %parallel_loop3A_627 = arith.addf %parallel_loop3A_619, %parallel_loop3A_626 : vector<32xbf16>
          %parallel_loop3A_628 = arith.constant 2 : i32
          %parallel_loop3A_629 = arith.addi %parallel_loop3A_548, %parallel_loop3A_628 : i32
          %parallel_loop3A_630 = arith.constant 1 : i32
          %parallel_loop3A_631 = arith.index_cast %parallel_loop3A_630 : i32 to index
          %parallel_loop3A_632 = arith.index_cast %parallel_loop3A_629 : i32 to index
          %parallel_loop3A_633 = arith.constant 64 : index
          %parallel_loop3A_634 = tpu.vector_load %arg8[%parallel_loop3A_631, %parallel_loop3A_632, %parallel_loop3A_633] {strides = array<i32>} : memref<4x56x256xbf16, #tpu.memory_space<vmem>>, vector<32xbf16>,
          %parallel_loop3A_635 = arith.addf %parallel_loop3A_627, %parallel_loop3A_634 : vector<32xbf16>
          %parallel_loop3A_636 = arith.constant 3 : i32
          %parallel_loop3A_637 = arith.addi %parallel_loop3A_548, %parallel_loop3A_636 : i32
          %parallel_loop3A_638 = arith.constant 1 : i32
          %parallel_loop3A_639 = arith.index_cast %parallel_loop3A_638 : i32 to index
          %parallel_loop3A_640 = arith.index_cast %parallel_loop3A_637 : i32 to index
          %parallel_loop3A_641 = arith.constant 64 : index
          %parallel_loop3A_642 = tpu.vector_load %arg8[%parallel_loop3A_639, %parallel_loop3A_640, %parallel_loop3A_641] {strides = array<i32>} : memref<4x56x256xbf16, #tpu.memory_space<vmem>>, vector<32xbf16>,
          %parallel_loop3A_643 = arith.addf %parallel_loop3A_635, %parallel_loop3A_642 : vector<32xbf16>
          %parallel_loop3A_644 = tpu.unpack_subelements %parallel_loop3A_643, 0 {pack_format = #tpu.pack_format<interleaved>} : vector<32xbf16> -> vector<16xf32>
          %parallel_loop3A_645 = tpu.unpack_subelements %parallel_loop3A_643, 1 {pack_format = #tpu.pack_format<interleaved>} : vector<32xbf16> -> vector<16xf32>
          %parallel_loop3A_646 = arith.addf %parallel_loop3A_535, %parallel_loop3A_644 : vector<16xf32>
          %parallel_loop3A_647 = arith.addf %parallel_loop3A_536, %parallel_loop3A_645 : vector<16xf32>
          %parallel_loop3A_648 = arith.constant 1 : i32
          %parallel_loop3A_649 = arith.index_cast %parallel_loop3A_648 : i32 to index
          %parallel_loop3A_650 = arith.index_cast %parallel_loop3A_548 : i32 to index
          %parallel_loop3A_651 = arith.constant 96 : index
          %parallel_loop3A_652 = tpu.vector_load %arg8[%parallel_loop3A_649, %parallel_loop3A_650, %parallel_loop3A_651] {strides = array<i32>} : memref<4x56x256xbf16, #tpu.memory_space<vmem>>, vector<32xbf16>,
          %parallel_loop3A_653 = arith.constant 1 : i32
          %parallel_loop3A_654 = arith.addi %parallel_loop3A_548, %parallel_loop3A_653 : i32
          %parallel_loop3A_655 = arith.constant 1 : i32
          %parallel_loop3A_656 = arith.index_cast %parallel_loop3A_655 : i32 to index
          %parallel_loop3A_657 = arith.index_cast %parallel_loop3A_654 : i32 to index
          %parallel_loop3A_658 = arith.constant 96 : index
          %parallel_loop3A_659 = tpu.vector_load %arg8[%parallel_loop3A_656, %parallel_loop3A_657, %parallel_loop3A_658] {strides = array<i32>} : memref<4x56x256xbf16, #tpu.memory_space<vmem>>, vector<32xbf16>,
          %parallel_loop3A_660 = arith.addf %parallel_loop3A_652, %parallel_loop3A_659 : vector<32xbf16>
          %parallel_loop3A_661 = arith.constant 2 : i32
          %parallel_loop3A_662 = arith.addi %parallel_loop3A_548, %parallel_loop3A_661 : i32
          %parallel_loop3A_663 = arith.constant 1 : i32
          %parallel_loop3A_664 = arith.index_cast %parallel_loop3A_663 : i32 to index
          %parallel_loop3A_665 = arith.index_cast %parallel_loop3A_662 : i32 to index
          %parallel_loop3A_666 = arith.constant 96 : index
          %parallel_loop3A_667 = tpu.vector_load %arg8[%parallel_loop3A_664, %parallel_loop3A_665, %parallel_loop3A_666] {strides = array<i32>} : memref<4x56x256xbf16, #tpu.memory_space<vmem>>, vector<32xbf16>,
          %parallel_loop3A_668 = arith.addf %parallel_loop3A_660, %parallel_loop3A_667 : vector<32xbf16>
          %parallel_loop3A_669 = arith.constant 3 : i32
          %parallel_loop3A_670 = arith.addi %parallel_loop3A_548, %parallel_loop3A_669 : i32
          %parallel_loop3A_671 = arith.constant 1 : i32
          %parallel_loop3A_672 = arith.index_cast %parallel_loop3A_671 : i32 to index
          %parallel_loop3A_673 = arith.index_cast %parallel_loop3A_670 : i32 to index
          %parallel_loop3A_674 = arith.constant 96 : index
          %parallel_loop3A_675 = tpu.vector_load %arg8[%parallel_loop3A_672, %parallel_loop3A_673, %parallel_loop3A_674] {strides = array<i32>} : memref<4x56x256xbf16, #tpu.memory_space<vmem>>, vector<32xbf16>,
          %parallel_loop3A_676 = arith.addf %parallel_loop3A_668, %parallel_loop3A_675 : vector<32xbf16>
          %parallel_loop3A_677 = tpu.unpack_subelements %parallel_loop3A_676, 0 {pack_format = #tpu.pack_format<interleaved>} : vector<32xbf16> -> vector<16xf32>
          %parallel_loop3A_678 = tpu.unpack_subelements %parallel_loop3A_676, 1 {pack_format = #tpu.pack_format<interleaved>} : vector<32xbf16> -> vector<16xf32>
          %parallel_loop3A_679 = arith.addf %parallel_loop3A_537, %parallel_loop3A_677 : vector<16xf32>
          %parallel_loop3A_680 = arith.addf %parallel_loop3A_538, %parallel_loop3A_678 : vector<16xf32>
          %parallel_loop3A_681 = arith.constant 1 : i32
          %parallel_loop3A_682 = arith.index_cast %parallel_loop3A_681 : i32 to index
          %parallel_loop3A_683 = arith.index_cast %parallel_loop3A_548 : i32 to index
          %parallel_loop3A_684 = arith.constant 128 : index
          %parallel_loop3A_685 = tpu.vector_load %arg8[%parallel_loop3A_682, %parallel_loop3A_683, %parallel_loop3A_684] {strides = array<i32>} : memref<4x56x256xbf16, #tpu.memory_space<vmem>>, vector<32xbf16>,
          %parallel_loop3A_686 = arith.constant 1 : i32
          %parallel_loop3A_687 = arith.addi %parallel_loop3A_548, %parallel_loop3A_686 : i32
          %parallel_loop3A_688 = arith.constant 1 : i32
          %parallel_loop3A_689 = arith.index_cast %parallel_loop3A_688 : i32 to index
          %parallel_loop3A_690 = arith.index_cast %parallel_loop3A_687 : i32 to index
          %parallel_loop3A_691 = arith.constant 128 : index
          %parallel_loop3A_692 = tpu.vector_load %arg8[%parallel_loop3A_689, %parallel_loop3A_690, %parallel_loop3A_691] {strides = array<i32>} : memref<4x56x256xbf16, #tpu.memory_space<vmem>>, vector<32xbf16>,
          %parallel_loop3A_693 = arith.addf %parallel_loop3A_685, %parallel_loop3A_692 : vector<32xbf16>
          %parallel_loop3A_694 = arith.constant 2 : i32
          %parallel_loop3A_695 = arith.addi %parallel_loop3A_548, %parallel_loop3A_694 : i32
          %parallel_loop3A_696 = arith.constant 1 : i32
          %parallel_loop3A_697 = arith.index_cast %parallel_loop3A_696 : i32 to index
          %parallel_loop3A_698 = arith.index_cast %parallel_loop3A_695 : i32 to index
          %parallel_loop3A_699 = arith.constant 128 : index
          %parallel_loop3A_700 = tpu.vector_load %arg8[%parallel_loop3A_697, %parallel_loop3A_698, %parallel_loop3A_699] {strides = array<i32>} : memref<4x56x256xbf16, #tpu.memory_space<vmem>>, vector<32xbf16>,
          %parallel_loop3A_701 = arith.addf %parallel_loop3A_693, %parallel_loop3A_700 : vector<32xbf16>
          %parallel_loop3A_702 = arith.constant 3 : i32
          %parallel_loop3A_703 = arith.addi %parallel_loop3A_548, %parallel_loop3A_702 : i32
          %parallel_loop3A_704 = arith.constant 1 : i32
          %parallel_loop3A_705 = arith.index_cast %parallel_loop3A_704 : i32 to index
          %parallel_loop3A_706 = arith.index_cast %parallel_loop3A_703 : i32 to index
          %parallel_loop3A_707 = arith.constant 128 : index
          %parallel_loop3A_708 = tpu.vector_load %arg8[%parallel_loop3A_705, %parallel_loop3A_706, %parallel_loop3A_707] {strides = array<i32>} : memref<4x56x256xbf16, #tpu.memory_space<vmem>>, vector<32xbf16>,
          %parallel_loop3A_709 = arith.addf %parallel_loop3A_701, %parallel_loop3A_708 : vector<32xbf16>
          %parallel_loop3A_710 = tpu.unpack_subelements %parallel_loop3A_709, 0 {pack_format = #tpu.pack_format<interleaved>} : vector<32xbf16> -> vector<16xf32>
          %parallel_loop3A_711 = tpu.unpack_subelements %parallel_loop3A_709, 1 {pack_format = #tpu.pack_format<interleaved>} : vector<32xbf16> -> vector<16xf32>
          %parallel_loop3A_712 = arith.addf %parallel_loop3A_539, %parallel_loop3A_710 : vector<16xf32>
          %parallel_loop3A_713 = arith.addf %parallel_loop3A_540, %parallel_loop3A_711 : vector<16xf32>
          %parallel_loop3A_714 = arith.constant 1 : i32
          %parallel_loop3A_715 = arith.index_cast %parallel_loop3A_714 : i32 to index
          %parallel_loop3A_716 = arith.index_cast %parallel_loop3A_548 : i32 to index
          %parallel_loop3A_717 = arith.constant 160 : index
          %parallel_loop3A_718 = tpu.vector_load %arg8[%parallel_loop3A_715, %parallel_loop3A_716, %parallel_loop3A_717] {strides = array<i32>} : memref<4x56x256xbf16, #tpu.memory_space<vmem>>, vector<32xbf16>,
          %parallel_loop3A_719 = arith.constant 1 : i32
          %parallel_loop3A_720 = arith.addi %parallel_loop3A_548, %parallel_loop3A_719 : i32
          %parallel_loop3A_721 = arith.constant 1 : i32
          %parallel_loop3A_722 = arith.index_cast %parallel_loop3A_721 : i32 to index
          %parallel_loop3A_723 = arith.index_cast %parallel_loop3A_720 : i32 to index
          %parallel_loop3A_724 = arith.constant 160 : index
          %parallel_loop3A_725 = tpu.vector_load %arg8[%parallel_loop3A_722, %parallel_loop3A_723, %parallel_loop3A_724] {strides = array<i32>} : memref<4x56x256xbf16, #tpu.memory_space<vmem>>, vector<32xbf16>,
          %parallel_loop3A_726 = arith.addf %parallel_loop3A_718, %parallel_loop3A_725 : vector<32xbf16>
          %parallel_loop3A_727 = arith.constant 2 : i32
          %parallel_loop3A_728 = arith.addi %parallel_loop3A_548, %parallel_loop3A_727 : i32
          %parallel_loop3A_729 = arith.constant 1 : i32
          %parallel_loop3A_730 = arith.index_cast %parallel_loop3A_729 : i32 to index
          %parallel_loop3A_731 = arith.index_cast %parallel_loop3A_728 : i32 to index
          %parallel_loop3A_732 = arith.constant 160 : index
          %parallel_loop3A_733 = tpu.vector_load %arg8[%parallel_loop3A_730, %parallel_loop3A_731, %parallel_loop3A_732] {strides = array<i32>} : memref<4x56x256xbf16, #tpu.memory_space<vmem>>, vector<32xbf16>,
          %parallel_loop3A_734 = arith.addf %parallel_loop3A_726, %parallel_loop3A_733 : vector<32xbf16>
          %parallel_loop3A_735 = arith.constant 3 : i32
          %parallel_loop3A_736 = arith.addi %parallel_loop3A_548, %parallel_loop3A_735 : i32
          %parallel_loop3A_737 = arith.constant 1 : i32
          %parallel_loop3A_738 = arith.index_cast %parallel_loop3A_737 : i32 to index
          %parallel_loop3A_739 = arith.index_cast %parallel_loop3A_736 : i32 to index
          %parallel_loop3A_740 = arith.constant 160 : index
          %parallel_loop3A_741 = tpu.vector_load %arg8[%parallel_loop3A_738, %parallel_loop3A_739, %parallel_loop3A_740] {strides = array<i32>} : memref<4x56x256xbf16, #tpu.memory_space<vmem>>, vector<32xbf16>,
          %parallel_loop3A_742 = arith.addf %parallel_loop3A_734, %parallel_loop3A_741 : vector<32xbf16>
          %parallel_loop3A_743 = tpu.unpack_subelements %parallel_loop3A_742, 0 {pack_format = #tpu.pack_format<interleaved>} : vector<32xbf16> -> vector<16xf32>
          %parallel_loop3A_744 = tpu.unpack_subelements %parallel_loop3A_742, 1 {pack_format = #tpu.pack_format<interleaved>} : vector<32xbf16> -> vector<16xf32>
          %parallel_loop3A_745 = arith.addf %parallel_loop3A_541, %parallel_loop3A_743 : vector<16xf32>
          %parallel_loop3A_746 = arith.addf %parallel_loop3A_542, %parallel_loop3A_744 : vector<16xf32>
          %parallel_loop3A_747 = arith.constant 1 : i32
          %parallel_loop3A_748 = arith.index_cast %parallel_loop3A_747 : i32 to index
          %parallel_loop3A_749 = arith.index_cast %parallel_loop3A_548 : i32 to index
          %parallel_loop3A_750 = arith.constant 192 : index
          %parallel_loop3A_751 = tpu.vector_load %arg8[%parallel_loop3A_748, %parallel_loop3A_749, %parallel_loop3A_750] {strides = array<i32>} : memref<4x56x256xbf16, #tpu.memory_space<vmem>>, vector<32xbf16>,
          %parallel_loop3A_752 = arith.constant 1 : i32
          %parallel_loop3A_753 = arith.addi %parallel_loop3A_548, %parallel_loop3A_752 : i32
          %parallel_loop3A_754 = arith.constant 1 : i32
          %parallel_loop3A_755 = arith.index_cast %parallel_loop3A_754 : i32 to index
          %parallel_loop3A_756 = arith.index_cast %parallel_loop3A_753 : i32 to index
          %parallel_loop3A_757 = arith.constant 192 : index
          %parallel_loop3A_758 = tpu.vector_load %arg8[%parallel_loop3A_755, %parallel_loop3A_756, %parallel_loop3A_757] {strides = array<i32>} : memref<4x56x256xbf16, #tpu.memory_space<vmem>>, vector<32xbf16>,
          %parallel_loop3A_759 = arith.addf %parallel_loop3A_751, %parallel_loop3A_758 : vector<32xbf16>
          %parallel_loop3A_760 = arith.constant 2 : i32
          %parallel_loop3A_761 = arith.addi %parallel_loop3A_548, %parallel_loop3A_760 : i32
          %parallel_loop3A_762 = arith.constant 1 : i32
          %parallel_loop3A_763 = arith.index_cast %parallel_loop3A_762 : i32 to index
          %parallel_loop3A_764 = arith.index_cast %parallel_loop3A_761 : i32 to index
          %parallel_loop3A_765 = arith.constant 192 : index
          %parallel_loop3A_766 = tpu.vector_load %arg8[%parallel_loop3A_763, %parallel_loop3A_764, %parallel_loop3A_765] {strides = array<i32>} : memref<4x56x256xbf16, #tpu.memory_space<vmem>>, vector<32xbf16>,
          %parallel_loop3A_767 = arith.addf %parallel_loop3A_759, %parallel_loop3A_766 : vector<32xbf16>
          %parallel_loop3A_768 = arith.constant 3 : i32
          %parallel_loop3A_769 = arith.addi %parallel_loop3A_548, %parallel_loop3A_768 : i32
          %parallel_loop3A_770 = arith.constant 1 : i32
          %parallel_loop3A_771 = arith.index_cast %parallel_loop3A_770 : i32 to index
          %parallel_loop3A_772 = arith.index_cast %parallel_loop3A_769 : i32 to index
          %parallel_loop3A_773 = arith.constant 192 : index
          %parallel_loop3A_774 = tpu.vector_load %arg8[%parallel_loop3A_771, %parallel_loop3A_772, %parallel_loop3A_773] {strides = array<i32>} : memref<4x56x256xbf16, #tpu.memory_space<vmem>>, vector<32xbf16>,
          %parallel_loop3A_775 = arith.addf %parallel_loop3A_767, %parallel_loop3A_774 : vector<32xbf16>
          %parallel_loop3A_776 = tpu.unpack_subelements %parallel_loop3A_775, 0 {pack_format = #tpu.pack_format<interleaved>} : vector<32xbf16> -> vector<16xf32>
          %parallel_loop3A_777 = tpu.unpack_subelements %parallel_loop3A_775, 1 {pack_format = #tpu.pack_format<interleaved>} : vector<32xbf16> -> vector<16xf32>
          %parallel_loop3A_778 = arith.addf %parallel_loop3A_543, %parallel_loop3A_776 : vector<16xf32>
          %parallel_loop3A_779 = arith.addf %parallel_loop3A_544, %parallel_loop3A_777 : vector<16xf32>
          %parallel_loop3A_780 = arith.constant 1 : i32
          %parallel_loop3A_781 = arith.index_cast %parallel_loop3A_780 : i32 to index
          %parallel_loop3A_782 = arith.index_cast %parallel_loop3A_548 : i32 to index
          %parallel_loop3A_783 = arith.constant 224 : index
          %parallel_loop3A_784 = tpu.vector_load %arg8[%parallel_loop3A_781, %parallel_loop3A_782, %parallel_loop3A_783] {strides = array<i32>} : memref<4x56x256xbf16, #tpu.memory_space<vmem>>, vector<32xbf16>,
          %parallel_loop3A_785 = arith.constant 1 : i32
          %parallel_loop3A_786 = arith.addi %parallel_loop3A_548, %parallel_loop3A_785 : i32
          %parallel_loop3A_787 = arith.constant 1 : i32
          %parallel_loop3A_788 = arith.index_cast %parallel_loop3A_787 : i32 to index
          %parallel_loop3A_789 = arith.index_cast %parallel_loop3A_786 : i32 to index
          %parallel_loop3A_790 = arith.constant 224 : index
          %parallel_loop3A_791 = tpu.vector_load %arg8[%parallel_loop3A_788, %parallel_loop3A_789, %parallel_loop3A_790] {strides = array<i32>} : memref<4x56x256xbf16, #tpu.memory_space<vmem>>, vector<32xbf16>,
          %parallel_loop3A_792 = arith.addf %parallel_loop3A_784, %parallel_loop3A_791 : vector<32xbf16>
          %parallel_loop3A_793 = arith.constant 2 : i32
          %parallel_loop3A_794 = arith.addi %parallel_loop3A_548, %parallel_loop3A_793 : i32
          %parallel_loop3A_795 = arith.constant 1 : i32
          %parallel_loop3A_796 = arith.index_cast %parallel_loop3A_795 : i32 to index
          %parallel_loop3A_797 = arith.index_cast %parallel_loop3A_794 : i32 to index
          %parallel_loop3A_798 = arith.constant 224 : index
          %parallel_loop3A_799 = tpu.vector_load %arg8[%parallel_loop3A_796, %parallel_loop3A_797, %parallel_loop3A_798] {strides = array<i32>} : memref<4x56x256xbf16, #tpu.memory_space<vmem>>, vector<32xbf16>,
          %parallel_loop3A_800 = arith.addf %parallel_loop3A_792, %parallel_loop3A_799 : vector<32xbf16>
          %parallel_loop3A_801 = arith.constant 3 : i32
          %parallel_loop3A_802 = arith.addi %parallel_loop3A_548, %parallel_loop3A_801 : i32
          %parallel_loop3A_803 = arith.constant 1 : i32
          %parallel_loop3A_804 = arith.index_cast %parallel_loop3A_803 : i32 to index
          %parallel_loop3A_805 = arith.index_cast %parallel_loop3A_802 : i32 to index
          %parallel_loop3A_806 = arith.constant 224 : index
          %parallel_loop3A_807 = tpu.vector_load %arg8[%parallel_loop3A_804, %parallel_loop3A_805, %parallel_loop3A_806] {strides = array<i32>} : memref<4x56x256xbf16, #tpu.memory_space<vmem>>, vector<32xbf16>,
          %parallel_loop3A_808 = arith.addf %parallel_loop3A_800, %parallel_loop3A_807 : vector<32xbf16>
          %parallel_loop3A_809 = tpu.unpack_subelements %parallel_loop3A_808, 0 {pack_format = #tpu.pack_format<interleaved>} : vector<32xbf16> -> vector<16xf32>
          %parallel_loop3A_810 = tpu.unpack_subelements %parallel_loop3A_808, 1 {pack_format = #tpu.pack_format<interleaved>} : vector<32xbf16> -> vector<16xf32>
          %parallel_loop3A_811 = arith.addf %parallel_loop3A_545, %parallel_loop3A_809 : vector<16xf32>
          %parallel_loop3A_812 = arith.addf %parallel_loop3A_546, %parallel_loop3A_810 : vector<16xf32>
          scf.yield %parallel_loop3A_515, %parallel_loop3A_516, %parallel_loop3A_517, %parallel_loop3A_518, %parallel_loop3A_519, %parallel_loop3A_520, %parallel_loop3A_521, %parallel_loop3A_522, %parallel_loop3A_523, %parallel_loop3A_524, %parallel_loop3A_525, %parallel_loop3A_526, %parallel_loop3A_527, %parallel_loop3A_528, %parallel_loop3A_529, %parallel_loop3A_530, %parallel_loop3A_580, %parallel_loop3A_581, %parallel_loop3A_613, %parallel_loop3A_614, %parallel_loop3A_646, %parallel_loop3A_647, %parallel_loop3A_679, %parallel_loop3A_680, %parallel_loop3A_712, %parallel_loop3A_713, %parallel_loop3A_745, %parallel_loop3A_746, %parallel_loop3A_778, %parallel_loop3A_779, %parallel_loop3A_811, %parallel_loop3A_812 : vector<16xf32>, vector<16xf32>, vector<16xf32>, vector<16xf32>, vector<16xf32>, vector<16xf32>, vector<16xf32>, vector<16xf32>, vector<16xf32>, vector<16xf32>, vector<16xf32>, vector<16xf32>, vector<16xf32>, vector<16xf32>, vector<16xf32>, vector<16xf32>, vector<16xf32>, vector<16xf32>, vector<16xf32>, vector<16xf32>, vector<16xf32>, vector<16xf32>, vector<16xf32>, vector<16xf32>, vector<16xf32>, vector<16xf32>, vector<16xf32>, vector<16xf32>, vector<16xf32>, vector<16xf32>, vector<16xf32>, vector<16xf32>
        } {sc.loop_unroll_factor = 2 : i64, sc.parallel_access}
        %dma_start3A_178 = arith.constant 1 : i32
        %dma_start3A_179 = arith.constant 0 : i32
        %dma_start3A_180 = arith.constant 0 : i32
        %dma_start3A_181 = tpu.memref_slice %arg8[%dma_start3A_178, %dma_start3A_179, %dma_start3A_180] : memref<4x56x256xbf16, #tpu.memory_space<vmem>> -> memref<1x48x256xbf16, #tpu.memory_space<vmem>>
        %dma_start3A_182 = tpu.memref_squeeze %dma_start3A_181 : memref<1x48x256xbf16, #tpu.memory_space<vmem>> -> memref<48x256xbf16, #tpu.memory_space<vmem>>
        %dma_start3A_183 = arith.constant 104 : i32
        %dma_start3A_184 = tpu.memref_slice %arg7[%scan3A_127, %dma_start3A_183] : memref<16x200xi32, #tpu.memory_space<vmem>> -> memref<1x48xi32, #tpu.memory_space<vmem>>
        %dma_start3A_185 = tpu.memref_squeeze %dma_start3A_184 : memref<1x48xi32, #tpu.memory_space<vmem>> -> memref<48xi32, #tpu.memory_space<vmem>>
        %dma_start3A_186 = arith.constant 0 : i32
        %dma_start3A_187 = arith.constant 0 : i32
        %dma_start3A_188 = tpu.memref_slice %arg9[%dma_start3A_186, %dma_start3A_187] : memref<10000x256xbf16, #tpu.memory_space<vmem_shared>> -> memref<10000x256xbf16, #tpu.memory_space<vmem_shared>>
        tpu.enqueue_indirect_dma source(%dma_start3A_188 : memref<10000x256xbf16, #tpu.memory_space<vmem_shared>>) target(%dma_start3A_182 : memref<48x256xbf16, #tpu.memory_space<vmem>>) offsets(%dma_start3A_185 : memref<48xi32, #tpu.memory_space<vmem>>) semaphore(%arg14 : memref<!tpu.dma_semaphore, #tpu.memory_space<semaphore_mem>>)
        %dma_wait3A_189 = arith.constant 2 : i32
        %dma_wait3A_190 = arith.constant 0 : i32
        %dma_wait3A_191 = arith.constant 0 : i32
        %dma_wait3A_192 = tpu.memref_slice %arg8[%dma_wait3A_189, %dma_wait3A_190, %dma_wait3A_191] : memref<4x56x256xbf16, #tpu.memory_space<vmem>> -> memref<1x48x256xbf16, #tpu.memory_space<vmem>>
        %dma_wait3A_193 = tpu.memref_squeeze %dma_wait3A_192 : memref<1x48x256xbf16, #tpu.memory_space<vmem>> -> memref<48x256xbf16, #tpu.memory_space<vmem>>
        %dma_wait3A_194 = arith.constant 56 : i32
        %dma_wait3A_195 = tpu.memref_slice %arg6[%scan3A_127, %dma_wait3A_194] : memref<16x200xi32, #tpu.memory_space<vmem>> -> memref<1x48xi32, #tpu.memory_space<vmem>>
        %dma_wait3A_196 = tpu.memref_squeeze %dma_wait3A_195 : memref<1x48xi32, #tpu.memory_space<vmem>> -> memref<48xi32, #tpu.memory_space<vmem>>
        %dma_wait3A_197 = arith.constant 0 : i32
        %dma_wait3A_198 = arith.constant 0 : i32
        %dma_wait3A_199 = tpu.memref_slice %arg9[%dma_wait3A_197, %dma_wait3A_198] : memref<10000x256xbf16, #tpu.memory_space<vmem_shared>> -> memref<10000x256xbf16, #tpu.memory_space<vmem_shared>>
        tpu.wait_indirect_dma semaphore(%arg15 : memref<!tpu.dma_semaphore, #tpu.memory_space<semaphore_mem>>) src(%dma_wait3A_199 : memref<10000x256xbf16, #tpu.memory_space<vmem_shared>>) dst(%dma_wait3A_193 : memref<48x256xbf16, #tpu.memory_space<vmem>>)
        %parallel_loop3A_200 = arith.constant 0 : i32
        %parallel_loop3A_201 = arith.constant 12 : i32
        %parallel_loop3A_202 = arith.constant 1 : i32
        %parallel_loop3A_203:32 = scf.for %parallel_loop3A_514 = %parallel_loop3A_200 to %parallel_loop3A_201 step %parallel_loop3A_202 iter_args(%parallel_loop3A_515 = %parallel_loop3A_177#0, %parallel_loop3A_516 = %parallel_loop3A_177#1, %parallel_loop3A_517 = %parallel_loop3A_177#2, %parallel_loop3A_518 = %parallel_loop3A_177#3, %parallel_loop3A_519 = %parallel_loop3A_177#4, %parallel_loop3A_520 = %parallel_loop3A_177#5, %parallel_loop3A_521 = %parallel_loop3A_177#6, %parallel_loop3A_522 = %parallel_loop3A_177#7, %parallel_loop3A_523 = %parallel_loop3A_177#8, %parallel_loop3A_524 = %parallel_loop3A_177#9, %parallel_loop3A_525 = %parallel_loop3A_177#10, %parallel_loop3A_526 = %parallel_loop3A_177#11, %parallel_loop3A_527 = %parallel_loop3A_177#12, %parallel_loop3A_528 = %parallel_loop3A_177#13, %parallel_loop3A_529 = %parallel_loop3A_177#14, %parallel_loop3A_530 = %parallel_loop3A_177#15, %parallel_loop3A_531 = %parallel_loop3A_177#16, %parallel_loop3A_532 = %parallel_loop3A_177#17, %parallel_loop3A_533 = %parallel_loop3A_177#18, %parallel_loop3A_534 = %parallel_loop3A_177#19, %parallel_loop3A_535 = %parallel_loop3A_177#20, %parallel_loop3A_536 = %parallel_loop3A_177#21, %parallel_loop3A_537 = %parallel_loop3A_177#22, %parallel_loop3A_538 = %parallel_loop3A_177#23, %parallel_loop3A_539 = %parallel_loop3A_177#24, %parallel_loop3A_540 = %parallel_loop3A_177#25, %parallel_loop3A_541 = %parallel_loop3A_177#26, %parallel_loop3A_542 = %parallel_loop3A_177#27, %parallel_loop3A_543 = %parallel_loop3A_177#28, %parallel_loop3A_544 = %parallel_loop3A_177#29, %parallel_loop3A_545 = %parallel_loop3A_177#30, %parallel_loop3A_546 = %parallel_loop3A_177#31) -> (vector<16xf32>, vector<16xf32>, vector<16xf32>, vector<16xf32>, vector<16xf32>, vector<16xf32>, vector<16xf32>, vector<16xf32>, vector<16xf32>, vector<16xf32>, vector<16xf32>, vector<16xf32>, vector<16xf32>, vector<16xf32>, vector<16xf32>, vector<16xf32>, vector<16xf32>, vector<16xf32>, vector<16xf32>, vector<16xf32>, vector<16xf32>, vector<16xf32>, vector<16xf32>, vector<16xf32>, vector<16xf32>, vector<16xf32>, vector<16xf32>, vector<16xf32>, vector<16xf32>, vector<16xf32>, vector<16xf32>, vector<16xf32>)  : i32 {
          %parallel_loop3A_547 = arith.constant 4 : i32
          %parallel_loop3A_548 = arith.muli %parallel_loop3A_514, %parallel_loop3A_547 : i32
          %parallel_loop3A_549 = arith.constant 2 : i32
          %parallel_loop3A_550 = arith.index_cast %parallel_loop3A_549 : i32 to index
          %parallel_loop3A_551 = arith.index_cast %parallel_loop3A_548 : i32 to index
          %parallel_loop3A_552 = arith.constant 0 : index
          %parallel_loop3A_553 = tpu.vector_load %arg8[%parallel_loop3A_550, %parallel_loop3A_551, %parallel_loop3A_552] {strides = array<i32>} : memref<4x56x256xbf16, #tpu.memory_space<vmem>>, vector<32xbf16>,
          %parallel_loop3A_554 = arith.constant 1 : i32
          %parallel_loop3A_555 = arith.addi %parallel_loop3A_548, %parallel_loop3A_554 : i32
          %parallel_loop3A_556 = arith.constant 2 : i32
          %parallel_loop3A_557 = arith.index_cast %parallel_loop3A_556 : i32 to index
          %parallel_loop3A_558 = arith.index_cast %parallel_loop3A_555 : i32 to index
          %parallel_loop3A_559 = arith.constant 0 : index
          %parallel_loop3A_560 = tpu.vector_load %arg8[%parallel_loop3A_557, %parallel_loop3A_558, %parallel_loop3A_559] {strides = array<i32>} : memref<4x56x256xbf16, #tpu.memory_space<vmem>>, vector<32xbf16>,
          %parallel_loop3A_561 = arith.addf %parallel_loop3A_553, %parallel_loop3A_560 : vector<32xbf16>
          %parallel_loop3A_562 = arith.constant 2 : i32
          %parallel_loop3A_563 = arith.addi %parallel_loop3A_548, %parallel_loop3A_562 : i32
          %parallel_loop3A_564 = arith.constant 2 : i32
          %parallel_loop3A_565 = arith.index_cast %parallel_loop3A_564 : i32 to index
          %parallel_loop3A_566 = arith.index_cast %parallel_loop3A_563 : i32 to index
          %parallel_loop3A_567 = arith.constant 0 : index
          %parallel_loop3A_568 = tpu.vector_load %arg8[%parallel_loop3A_565, %parallel_loop3A_566, %parallel_loop3A_567] {strides = array<i32>} : memref<4x56x256xbf16, #tpu.memory_space<vmem>>, vector<32xbf16>,
          %parallel_loop3A_569 = arith.addf %parallel_loop3A_561, %parallel_loop3A_568 : vector<32xbf16>
          %parallel_loop3A_570 = arith.constant 3 : i32
          %parallel_loop3A_571 = arith.addi %parallel_loop3A_548, %parallel_loop3A_570 : i32
          %parallel_loop3A_572 = arith.constant 2 : i32
          %parallel_loop3A_573 = arith.index_cast %parallel_loop3A_572 : i32 to index
          %parallel_loop3A_574 = arith.index_cast %parallel_loop3A_571 : i32 to index
          %parallel_loop3A_575 = arith.constant 0 : index
          %parallel_loop3A_576 = tpu.vector_load %arg8[%parallel_loop3A_573, %parallel_loop3A_574, %parallel_loop3A_575] {strides = array<i32>} : memref<4x56x256xbf16, #tpu.memory_space<vmem>>, vector<32xbf16>,
          %parallel_loop3A_577 = arith.addf %parallel_loop3A_569, %parallel_loop3A_576 : vector<32xbf16>
          %parallel_loop3A_578 = tpu.unpack_subelements %parallel_loop3A_577, 0 {pack_format = #tpu.pack_format<interleaved>} : vector<32xbf16> -> vector<16xf32>
          %parallel_loop3A_579 = tpu.unpack_subelements %parallel_loop3A_577, 1 {pack_format = #tpu.pack_format<interleaved>} : vector<32xbf16> -> vector<16xf32>
          %parallel_loop3A_580 = arith.addf %parallel_loop3A_515, %parallel_loop3A_578 : vector<16xf32>
          %parallel_loop3A_581 = arith.addf %parallel_loop3A_516, %parallel_loop3A_579 : vector<16xf32>
          %parallel_loop3A_582 = arith.constant 2 : i32
          %parallel_loop3A_583 = arith.index_cast %parallel_loop3A_582 : i32 to index
          %parallel_loop3A_584 = arith.index_cast %parallel_loop3A_548 : i32 to index
          %parallel_loop3A_585 = arith.constant 32 : index
          %parallel_loop3A_586 = tpu.vector_load %arg8[%parallel_loop3A_583, %parallel_loop3A_584, %parallel_loop3A_585] {strides = array<i32>} : memref<4x56x256xbf16, #tpu.memory_space<vmem>>, vector<32xbf16>,
          %parallel_loop3A_587 = arith.constant 1 : i32
          %parallel_loop3A_588 = arith.addi %parallel_loop3A_548, %parallel_loop3A_587 : i32
          %parallel_loop3A_589 = arith.constant 2 : i32
          %parallel_loop3A_590 = arith.index_cast %parallel_loop3A_589 : i32 to index
          %parallel_loop3A_591 = arith.index_cast %parallel_loop3A_588 : i32 to index
          %parallel_loop3A_592 = arith.constant 32 : index
          %parallel_loop3A_593 = tpu.vector_load %arg8[%parallel_loop3A_590, %parallel_loop3A_591, %parallel_loop3A_592] {strides = array<i32>} : memref<4x56x256xbf16, #tpu.memory_space<vmem>>, vector<32xbf16>,
          %parallel_loop3A_594 = arith.addf %parallel_loop3A_586, %parallel_loop3A_593 : vector<32xbf16>
          %parallel_loop3A_595 = arith.constant 2 : i32
          %parallel_loop3A_596 = arith.addi %parallel_loop3A_548, %parallel_loop3A_595 : i32
          %parallel_loop3A_597 = arith.constant 2 : i32
          %parallel_loop3A_598 = arith.index_cast %parallel_loop3A_597 : i32 to index
          %parallel_loop3A_599 = arith.index_cast %parallel_loop3A_596 : i32 to index
          %parallel_loop3A_600 = arith.constant 32 : index
          %parallel_loop3A_601 = tpu.vector_load %arg8[%parallel_loop3A_598, %parallel_loop3A_599, %parallel_loop3A_600] {strides = array<i32>} : memref<4x56x256xbf16, #tpu.memory_space<vmem>>, vector<32xbf16>,
          %parallel_loop3A_602 = arith.addf %parallel_loop3A_594, %parallel_loop3A_601 : vector<32xbf16>
          %parallel_loop3A_603 = arith.constant 3 : i32
          %parallel_loop3A_604 = arith.addi %parallel_loop3A_548, %parallel_loop3A_603 : i32
          %parallel_loop3A_605 = arith.constant 2 : i32
          %parallel_loop3A_606 = arith.index_cast %parallel_loop3A_605 : i32 to index
          %parallel_loop3A_607 = arith.index_cast %parallel_loop3A_604 : i32 to index
          %parallel_loop3A_608 = arith.constant 32 : index
          %parallel_loop3A_609 = tpu.vector_load %arg8[%parallel_loop3A_606, %parallel_loop3A_607, %parallel_loop3A_608] {strides = array<i32>} : memref<4x56x256xbf16, #tpu.memory_space<vmem>>, vector<32xbf16>,
          %parallel_loop3A_610 = arith.addf %parallel_loop3A_602, %parallel_loop3A_609 : vector<32xbf16>
          %parallel_loop3A_611 = tpu.unpack_subelements %parallel_loop3A_610, 0 {pack_format = #tpu.pack_format<interleaved>} : vector<32xbf16> -> vector<16xf32>
          %parallel_loop3A_612 = tpu.unpack_subelements %parallel_loop3A_610, 1 {pack_format = #tpu.pack_format<interleaved>} : vector<32xbf16> -> vector<16xf32>
          %parallel_loop3A_613 = arith.addf %parallel_loop3A_517, %parallel_loop3A_611 : vector<16xf32>
          %parallel_loop3A_614 = arith.addf %parallel_loop3A_518, %parallel_loop3A_612 : vector<16xf32>
          %parallel_loop3A_615 = arith.constant 2 : i32
          %parallel_loop3A_616 = arith.index_cast %parallel_loop3A_615 : i32 to index
          %parallel_loop3A_617 = arith.index_cast %parallel_loop3A_548 : i32 to index
          %parallel_loop3A_618 = arith.constant 64 : index
          %parallel_loop3A_619 = tpu.vector_load %arg8[%parallel_loop3A_616, %parallel_loop3A_617, %parallel_loop3A_618] {strides = array<i32>} : memref<4x56x256xbf16, #tpu.memory_space<vmem>>, vector<32xbf16>,
          %parallel_loop3A_620 = arith.constant 1 : i32
          %parallel_loop3A_621 = arith.addi %parallel_loop3A_548, %parallel_loop3A_620 : i32
          %parallel_loop3A_622 = arith.constant 2 : i32
          %parallel_loop3A_623 = arith.index_cast %parallel_loop3A_622 : i32 to index
          %parallel_loop3A_624 = arith.index_cast %parallel_loop3A_621 : i32 to index
          %parallel_loop3A_625 = arith.constant 64 : index
          %parallel_loop3A_626 = tpu.vector_load %arg8[%parallel_loop3A_623, %parallel_loop3A_624, %parallel_loop3A_625] {strides = array<i32>} : memref<4x56x256xbf16, #tpu.memory_space<vmem>>, vector<32xbf16>,
          %parallel_loop3A_627 = arith.addf %parallel_loop3A_619, %parallel_loop3A_626 : vector<32xbf16>
          %parallel_loop3A_628 = arith.constant 2 : i32
          %parallel_loop3A_629 = arith.addi %parallel_loop3A_548, %parallel_loop3A_628 : i32
          %parallel_loop3A_630 = arith.constant 2 : i32
          %parallel_loop3A_631 = arith.index_cast %parallel_loop3A_630 : i32 to index
          %parallel_loop3A_632 = arith.index_cast %parallel_loop3A_629 : i32 to index
          %parallel_loop3A_633 = arith.constant 64 : index
          %parallel_loop3A_634 = tpu.vector_load %arg8[%parallel_loop3A_631, %parallel_loop3A_632, %parallel_loop3A_633] {strides = array<i32>} : memref<4x56x256xbf16, #tpu.memory_space<vmem>>, vector<32xbf16>,
          %parallel_loop3A_635 = arith.addf %parallel_loop3A_627, %parallel_loop3A_634 : vector<32xbf16>
          %parallel_loop3A_636 = arith.constant 3 : i32
          %parallel_loop3A_637 = arith.addi %parallel_loop3A_548, %parallel_loop3A_636 : i32
          %parallel_loop3A_638 = arith.constant 2 : i32
          %parallel_loop3A_639 = arith.index_cast %parallel_loop3A_638 : i32 to index
          %parallel_loop3A_640 = arith.index_cast %parallel_loop3A_637 : i32 to index
          %parallel_loop3A_641 = arith.constant 64 : index
          %parallel_loop3A_642 = tpu.vector_load %arg8[%parallel_loop3A_639, %parallel_loop3A_640, %parallel_loop3A_641] {strides = array<i32>} : memref<4x56x256xbf16, #tpu.memory_space<vmem>>, vector<32xbf16>,
          %parallel_loop3A_643 = arith.addf %parallel_loop3A_635, %parallel_loop3A_642 : vector<32xbf16>
          %parallel_loop3A_644 = tpu.unpack_subelements %parallel_loop3A_643, 0 {pack_format = #tpu.pack_format<interleaved>} : vector<32xbf16> -> vector<16xf32>
          %parallel_loop3A_645 = tpu.unpack_subelements %parallel_loop3A_643, 1 {pack_format = #tpu.pack_format<interleaved>} : vector<32xbf16> -> vector<16xf32>
          %parallel_loop3A_646 = arith.addf %parallel_loop3A_519, %parallel_loop3A_644 : vector<16xf32>
          %parallel_loop3A_647 = arith.addf %parallel_loop3A_520, %parallel_loop3A_645 : vector<16xf32>
          %parallel_loop3A_648 = arith.constant 2 : i32
          %parallel_loop3A_649 = arith.index_cast %parallel_loop3A_648 : i32 to index
          %parallel_loop3A_650 = arith.index_cast %parallel_loop3A_548 : i32 to index
          %parallel_loop3A_651 = arith.constant 96 : index
          %parallel_loop3A_652 = tpu.vector_load %arg8[%parallel_loop3A_649, %parallel_loop3A_650, %parallel_loop3A_651] {strides = array<i32>} : memref<4x56x256xbf16, #tpu.memory_space<vmem>>, vector<32xbf16>,
          %parallel_loop3A_653 = arith.constant 1 : i32
          %parallel_loop3A_654 = arith.addi %parallel_loop3A_548, %parallel_loop3A_653 : i32
          %parallel_loop3A_655 = arith.constant 2 : i32
          %parallel_loop3A_656 = arith.index_cast %parallel_loop3A_655 : i32 to index
          %parallel_loop3A_657 = arith.index_cast %parallel_loop3A_654 : i32 to index
          %parallel_loop3A_658 = arith.constant 96 : index
          %parallel_loop3A_659 = tpu.vector_load %arg8[%parallel_loop3A_656, %parallel_loop3A_657, %parallel_loop3A_658] {strides = array<i32>} : memref<4x56x256xbf16, #tpu.memory_space<vmem>>, vector<32xbf16>,
          %parallel_loop3A_660 = arith.addf %parallel_loop3A_652, %parallel_loop3A_659 : vector<32xbf16>
          %parallel_loop3A_661 = arith.constant 2 : i32
          %parallel_loop3A_662 = arith.addi %parallel_loop3A_548, %parallel_loop3A_661 : i32
          %parallel_loop3A_663 = arith.constant 2 : i32
          %parallel_loop3A_664 = arith.index_cast %parallel_loop3A_663 : i32 to index
          %parallel_loop3A_665 = arith.index_cast %parallel_loop3A_662 : i32 to index
          %parallel_loop3A_666 = arith.constant 96 : index
          %parallel_loop3A_667 = tpu.vector_load %arg8[%parallel_loop3A_664, %parallel_loop3A_665, %parallel_loop3A_666] {strides = array<i32>} : memref<4x56x256xbf16, #tpu.memory_space<vmem>>, vector<32xbf16>,
          %parallel_loop3A_668 = arith.addf %parallel_loop3A_660, %parallel_loop3A_667 : vector<32xbf16>
          %parallel_loop3A_669 = arith.constant 3 : i32
          %parallel_loop3A_670 = arith.addi %parallel_loop3A_548, %parallel_loop3A_669 : i32
          %parallel_loop3A_671 = arith.constant 2 : i32
          %parallel_loop3A_672 = arith.index_cast %parallel_loop3A_671 : i32 to index
          %parallel_loop3A_673 = arith.index_cast %parallel_loop3A_670 : i32 to index
          %parallel_loop3A_674 = arith.constant 96 : index
          %parallel_loop3A_675 = tpu.vector_load %arg8[%parallel_loop3A_672, %parallel_loop3A_673, %parallel_loop3A_674] {strides = array<i32>} : memref<4x56x256xbf16, #tpu.memory_space<vmem>>, vector<32xbf16>,
          %parallel_loop3A_676 = arith.addf %parallel_loop3A_668, %parallel_loop3A_675 : vector<32xbf16>
          %parallel_loop3A_677 = tpu.unpack_subelements %parallel_loop3A_676, 0 {pack_format = #tpu.pack_format<interleaved>} : vector<32xbf16> -> vector<16xf32>
          %parallel_loop3A_678 = tpu.unpack_subelements %parallel_loop3A_676, 1 {pack_format = #tpu.pack_format<interleaved>} : vector<32xbf16> -> vector<16xf32>
          %parallel_loop3A_679 = arith.addf %parallel_loop3A_521, %parallel_loop3A_677 : vector<16xf32>
          %parallel_loop3A_680 = arith.addf %parallel_loop3A_522, %parallel_loop3A_678 : vector<16xf32>
          %parallel_loop3A_681 = arith.constant 2 : i32
          %parallel_loop3A_682 = arith.index_cast %parallel_loop3A_681 : i32 to index
          %parallel_loop3A_683 = arith.index_cast %parallel_loop3A_548 : i32 to index
          %parallel_loop3A_684 = arith.constant 128 : index
          %parallel_loop3A_685 = tpu.vector_load %arg8[%parallel_loop3A_682, %parallel_loop3A_683, %parallel_loop3A_684] {strides = array<i32>} : memref<4x56x256xbf16, #tpu.memory_space<vmem>>, vector<32xbf16>,
          %parallel_loop3A_686 = arith.constant 1 : i32
          %parallel_loop3A_687 = arith.addi %parallel_loop3A_548, %parallel_loop3A_686 : i32
          %parallel_loop3A_688 = arith.constant 2 : i32
          %parallel_loop3A_689 = arith.index_cast %parallel_loop3A_688 : i32 to index
          %parallel_loop3A_690 = arith.index_cast %parallel_loop3A_687 : i32 to index
          %parallel_loop3A_691 = arith.constant 128 : index
          %parallel_loop3A_692 = tpu.vector_load %arg8[%parallel_loop3A_689, %parallel_loop3A_690, %parallel_loop3A_691] {strides = array<i32>} : memref<4x56x256xbf16, #tpu.memory_space<vmem>>, vector<32xbf16>,
          %parallel_loop3A_693 = arith.addf %parallel_loop3A_685, %parallel_loop3A_692 : vector<32xbf16>
          %parallel_loop3A_694 = arith.constant 2 : i32
          %parallel_loop3A_695 = arith.addi %parallel_loop3A_548, %parallel_loop3A_694 : i32
          %parallel_loop3A_696 = arith.constant 2 : i32
          %parallel_loop3A_697 = arith.index_cast %parallel_loop3A_696 : i32 to index
          %parallel_loop3A_698 = arith.index_cast %parallel_loop3A_695 : i32 to index
          %parallel_loop3A_699 = arith.constant 128 : index
          %parallel_loop3A_700 = tpu.vector_load %arg8[%parallel_loop3A_697, %parallel_loop3A_698, %parallel_loop3A_699] {strides = array<i32>} : memref<4x56x256xbf16, #tpu.memory_space<vmem>>, vector<32xbf16>,
          %parallel_loop3A_701 = arith.addf %parallel_loop3A_693, %parallel_loop3A_700 : vector<32xbf16>
          %parallel_loop3A_702 = arith.constant 3 : i32
          %parallel_loop3A_703 = arith.addi %parallel_loop3A_548, %parallel_loop3A_702 : i32
          %parallel_loop3A_704 = arith.constant 2 : i32
          %parallel_loop3A_705 = arith.index_cast %parallel_loop3A_704 : i32 to index
          %parallel_loop3A_706 = arith.index_cast %parallel_loop3A_703 : i32 to index
          %parallel_loop3A_707 = arith.constant 128 : index
          %parallel_loop3A_708 = tpu.vector_load %arg8[%parallel_loop3A_705, %parallel_loop3A_706, %parallel_loop3A_707] {strides = array<i32>} : memref<4x56x256xbf16, #tpu.memory_space<vmem>>, vector<32xbf16>,
          %parallel_loop3A_709 = arith.addf %parallel_loop3A_701, %parallel_loop3A_708 : vector<32xbf16>
          %parallel_loop3A_710 = tpu.unpack_subelements %parallel_loop3A_709, 0 {pack_format = #tpu.pack_format<interleaved>} : vector<32xbf16> -> vector<16xf32>
          %parallel_loop3A_711 = tpu.unpack_subelements %parallel_loop3A_709, 1 {pack_format = #tpu.pack_format<interleaved>} : vector<32xbf16> -> vector<16xf32>
          %parallel_loop3A_712 = arith.addf %parallel_loop3A_523, %parallel_loop3A_710 : vector<16xf32>
          %parallel_loop3A_713 = arith.addf %parallel_loop3A_524, %parallel_loop3A_711 : vector<16xf32>
          %parallel_loop3A_714 = arith.constant 2 : i32
          %parallel_loop3A_715 = arith.index_cast %parallel_loop3A_714 : i32 to index
          %parallel_loop3A_716 = arith.index_cast %parallel_loop3A_548 : i32 to index
          %parallel_loop3A_717 = arith.constant 160 : index
          %parallel_loop3A_718 = tpu.vector_load %arg8[%parallel_loop3A_715, %parallel_loop3A_716, %parallel_loop3A_717] {strides = array<i32>} : memref<4x56x256xbf16, #tpu.memory_space<vmem>>, vector<32xbf16>,
          %parallel_loop3A_719 = arith.constant 1 : i32
          %parallel_loop3A_720 = arith.addi %parallel_loop3A_548, %parallel_loop3A_719 : i32
          %parallel_loop3A_721 = arith.constant 2 : i32
          %parallel_loop3A_722 = arith.index_cast %parallel_loop3A_721 : i32 to index
          %parallel_loop3A_723 = arith.index_cast %parallel_loop3A_720 : i32 to index
          %parallel_loop3A_724 = arith.constant 160 : index
          %parallel_loop3A_725 = tpu.vector_load %arg8[%parallel_loop3A_722, %parallel_loop3A_723, %parallel_loop3A_724] {strides = array<i32>} : memref<4x56x256xbf16, #tpu.memory_space<vmem>>, vector<32xbf16>,
          %parallel_loop3A_726 = arith.addf %parallel_loop3A_718, %parallel_loop3A_725 : vector<32xbf16>
          %parallel_loop3A_727 = arith.constant 2 : i32
          %parallel_loop3A_728 = arith.addi %parallel_loop3A_548, %parallel_loop3A_727 : i32
          %parallel_loop3A_729 = arith.constant 2 : i32
          %parallel_loop3A_730 = arith.index_cast %parallel_loop3A_729 : i32 to index
          %parallel_loop3A_731 = arith.index_cast %parallel_loop3A_728 : i32 to index
          %parallel_loop3A_732 = arith.constant 160 : index
          %parallel_loop3A_733 = tpu.vector_load %arg8[%parallel_loop3A_730, %parallel_loop3A_731, %parallel_loop3A_732] {strides = array<i32>} : memref<4x56x256xbf16, #tpu.memory_space<vmem>>, vector<32xbf16>,
          %parallel_loop3A_734 = arith.addf %parallel_loop3A_726, %parallel_loop3A_733 : vector<32xbf16>
          %parallel_loop3A_735 = arith.constant 3 : i32
          %parallel_loop3A_736 = arith.addi %parallel_loop3A_548, %parallel_loop3A_735 : i32
          %parallel_loop3A_737 = arith.constant 2 : i32
          %parallel_loop3A_738 = arith.index_cast %parallel_loop3A_737 : i32 to index
          %parallel_loop3A_739 = arith.index_cast %parallel_loop3A_736 : i32 to index
          %parallel_loop3A_740 = arith.constant 160 : index
          %parallel_loop3A_741 = tpu.vector_load %arg8[%parallel_loop3A_738, %parallel_loop3A_739, %parallel_loop3A_740] {strides = array<i32>} : memref<4x56x256xbf16, #tpu.memory_space<vmem>>, vector<32xbf16>,
          %parallel_loop3A_742 = arith.addf %parallel_loop3A_734, %parallel_loop3A_741 : vector<32xbf16>
          %parallel_loop3A_743 = tpu.unpack_subelements %parallel_loop3A_742, 0 {pack_format = #tpu.pack_format<interleaved>} : vector<32xbf16> -> vector<16xf32>
          %parallel_loop3A_744 = tpu.unpack_subelements %parallel_loop3A_742, 1 {pack_format = #tpu.pack_format<interleaved>} : vector<32xbf16> -> vector<16xf32>
          %parallel_loop3A_745 = arith.addf %parallel_loop3A_525, %parallel_loop3A_743 : vector<16xf32>
          %parallel_loop3A_746 = arith.addf %parallel_loop3A_526, %parallel_loop3A_744 : vector<16xf32>
          %parallel_loop3A_747 = arith.constant 2 : i32
          %parallel_loop3A_748 = arith.index_cast %parallel_loop3A_747 : i32 to index
          %parallel_loop3A_749 = arith.index_cast %parallel_loop3A_548 : i32 to index
          %parallel_loop3A_750 = arith.constant 192 : index
          %parallel_loop3A_751 = tpu.vector_load %arg8[%parallel_loop3A_748, %parallel_loop3A_749, %parallel_loop3A_750] {strides = array<i32>} : memref<4x56x256xbf16, #tpu.memory_space<vmem>>, vector<32xbf16>,
          %parallel_loop3A_752 = arith.constant 1 : i32
          %parallel_loop3A_753 = arith.addi %parallel_loop3A_548, %parallel_loop3A_752 : i32
          %parallel_loop3A_754 = arith.constant 2 : i32
          %parallel_loop3A_755 = arith.index_cast %parallel_loop3A_754 : i32 to index
          %parallel_loop3A_756 = arith.index_cast %parallel_loop3A_753 : i32 to index
          %parallel_loop3A_757 = arith.constant 192 : index
          %parallel_loop3A_758 = tpu.vector_load %arg8[%parallel_loop3A_755, %parallel_loop3A_756, %parallel_loop3A_757] {strides = array<i32>} : memref<4x56x256xbf16, #tpu.memory_space<vmem>>, vector<32xbf16>,
          %parallel_loop3A_759 = arith.addf %parallel_loop3A_751, %parallel_loop3A_758 : vector<32xbf16>
          %parallel_loop3A_760 = arith.constant 2 : i32
          %parallel_loop3A_761 = arith.addi %parallel_loop3A_548, %parallel_loop3A_760 : i32
          %parallel_loop3A_762 = arith.constant 2 : i32
          %parallel_loop3A_763 = arith.index_cast %parallel_loop3A_762 : i32 to index
          %parallel_loop3A_764 = arith.index_cast %parallel_loop3A_761 : i32 to index
          %parallel_loop3A_765 = arith.constant 192 : index
          %parallel_loop3A_766 = tpu.vector_load %arg8[%parallel_loop3A_763, %parallel_loop3A_764, %parallel_loop3A_765] {strides = array<i32>} : memref<4x56x256xbf16, #tpu.memory_space<vmem>>, vector<32xbf16>,
          %parallel_loop3A_767 = arith.addf %parallel_loop3A_759, %parallel_loop3A_766 : vector<32xbf16>
          %parallel_loop3A_768 = arith.constant 3 : i32
          %parallel_loop3A_769 = arith.addi %parallel_loop3A_548, %parallel_loop3A_768 : i32
          %parallel_loop3A_770 = arith.constant 2 : i32
          %parallel_loop3A_771 = arith.index_cast %parallel_loop3A_770 : i32 to index
          %parallel_loop3A_772 = arith.index_cast %parallel_loop3A_769 : i32 to index
          %parallel_loop3A_773 = arith.constant 192 : index
          %parallel_loop3A_774 = tpu.vector_load %arg8[%parallel_loop3A_771, %parallel_loop3A_772, %parallel_loop3A_773] {strides = array<i32>} : memref<4x56x256xbf16, #tpu.memory_space<vmem>>, vector<32xbf16>,
          %parallel_loop3A_775 = arith.addf %parallel_loop3A_767, %parallel_loop3A_774 : vector<32xbf16>
          %parallel_loop3A_776 = tpu.unpack_subelements %parallel_loop3A_775, 0 {pack_format = #tpu.pack_format<interleaved>} : vector<32xbf16> -> vector<16xf32>
          %parallel_loop3A_777 = tpu.unpack_subelements %parallel_loop3A_775, 1 {pack_format = #tpu.pack_format<interleaved>} : vector<32xbf16> -> vector<16xf32>
          %parallel_loop3A_778 = arith.addf %parallel_loop3A_527, %parallel_loop3A_776 : vector<16xf32>
          %parallel_loop3A_779 = arith.addf %parallel_loop3A_528, %parallel_loop3A_777 : vector<16xf32>
          %parallel_loop3A_780 = arith.constant 2 : i32
          %parallel_loop3A_781 = arith.index_cast %parallel_loop3A_780 : i32 to index
          %parallel_loop3A_782 = arith.index_cast %parallel_loop3A_548 : i32 to index
          %parallel_loop3A_783 = arith.constant 224 : index
          %parallel_loop3A_784 = tpu.vector_load %arg8[%parallel_loop3A_781, %parallel_loop3A_782, %parallel_loop3A_783] {strides = array<i32>} : memref<4x56x256xbf16, #tpu.memory_space<vmem>>, vector<32xbf16>,
          %parallel_loop3A_785 = arith.constant 1 : i32
          %parallel_loop3A_786 = arith.addi %parallel_loop3A_548, %parallel_loop3A_785 : i32
          %parallel_loop3A_787 = arith.constant 2 : i32
          %parallel_loop3A_788 = arith.index_cast %parallel_loop3A_787 : i32 to index
          %parallel_loop3A_789 = arith.index_cast %parallel_loop3A_786 : i32 to index
          %parallel_loop3A_790 = arith.constant 224 : index
          %parallel_loop3A_791 = tpu.vector_load %arg8[%parallel_loop3A_788, %parallel_loop3A_789, %parallel_loop3A_790] {strides = array<i32>} : memref<4x56x256xbf16, #tpu.memory_space<vmem>>, vector<32xbf16>,
          %parallel_loop3A_792 = arith.addf %parallel_loop3A_784, %parallel_loop3A_791 : vector<32xbf16>
          %parallel_loop3A_793 = arith.constant 2 : i32
          %parallel_loop3A_794 = arith.addi %parallel_loop3A_548, %parallel_loop3A_793 : i32
          %parallel_loop3A_795 = arith.constant 2 : i32
          %parallel_loop3A_796 = arith.index_cast %parallel_loop3A_795 : i32 to index
          %parallel_loop3A_797 = arith.index_cast %parallel_loop3A_794 : i32 to index
          %parallel_loop3A_798 = arith.constant 224 : index
          %parallel_loop3A_799 = tpu.vector_load %arg8[%parallel_loop3A_796, %parallel_loop3A_797, %parallel_loop3A_798] {strides = array<i32>} : memref<4x56x256xbf16, #tpu.memory_space<vmem>>, vector<32xbf16>,
          %parallel_loop3A_800 = arith.addf %parallel_loop3A_792, %parallel_loop3A_799 : vector<32xbf16>
          %parallel_loop3A_801 = arith.constant 3 : i32
          %parallel_loop3A_802 = arith.addi %parallel_loop3A_548, %parallel_loop3A_801 : i32
          %parallel_loop3A_803 = arith.constant 2 : i32
          %parallel_loop3A_804 = arith.index_cast %parallel_loop3A_803 : i32 to index
          %parallel_loop3A_805 = arith.index_cast %parallel_loop3A_802 : i32 to index
          %parallel_loop3A_806 = arith.constant 224 : index
          %parallel_loop3A_807 = tpu.vector_load %arg8[%parallel_loop3A_804, %parallel_loop3A_805, %parallel_loop3A_806] {strides = array<i32>} : memref<4x56x256xbf16, #tpu.memory_space<vmem>>, vector<32xbf16>,
          %parallel_loop3A_808 = arith.addf %parallel_loop3A_800, %parallel_loop3A_807 : vector<32xbf16>
          %parallel_loop3A_809 = tpu.unpack_subelements %parallel_loop3A_808, 0 {pack_format = #tpu.pack_format<interleaved>} : vector<32xbf16> -> vector<16xf32>
          %parallel_loop3A_810 = tpu.unpack_subelements %parallel_loop3A_808, 1 {pack_format = #tpu.pack_format<interleaved>} : vector<32xbf16> -> vector<16xf32>
          %parallel_loop3A_811 = arith.addf %parallel_loop3A_529, %parallel_loop3A_809 : vector<16xf32>
          %parallel_loop3A_812 = arith.addf %parallel_loop3A_530, %parallel_loop3A_810 : vector<16xf32>
          scf.yield %parallel_loop3A_580, %parallel_loop3A_581, %parallel_loop3A_613, %parallel_loop3A_614, %parallel_loop3A_646, %parallel_loop3A_647, %parallel_loop3A_679, %parallel_loop3A_680, %parallel_loop3A_712, %parallel_loop3A_713, %parallel_loop3A_745, %parallel_loop3A_746, %parallel_loop3A_778, %parallel_loop3A_779, %parallel_loop3A_811, %parallel_loop3A_812, %parallel_loop3A_531, %parallel_loop3A_532, %parallel_loop3A_533, %parallel_loop3A_534, %parallel_loop3A_535, %parallel_loop3A_536, %parallel_loop3A_537, %parallel_loop3A_538, %parallel_loop3A_539, %parallel_loop3A_540, %parallel_loop3A_541, %parallel_loop3A_542, %parallel_loop3A_543, %parallel_loop3A_544, %parallel_loop3A_545, %parallel_loop3A_546 : vector<16xf32>, vector<16xf32>, vector<16xf32>, vector<16xf32>, vector<16xf32>, vector<16xf32>, vector<16xf32>, vector<16xf32>, vector<16xf32>, vector<16xf32>, vector<16xf32>, vector<16xf32>, vector<16xf32>, vector<16xf32>, vector<16xf32>, vector<16xf32>, vector<16xf32>, vector<16xf32>, vector<16xf32>, vector<16xf32>, vector<16xf32>, vector<16xf32>, vector<16xf32>, vector<16xf32>, vector<16xf32>, vector<16xf32>, vector<16xf32>, vector<16xf32>, vector<16xf32>, vector<16xf32>, vector<16xf32>, vector<16xf32>
        } {sc.loop_unroll_factor = 2 : i64, sc.parallel_access}
        %dma_start3A_204 = arith.constant 2 : i32
        %dma_start3A_205 = arith.constant 0 : i32
        %dma_start3A_206 = arith.constant 0 : i32
        %dma_start3A_207 = tpu.memref_slice %arg8[%dma_start3A_204, %dma_start3A_205, %dma_start3A_206] : memref<4x56x256xbf16, #tpu.memory_space<vmem>> -> memref<1x48x256xbf16, #tpu.memory_space<vmem>>
        %dma_start3A_208 = tpu.memref_squeeze %dma_start3A_207 : memref<1x48x256xbf16, #tpu.memory_space<vmem>> -> memref<48x256xbf16, #tpu.memory_space<vmem>>
        %dma_start3A_209 = arith.constant 152 : i32
        %dma_start3A_210 = tpu.memref_slice %arg6[%scan3A_127, %dma_start3A_209] : memref<16x200xi32, #tpu.memory_space<vmem>> -> memref<1x48xi32, #tpu.memory_space<vmem>>
        %dma_start3A_211 = tpu.memref_squeeze %dma_start3A_210 : memref<1x48xi32, #tpu.memory_space<vmem>> -> memref<48xi32, #tpu.memory_space<vmem>>
        %dma_start3A_212 = arith.constant 0 : i32
        %dma_start3A_213 = arith.constant 0 : i32
        %dma_start3A_214 = tpu.memref_slice %arg9[%dma_start3A_212, %dma_start3A_213] : memref<10000x256xbf16, #tpu.memory_space<vmem_shared>> -> memref<10000x256xbf16, #tpu.memory_space<vmem_shared>>
        tpu.enqueue_indirect_dma source(%dma_start3A_214 : memref<10000x256xbf16, #tpu.memory_space<vmem_shared>>) target(%dma_start3A_208 : memref<48x256xbf16, #tpu.memory_space<vmem>>) offsets(%dma_start3A_211 : memref<48xi32, #tpu.memory_space<vmem>>) semaphore(%arg15 : memref<!tpu.dma_semaphore, #tpu.memory_space<semaphore_mem>>)
        %dma_wait3A_215 = arith.constant 3 : i32
        %dma_wait3A_216 = arith.constant 0 : i32
        %dma_wait3A_217 = arith.constant 0 : i32
        %dma_wait3A_218 = tpu.memref_slice %arg8[%dma_wait3A_215, %dma_wait3A_216, %dma_wait3A_217] : memref<4x56x256xbf16, #tpu.memory_space<vmem>> -> memref<1x48x256xbf16, #tpu.memory_space<vmem>>
        %dma_wait3A_219 = tpu.memref_squeeze %dma_wait3A_218 : memref<1x48x256xbf16, #tpu.memory_space<vmem>> -> memref<48x256xbf16, #tpu.memory_space<vmem>>
        %dma_wait3A_220 = arith.constant 56 : i32
        %dma_wait3A_221 = tpu.memref_slice %arg7[%scan3A_127, %dma_wait3A_220] : memref<16x200xi32, #tpu.memory_space<vmem>> -> memref<1x48xi32, #tpu.memory_space<vmem>>
        %dma_wait3A_222 = tpu.memref_squeeze %dma_wait3A_221 : memref<1x48xi32, #tpu.memory_space<vmem>> -> memref<48xi32, #tpu.memory_space<vmem>>
        %dma_wait3A_223 = arith.constant 0 : i32
        %dma_wait3A_224 = arith.constant 0 : i32
        %dma_wait3A_225 = tpu.memref_slice %arg9[%dma_wait3A_223, %dma_wait3A_224] : memref<10000x256xbf16, #tpu.memory_space<vmem_shared>> -> memref<10000x256xbf16, #tpu.memory_space<vmem_shared>>
        tpu.wait_indirect_dma semaphore(%arg16 : memref<!tpu.dma_semaphore, #tpu.memory_space<semaphore_mem>>) src(%dma_wait3A_225 : memref<10000x256xbf16, #tpu.memory_space<vmem_shared>>) dst(%dma_wait3A_219 : memref<48x256xbf16, #tpu.memory_space<vmem>>)
        %parallel_loop3A_226 = arith.constant 0 : i32
        %parallel_loop3A_227 = arith.constant 12 : i32
        %parallel_loop3A_228 = arith.constant 1 : i32
        %parallel_loop3A_229:32 = scf.for %parallel_loop3A_514 = %parallel_loop3A_226 to %parallel_loop3A_227 step %parallel_loop3A_228 iter_args(%parallel_loop3A_515 = %parallel_loop3A_203#0, %parallel_loop3A_516 = %parallel_loop3A_203#1, %parallel_loop3A_517 = %parallel_loop3A_203#2, %parallel_loop3A_518 = %parallel_loop3A_203#3, %parallel_loop3A_519 = %parallel_loop3A_203#4, %parallel_loop3A_520 = %parallel_loop3A_203#5, %parallel_loop3A_521 = %parallel_loop3A_203#6, %parallel_loop3A_522 = %parallel_loop3A_203#7, %parallel_loop3A_523 = %parallel_loop3A_203#8, %parallel_loop3A_524 = %parallel_loop3A_203#9, %parallel_loop3A_525 = %parallel_loop3A_203#10, %parallel_loop3A_526 = %parallel_loop3A_203#11, %parallel_loop3A_527 = %parallel_loop3A_203#12, %parallel_loop3A_528 = %parallel_loop3A_203#13, %parallel_loop3A_529 = %parallel_loop3A_203#14, %parallel_loop3A_530 = %parallel_loop3A_203#15, %parallel_loop3A_531 = %parallel_loop3A_203#16, %parallel_loop3A_532 = %parallel_loop3A_203#17, %parallel_loop3A_533 = %parallel_loop3A_203#18, %parallel_loop3A_534 = %parallel_loop3A_203#19, %parallel_loop3A_535 = %parallel_loop3A_203#20, %parallel_loop3A_536 = %parallel_loop3A_203#21, %parallel_loop3A_537 = %parallel_loop3A_203#22, %parallel_loop3A_538 = %parallel_loop3A_203#23, %parallel_loop3A_539 = %parallel_loop3A_203#24, %parallel_loop3A_540 = %parallel_loop3A_203#25, %parallel_loop3A_541 = %parallel_loop3A_203#26, %parallel_loop3A_542 = %parallel_loop3A_203#27, %parallel_loop3A_543 = %parallel_loop3A_203#28, %parallel_loop3A_544 = %parallel_loop3A_203#29, %parallel_loop3A_545 = %parallel_loop3A_203#30, %parallel_loop3A_546 = %parallel_loop3A_203#31) -> (vector<16xf32>, vector<16xf32>, vector<16xf32>, vector<16xf32>, vector<16xf32>, vector<16xf32>, vector<16xf32>, vector<16xf32>, vector<16xf32>, vector<16xf32>, vector<16xf32>, vector<16xf32>, vector<16xf32>, vector<16xf32>, vector<16xf32>, vector<16xf32>, vector<16xf32>, vector<16xf32>, vector<16xf32>, vector<16xf32>, vector<16xf32>, vector<16xf32>, vector<16xf32>, vector<16xf32>, vector<16xf32>, vector<16xf32>, vector<16xf32>, vector<16xf32>, vector<16xf32>, vector<16xf32>, vector<16xf32>, vector<16xf32>)  : i32 {
          %parallel_loop3A_547 = arith.constant 4 : i32
          %parallel_loop3A_548 = arith.muli %parallel_loop3A_514, %parallel_loop3A_547 : i32
          %parallel_loop3A_549 = arith.constant 3 : i32
          %parallel_loop3A_550 = arith.index_cast %parallel_loop3A_549 : i32 to index
          %parallel_loop3A_551 = arith.index_cast %parallel_loop3A_548 : i32 to index
          %parallel_loop3A_552 = arith.constant 0 : index
          %parallel_loop3A_553 = tpu.vector_load %arg8[%parallel_loop3A_550, %parallel_loop3A_551, %parallel_loop3A_552] {strides = array<i32>} : memref<4x56x256xbf16, #tpu.memory_space<vmem>>, vector<32xbf16>,
          %parallel_loop3A_554 = arith.constant 1 : i32
          %parallel_loop3A_555 = arith.addi %parallel_loop3A_548, %parallel_loop3A_554 : i32
          %parallel_loop3A_556 = arith.constant 3 : i32
          %parallel_loop3A_557 = arith.index_cast %parallel_loop3A_556 : i32 to index
          %parallel_loop3A_558 = arith.index_cast %parallel_loop3A_555 : i32 to index
          %parallel_loop3A_559 = arith.constant 0 : index
          %parallel_loop3A_560 = tpu.vector_load %arg8[%parallel_loop3A_557, %parallel_loop3A_558, %parallel_loop3A_559] {strides = array<i32>} : memref<4x56x256xbf16, #tpu.memory_space<vmem>>, vector<32xbf16>,
          %parallel_loop3A_561 = arith.addf %parallel_loop3A_553, %parallel_loop3A_560 : vector<32xbf16>
          %parallel_loop3A_562 = arith.constant 2 : i32
          %parallel_loop3A_563 = arith.addi %parallel_loop3A_548, %parallel_loop3A_562 : i32
          %parallel_loop3A_564 = arith.constant 3 : i32
          %parallel_loop3A_565 = arith.index_cast %parallel_loop3A_564 : i32 to index
          %parallel_loop3A_566 = arith.index_cast %parallel_loop3A_563 : i32 to index
          %parallel_loop3A_567 = arith.constant 0 : index
          %parallel_loop3A_568 = tpu.vector_load %arg8[%parallel_loop3A_565, %parallel_loop3A_566, %parallel_loop3A_567] {strides = array<i32>} : memref<4x56x256xbf16, #tpu.memory_space<vmem>>, vector<32xbf16>,
          %parallel_loop3A_569 = arith.addf %parallel_loop3A_561, %parallel_loop3A_568 : vector<32xbf16>
          %parallel_loop3A_570 = arith.constant 3 : i32
          %parallel_loop3A_571 = arith.addi %parallel_loop3A_548, %parallel_loop3A_570 : i32
          %parallel_loop3A_572 = arith.constant 3 : i32
          %parallel_loop3A_573 = arith.index_cast %parallel_loop3A_572 : i32 to index
          %parallel_loop3A_574 = arith.index_cast %parallel_loop3A_571 : i32 to index
          %parallel_loop3A_575 = arith.constant 0 : index
          %parallel_loop3A_576 = tpu.vector_load %arg8[%parallel_loop3A_573, %parallel_loop3A_574, %parallel_loop3A_575] {strides = array<i32>} : memref<4x56x256xbf16, #tpu.memory_space<vmem>>, vector<32xbf16>,
          %parallel_loop3A_577 = arith.addf %parallel_loop3A_569, %parallel_loop3A_576 : vector<32xbf16>
          %parallel_loop3A_578 = tpu.unpack_subelements %parallel_loop3A_577, 0 {pack_format = #tpu.pack_format<interleaved>} : vector<32xbf16> -> vector<16xf32>
          %parallel_loop3A_579 = tpu.unpack_subelements %parallel_loop3A_577, 1 {pack_format = #tpu.pack_format<interleaved>} : vector<32xbf16> -> vector<16xf32>
          %parallel_loop3A_580 = arith.addf %parallel_loop3A_531, %parallel_loop3A_578 : vector<16xf32>
          %parallel_loop3A_581 = arith.addf %parallel_loop3A_532, %parallel_loop3A_579 : vector<16xf32>
          %parallel_loop3A_582 = arith.constant 3 : i32
          %parallel_loop3A_583 = arith.index_cast %parallel_loop3A_582 : i32 to index
          %parallel_loop3A_584 = arith.index_cast %parallel_loop3A_548 : i32 to index
          %parallel_loop3A_585 = arith.constant 32 : index
          %parallel_loop3A_586 = tpu.vector_load %arg8[%parallel_loop3A_583, %parallel_loop3A_584, %parallel_loop3A_585] {strides = array<i32>} : memref<4x56x256xbf16, #tpu.memory_space<vmem>>, vector<32xbf16>,
          %parallel_loop3A_587 = arith.constant 1 : i32
          %parallel_loop3A_588 = arith.addi %parallel_loop3A_548, %parallel_loop3A_587 : i32
          %parallel_loop3A_589 = arith.constant 3 : i32
          %parallel_loop3A_590 = arith.index_cast %parallel_loop3A_589 : i32 to index
          %parallel_loop3A_591 = arith.index_cast %parallel_loop3A_588 : i32 to index
          %parallel_loop3A_592 = arith.constant 32 : index
          %parallel_loop3A_593 = tpu.vector_load %arg8[%parallel_loop3A_590, %parallel_loop3A_591, %parallel_loop3A_592] {strides = array<i32>} : memref<4x56x256xbf16, #tpu.memory_space<vmem>>, vector<32xbf16>,
          %parallel_loop3A_594 = arith.addf %parallel_loop3A_586, %parallel_loop3A_593 : vector<32xbf16>
          %parallel_loop3A_595 = arith.constant 2 : i32
          %parallel_loop3A_596 = arith.addi %parallel_loop3A_548, %parallel_loop3A_595 : i32
          %parallel_loop3A_597 = arith.constant 3 : i32
          %parallel_loop3A_598 = arith.index_cast %parallel_loop3A_597 : i32 to index
          %parallel_loop3A_599 = arith.index_cast %parallel_loop3A_596 : i32 to index
          %parallel_loop3A_600 = arith.constant 32 : index
          %parallel_loop3A_601 = tpu.vector_load %arg8[%parallel_loop3A_598, %parallel_loop3A_599, %parallel_loop3A_600] {strides = array<i32>} : memref<4x56x256xbf16, #tpu.memory_space<vmem>>, vector<32xbf16>,
          %parallel_loop3A_602 = arith.addf %parallel_loop3A_594, %parallel_loop3A_601 : vector<32xbf16>
          %parallel_loop3A_603 = arith.constant 3 : i32
          %parallel_loop3A_604 = arith.addi %parallel_loop3A_548, %parallel_loop3A_603 : i32
          %parallel_loop3A_605 = arith.constant 3 : i32
          %parallel_loop3A_606 = arith.index_cast %parallel_loop3A_605 : i32 to index
          %parallel_loop3A_607 = arith.index_cast %parallel_loop3A_604 : i32 to index
          %parallel_loop3A_608 = arith.constant 32 : index
          %parallel_loop3A_609 = tpu.vector_load %arg8[%parallel_loop3A_606, %parallel_loop3A_607, %parallel_loop3A_608] {strides = array<i32>} : memref<4x56x256xbf16, #tpu.memory_space<vmem>>, vector<32xbf16>,
          %parallel_loop3A_610 = arith.addf %parallel_loop3A_602, %parallel_loop3A_609 : vector<32xbf16>
          %parallel_loop3A_611 = tpu.unpack_subelements %parallel_loop3A_610, 0 {pack_format = #tpu.pack_format<interleaved>} : vector<32xbf16> -> vector<16xf32>
          %parallel_loop3A_612 = tpu.unpack_subelements %parallel_loop3A_610, 1 {pack_format = #tpu.pack_format<interleaved>} : vector<32xbf16> -> vector<16xf32>
          %parallel_loop3A_613 = arith.addf %parallel_loop3A_533, %parallel_loop3A_611 : vector<16xf32>
          %parallel_loop3A_614 = arith.addf %parallel_loop3A_534, %parallel_loop3A_612 : vector<16xf32>
          %parallel_loop3A_615 = arith.constant 3 : i32
          %parallel_loop3A_616 = arith.index_cast %parallel_loop3A_615 : i32 to index
          %parallel_loop3A_617 = arith.index_cast %parallel_loop3A_548 : i32 to index
          %parallel_loop3A_618 = arith.constant 64 : index
          %parallel_loop3A_619 = tpu.vector_load %arg8[%parallel_loop3A_616, %parallel_loop3A_617, %parallel_loop3A_618] {strides = array<i32>} : memref<4x56x256xbf16, #tpu.memory_space<vmem>>, vector<32xbf16>,
          %parallel_loop3A_620 = arith.constant 1 : i32
          %parallel_loop3A_621 = arith.addi %parallel_loop3A_548, %parallel_loop3A_620 : i32
          %parallel_loop3A_622 = arith.constant 3 : i32
          %parallel_loop3A_623 = arith.index_cast %parallel_loop3A_622 : i32 to index
          %parallel_loop3A_624 = arith.index_cast %parallel_loop3A_621 : i32 to index
          %parallel_loop3A_625 = arith.constant 64 : index
          %parallel_loop3A_626 = tpu.vector_load %arg8[%parallel_loop3A_623, %parallel_loop3A_624, %parallel_loop3A_625] {strides = array<i32>} : memref<4x56x256xbf16, #tpu.memory_space<vmem>>, vector<32xbf16>,
          %parallel_loop3A_627 = arith.addf %parallel_loop3A_619, %parallel_loop3A_626 : vector<32xbf16>
          %parallel_loop3A_628 = arith.constant 2 : i32
          %parallel_loop3A_629 = arith.addi %parallel_loop3A_548, %parallel_loop3A_628 : i32
          %parallel_loop3A_630 = arith.constant 3 : i32
          %parallel_loop3A_631 = arith.index_cast %parallel_loop3A_630 : i32 to index
          %parallel_loop3A_632 = arith.index_cast %parallel_loop3A_629 : i32 to index
          %parallel_loop3A_633 = arith.constant 64 : index
          %parallel_loop3A_634 = tpu.vector_load %arg8[%parallel_loop3A_631, %parallel_loop3A_632, %parallel_loop3A_633] {strides = array<i32>} : memref<4x56x256xbf16, #tpu.memory_space<vmem>>, vector<32xbf16>,
          %parallel_loop3A_635 = arith.addf %parallel_loop3A_627, %parallel_loop3A_634 : vector<32xbf16>
          %parallel_loop3A_636 = arith.constant 3 : i32
          %parallel_loop3A_637 = arith.addi %parallel_loop3A_548, %parallel_loop3A_636 : i32
          %parallel_loop3A_638 = arith.constant 3 : i32
          %parallel_loop3A_639 = arith.index_cast %parallel_loop3A_638 : i32 to index
          %parallel_loop3A_640 = arith.index_cast %parallel_loop3A_637 : i32 to index
          %parallel_loop3A_641 = arith.constant 64 : index
          %parallel_loop3A_642 = tpu.vector_load %arg8[%parallel_loop3A_639, %parallel_loop3A_640, %parallel_loop3A_641] {strides = array<i32>} : memref<4x56x256xbf16, #tpu.memory_space<vmem>>, vector<32xbf16>,
          %parallel_loop3A_643 = arith.addf %parallel_loop3A_635, %parallel_loop3A_642 : vector<32xbf16>
          %parallel_loop3A_644 = tpu.unpack_subelements %parallel_loop3A_643, 0 {pack_format = #tpu.pack_format<interleaved>} : vector<32xbf16> -> vector<16xf32>
          %parallel_loop3A_645 = tpu.unpack_subelements %parallel_loop3A_643, 1 {pack_format = #tpu.pack_format<interleaved>} : vector<32xbf16> -> vector<16xf32>
          %parallel_loop3A_646 = arith.addf %parallel_loop3A_535, %parallel_loop3A_644 : vector<16xf32>
          %parallel_loop3A_647 = arith.addf %parallel_loop3A_536, %parallel_loop3A_645 : vector<16xf32>
          %parallel_loop3A_648 = arith.constant 3 : i32
          %parallel_loop3A_649 = arith.index_cast %parallel_loop3A_648 : i32 to index
          %parallel_loop3A_650 = arith.index_cast %parallel_loop3A_548 : i32 to index
          %parallel_loop3A_651 = arith.constant 96 : index
          %parallel_loop3A_652 = tpu.vector_load %arg8[%parallel_loop3A_649, %parallel_loop3A_650, %parallel_loop3A_651] {strides = array<i32>} : memref<4x56x256xbf16, #tpu.memory_space<vmem>>, vector<32xbf16>,
          %parallel_loop3A_653 = arith.constant 1 : i32
          %parallel_loop3A_654 = arith.addi %parallel_loop3A_548, %parallel_loop3A_653 : i32
          %parallel_loop3A_655 = arith.constant 3 : i32
          %parallel_loop3A_656 = arith.index_cast %parallel_loop3A_655 : i32 to index
          %parallel_loop3A_657 = arith.index_cast %parallel_loop3A_654 : i32 to index
          %parallel_loop3A_658 = arith.constant 96 : index
          %parallel_loop3A_659 = tpu.vector_load %arg8[%parallel_loop3A_656, %parallel_loop3A_657, %parallel_loop3A_658] {strides = array<i32>} : memref<4x56x256xbf16, #tpu.memory_space<vmem>>, vector<32xbf16>,
          %parallel_loop3A_660 = arith.addf %parallel_loop3A_652, %parallel_loop3A_659 : vector<32xbf16>
          %parallel_loop3A_661 = arith.constant 2 : i32
          %parallel_loop3A_662 = arith.addi %parallel_loop3A_548, %parallel_loop3A_661 : i32
          %parallel_loop3A_663 = arith.constant 3 : i32
          %parallel_loop3A_664 = arith.index_cast %parallel_loop3A_663 : i32 to index
          %parallel_loop3A_665 = arith.index_cast %parallel_loop3A_662 : i32 to index
          %parallel_loop3A_666 = arith.constant 96 : index
          %parallel_loop3A_667 = tpu.vector_load %arg8[%parallel_loop3A_664, %parallel_loop3A_665, %parallel_loop3A_666] {strides = array<i32>} : memref<4x56x256xbf16, #tpu.memory_space<vmem>>, vector<32xbf16>,
          %parallel_loop3A_668 = arith.addf %parallel_loop3A_660, %parallel_loop3A_667 : vector<32xbf16>
          %parallel_loop3A_669 = arith.constant 3 : i32
          %parallel_loop3A_670 = arith.addi %parallel_loop3A_548, %parallel_loop3A_669 : i32
          %parallel_loop3A_671 = arith.constant 3 : i32
          %parallel_loop3A_672 = arith.index_cast %parallel_loop3A_671 : i32 to index
          %parallel_loop3A_673 = arith.index_cast %parallel_loop3A_670 : i32 to index
          %parallel_loop3A_674 = arith.constant 96 : index
          %parallel_loop3A_675 = tpu.vector_load %arg8[%parallel_loop3A_672, %parallel_loop3A_673, %parallel_loop3A_674] {strides = array<i32>} : memref<4x56x256xbf16, #tpu.memory_space<vmem>>, vector<32xbf16>,
          %parallel_loop3A_676 = arith.addf %parallel_loop3A_668, %parallel_loop3A_675 : vector<32xbf16>
          %parallel_loop3A_677 = tpu.unpack_subelements %parallel_loop3A_676, 0 {pack_format = #tpu.pack_format<interleaved>} : vector<32xbf16> -> vector<16xf32>
          %parallel_loop3A_678 = tpu.unpack_subelements %parallel_loop3A_676, 1 {pack_format = #tpu.pack_format<interleaved>} : vector<32xbf16> -> vector<16xf32>
          %parallel_loop3A_679 = arith.addf %parallel_loop3A_537, %parallel_loop3A_677 : vector<16xf32>
          %parallel_loop3A_680 = arith.addf %parallel_loop3A_538, %parallel_loop3A_678 : vector<16xf32>
          %parallel_loop3A_681 = arith.constant 3 : i32
          %parallel_loop3A_682 = arith.index_cast %parallel_loop3A_681 : i32 to index
          %parallel_loop3A_683 = arith.index_cast %parallel_loop3A_548 : i32 to index
          %parallel_loop3A_684 = arith.constant 128 : index
          %parallel_loop3A_685 = tpu.vector_load %arg8[%parallel_loop3A_682, %parallel_loop3A_683, %parallel_loop3A_684] {strides = array<i32>} : memref<4x56x256xbf16, #tpu.memory_space<vmem>>, vector<32xbf16>,
          %parallel_loop3A_686 = arith.constant 1 : i32
          %parallel_loop3A_687 = arith.addi %parallel_loop3A_548, %parallel_loop3A_686 : i32
          %parallel_loop3A_688 = arith.constant 3 : i32
          %parallel_loop3A_689 = arith.index_cast %parallel_loop3A_688 : i32 to index
          %parallel_loop3A_690 = arith.index_cast %parallel_loop3A_687 : i32 to index
          %parallel_loop3A_691 = arith.constant 128 : index
          %parallel_loop3A_692 = tpu.vector_load %arg8[%parallel_loop3A_689, %parallel_loop3A_690, %parallel_loop3A_691] {strides = array<i32>} : memref<4x56x256xbf16, #tpu.memory_space<vmem>>, vector<32xbf16>,
          %parallel_loop3A_693 = arith.addf %parallel_loop3A_685, %parallel_loop3A_692 : vector<32xbf16>
          %parallel_loop3A_694 = arith.constant 2 : i32
          %parallel_loop3A_695 = arith.addi %parallel_loop3A_548, %parallel_loop3A_694 : i32
          %parallel_loop3A_696 = arith.constant 3 : i32
          %parallel_loop3A_697 = arith.index_cast %parallel_loop3A_696 : i32 to index
          %parallel_loop3A_698 = arith.index_cast %parallel_loop3A_695 : i32 to index
          %parallel_loop3A_699 = arith.constant 128 : index
          %parallel_loop3A_700 = tpu.vector_load %arg8[%parallel_loop3A_697, %parallel_loop3A_698, %parallel_loop3A_699] {strides = array<i32>} : memref<4x56x256xbf16, #tpu.memory_space<vmem>>, vector<32xbf16>,
          %parallel_loop3A_701 = arith.addf %parallel_loop3A_693, %parallel_loop3A_700 : vector<32xbf16>
          %parallel_loop3A_702 = arith.constant 3 : i32
          %parallel_loop3A_703 = arith.addi %parallel_loop3A_548, %parallel_loop3A_702 : i32
          %parallel_loop3A_704 = arith.constant 3 : i32
          %parallel_loop3A_705 = arith.index_cast %parallel_loop3A_704 : i32 to index
          %parallel_loop3A_706 = arith.index_cast %parallel_loop3A_703 : i32 to index
          %parallel_loop3A_707 = arith.constant 128 : index
          %parallel_loop3A_708 = tpu.vector_load %arg8[%parallel_loop3A_705, %parallel_loop3A_706, %parallel_loop3A_707] {strides = array<i32>} : memref<4x56x256xbf16, #tpu.memory_space<vmem>>, vector<32xbf16>,
          %parallel_loop3A_709 = arith.addf %parallel_loop3A_701, %parallel_loop3A_708 : vector<32xbf16>
          %parallel_loop3A_710 = tpu.unpack_subelements %parallel_loop3A_709, 0 {pack_format = #tpu.pack_format<interleaved>} : vector<32xbf16> -> vector<16xf32>
          %parallel_loop3A_711 = tpu.unpack_subelements %parallel_loop3A_709, 1 {pack_format = #tpu.pack_format<interleaved>} : vector<32xbf16> -> vector<16xf32>
          %parallel_loop3A_712 = arith.addf %parallel_loop3A_539, %parallel_loop3A_710 : vector<16xf32>
          %parallel_loop3A_713 = arith.addf %parallel_loop3A_540, %parallel_loop3A_711 : vector<16xf32>
          %parallel_loop3A_714 = arith.constant 3 : i32
          %parallel_loop3A_715 = arith.index_cast %parallel_loop3A_714 : i32 to index
          %parallel_loop3A_716 = arith.index_cast %parallel_loop3A_548 : i32 to index
          %parallel_loop3A_717 = arith.constant 160 : index
          %parallel_loop3A_718 = tpu.vector_load %arg8[%parallel_loop3A_715, %parallel_loop3A_716, %parallel_loop3A_717] {strides = array<i32>} : memref<4x56x256xbf16, #tpu.memory_space<vmem>>, vector<32xbf16>,
          %parallel_loop3A_719 = arith.constant 1 : i32
          %parallel_loop3A_720 = arith.addi %parallel_loop3A_548, %parallel_loop3A_719 : i32
          %parallel_loop3A_721 = arith.constant 3 : i32
          %parallel_loop3A_722 = arith.index_cast %parallel_loop3A_721 : i32 to index
          %parallel_loop3A_723 = arith.index_cast %parallel_loop3A_720 : i32 to index
          %parallel_loop3A_724 = arith.constant 160 : index
          %parallel_loop3A_725 = tpu.vector_load %arg8[%parallel_loop3A_722, %parallel_loop3A_723, %parallel_loop3A_724] {strides = array<i32>} : memref<4x56x256xbf16, #tpu.memory_space<vmem>>, vector<32xbf16>,
          %parallel_loop3A_726 = arith.addf %parallel_loop3A_718, %parallel_loop3A_725 : vector<32xbf16>
          %parallel_loop3A_727 = arith.constant 2 : i32
          %parallel_loop3A_728 = arith.addi %parallel_loop3A_548, %parallel_loop3A_727 : i32
          %parallel_loop3A_729 = arith.constant 3 : i32
          %parallel_loop3A_730 = arith.index_cast %parallel_loop3A_729 : i32 to index
          %parallel_loop3A_731 = arith.index_cast %parallel_loop3A_728 : i32 to index
          %parallel_loop3A_732 = arith.constant 160 : index
          %parallel_loop3A_733 = tpu.vector_load %arg8[%parallel_loop3A_730, %parallel_loop3A_731, %parallel_loop3A_732] {strides = array<i32>} : memref<4x56x256xbf16, #tpu.memory_space<vmem>>, vector<32xbf16>,
          %parallel_loop3A_734 = arith.addf %parallel_loop3A_726, %parallel_loop3A_733 : vector<32xbf16>
          %parallel_loop3A_735 = arith.constant 3 : i32
          %parallel_loop3A_736 = arith.addi %parallel_loop3A_548, %parallel_loop3A_735 : i32
          %parallel_loop3A_737 = arith.constant 3 : i32
          %parallel_loop3A_738 = arith.index_cast %parallel_loop3A_737 : i32 to index
          %parallel_loop3A_739 = arith.index_cast %parallel_loop3A_736 : i32 to index
          %parallel_loop3A_740 = arith.constant 160 : index
          %parallel_loop3A_741 = tpu.vector_load %arg8[%parallel_loop3A_738, %parallel_loop3A_739, %parallel_loop3A_740] {strides = array<i32>} : memref<4x56x256xbf16, #tpu.memory_space<vmem>>, vector<32xbf16>,
          %parallel_loop3A_742 = arith.addf %parallel_loop3A_734, %parallel_loop3A_741 : vector<32xbf16>
          %parallel_loop3A_743 = tpu.unpack_subelements %parallel_loop3A_742, 0 {pack_format = #tpu.pack_format<interleaved>} : vector<32xbf16> -> vector<16xf32>
          %parallel_loop3A_744 = tpu.unpack_subelements %parallel_loop3A_742, 1 {pack_format = #tpu.pack_format<interleaved>} : vector<32xbf16> -> vector<16xf32>
          %parallel_loop3A_745 = arith.addf %parallel_loop3A_541, %parallel_loop3A_743 : vector<16xf32>
          %parallel_loop3A_746 = arith.addf %parallel_loop3A_542, %parallel_loop3A_744 : vector<16xf32>
          %parallel_loop3A_747 = arith.constant 3 : i32
          %parallel_loop3A_748 = arith.index_cast %parallel_loop3A_747 : i32 to index
          %parallel_loop3A_749 = arith.index_cast %parallel_loop3A_548 : i32 to index
          %parallel_loop3A_750 = arith.constant 192 : index
          %parallel_loop3A_751 = tpu.vector_load %arg8[%parallel_loop3A_748, %parallel_loop3A_749, %parallel_loop3A_750] {strides = array<i32>} : memref<4x56x256xbf16, #tpu.memory_space<vmem>>, vector<32xbf16>,
          %parallel_loop3A_752 = arith.constant 1 : i32
          %parallel_loop3A_753 = arith.addi %parallel_loop3A_548, %parallel_loop3A_752 : i32
          %parallel_loop3A_754 = arith.constant 3 : i32
          %parallel_loop3A_755 = arith.index_cast %parallel_loop3A_754 : i32 to index
          %parallel_loop3A_756 = arith.index_cast %parallel_loop3A_753 : i32 to index
          %parallel_loop3A_757 = arith.constant 192 : index
          %parallel_loop3A_758 = tpu.vector_load %arg8[%parallel_loop3A_755, %parallel_loop3A_756, %parallel_loop3A_757] {strides = array<i32>} : memref<4x56x256xbf16, #tpu.memory_space<vmem>>, vector<32xbf16>,
          %parallel_loop3A_759 = arith.addf %parallel_loop3A_751, %parallel_loop3A_758 : vector<32xbf16>
          %parallel_loop3A_760 = arith.constant 2 : i32
          %parallel_loop3A_761 = arith.addi %parallel_loop3A_548, %parallel_loop3A_760 : i32
          %parallel_loop3A_762 = arith.constant 3 : i32
          %parallel_loop3A_763 = arith.index_cast %parallel_loop3A_762 : i32 to index
          %parallel_loop3A_764 = arith.index_cast %parallel_loop3A_761 : i32 to index
          %parallel_loop3A_765 = arith.constant 192 : index
          %parallel_loop3A_766 = tpu.vector_load %arg8[%parallel_loop3A_763, %parallel_loop3A_764, %parallel_loop3A_765] {strides = array<i32>} : memref<4x56x256xbf16, #tpu.memory_space<vmem>>, vector<32xbf16>,
          %parallel_loop3A_767 = arith.addf %parallel_loop3A_759, %parallel_loop3A_766 : vector<32xbf16>
          %parallel_loop3A_768 = arith.constant 3 : i32
          %parallel_loop3A_769 = arith.addi %parallel_loop3A_548, %parallel_loop3A_768 : i32
          %parallel_loop3A_770 = arith.constant 3 : i32
          %parallel_loop3A_771 = arith.index_cast %parallel_loop3A_770 : i32 to index
          %parallel_loop3A_772 = arith.index_cast %parallel_loop3A_769 : i32 to index
          %parallel_loop3A_773 = arith.constant 192 : index
          %parallel_loop3A_774 = tpu.vector_load %arg8[%parallel_loop3A_771, %parallel_loop3A_772, %parallel_loop3A_773] {strides = array<i32>} : memref<4x56x256xbf16, #tpu.memory_space<vmem>>, vector<32xbf16>,
          %parallel_loop3A_775 = arith.addf %parallel_loop3A_767, %parallel_loop3A_774 : vector<32xbf16>
          %parallel_loop3A_776 = tpu.unpack_subelements %parallel_loop3A_775, 0 {pack_format = #tpu.pack_format<interleaved>} : vector<32xbf16> -> vector<16xf32>
          %parallel_loop3A_777 = tpu.unpack_subelements %parallel_loop3A_775, 1 {pack_format = #tpu.pack_format<interleaved>} : vector<32xbf16> -> vector<16xf32>
          %parallel_loop3A_778 = arith.addf %parallel_loop3A_543, %parallel_loop3A_776 : vector<16xf32>
          %parallel_loop3A_779 = arith.addf %parallel_loop3A_544, %parallel_loop3A_777 : vector<16xf32>
          %parallel_loop3A_780 = arith.constant 3 : i32
          %parallel_loop3A_781 = arith.index_cast %parallel_loop3A_780 : i32 to index
          %parallel_loop3A_782 = arith.index_cast %parallel_loop3A_548 : i32 to index
          %parallel_loop3A_783 = arith.constant 224 : index
          %parallel_loop3A_784 = tpu.vector_load %arg8[%parallel_loop3A_781, %parallel_loop3A_782, %parallel_loop3A_783] {strides = array<i32>} : memref<4x56x256xbf16, #tpu.memory_space<vmem>>, vector<32xbf16>,
          %parallel_loop3A_785 = arith.constant 1 : i32
          %parallel_loop3A_786 = arith.addi %parallel_loop3A_548, %parallel_loop3A_785 : i32
          %parallel_loop3A_787 = arith.constant 3 : i32
          %parallel_loop3A_788 = arith.index_cast %parallel_loop3A_787 : i32 to index
          %parallel_loop3A_789 = arith.index_cast %parallel_loop3A_786 : i32 to index
          %parallel_loop3A_790 = arith.constant 224 : index
          %parallel_loop3A_791 = tpu.vector_load %arg8[%parallel_loop3A_788, %parallel_loop3A_789, %parallel_loop3A_790] {strides = array<i32>} : memref<4x56x256xbf16, #tpu.memory_space<vmem>>, vector<32xbf16>,
          %parallel_loop3A_792 = arith.addf %parallel_loop3A_784, %parallel_loop3A_791 : vector<32xbf16>
          %parallel_loop3A_793 = arith.constant 2 : i32
          %parallel_loop3A_794 = arith.addi %parallel_loop3A_548, %parallel_loop3A_793 : i32
          %parallel_loop3A_795 = arith.constant 3 : i32
          %parallel_loop3A_796 = arith.index_cast %parallel_loop3A_795 : i32 to index
          %parallel_loop3A_797 = arith.index_cast %parallel_loop3A_794 : i32 to index
          %parallel_loop3A_798 = arith.constant 224 : index
          %parallel_loop3A_799 = tpu.vector_load %arg8[%parallel_loop3A_796, %parallel_loop3A_797, %parallel_loop3A_798] {strides = array<i32>} : memref<4x56x256xbf16, #tpu.memory_space<vmem>>, vector<32xbf16>,
          %parallel_loop3A_800 = arith.addf %parallel_loop3A_792, %parallel_loop3A_799 : vector<32xbf16>
          %parallel_loop3A_801 = arith.constant 3 : i32
          %parallel_loop3A_802 = arith.addi %parallel_loop3A_548, %parallel_loop3A_801 : i32
          %parallel_loop3A_803 = arith.constant 3 : i32
          %parallel_loop3A_804 = arith.index_cast %parallel_loop3A_803 : i32 to index
          %parallel_loop3A_805 = arith.index_cast %parallel_loop3A_802 : i32 to index
          %parallel_loop3A_806 = arith.constant 224 : index
          %parallel_loop3A_807 = tpu.vector_load %arg8[%parallel_loop3A_804, %parallel_loop3A_805, %parallel_loop3A_806] {strides = array<i32>} : memref<4x56x256xbf16, #tpu.memory_space<vmem>>, vector<32xbf16>,
          %parallel_loop3A_808 = arith.addf %parallel_loop3A_800, %parallel_loop3A_807 : vector<32xbf16>
          %parallel_loop3A_809 = tpu.unpack_subelements %parallel_loop3A_808, 0 {pack_format = #tpu.pack_format<interleaved>} : vector<32xbf16> -> vector<16xf32>
          %parallel_loop3A_810 = tpu.unpack_subelements %parallel_loop3A_808, 1 {pack_format = #tpu.pack_format<interleaved>} : vector<32xbf16> -> vector<16xf32>
          %parallel_loop3A_811 = arith.addf %parallel_loop3A_545, %parallel_loop3A_809 : vector<16xf32>
          %parallel_loop3A_812 = arith.addf %parallel_loop3A_546, %parallel_loop3A_810 : vector<16xf32>
          scf.yield %parallel_loop3A_515, %parallel_loop3A_516, %parallel_loop3A_517, %parallel_loop3A_518, %parallel_loop3A_519, %parallel_loop3A_520, %parallel_loop3A_521, %parallel_loop3A_522, %parallel_loop3A_523, %parallel_loop3A_524, %parallel_loop3A_525, %parallel_loop3A_526, %parallel_loop3A_527, %parallel_loop3A_528, %parallel_loop3A_529, %parallel_loop3A_530, %parallel_loop3A_580, %parallel_loop3A_581, %parallel_loop3A_613, %parallel_loop3A_614, %parallel_loop3A_646, %parallel_loop3A_647, %parallel_loop3A_679, %parallel_loop3A_680, %parallel_loop3A_712, %parallel_loop3A_713, %parallel_loop3A_745, %parallel_loop3A_746, %parallel_loop3A_778, %parallel_loop3A_779, %parallel_loop3A_811, %parallel_loop3A_812 : vector<16xf32>, vector<16xf32>, vector<16xf32>, vector<16xf32>, vector<16xf32>, vector<16xf32>, vector<16xf32>, vector<16xf32>, vector<16xf32>, vector<16xf32>, vector<16xf32>, vector<16xf32>, vector<16xf32>, vector<16xf32>, vector<16xf32>, vector<16xf32>, vector<16xf32>, vector<16xf32>, vector<16xf32>, vector<16xf32>, vector<16xf32>, vector<16xf32>, vector<16xf32>, vector<16xf32>, vector<16xf32>, vector<16xf32>, vector<16xf32>, vector<16xf32>, vector<16xf32>, vector<16xf32>, vector<16xf32>, vector<16xf32>
        } {sc.loop_unroll_factor = 2 : i64, sc.parallel_access}
        %dma_start3A_230 = arith.constant 3 : i32
        %dma_start3A_231 = arith.constant 0 : i32
        %dma_start3A_232 = arith.constant 0 : i32
        %dma_start3A_233 = tpu.memref_slice %arg8[%dma_start3A_230, %dma_start3A_231, %dma_start3A_232] : memref<4x56x256xbf16, #tpu.memory_space<vmem>> -> memref<1x48x256xbf16, #tpu.memory_space<vmem>>
        %dma_start3A_234 = tpu.memref_squeeze %dma_start3A_233 : memref<1x48x256xbf16, #tpu.memory_space<vmem>> -> memref<48x256xbf16, #tpu.memory_space<vmem>>
        %dma_start3A_235 = arith.constant 152 : i32
        %dma_start3A_236 = tpu.memref_slice %arg7[%scan3A_127, %dma_start3A_235] : memref<16x200xi32, #tpu.memory_space<vmem>> -> memref<1x48xi32, #tpu.memory_space<vmem>>
        %dma_start3A_237 = tpu.memref_squeeze %dma_start3A_236 : memref<1x48xi32, #tpu.memory_space<vmem>> -> memref<48xi32, #tpu.memory_space<vmem>>
        %dma_start3A_238 = arith.constant 0 : i32
        %dma_start3A_239 = arith.constant 0 : i32
        %dma_start3A_240 = tpu.memref_slice %arg9[%dma_start3A_238, %dma_start3A_239] : memref<10000x256xbf16, #tpu.memory_space<vmem_shared>> -> memref<10000x256xbf16, #tpu.memory_space<vmem_shared>>
        tpu.enqueue_indirect_dma source(%dma_start3A_240 : memref<10000x256xbf16, #tpu.memory_space<vmem_shared>>) target(%dma_start3A_234 : memref<48x256xbf16, #tpu.memory_space<vmem>>) offsets(%dma_start3A_237 : memref<48xi32, #tpu.memory_space<vmem>>) semaphore(%arg16 : memref<!tpu.dma_semaphore, #tpu.memory_space<semaphore_mem>>)
        %dma_wait3A_241 = arith.constant 0 : i32
        %dma_wait3A_242 = arith.constant 0 : i32
        %dma_wait3A_243 = arith.constant 0 : i32
        %dma_wait3A_244 = tpu.memref_slice %arg8[%dma_wait3A_241, %dma_wait3A_242, %dma_wait3A_243] : memref<4x56x256xbf16, #tpu.memory_space<vmem>> -> memref<1x48x256xbf16, #tpu.memory_space<vmem>>
        %dma_wait3A_245 = tpu.memref_squeeze %dma_wait3A_244 : memref<1x48x256xbf16, #tpu.memory_space<vmem>> -> memref<48x256xbf16, #tpu.memory_space<vmem>>
        %dma_wait3A_246 = arith.constant 104 : i32
        %dma_wait3A_247 = tpu.memref_slice %arg6[%scan3A_127, %dma_wait3A_246] : memref<16x200xi32, #tpu.memory_space<vmem>> -> memref<1x48xi32, #tpu.memory_space<vmem>>
        %dma_wait3A_248 = tpu.memref_squeeze %dma_wait3A_247 : memref<1x48xi32, #tpu.memory_space<vmem>> -> memref<48xi32, #tpu.memory_space<vmem>>
        %dma_wait3A_249 = arith.constant 0 : i32
        %dma_wait3A_250 = arith.constant 0 : i32
        %dma_wait3A_251 = tpu.memref_slice %arg9[%dma_wait3A_249, %dma_wait3A_250] : memref<10000x256xbf16, #tpu.memory_space<vmem_shared>> -> memref<10000x256xbf16, #tpu.memory_space<vmem_shared>>
        tpu.wait_indirect_dma semaphore(%arg13 : memref<!tpu.dma_semaphore, #tpu.memory_space<semaphore_mem>>) src(%dma_wait3A_251 : memref<10000x256xbf16, #tpu.memory_space<vmem_shared>>) dst(%dma_wait3A_245 : memref<48x256xbf16, #tpu.memory_space<vmem>>)
        %parallel_loop3A_252 = arith.constant 0 : i32
        %parallel_loop3A_253 = arith.constant 12 : i32
        %parallel_loop3A_254 = arith.constant 1 : i32
        %parallel_loop3A_255:32 = scf.for %parallel_loop3A_514 = %parallel_loop3A_252 to %parallel_loop3A_253 step %parallel_loop3A_254 iter_args(%parallel_loop3A_515 = %parallel_loop3A_229#0, %parallel_loop3A_516 = %parallel_loop3A_229#1, %parallel_loop3A_517 = %parallel_loop3A_229#2, %parallel_loop3A_518 = %parallel_loop3A_229#3, %parallel_loop3A_519 = %parallel_loop3A_229#4, %parallel_loop3A_520 = %parallel_loop3A_229#5, %parallel_loop3A_521 = %parallel_loop3A_229#6, %parallel_loop3A_522 = %parallel_loop3A_229#7, %parallel_loop3A_523 = %parallel_loop3A_229#8, %parallel_loop3A_524 = %parallel_loop3A_229#9, %parallel_loop3A_525 = %parallel_loop3A_229#10, %parallel_loop3A_526 = %parallel_loop3A_229#11, %parallel_loop3A_527 = %parallel_loop3A_229#12, %parallel_loop3A_528 = %parallel_loop3A_229#13, %parallel_loop3A_529 = %parallel_loop3A_229#14, %parallel_loop3A_530 = %parallel_loop3A_229#15, %parallel_loop3A_531 = %parallel_loop3A_229#16, %parallel_loop3A_532 = %parallel_loop3A_229#17, %parallel_loop3A_533 = %parallel_loop3A_229#18, %parallel_loop3A_534 = %parallel_loop3A_229#19, %parallel_loop3A_535 = %parallel_loop3A_229#20, %parallel_loop3A_536 = %parallel_loop3A_229#21, %parallel_loop3A_537 = %parallel_loop3A_229#22, %parallel_loop3A_538 = %parallel_loop3A_229#23, %parallel_loop3A_539 = %parallel_loop3A_229#24, %parallel_loop3A_540 = %parallel_loop3A_229#25, %parallel_loop3A_541 = %parallel_loop3A_229#26, %parallel_loop3A_542 = %parallel_loop3A_229#27, %parallel_loop3A_543 = %parallel_loop3A_229#28, %parallel_loop3A_544 = %parallel_loop3A_229#29, %parallel_loop3A_545 = %parallel_loop3A_229#30, %parallel_loop3A_546 = %parallel_loop3A_229#31) -> (vector<16xf32>, vector<16xf32>, vector<16xf32>, vector<16xf32>, vector<16xf32>, vector<16xf32>, vector<16xf32>, vector<16xf32>, vector<16xf32>, vector<16xf32>, vector<16xf32>, vector<16xf32>, vector<16xf32>, vector<16xf32>, vector<16xf32>, vector<16xf32>, vector<16xf32>, vector<16xf32>, vector<16xf32>, vector<16xf32>, vector<16xf32>, vector<16xf32>, vector<16xf32>, vector<16xf32>, vector<16xf32>, vector<16xf32>, vector<16xf32>, vector<16xf32>, vector<16xf32>, vector<16xf32>, vector<16xf32>, vector<16xf32>)  : i32 {
          %parallel_loop3A_547 = arith.constant 4 : i32
          %parallel_loop3A_548 = arith.muli %parallel_loop3A_514, %parallel_loop3A_547 : i32
          %parallel_loop3A_549 = arith.constant 0 : i32
          %parallel_loop3A_550 = arith.index_cast %parallel_loop3A_549 : i32 to index
          %parallel_loop3A_551 = arith.index_cast %parallel_loop3A_548 : i32 to index
          %parallel_loop3A_552 = arith.constant 0 : index
          %parallel_loop3A_553 = tpu.vector_load %arg8[%parallel_loop3A_550, %parallel_loop3A_551, %parallel_loop3A_552] {strides = array<i32>} : memref<4x56x256xbf16, #tpu.memory_space<vmem>>, vector<32xbf16>,
          %parallel_loop3A_554 = arith.constant 1 : i32
          %parallel_loop3A_555 = arith.addi %parallel_loop3A_548, %parallel_loop3A_554 : i32
          %parallel_loop3A_556 = arith.constant 0 : i32
          %parallel_loop3A_557 = arith.index_cast %parallel_loop3A_556 : i32 to index
          %parallel_loop3A_558 = arith.index_cast %parallel_loop3A_555 : i32 to index
          %parallel_loop3A_559 = arith.constant 0 : index
          %parallel_loop3A_560 = tpu.vector_load %arg8[%parallel_loop3A_557, %parallel_loop3A_558, %parallel_loop3A_559] {strides = array<i32>} : memref<4x56x256xbf16, #tpu.memory_space<vmem>>, vector<32xbf16>,
          %parallel_loop3A_561 = arith.addf %parallel_loop3A_553, %parallel_loop3A_560 : vector<32xbf16>
          %parallel_loop3A_562 = arith.constant 2 : i32
          %parallel_loop3A_563 = arith.addi %parallel_loop3A_548, %parallel_loop3A_562 : i32
          %parallel_loop3A_564 = arith.constant 0 : i32
          %parallel_loop3A_565 = arith.index_cast %parallel_loop3A_564 : i32 to index
          %parallel_loop3A_566 = arith.index_cast %parallel_loop3A_563 : i32 to index
          %parallel_loop3A_567 = arith.constant 0 : index
          %parallel_loop3A_568 = tpu.vector_load %arg8[%parallel_loop3A_565, %parallel_loop3A_566, %parallel_loop3A_567] {strides = array<i32>} : memref<4x56x256xbf16, #tpu.memory_space<vmem>>, vector<32xbf16>,
          %parallel_loop3A_569 = arith.addf %parallel_loop3A_561, %parallel_loop3A_568 : vector<32xbf16>
          %parallel_loop3A_570 = arith.constant 3 : i32
          %parallel_loop3A_571 = arith.addi %parallel_loop3A_548, %parallel_loop3A_570 : i32
          %parallel_loop3A_572 = arith.constant 0 : i32
          %parallel_loop3A_573 = arith.index_cast %parallel_loop3A_572 : i32 to index
          %parallel_loop3A_574 = arith.index_cast %parallel_loop3A_571 : i32 to index
          %parallel_loop3A_575 = arith.constant 0 : index
          %parallel_loop3A_576 = tpu.vector_load %arg8[%parallel_loop3A_573, %parallel_loop3A_574, %parallel_loop3A_575] {strides = array<i32>} : memref<4x56x256xbf16, #tpu.memory_space<vmem>>, vector<32xbf16>,
          %parallel_loop3A_577 = arith.addf %parallel_loop3A_569, %parallel_loop3A_576 : vector<32xbf16>
          %parallel_loop3A_578 = tpu.unpack_subelements %parallel_loop3A_577, 0 {pack_format = #tpu.pack_format<interleaved>} : vector<32xbf16> -> vector<16xf32>
          %parallel_loop3A_579 = tpu.unpack_subelements %parallel_loop3A_577, 1 {pack_format = #tpu.pack_format<interleaved>} : vector<32xbf16> -> vector<16xf32>
          %parallel_loop3A_580 = arith.addf %parallel_loop3A_515, %parallel_loop3A_578 : vector<16xf32>
          %parallel_loop3A_581 = arith.addf %parallel_loop3A_516, %parallel_loop3A_579 : vector<16xf32>
          %parallel_loop3A_582 = arith.constant 0 : i32
          %parallel_loop3A_583 = arith.index_cast %parallel_loop3A_582 : i32 to index
          %parallel_loop3A_584 = arith.index_cast %parallel_loop3A_548 : i32 to index
          %parallel_loop3A_585 = arith.constant 32 : index
          %parallel_loop3A_586 = tpu.vector_load %arg8[%parallel_loop3A_583, %parallel_loop3A_584, %parallel_loop3A_585] {strides = array<i32>} : memref<4x56x256xbf16, #tpu.memory_space<vmem>>, vector<32xbf16>,
          %parallel_loop3A_587 = arith.constant 1 : i32
          %parallel_loop3A_588 = arith.addi %parallel_loop3A_548, %parallel_loop3A_587 : i32
          %parallel_loop3A_589 = arith.constant 0 : i32
          %parallel_loop3A_590 = arith.index_cast %parallel_loop3A_589 : i32 to index
          %parallel_loop3A_591 = arith.index_cast %parallel_loop3A_588 : i32 to index
          %parallel_loop3A_592 = arith.constant 32 : index
          %parallel_loop3A_593 = tpu.vector_load %arg8[%parallel_loop3A_590, %parallel_loop3A_591, %parallel_loop3A_592] {strides = array<i32>} : memref<4x56x256xbf16, #tpu.memory_space<vmem>>, vector<32xbf16>,
          %parallel_loop3A_594 = arith.addf %parallel_loop3A_586, %parallel_loop3A_593 : vector<32xbf16>
          %parallel_loop3A_595 = arith.constant 2 : i32
          %parallel_loop3A_596 = arith.addi %parallel_loop3A_548, %parallel_loop3A_595 : i32
          %parallel_loop3A_597 = arith.constant 0 : i32
          %parallel_loop3A_598 = arith.index_cast %parallel_loop3A_597 : i32 to index
          %parallel_loop3A_599 = arith.index_cast %parallel_loop3A_596 : i32 to index
          %parallel_loop3A_600 = arith.constant 32 : index
          %parallel_loop3A_601 = tpu.vector_load %arg8[%parallel_loop3A_598, %parallel_loop3A_599, %parallel_loop3A_600] {strides = array<i32>} : memref<4x56x256xbf16, #tpu.memory_space<vmem>>, vector<32xbf16>,
          %parallel_loop3A_602 = arith.addf %parallel_loop3A_594, %parallel_loop3A_601 : vector<32xbf16>
          %parallel_loop3A_603 = arith.constant 3 : i32
          %parallel_loop3A_604 = arith.addi %parallel_loop3A_548, %parallel_loop3A_603 : i32
          %parallel_loop3A_605 = arith.constant 0 : i32
          %parallel_loop3A_606 = arith.index_cast %parallel_loop3A_605 : i32 to index
          %parallel_loop3A_607 = arith.index_cast %parallel_loop3A_604 : i32 to index
          %parallel_loop3A_608 = arith.constant 32 : index
          %parallel_loop3A_609 = tpu.vector_load %arg8[%parallel_loop3A_606, %parallel_loop3A_607, %parallel_loop3A_608] {strides = array<i32>} : memref<4x56x256xbf16, #tpu.memory_space<vmem>>, vector<32xbf16>,
          %parallel_loop3A_610 = arith.addf %parallel_loop3A_602, %parallel_loop3A_609 : vector<32xbf16>
          %parallel_loop3A_611 = tpu.unpack_subelements %parallel_loop3A_610, 0 {pack_format = #tpu.pack_format<interleaved>} : vector<32xbf16> -> vector<16xf32>
          %parallel_loop3A_612 = tpu.unpack_subelements %parallel_loop3A_610, 1 {pack_format = #tpu.pack_format<interleaved>} : vector<32xbf16> -> vector<16xf32>
          %parallel_loop3A_613 = arith.addf %parallel_loop3A_517, %parallel_loop3A_611 : vector<16xf32>
          %parallel_loop3A_614 = arith.addf %parallel_loop3A_518, %parallel_loop3A_612 : vector<16xf32>
          %parallel_loop3A_615 = arith.constant 0 : i32
          %parallel_loop3A_616 = arith.index_cast %parallel_loop3A_615 : i32 to index
          %parallel_loop3A_617 = arith.index_cast %parallel_loop3A_548 : i32 to index
          %parallel_loop3A_618 = arith.constant 64 : index
          %parallel_loop3A_619 = tpu.vector_load %arg8[%parallel_loop3A_616, %parallel_loop3A_617, %parallel_loop3A_618] {strides = array<i32>} : memref<4x56x256xbf16, #tpu.memory_space<vmem>>, vector<32xbf16>,
          %parallel_loop3A_620 = arith.constant 1 : i32
          %parallel_loop3A_621 = arith.addi %parallel_loop3A_548, %parallel_loop3A_620 : i32
          %parallel_loop3A_622 = arith.constant 0 : i32
          %parallel_loop3A_623 = arith.index_cast %parallel_loop3A_622 : i32 to index
          %parallel_loop3A_624 = arith.index_cast %parallel_loop3A_621 : i32 to index
          %parallel_loop3A_625 = arith.constant 64 : index
          %parallel_loop3A_626 = tpu.vector_load %arg8[%parallel_loop3A_623, %parallel_loop3A_624, %parallel_loop3A_625] {strides = array<i32>} : memref<4x56x256xbf16, #tpu.memory_space<vmem>>, vector<32xbf16>,
          %parallel_loop3A_627 = arith.addf %parallel_loop3A_619, %parallel_loop3A_626 : vector<32xbf16>
          %parallel_loop3A_628 = arith.constant 2 : i32
          %parallel_loop3A_629 = arith.addi %parallel_loop3A_548, %parallel_loop3A_628 : i32
          %parallel_loop3A_630 = arith.constant 0 : i32
          %parallel_loop3A_631 = arith.index_cast %parallel_loop3A_630 : i32 to index
          %parallel_loop3A_632 = arith.index_cast %parallel_loop3A_629 : i32 to index
          %parallel_loop3A_633 = arith.constant 64 : index
          %parallel_loop3A_634 = tpu.vector_load %arg8[%parallel_loop3A_631, %parallel_loop3A_632, %parallel_loop3A_633] {strides = array<i32>} : memref<4x56x256xbf16, #tpu.memory_space<vmem>>, vector<32xbf16>,
          %parallel_loop3A_635 = arith.addf %parallel_loop3A_627, %parallel_loop3A_634 : vector<32xbf16>
          %parallel_loop3A_636 = arith.constant 3 : i32
          %parallel_loop3A_637 = arith.addi %parallel_loop3A_548, %parallel_loop3A_636 : i32
          %parallel_loop3A_638 = arith.constant 0 : i32
          %parallel_loop3A_639 = arith.index_cast %parallel_loop3A_638 : i32 to index
          %parallel_loop3A_640 = arith.index_cast %parallel_loop3A_637 : i32 to index
          %parallel_loop3A_641 = arith.constant 64 : index
          %parallel_loop3A_642 = tpu.vector_load %arg8[%parallel_loop3A_639, %parallel_loop3A_640, %parallel_loop3A_641] {strides = array<i32>} : memref<4x56x256xbf16, #tpu.memory_space<vmem>>, vector<32xbf16>,
          %parallel_loop3A_643 = arith.addf %parallel_loop3A_635, %parallel_loop3A_642 : vector<32xbf16>
          %parallel_loop3A_644 = tpu.unpack_subelements %parallel_loop3A_643, 0 {pack_format = #tpu.pack_format<interleaved>} : vector<32xbf16> -> vector<16xf32>
          %parallel_loop3A_645 = tpu.unpack_subelements %parallel_loop3A_643, 1 {pack_format = #tpu.pack_format<interleaved>} : vector<32xbf16> -> vector<16xf32>
          %parallel_loop3A_646 = arith.addf %parallel_loop3A_519, %parallel_loop3A_644 : vector<16xf32>
          %parallel_loop3A_647 = arith.addf %parallel_loop3A_520, %parallel_loop3A_645 : vector<16xf32>
          %parallel_loop3A_648 = arith.constant 0 : i32
          %parallel_loop3A_649 = arith.index_cast %parallel_loop3A_648 : i32 to index
          %parallel_loop3A_650 = arith.index_cast %parallel_loop3A_548 : i32 to index
          %parallel_loop3A_651 = arith.constant 96 : index
          %parallel_loop3A_652 = tpu.vector_load %arg8[%parallel_loop3A_649, %parallel_loop3A_650, %parallel_loop3A_651] {strides = array<i32>} : memref<4x56x256xbf16, #tpu.memory_space<vmem>>, vector<32xbf16>,
          %parallel_loop3A_653 = arith.constant 1 : i32
          %parallel_loop3A_654 = arith.addi %parallel_loop3A_548, %parallel_loop3A_653 : i32
          %parallel_loop3A_655 = arith.constant 0 : i32
          %parallel_loop3A_656 = arith.index_cast %parallel_loop3A_655 : i32 to index
          %parallel_loop3A_657 = arith.index_cast %parallel_loop3A_654 : i32 to index
          %parallel_loop3A_658 = arith.constant 96 : index
          %parallel_loop3A_659 = tpu.vector_load %arg8[%parallel_loop3A_656, %parallel_loop3A_657, %parallel_loop3A_658] {strides = array<i32>} : memref<4x56x256xbf16, #tpu.memory_space<vmem>>, vector<32xbf16>,
          %parallel_loop3A_660 = arith.addf %parallel_loop3A_652, %parallel_loop3A_659 : vector<32xbf16>
          %parallel_loop3A_661 = arith.constant 2 : i32
          %parallel_loop3A_662 = arith.addi %parallel_loop3A_548, %parallel_loop3A_661 : i32
          %parallel_loop3A_663 = arith.constant 0 : i32
          %parallel_loop3A_664 = arith.index_cast %parallel_loop3A_663 : i32 to index
          %parallel_loop3A_665 = arith.index_cast %parallel_loop3A_662 : i32 to index
          %parallel_loop3A_666 = arith.constant 96 : index
          %parallel_loop3A_667 = tpu.vector_load %arg8[%parallel_loop3A_664, %parallel_loop3A_665, %parallel_loop3A_666] {strides = array<i32>} : memref<4x56x256xbf16, #tpu.memory_space<vmem>>, vector<32xbf16>,
          %parallel_loop3A_668 = arith.addf %parallel_loop3A_660, %parallel_loop3A_667 : vector<32xbf16>
          %parallel_loop3A_669 = arith.constant 3 : i32
          %parallel_loop3A_670 = arith.addi %parallel_loop3A_548, %parallel_loop3A_669 : i32
          %parallel_loop3A_671 = arith.constant 0 : i32
          %parallel_loop3A_672 = arith.index_cast %parallel_loop3A_671 : i32 to index
          %parallel_loop3A_673 = arith.index_cast %parallel_loop3A_670 : i32 to index
          %parallel_loop3A_674 = arith.constant 96 : index
          %parallel_loop3A_675 = tpu.vector_load %arg8[%parallel_loop3A_672, %parallel_loop3A_673, %parallel_loop3A_674] {strides = array<i32>} : memref<4x56x256xbf16, #tpu.memory_space<vmem>>, vector<32xbf16>,
          %parallel_loop3A_676 = arith.addf %parallel_loop3A_668, %parallel_loop3A_675 : vector<32xbf16>
          %parallel_loop3A_677 = tpu.unpack_subelements %parallel_loop3A_676, 0 {pack_format = #tpu.pack_format<interleaved>} : vector<32xbf16> -> vector<16xf32>
          %parallel_loop3A_678 = tpu.unpack_subelements %parallel_loop3A_676, 1 {pack_format = #tpu.pack_format<interleaved>} : vector<32xbf16> -> vector<16xf32>
          %parallel_loop3A_679 = arith.addf %parallel_loop3A_521, %parallel_loop3A_677 : vector<16xf32>
          %parallel_loop3A_680 = arith.addf %parallel_loop3A_522, %parallel_loop3A_678 : vector<16xf32>
          %parallel_loop3A_681 = arith.constant 0 : i32
          %parallel_loop3A_682 = arith.index_cast %parallel_loop3A_681 : i32 to index
          %parallel_loop3A_683 = arith.index_cast %parallel_loop3A_548 : i32 to index
          %parallel_loop3A_684 = arith.constant 128 : index
          %parallel_loop3A_685 = tpu.vector_load %arg8[%parallel_loop3A_682, %parallel_loop3A_683, %parallel_loop3A_684] {strides = array<i32>} : memref<4x56x256xbf16, #tpu.memory_space<vmem>>, vector<32xbf16>,
          %parallel_loop3A_686 = arith.constant 1 : i32
          %parallel_loop3A_687 = arith.addi %parallel_loop3A_548, %parallel_loop3A_686 : i32
          %parallel_loop3A_688 = arith.constant 0 : i32
          %parallel_loop3A_689 = arith.index_cast %parallel_loop3A_688 : i32 to index
          %parallel_loop3A_690 = arith.index_cast %parallel_loop3A_687 : i32 to index
          %parallel_loop3A_691 = arith.constant 128 : index
          %parallel_loop3A_692 = tpu.vector_load %arg8[%parallel_loop3A_689, %parallel_loop3A_690, %parallel_loop3A_691] {strides = array<i32>} : memref<4x56x256xbf16, #tpu.memory_space<vmem>>, vector<32xbf16>,
          %parallel_loop3A_693 = arith.addf %parallel_loop3A_685, %parallel_loop3A_692 : vector<32xbf16>
          %parallel_loop3A_694 = arith.constant 2 : i32
          %parallel_loop3A_695 = arith.addi %parallel_loop3A_548, %parallel_loop3A_694 : i32
          %parallel_loop3A_696 = arith.constant 0 : i32
          %parallel_loop3A_697 = arith.index_cast %parallel_loop3A_696 : i32 to index
          %parallel_loop3A_698 = arith.index_cast %parallel_loop3A_695 : i32 to index
          %parallel_loop3A_699 = arith.constant 128 : index
          %parallel_loop3A_700 = tpu.vector_load %arg8[%parallel_loop3A_697, %parallel_loop3A_698, %parallel_loop3A_699] {strides = array<i32>} : memref<4x56x256xbf16, #tpu.memory_space<vmem>>, vector<32xbf16>,
          %parallel_loop3A_701 = arith.addf %parallel_loop3A_693, %parallel_loop3A_700 : vector<32xbf16>
          %parallel_loop3A_702 = arith.constant 3 : i32
          %parallel_loop3A_703 = arith.addi %parallel_loop3A_548, %parallel_loop3A_702 : i32
          %parallel_loop3A_704 = arith.constant 0 : i32
          %parallel_loop3A_705 = arith.index_cast %parallel_loop3A_704 : i32 to index
          %parallel_loop3A_706 = arith.index_cast %parallel_loop3A_703 : i32 to index
          %parallel_loop3A_707 = arith.constant 128 : index
          %parallel_loop3A_708 = tpu.vector_load %arg8[%parallel_loop3A_705, %parallel_loop3A_706, %parallel_loop3A_707] {strides = array<i32>} : memref<4x56x256xbf16, #tpu.memory_space<vmem>>, vector<32xbf16>,
          %parallel_loop3A_709 = arith.addf %parallel_loop3A_701, %parallel_loop3A_708 : vector<32xbf16>
          %parallel_loop3A_710 = tpu.unpack_subelements %parallel_loop3A_709, 0 {pack_format = #tpu.pack_format<interleaved>} : vector<32xbf16> -> vector<16xf32>
          %parallel_loop3A_711 = tpu.unpack_subelements %parallel_loop3A_709, 1 {pack_format = #tpu.pack_format<interleaved>} : vector<32xbf16> -> vector<16xf32>
          %parallel_loop3A_712 = arith.addf %parallel_loop3A_523, %parallel_loop3A_710 : vector<16xf32>
          %parallel_loop3A_713 = arith.addf %parallel_loop3A_524, %parallel_loop3A_711 : vector<16xf32>
          %parallel_loop3A_714 = arith.constant 0 : i32
          %parallel_loop3A_715 = arith.index_cast %parallel_loop3A_714 : i32 to index
          %parallel_loop3A_716 = arith.index_cast %parallel_loop3A_548 : i32 to index
          %parallel_loop3A_717 = arith.constant 160 : index
          %parallel_loop3A_718 = tpu.vector_load %arg8[%parallel_loop3A_715, %parallel_loop3A_716, %parallel_loop3A_717] {strides = array<i32>} : memref<4x56x256xbf16, #tpu.memory_space<vmem>>, vector<32xbf16>,
          %parallel_loop3A_719 = arith.constant 1 : i32
          %parallel_loop3A_720 = arith.addi %parallel_loop3A_548, %parallel_loop3A_719 : i32
          %parallel_loop3A_721 = arith.constant 0 : i32
          %parallel_loop3A_722 = arith.index_cast %parallel_loop3A_721 : i32 to index
          %parallel_loop3A_723 = arith.index_cast %parallel_loop3A_720 : i32 to index
          %parallel_loop3A_724 = arith.constant 160 : index
          %parallel_loop3A_725 = tpu.vector_load %arg8[%parallel_loop3A_722, %parallel_loop3A_723, %parallel_loop3A_724] {strides = array<i32>} : memref<4x56x256xbf16, #tpu.memory_space<vmem>>, vector<32xbf16>,
          %parallel_loop3A_726 = arith.addf %parallel_loop3A_718, %parallel_loop3A_725 : vector<32xbf16>
          %parallel_loop3A_727 = arith.constant 2 : i32
          %parallel_loop3A_728 = arith.addi %parallel_loop3A_548, %parallel_loop3A_727 : i32
          %parallel_loop3A_729 = arith.constant 0 : i32
          %parallel_loop3A_730 = arith.index_cast %parallel_loop3A_729 : i32 to index
          %parallel_loop3A_731 = arith.index_cast %parallel_loop3A_728 : i32 to index
          %parallel_loop3A_732 = arith.constant 160 : index
          %parallel_loop3A_733 = tpu.vector_load %arg8[%parallel_loop3A_730, %parallel_loop3A_731, %parallel_loop3A_732] {strides = array<i32>} : memref<4x56x256xbf16, #tpu.memory_space<vmem>>, vector<32xbf16>,
          %parallel_loop3A_734 = arith.addf %parallel_loop3A_726, %parallel_loop3A_733 : vector<32xbf16>
          %parallel_loop3A_735 = arith.constant 3 : i32
          %parallel_loop3A_736 = arith.addi %parallel_loop3A_548, %parallel_loop3A_735 : i32
          %parallel_loop3A_737 = arith.constant 0 : i32
          %parallel_loop3A_738 = arith.index_cast %parallel_loop3A_737 : i32 to index
          %parallel_loop3A_739 = arith.index_cast %parallel_loop3A_736 : i32 to index
          %parallel_loop3A_740 = arith.constant 160 : index
          %parallel_loop3A_741 = tpu.vector_load %arg8[%parallel_loop3A_738, %parallel_loop3A_739, %parallel_loop3A_740] {strides = array<i32>} : memref<4x56x256xbf16, #tpu.memory_space<vmem>>, vector<32xbf16>,
          %parallel_loop3A_742 = arith.addf %parallel_loop3A_734, %parallel_loop3A_741 : vector<32xbf16>
          %parallel_loop3A_743 = tpu.unpack_subelements %parallel_loop3A_742, 0 {pack_format = #tpu.pack_format<interleaved>} : vector<32xbf16> -> vector<16xf32>
          %parallel_loop3A_744 = tpu.unpack_subelements %parallel_loop3A_742, 1 {pack_format = #tpu.pack_format<interleaved>} : vector<32xbf16> -> vector<16xf32>
          %parallel_loop3A_745 = arith.addf %parallel_loop3A_525, %parallel_loop3A_743 : vector<16xf32>
          %parallel_loop3A_746 = arith.addf %parallel_loop3A_526, %parallel_loop3A_744 : vector<16xf32>
          %parallel_loop3A_747 = arith.constant 0 : i32
          %parallel_loop3A_748 = arith.index_cast %parallel_loop3A_747 : i32 to index
          %parallel_loop3A_749 = arith.index_cast %parallel_loop3A_548 : i32 to index
          %parallel_loop3A_750 = arith.constant 192 : index
          %parallel_loop3A_751 = tpu.vector_load %arg8[%parallel_loop3A_748, %parallel_loop3A_749, %parallel_loop3A_750] {strides = array<i32>} : memref<4x56x256xbf16, #tpu.memory_space<vmem>>, vector<32xbf16>,
          %parallel_loop3A_752 = arith.constant 1 : i32
          %parallel_loop3A_753 = arith.addi %parallel_loop3A_548, %parallel_loop3A_752 : i32
          %parallel_loop3A_754 = arith.constant 0 : i32
          %parallel_loop3A_755 = arith.index_cast %parallel_loop3A_754 : i32 to index
          %parallel_loop3A_756 = arith.index_cast %parallel_loop3A_753 : i32 to index
          %parallel_loop3A_757 = arith.constant 192 : index
          %parallel_loop3A_758 = tpu.vector_load %arg8[%parallel_loop3A_755, %parallel_loop3A_756, %parallel_loop3A_757] {strides = array<i32>} : memref<4x56x256xbf16, #tpu.memory_space<vmem>>, vector<32xbf16>,
          %parallel_loop3A_759 = arith.addf %parallel_loop3A_751, %parallel_loop3A_758 : vector<32xbf16>
          %parallel_loop3A_760 = arith.constant 2 : i32
          %parallel_loop3A_761 = arith.addi %parallel_loop3A_548, %parallel_loop3A_760 : i32
          %parallel_loop3A_762 = arith.constant 0 : i32
          %parallel_loop3A_763 = arith.index_cast %parallel_loop3A_762 : i32 to index
          %parallel_loop3A_764 = arith.index_cast %parallel_loop3A_761 : i32 to index
          %parallel_loop3A_765 = arith.constant 192 : index
          %parallel_loop3A_766 = tpu.vector_load %arg8[%parallel_loop3A_763, %parallel_loop3A_764, %parallel_loop3A_765] {strides = array<i32>} : memref<4x56x256xbf16, #tpu.memory_space<vmem>>, vector<32xbf16>,
          %parallel_loop3A_767 = arith.addf %parallel_loop3A_759, %parallel_loop3A_766 : vector<32xbf16>
          %parallel_loop3A_768 = arith.constant 3 : i32
          %parallel_loop3A_769 = arith.addi %parallel_loop3A_548, %parallel_loop3A_768 : i32
          %parallel_loop3A_770 = arith.constant 0 : i32
          %parallel_loop3A_771 = arith.index_cast %parallel_loop3A_770 : i32 to index
          %parallel_loop3A_772 = arith.index_cast %parallel_loop3A_769 : i32 to index
          %parallel_loop3A_773 = arith.constant 192 : index
          %parallel_loop3A_774 = tpu.vector_load %arg8[%parallel_loop3A_771, %parallel_loop3A_772, %parallel_loop3A_773] {strides = array<i32>} : memref<4x56x256xbf16, #tpu.memory_space<vmem>>, vector<32xbf16>,
          %parallel_loop3A_775 = arith.addf %parallel_loop3A_767, %parallel_loop3A_774 : vector<32xbf16>
          %parallel_loop3A_776 = tpu.unpack_subelements %parallel_loop3A_775, 0 {pack_format = #tpu.pack_format<interleaved>} : vector<32xbf16> -> vector<16xf32>
          %parallel_loop3A_777 = tpu.unpack_subelements %parallel_loop3A_775, 1 {pack_format = #tpu.pack_format<interleaved>} : vector<32xbf16> -> vector<16xf32>
          %parallel_loop3A_778 = arith.addf %parallel_loop3A_527, %parallel_loop3A_776 : vector<16xf32>
          %parallel_loop3A_779 = arith.addf %parallel_loop3A_528, %parallel_loop3A_777 : vector<16xf32>
          %parallel_loop3A_780 = arith.constant 0 : i32
          %parallel_loop3A_781 = arith.index_cast %parallel_loop3A_780 : i32 to index
          %parallel_loop3A_782 = arith.index_cast %parallel_loop3A_548 : i32 to index
          %parallel_loop3A_783 = arith.constant 224 : index
          %parallel_loop3A_784 = tpu.vector_load %arg8[%parallel_loop3A_781, %parallel_loop3A_782, %parallel_loop3A_783] {strides = array<i32>} : memref<4x56x256xbf16, #tpu.memory_space<vmem>>, vector<32xbf16>,
          %parallel_loop3A_785 = arith.constant 1 : i32
          %parallel_loop3A_786 = arith.addi %parallel_loop3A_548, %parallel_loop3A_785 : i32
          %parallel_loop3A_787 = arith.constant 0 : i32
          %parallel_loop3A_788 = arith.index_cast %parallel_loop3A_787 : i32 to index
          %parallel_loop3A_789 = arith.index_cast %parallel_loop3A_786 : i32 to index
          %parallel_loop3A_790 = arith.constant 224 : index
          %parallel_loop3A_791 = tpu.vector_load %arg8[%parallel_loop3A_788, %parallel_loop3A_789, %parallel_loop3A_790] {strides = array<i32>} : memref<4x56x256xbf16, #tpu.memory_space<vmem>>, vector<32xbf16>,
          %parallel_loop3A_792 = arith.addf %parallel_loop3A_784, %parallel_loop3A_791 : vector<32xbf16>
          %parallel_loop3A_793 = arith.constant 2 : i32
          %parallel_loop3A_794 = arith.addi %parallel_loop3A_548, %parallel_loop3A_793 : i32
          %parallel_loop3A_795 = arith.constant 0 : i32
          %parallel_loop3A_796 = arith.index_cast %parallel_loop3A_795 : i32 to index
          %parallel_loop3A_797 = arith.index_cast %parallel_loop3A_794 : i32 to index
          %parallel_loop3A_798 = arith.constant 224 : index
          %parallel_loop3A_799 = tpu.vector_load %arg8[%parallel_loop3A_796, %parallel_loop3A_797, %parallel_loop3A_798] {strides = array<i32>} : memref<4x56x256xbf16, #tpu.memory_space<vmem>>, vector<32xbf16>,
          %parallel_loop3A_800 = arith.addf %parallel_loop3A_792, %parallel_loop3A_799 : vector<32xbf16>
          %parallel_loop3A_801 = arith.constant 3 : i32
          %parallel_loop3A_802 = arith.addi %parallel_loop3A_548, %parallel_loop3A_801 : i32
          %parallel_loop3A_803 = arith.constant 0 : i32
          %parallel_loop3A_804 = arith.index_cast %parallel_loop3A_803 : i32 to index
          %parallel_loop3A_805 = arith.index_cast %parallel_loop3A_802 : i32 to index
          %parallel_loop3A_806 = arith.constant 224 : index
          %parallel_loop3A_807 = tpu.vector_load %arg8[%parallel_loop3A_804, %parallel_loop3A_805, %parallel_loop3A_806] {strides = array<i32>} : memref<4x56x256xbf16, #tpu.memory_space<vmem>>, vector<32xbf16>,
          %parallel_loop3A_808 = arith.addf %parallel_loop3A_800, %parallel_loop3A_807 : vector<32xbf16>
          %parallel_loop3A_809 = tpu.unpack_subelements %parallel_loop3A_808, 0 {pack_format = #tpu.pack_format<interleaved>} : vector<32xbf16> -> vector<16xf32>
          %parallel_loop3A_810 = tpu.unpack_subelements %parallel_loop3A_808, 1 {pack_format = #tpu.pack_format<interleaved>} : vector<32xbf16> -> vector<16xf32>
          %parallel_loop3A_811 = arith.addf %parallel_loop3A_529, %parallel_loop3A_809 : vector<16xf32>
          %parallel_loop3A_812 = arith.addf %parallel_loop3A_530, %parallel_loop3A_810 : vector<16xf32>
          scf.yield %parallel_loop3A_580, %parallel_loop3A_581, %parallel_loop3A_613, %parallel_loop3A_614, %parallel_loop3A_646, %parallel_loop3A_647, %parallel_loop3A_679, %parallel_loop3A_680, %parallel_loop3A_712, %parallel_loop3A_713, %parallel_loop3A_745, %parallel_loop3A_746, %parallel_loop3A_778, %parallel_loop3A_779, %parallel_loop3A_811, %parallel_loop3A_812, %parallel_loop3A_531, %parallel_loop3A_532, %parallel_loop3A_533, %parallel_loop3A_534, %parallel_loop3A_535, %parallel_loop3A_536, %parallel_loop3A_537, %parallel_loop3A_538, %parallel_loop3A_539, %parallel_loop3A_540, %parallel_loop3A_541, %parallel_loop3A_542, %parallel_loop3A_543, %parallel_loop3A_544, %parallel_loop3A_545, %parallel_loop3A_546 : vector<16xf32>, vector<16xf32>, vector<16xf32>, vector<16xf32>, vector<16xf32>, vector<16xf32>, vector<16xf32>, vector<16xf32>, vector<16xf32>, vector<16xf32>, vector<16xf32>, vector<16xf32>, vector<16xf32>, vector<16xf32>, vector<16xf32>, vector<16xf32>, vector<16xf32>, vector<16xf32>, vector<16xf32>, vector<16xf32>, vector<16xf32>, vector<16xf32>, vector<16xf32>, vector<16xf32>, vector<16xf32>, vector<16xf32>, vector<16xf32>, vector<16xf32>, vector<16xf32>, vector<16xf32>, vector<16xf32>, vector<16xf32>
        } {sc.loop_unroll_factor = 2 : i64, sc.parallel_access}
        %add3A_256 = arith.constant 1 : i32
        %add3A_257 = arith.addi %scan3A_127, %add3A_256 : i32
        %lt3A_258 = arith.constant 16 : i32
        %lt3A_259 = arith.cmpi slt, %add3A_257, %lt3A_258 : i32
        %convert_element_type3A_260 = arith.extui %lt3A_259 : i1 to i32
        %cond3A_261 = arith.constant 0 : i32
        %cond3A_262 = arith.cmpi ne, %convert_element_type3A_260, %cond3A_261 : i32
        scf.if %cond3A_262 {
          %add3A_514 = arith.constant 1 : i32
          %add3A_515 = arith.addi %scan3A_127, %add3A_514 : i32
          %dma_start3A_516 = arith.constant 0 : i32
          %dma_start3A_517 = arith.constant 0 : i32
          %dma_start3A_518 = arith.constant 0 : i32
          %dma_start3A_519 = tpu.memref_slice %arg8[%dma_start3A_516, %dma_start3A_517, %dma_start3A_518] : memref<4x56x256xbf16, #tpu.memory_space<vmem>> -> memref<1x56x256xbf16, #tpu.memory_space<vmem>>
          %dma_start3A_520 = tpu.memref_squeeze %dma_start3A_519 : memref<1x56x256xbf16, #tpu.memory_space<vmem>> -> memref<56x256xbf16, #tpu.memory_space<vmem>>
          %dma_start3A_521 = arith.constant 0 : i32
          %dma_start3A_522 = tpu.memref_slice %arg6[%add3A_515, %dma_start3A_521] : memref<16x200xi32, #tpu.memory_space<vmem>> -> memref<1x56xi32, #tpu.memory_space<vmem>>
          %dma_start3A_523 = tpu.memref_squeeze %dma_start3A_522 : memref<1x56xi32, #tpu.memory_space<vmem>> -> memref<56xi32, #tpu.memory_space<vmem>>
          %dma_start3A_524 = arith.constant 0 : i32
          %dma_start3A_525 = arith.constant 0 : i32
          %dma_start3A_526 = tpu.memref_slice %arg9[%dma_start3A_524, %dma_start3A_525] : memref<10000x256xbf16, #tpu.memory_space<vmem_shared>> -> memref<10000x256xbf16, #tpu.memory_space<vmem_shared>>
          tpu.enqueue_indirect_dma source(%dma_start3A_526 : memref<10000x256xbf16, #tpu.memory_space<vmem_shared>>) target(%dma_start3A_520 : memref<56x256xbf16, #tpu.memory_space<vmem>>) offsets(%dma_start3A_523 : memref<56xi32, #tpu.memory_space<vmem>>) semaphore(%arg13 : memref<!tpu.dma_semaphore, #tpu.memory_space<semaphore_mem>>)
        } else {
        }
        %dma_wait3A_263 = arith.constant 1 : i32
        %dma_wait3A_264 = arith.constant 0 : i32
        %dma_wait3A_265 = arith.constant 0 : i32
        %dma_wait3A_266 = tpu.memref_slice %arg8[%dma_wait3A_263, %dma_wait3A_264, %dma_wait3A_265] : memref<4x56x256xbf16, #tpu.memory_space<vmem>> -> memref<1x48x256xbf16, #tpu.memory_space<vmem>>
        %dma_wait3A_267 = tpu.memref_squeeze %dma_wait3A_266 : memref<1x48x256xbf16, #tpu.memory_space<vmem>> -> memref<48x256xbf16, #tpu.memory_space<vmem>>
        %dma_wait3A_268 = arith.constant 104 : i32
        %dma_wait3A_269 = tpu.memref_slice %arg7[%scan3A_127, %dma_wait3A_268] : memref<16x200xi32, #tpu.memory_space<vmem>> -> memref<1x48xi32, #tpu.memory_space<vmem>>
        %dma_wait3A_270 = tpu.memref_squeeze %dma_wait3A_269 : memref<1x48xi32, #tpu.memory_space<vmem>> -> memref<48xi32, #tpu.memory_space<vmem>>
        %dma_wait3A_271 = arith.constant 0 : i32
        %dma_wait3A_272 = arith.constant 0 : i32
        %dma_wait3A_273 = tpu.memref_slice %arg9[%dma_wait3A_271, %dma_wait3A_272] : memref<10000x256xbf16, #tpu.memory_space<vmem_shared>> -> memref<10000x256xbf16, #tpu.memory_space<vmem_shared>>
        tpu.wait_indirect_dma semaphore(%arg14 : memref<!tpu.dma_semaphore, #tpu.memory_space<semaphore_mem>>) src(%dma_wait3A_273 : memref<10000x256xbf16, #tpu.memory_space<vmem_shared>>) dst(%dma_wait3A_267 : memref<48x256xbf16, #tpu.memory_space<vmem>>)
        %parallel_loop3A_274 = arith.constant 0 : i32
        %parallel_loop3A_275 = arith.constant 12 : i32
        %parallel_loop3A_276 = arith.constant 1 : i32
        %parallel_loop3A_277:32 = scf.for %parallel_loop3A_514 = %parallel_loop3A_274 to %parallel_loop3A_275 step %parallel_loop3A_276 iter_args(%parallel_loop3A_515 = %parallel_loop3A_255#0, %parallel_loop3A_516 = %parallel_loop3A_255#1, %parallel_loop3A_517 = %parallel_loop3A_255#2, %parallel_loop3A_518 = %parallel_loop3A_255#3, %parallel_loop3A_519 = %parallel_loop3A_255#4, %parallel_loop3A_520 = %parallel_loop3A_255#5, %parallel_loop3A_521 = %parallel_loop3A_255#6, %parallel_loop3A_522 = %parallel_loop3A_255#7, %parallel_loop3A_523 = %parallel_loop3A_255#8, %parallel_loop3A_524 = %parallel_loop3A_255#9, %parallel_loop3A_525 = %parallel_loop3A_255#10, %parallel_loop3A_526 = %parallel_loop3A_255#11, %parallel_loop3A_527 = %parallel_loop3A_255#12, %parallel_loop3A_528 = %parallel_loop3A_255#13, %parallel_loop3A_529 = %parallel_loop3A_255#14, %parallel_loop3A_530 = %parallel_loop3A_255#15, %parallel_loop3A_531 = %parallel_loop3A_255#16, %parallel_loop3A_532 = %parallel_loop3A_255#17, %parallel_loop3A_533 = %parallel_loop3A_255#18, %parallel_loop3A_534 = %parallel_loop3A_255#19, %parallel_loop3A_535 = %parallel_loop3A_255#20, %parallel_loop3A_536 = %parallel_loop3A_255#21, %parallel_loop3A_537 = %parallel_loop3A_255#22, %parallel_loop3A_538 = %parallel_loop3A_255#23, %parallel_loop3A_539 = %parallel_loop3A_255#24, %parallel_loop3A_540 = %parallel_loop3A_255#25, %parallel_loop3A_541 = %parallel_loop3A_255#26, %parallel_loop3A_542 = %parallel_loop3A_255#27, %parallel_loop3A_543 = %parallel_loop3A_255#28, %parallel_loop3A_544 = %parallel_loop3A_255#29, %parallel_loop3A_545 = %parallel_loop3A_255#30, %parallel_loop3A_546 = %parallel_loop3A_255#31) -> (vector<16xf32>, vector<16xf32>, vector<16xf32>, vector<16xf32>, vector<16xf32>, vector<16xf32>, vector<16xf32>, vector<16xf32>, vector<16xf32>, vector<16xf32>, vector<16xf32>, vector<16xf32>, vector<16xf32>, vector<16xf32>, vector<16xf32>, vector<16xf32>, vector<16xf32>, vector<16xf32>, vector<16xf32>, vector<16xf32>, vector<16xf32>, vector<16xf32>, vector<16xf32>, vector<16xf32>, vector<16xf32>, vector<16xf32>, vector<16xf32>, vector<16xf32>, vector<16xf32>, vector<16xf32>, vector<16xf32>, vector<16xf32>)  : i32 {
          %parallel_loop3A_547 = arith.constant 4 : i32
          %parallel_loop3A_548 = arith.muli %parallel_loop3A_514, %parallel_loop3A_547 : i32
          %parallel_loop3A_549 = arith.constant 1 : i32
          %parallel_loop3A_550 = arith.index_cast %parallel_loop3A_549 : i32 to index
          %parallel_loop3A_551 = arith.index_cast %parallel_loop3A_548 : i32 to index
          %parallel_loop3A_552 = arith.constant 0 : index
          %parallel_loop3A_553 = tpu.vector_load %arg8[%parallel_loop3A_550, %parallel_loop3A_551, %parallel_loop3A_552] {strides = array<i32>} : memref<4x56x256xbf16, #tpu.memory_space<vmem>>, vector<32xbf16>,
          %parallel_loop3A_554 = arith.constant 1 : i32
          %parallel_loop3A_555 = arith.addi %parallel_loop3A_548, %parallel_loop3A_554 : i32
          %parallel_loop3A_556 = arith.constant 1 : i32
          %parallel_loop3A_557 = arith.index_cast %parallel_loop3A_556 : i32 to index
          %parallel_loop3A_558 = arith.index_cast %parallel_loop3A_555 : i32 to index
          %parallel_loop3A_559 = arith.constant 0 : index
          %parallel_loop3A_560 = tpu.vector_load %arg8[%parallel_loop3A_557, %parallel_loop3A_558, %parallel_loop3A_559] {strides = array<i32>} : memref<4x56x256xbf16, #tpu.memory_space<vmem>>, vector<32xbf16>,
          %parallel_loop3A_561 = arith.addf %parallel_loop3A_553, %parallel_loop3A_560 : vector<32xbf16>
          %parallel_loop3A_562 = arith.constant 2 : i32
          %parallel_loop3A_563 = arith.addi %parallel_loop3A_548, %parallel_loop3A_562 : i32
          %parallel_loop3A_564 = arith.constant 1 : i32
          %parallel_loop3A_565 = arith.index_cast %parallel_loop3A_564 : i32 to index
          %parallel_loop3A_566 = arith.index_cast %parallel_loop3A_563 : i32 to index
          %parallel_loop3A_567 = arith.constant 0 : index
          %parallel_loop3A_568 = tpu.vector_load %arg8[%parallel_loop3A_565, %parallel_loop3A_566, %parallel_loop3A_567] {strides = array<i32>} : memref<4x56x256xbf16, #tpu.memory_space<vmem>>, vector<32xbf16>,
          %parallel_loop3A_569 = arith.addf %parallel_loop3A_561, %parallel_loop3A_568 : vector<32xbf16>
          %parallel_loop3A_570 = arith.constant 3 : i32
          %parallel_loop3A_571 = arith.addi %parallel_loop3A_548, %parallel_loop3A_570 : i32
          %parallel_loop3A_572 = arith.constant 1 : i32
          %parallel_loop3A_573 = arith.index_cast %parallel_loop3A_572 : i32 to index
          %parallel_loop3A_574 = arith.index_cast %parallel_loop3A_571 : i32 to index
          %parallel_loop3A_575 = arith.constant 0 : index
          %parallel_loop3A_576 = tpu.vector_load %arg8[%parallel_loop3A_573, %parallel_loop3A_574, %parallel_loop3A_575] {strides = array<i32>} : memref<4x56x256xbf16, #tpu.memory_space<vmem>>, vector<32xbf16>,
          %parallel_loop3A_577 = arith.addf %parallel_loop3A_569, %parallel_loop3A_576 : vector<32xbf16>
          %parallel_loop3A_578 = tpu.unpack_subelements %parallel_loop3A_577, 0 {pack_format = #tpu.pack_format<interleaved>} : vector<32xbf16> -> vector<16xf32>
          %parallel_loop3A_579 = tpu.unpack_subelements %parallel_loop3A_577, 1 {pack_format = #tpu.pack_format<interleaved>} : vector<32xbf16> -> vector<16xf32>
          %parallel_loop3A_580 = arith.addf %parallel_loop3A_531, %parallel_loop3A_578 : vector<16xf32>
          %parallel_loop3A_581 = arith.addf %parallel_loop3A_532, %parallel_loop3A_579 : vector<16xf32>
          %parallel_loop3A_582 = arith.constant 1 : i32
          %parallel_loop3A_583 = arith.index_cast %parallel_loop3A_582 : i32 to index
          %parallel_loop3A_584 = arith.index_cast %parallel_loop3A_548 : i32 to index
          %parallel_loop3A_585 = arith.constant 32 : index
          %parallel_loop3A_586 = tpu.vector_load %arg8[%parallel_loop3A_583, %parallel_loop3A_584, %parallel_loop3A_585] {strides = array<i32>} : memref<4x56x256xbf16, #tpu.memory_space<vmem>>, vector<32xbf16>,
          %parallel_loop3A_587 = arith.constant 1 : i32
          %parallel_loop3A_588 = arith.addi %parallel_loop3A_548, %parallel_loop3A_587 : i32
          %parallel_loop3A_589 = arith.constant 1 : i32
          %parallel_loop3A_590 = arith.index_cast %parallel_loop3A_589 : i32 to index
          %parallel_loop3A_591 = arith.index_cast %parallel_loop3A_588 : i32 to index
          %parallel_loop3A_592 = arith.constant 32 : index
          %parallel_loop3A_593 = tpu.vector_load %arg8[%parallel_loop3A_590, %parallel_loop3A_591, %parallel_loop3A_592] {strides = array<i32>} : memref<4x56x256xbf16, #tpu.memory_space<vmem>>, vector<32xbf16>,
          %parallel_loop3A_594 = arith.addf %parallel_loop3A_586, %parallel_loop3A_593 : vector<32xbf16>
          %parallel_loop3A_595 = arith.constant 2 : i32
          %parallel_loop3A_596 = arith.addi %parallel_loop3A_548, %parallel_loop3A_595 : i32
          %parallel_loop3A_597 = arith.constant 1 : i32
          %parallel_loop3A_598 = arith.index_cast %parallel_loop3A_597 : i32 to index
          %parallel_loop3A_599 = arith.index_cast %parallel_loop3A_596 : i32 to index
          %parallel_loop3A_600 = arith.constant 32 : index
          %parallel_loop3A_601 = tpu.vector_load %arg8[%parallel_loop3A_598, %parallel_loop3A_599, %parallel_loop3A_600] {strides = array<i32>} : memref<4x56x256xbf16, #tpu.memory_space<vmem>>, vector<32xbf16>,
          %parallel_loop3A_602 = arith.addf %parallel_loop3A_594, %parallel_loop3A_601 : vector<32xbf16>
          %parallel_loop3A_603 = arith.constant 3 : i32
          %parallel_loop3A_604 = arith.addi %parallel_loop3A_548, %parallel_loop3A_603 : i32
          %parallel_loop3A_605 = arith.constant 1 : i32
          %parallel_loop3A_606 = arith.index_cast %parallel_loop3A_605 : i32 to index
          %parallel_loop3A_607 = arith.index_cast %parallel_loop3A_604 : i32 to index
          %parallel_loop3A_608 = arith.constant 32 : index
          %parallel_loop3A_609 = tpu.vector_load %arg8[%parallel_loop3A_606, %parallel_loop3A_607, %parallel_loop3A_608] {strides = array<i32>} : memref<4x56x256xbf16, #tpu.memory_space<vmem>>, vector<32xbf16>,
          %parallel_loop3A_610 = arith.addf %parallel_loop3A_602, %parallel_loop3A_609 : vector<32xbf16>
          %parallel_loop3A_611 = tpu.unpack_subelements %parallel_loop3A_610, 0 {pack_format = #tpu.pack_format<interleaved>} : vector<32xbf16> -> vector<16xf32>
          %parallel_loop3A_612 = tpu.unpack_subelements %parallel_loop3A_610, 1 {pack_format = #tpu.pack_format<interleaved>} : vector<32xbf16> -> vector<16xf32>
          %parallel_loop3A_613 = arith.addf %parallel_loop3A_533, %parallel_loop3A_611 : vector<16xf32>
          %parallel_loop3A_614 = arith.addf %parallel_loop3A_534, %parallel_loop3A_612 : vector<16xf32>
          %parallel_loop3A_615 = arith.constant 1 : i32
          %parallel_loop3A_616 = arith.index_cast %parallel_loop3A_615 : i32 to index
          %parallel_loop3A_617 = arith.index_cast %parallel_loop3A_548 : i32 to index
          %parallel_loop3A_618 = arith.constant 64 : index
          %parallel_loop3A_619 = tpu.vector_load %arg8[%parallel_loop3A_616, %parallel_loop3A_617, %parallel_loop3A_618] {strides = array<i32>} : memref<4x56x256xbf16, #tpu.memory_space<vmem>>, vector<32xbf16>,
          %parallel_loop3A_620 = arith.constant 1 : i32
          %parallel_loop3A_621 = arith.addi %parallel_loop3A_548, %parallel_loop3A_620 : i32
          %parallel_loop3A_622 = arith.constant 1 : i32
          %parallel_loop3A_623 = arith.index_cast %parallel_loop3A_622 : i32 to index
          %parallel_loop3A_624 = arith.index_cast %parallel_loop3A_621 : i32 to index
          %parallel_loop3A_625 = arith.constant 64 : index
          %parallel_loop3A_626 = tpu.vector_load %arg8[%parallel_loop3A_623, %parallel_loop3A_624, %parallel_loop3A_625] {strides = array<i32>} : memref<4x56x256xbf16, #tpu.memory_space<vmem>>, vector<32xbf16>,
          %parallel_loop3A_627 = arith.addf %parallel_loop3A_619, %parallel_loop3A_626 : vector<32xbf16>
          %parallel_loop3A_628 = arith.constant 2 : i32
          %parallel_loop3A_629 = arith.addi %parallel_loop3A_548, %parallel_loop3A_628 : i32
          %parallel_loop3A_630 = arith.constant 1 : i32
          %parallel_loop3A_631 = arith.index_cast %parallel_loop3A_630 : i32 to index
          %parallel_loop3A_632 = arith.index_cast %parallel_loop3A_629 : i32 to index
          %parallel_loop3A_633 = arith.constant 64 : index
          %parallel_loop3A_634 = tpu.vector_load %arg8[%parallel_loop3A_631, %parallel_loop3A_632, %parallel_loop3A_633] {strides = array<i32>} : memref<4x56x256xbf16, #tpu.memory_space<vmem>>, vector<32xbf16>,
          %parallel_loop3A_635 = arith.addf %parallel_loop3A_627, %parallel_loop3A_634 : vector<32xbf16>
          %parallel_loop3A_636 = arith.constant 3 : i32
          %parallel_loop3A_637 = arith.addi %parallel_loop3A_548, %parallel_loop3A_636 : i32
          %parallel_loop3A_638 = arith.constant 1 : i32
          %parallel_loop3A_639 = arith.index_cast %parallel_loop3A_638 : i32 to index
          %parallel_loop3A_640 = arith.index_cast %parallel_loop3A_637 : i32 to index
          %parallel_loop3A_641 = arith.constant 64 : index
          %parallel_loop3A_642 = tpu.vector_load %arg8[%parallel_loop3A_639, %parallel_loop3A_640, %parallel_loop3A_641] {strides = array<i32>} : memref<4x56x256xbf16, #tpu.memory_space<vmem>>, vector<32xbf16>,
          %parallel_loop3A_643 = arith.addf %parallel_loop3A_635, %parallel_loop3A_642 : vector<32xbf16>
          %parallel_loop3A_644 = tpu.unpack_subelements %parallel_loop3A_643, 0 {pack_format = #tpu.pack_format<interleaved>} : vector<32xbf16> -> vector<16xf32>
          %parallel_loop3A_645 = tpu.unpack_subelements %parallel_loop3A_643, 1 {pack_format = #tpu.pack_format<interleaved>} : vector<32xbf16> -> vector<16xf32>
          %parallel_loop3A_646 = arith.addf %parallel_loop3A_535, %parallel_loop3A_644 : vector<16xf32>
          %parallel_loop3A_647 = arith.addf %parallel_loop3A_536, %parallel_loop3A_645 : vector<16xf32>
          %parallel_loop3A_648 = arith.constant 1 : i32
          %parallel_loop3A_649 = arith.index_cast %parallel_loop3A_648 : i32 to index
          %parallel_loop3A_650 = arith.index_cast %parallel_loop3A_548 : i32 to index
          %parallel_loop3A_651 = arith.constant 96 : index
          %parallel_loop3A_652 = tpu.vector_load %arg8[%parallel_loop3A_649, %parallel_loop3A_650, %parallel_loop3A_651] {strides = array<i32>} : memref<4x56x256xbf16, #tpu.memory_space<vmem>>, vector<32xbf16>,
          %parallel_loop3A_653 = arith.constant 1 : i32
          %parallel_loop3A_654 = arith.addi %parallel_loop3A_548, %parallel_loop3A_653 : i32
          %parallel_loop3A_655 = arith.constant 1 : i32
          %parallel_loop3A_656 = arith.index_cast %parallel_loop3A_655 : i32 to index
          %parallel_loop3A_657 = arith.index_cast %parallel_loop3A_654 : i32 to index
          %parallel_loop3A_658 = arith.constant 96 : index
          %parallel_loop3A_659 = tpu.vector_load %arg8[%parallel_loop3A_656, %parallel_loop3A_657, %parallel_loop3A_658] {strides = array<i32>} : memref<4x56x256xbf16, #tpu.memory_space<vmem>>, vector<32xbf16>,
          %parallel_loop3A_660 = arith.addf %parallel_loop3A_652, %parallel_loop3A_659 : vector<32xbf16>
          %parallel_loop3A_661 = arith.constant 2 : i32
          %parallel_loop3A_662 = arith.addi %parallel_loop3A_548, %parallel_loop3A_661 : i32
          %parallel_loop3A_663 = arith.constant 1 : i32
          %parallel_loop3A_664 = arith.index_cast %parallel_loop3A_663 : i32 to index
          %parallel_loop3A_665 = arith.index_cast %parallel_loop3A_662 : i32 to index
          %parallel_loop3A_666 = arith.constant 96 : index
          %parallel_loop3A_667 = tpu.vector_load %arg8[%parallel_loop3A_664, %parallel_loop3A_665, %parallel_loop3A_666] {strides = array<i32>} : memref<4x56x256xbf16, #tpu.memory_space<vmem>>, vector<32xbf16>,
          %parallel_loop3A_668 = arith.addf %parallel_loop3A_660, %parallel_loop3A_667 : vector<32xbf16>
          %parallel_loop3A_669 = arith.constant 3 : i32
          %parallel_loop3A_670 = arith.addi %parallel_loop3A_548, %parallel_loop3A_669 : i32
          %parallel_loop3A_671 = arith.constant 1 : i32
          %parallel_loop3A_672 = arith.index_cast %parallel_loop3A_671 : i32 to index
          %parallel_loop3A_673 = arith.index_cast %parallel_loop3A_670 : i32 to index
          %parallel_loop3A_674 = arith.constant 96 : index
          %parallel_loop3A_675 = tpu.vector_load %arg8[%parallel_loop3A_672, %parallel_loop3A_673, %parallel_loop3A_674] {strides = array<i32>} : memref<4x56x256xbf16, #tpu.memory_space<vmem>>, vector<32xbf16>,
          %parallel_loop3A_676 = arith.addf %parallel_loop3A_668, %parallel_loop3A_675 : vector<32xbf16>
          %parallel_loop3A_677 = tpu.unpack_subelements %parallel_loop3A_676, 0 {pack_format = #tpu.pack_format<interleaved>} : vector<32xbf16> -> vector<16xf32>
          %parallel_loop3A_678 = tpu.unpack_subelements %parallel_loop3A_676, 1 {pack_format = #tpu.pack_format<interleaved>} : vector<32xbf16> -> vector<16xf32>
          %parallel_loop3A_679 = arith.addf %parallel_loop3A_537, %parallel_loop3A_677 : vector<16xf32>
          %parallel_loop3A_680 = arith.addf %parallel_loop3A_538, %parallel_loop3A_678 : vector<16xf32>
          %parallel_loop3A_681 = arith.constant 1 : i32
          %parallel_loop3A_682 = arith.index_cast %parallel_loop3A_681 : i32 to index
          %parallel_loop3A_683 = arith.index_cast %parallel_loop3A_548 : i32 to index
          %parallel_loop3A_684 = arith.constant 128 : index
          %parallel_loop3A_685 = tpu.vector_load %arg8[%parallel_loop3A_682, %parallel_loop3A_683, %parallel_loop3A_684] {strides = array<i32>} : memref<4x56x256xbf16, #tpu.memory_space<vmem>>, vector<32xbf16>,
          %parallel_loop3A_686 = arith.constant 1 : i32
          %parallel_loop3A_687 = arith.addi %parallel_loop3A_548, %parallel_loop3A_686 : i32
          %parallel_loop3A_688 = arith.constant 1 : i32
          %parallel_loop3A_689 = arith.index_cast %parallel_loop3A_688 : i32 to index
          %parallel_loop3A_690 = arith.index_cast %parallel_loop3A_687 : i32 to index
          %parallel_loop3A_691 = arith.constant 128 : index
          %parallel_loop3A_692 = tpu.vector_load %arg8[%parallel_loop3A_689, %parallel_loop3A_690, %parallel_loop3A_691] {strides = array<i32>} : memref<4x56x256xbf16, #tpu.memory_space<vmem>>, vector<32xbf16>,
          %parallel_loop3A_693 = arith.addf %parallel_loop3A_685, %parallel_loop3A_692 : vector<32xbf16>
          %parallel_loop3A_694 = arith.constant 2 : i32
          %parallel_loop3A_695 = arith.addi %parallel_loop3A_548, %parallel_loop3A_694 : i32
          %parallel_loop3A_696 = arith.constant 1 : i32
          %parallel_loop3A_697 = arith.index_cast %parallel_loop3A_696 : i32 to index
          %parallel_loop3A_698 = arith.index_cast %parallel_loop3A_695 : i32 to index
          %parallel_loop3A_699 = arith.constant 128 : index
          %parallel_loop3A_700 = tpu.vector_load %arg8[%parallel_loop3A_697, %parallel_loop3A_698, %parallel_loop3A_699] {strides = array<i32>} : memref<4x56x256xbf16, #tpu.memory_space<vmem>>, vector<32xbf16>,
          %parallel_loop3A_701 = arith.addf %parallel_loop3A_693, %parallel_loop3A_700 : vector<32xbf16>
          %parallel_loop3A_702 = arith.constant 3 : i32
          %parallel_loop3A_703 = arith.addi %parallel_loop3A_548, %parallel_loop3A_702 : i32
          %parallel_loop3A_704 = arith.constant 1 : i32
          %parallel_loop3A_705 = arith.index_cast %parallel_loop3A_704 : i32 to index
          %parallel_loop3A_706 = arith.index_cast %parallel_loop3A_703 : i32 to index
          %parallel_loop3A_707 = arith.constant 128 : index
          %parallel_loop3A_708 = tpu.vector_load %arg8[%parallel_loop3A_705, %parallel_loop3A_706, %parallel_loop3A_707] {strides = array<i32>} : memref<4x56x256xbf16, #tpu.memory_space<vmem>>, vector<32xbf16>,
          %parallel_loop3A_709 = arith.addf %parallel_loop3A_701, %parallel_loop3A_708 : vector<32xbf16>
          %parallel_loop3A_710 = tpu.unpack_subelements %parallel_loop3A_709, 0 {pack_format = #tpu.pack_format<interleaved>} : vector<32xbf16> -> vector<16xf32>
          %parallel_loop3A_711 = tpu.unpack_subelements %parallel_loop3A_709, 1 {pack_format = #tpu.pack_format<interleaved>} : vector<32xbf16> -> vector<16xf32>
          %parallel_loop3A_712 = arith.addf %parallel_loop3A_539, %parallel_loop3A_710 : vector<16xf32>
          %parallel_loop3A_713 = arith.addf %parallel_loop3A_540, %parallel_loop3A_711 : vector<16xf32>
          %parallel_loop3A_714 = arith.constant 1 : i32
          %parallel_loop3A_715 = arith.index_cast %parallel_loop3A_714 : i32 to index
          %parallel_loop3A_716 = arith.index_cast %parallel_loop3A_548 : i32 to index
          %parallel_loop3A_717 = arith.constant 160 : index
          %parallel_loop3A_718 = tpu.vector_load %arg8[%parallel_loop3A_715, %parallel_loop3A_716, %parallel_loop3A_717] {strides = array<i32>} : memref<4x56x256xbf16, #tpu.memory_space<vmem>>, vector<32xbf16>,
          %parallel_loop3A_719 = arith.constant 1 : i32
          %parallel_loop3A_720 = arith.addi %parallel_loop3A_548, %parallel_loop3A_719 : i32
          %parallel_loop3A_721 = arith.constant 1 : i32
          %parallel_loop3A_722 = arith.index_cast %parallel_loop3A_721 : i32 to index
          %parallel_loop3A_723 = arith.index_cast %parallel_loop3A_720 : i32 to index
          %parallel_loop3A_724 = arith.constant 160 : index
          %parallel_loop3A_725 = tpu.vector_load %arg8[%parallel_loop3A_722, %parallel_loop3A_723, %parallel_loop3A_724] {strides = array<i32>} : memref<4x56x256xbf16, #tpu.memory_space<vmem>>, vector<32xbf16>,
          %parallel_loop3A_726 = arith.addf %parallel_loop3A_718, %parallel_loop3A_725 : vector<32xbf16>
          %parallel_loop3A_727 = arith.constant 2 : i32
          %parallel_loop3A_728 = arith.addi %parallel_loop3A_548, %parallel_loop3A_727 : i32
          %parallel_loop3A_729 = arith.constant 1 : i32
          %parallel_loop3A_730 = arith.index_cast %parallel_loop3A_729 : i32 to index
          %parallel_loop3A_731 = arith.index_cast %parallel_loop3A_728 : i32 to index
          %parallel_loop3A_732 = arith.constant 160 : index
          %parallel_loop3A_733 = tpu.vector_load %arg8[%parallel_loop3A_730, %parallel_loop3A_731, %parallel_loop3A_732] {strides = array<i32>} : memref<4x56x256xbf16, #tpu.memory_space<vmem>>, vector<32xbf16>,
          %parallel_loop3A_734 = arith.addf %parallel_loop3A_726, %parallel_loop3A_733 : vector<32xbf16>
          %parallel_loop3A_735 = arith.constant 3 : i32
          %parallel_loop3A_736 = arith.addi %parallel_loop3A_548, %parallel_loop3A_735 : i32
          %parallel_loop3A_737 = arith.constant 1 : i32
          %parallel_loop3A_738 = arith.index_cast %parallel_loop3A_737 : i32 to index
          %parallel_loop3A_739 = arith.index_cast %parallel_loop3A_736 : i32 to index
          %parallel_loop3A_740 = arith.constant 160 : index
          %parallel_loop3A_741 = tpu.vector_load %arg8[%parallel_loop3A_738, %parallel_loop3A_739, %parallel_loop3A_740] {strides = array<i32>} : memref<4x56x256xbf16, #tpu.memory_space<vmem>>, vector<32xbf16>,
          %parallel_loop3A_742 = arith.addf %parallel_loop3A_734, %parallel_loop3A_741 : vector<32xbf16>
          %parallel_loop3A_743 = tpu.unpack_subelements %parallel_loop3A_742, 0 {pack_format = #tpu.pack_format<interleaved>} : vector<32xbf16> -> vector<16xf32>
          %parallel_loop3A_744 = tpu.unpack_subelements %parallel_loop3A_742, 1 {pack_format = #tpu.pack_format<interleaved>} : vector<32xbf16> -> vector<16xf32>
          %parallel_loop3A_745 = arith.addf %parallel_loop3A_541, %parallel_loop3A_743 : vector<16xf32>
          %parallel_loop3A_746 = arith.addf %parallel_loop3A_542, %parallel_loop3A_744 : vector<16xf32>
          %parallel_loop3A_747 = arith.constant 1 : i32
          %parallel_loop3A_748 = arith.index_cast %parallel_loop3A_747 : i32 to index
          %parallel_loop3A_749 = arith.index_cast %parallel_loop3A_548 : i32 to index
          %parallel_loop3A_750 = arith.constant 192 : index
          %parallel_loop3A_751 = tpu.vector_load %arg8[%parallel_loop3A_748, %parallel_loop3A_749, %parallel_loop3A_750] {strides = array<i32>} : memref<4x56x256xbf16, #tpu.memory_space<vmem>>, vector<32xbf16>,
          %parallel_loop3A_752 = arith.constant 1 : i32
          %parallel_loop3A_753 = arith.addi %parallel_loop3A_548, %parallel_loop3A_752 : i32
          %parallel_loop3A_754 = arith.constant 1 : i32
          %parallel_loop3A_755 = arith.index_cast %parallel_loop3A_754 : i32 to index
          %parallel_loop3A_756 = arith.index_cast %parallel_loop3A_753 : i32 to index
          %parallel_loop3A_757 = arith.constant 192 : index
          %parallel_loop3A_758 = tpu.vector_load %arg8[%parallel_loop3A_755, %parallel_loop3A_756, %parallel_loop3A_757] {strides = array<i32>} : memref<4x56x256xbf16, #tpu.memory_space<vmem>>, vector<32xbf16>,
          %parallel_loop3A_759 = arith.addf %parallel_loop3A_751, %parallel_loop3A_758 : vector<32xbf16>
          %parallel_loop3A_760 = arith.constant 2 : i32
          %parallel_loop3A_761 = arith.addi %parallel_loop3A_548, %parallel_loop3A_760 : i32
          %parallel_loop3A_762 = arith.constant 1 : i32
          %parallel_loop3A_763 = arith.index_cast %parallel_loop3A_762 : i32 to index
          %parallel_loop3A_764 = arith.index_cast %parallel_loop3A_761 : i32 to index
          %parallel_loop3A_765 = arith.constant 192 : index
          %parallel_loop3A_766 = tpu.vector_load %arg8[%parallel_loop3A_763, %parallel_loop3A_764, %parallel_loop3A_765] {strides = array<i32>} : memref<4x56x256xbf16, #tpu.memory_space<vmem>>, vector<32xbf16>,
          %parallel_loop3A_767 = arith.addf %parallel_loop3A_759, %parallel_loop3A_766 : vector<32xbf16>
          %parallel_loop3A_768 = arith.constant 3 : i32
          %parallel_loop3A_769 = arith.addi %parallel_loop3A_548, %parallel_loop3A_768 : i32
          %parallel_loop3A_770 = arith.constant 1 : i32
          %parallel_loop3A_771 = arith.index_cast %parallel_loop3A_770 : i32 to index
          %parallel_loop3A_772 = arith.index_cast %parallel_loop3A_769 : i32 to index
          %parallel_loop3A_773 = arith.constant 192 : index
          %parallel_loop3A_774 = tpu.vector_load %arg8[%parallel_loop3A_771, %parallel_loop3A_772, %parallel_loop3A_773] {strides = array<i32>} : memref<4x56x256xbf16, #tpu.memory_space<vmem>>, vector<32xbf16>,
          %parallel_loop3A_775 = arith.addf %parallel_loop3A_767, %parallel_loop3A_774 : vector<32xbf16>
          %parallel_loop3A_776 = tpu.unpack_subelements %parallel_loop3A_775, 0 {pack_format = #tpu.pack_format<interleaved>} : vector<32xbf16> -> vector<16xf32>
          %parallel_loop3A_777 = tpu.unpack_subelements %parallel_loop3A_775, 1 {pack_format = #tpu.pack_format<interleaved>} : vector<32xbf16> -> vector<16xf32>
          %parallel_loop3A_778 = arith.addf %parallel_loop3A_543, %parallel_loop3A_776 : vector<16xf32>
          %parallel_loop3A_779 = arith.addf %parallel_loop3A_544, %parallel_loop3A_777 : vector<16xf32>
          %parallel_loop3A_780 = arith.constant 1 : i32
          %parallel_loop3A_781 = arith.index_cast %parallel_loop3A_780 : i32 to index
          %parallel_loop3A_782 = arith.index_cast %parallel_loop3A_548 : i32 to index
          %parallel_loop3A_783 = arith.constant 224 : index
          %parallel_loop3A_784 = tpu.vector_load %arg8[%parallel_loop3A_781, %parallel_loop3A_782, %parallel_loop3A_783] {strides = array<i32>} : memref<4x56x256xbf16, #tpu.memory_space<vmem>>, vector<32xbf16>,
          %parallel_loop3A_785 = arith.constant 1 : i32
          %parallel_loop3A_786 = arith.addi %parallel_loop3A_548, %parallel_loop3A_785 : i32
          %parallel_loop3A_787 = arith.constant 1 : i32
          %parallel_loop3A_788 = arith.index_cast %parallel_loop3A_787 : i32 to index
          %parallel_loop3A_789 = arith.index_cast %parallel_loop3A_786 : i32 to index
          %parallel_loop3A_790 = arith.constant 224 : index
          %parallel_loop3A_791 = tpu.vector_load %arg8[%parallel_loop3A_788, %parallel_loop3A_789, %parallel_loop3A_790] {strides = array<i32>} : memref<4x56x256xbf16, #tpu.memory_space<vmem>>, vector<32xbf16>,
          %parallel_loop3A_792 = arith.addf %parallel_loop3A_784, %parallel_loop3A_791 : vector<32xbf16>
          %parallel_loop3A_793 = arith.constant 2 : i32
          %parallel_loop3A_794 = arith.addi %parallel_loop3A_548, %parallel_loop3A_793 : i32
          %parallel_loop3A_795 = arith.constant 1 : i32
          %parallel_loop3A_796 = arith.index_cast %parallel_loop3A_795 : i32 to index
          %parallel_loop3A_797 = arith.index_cast %parallel_loop3A_794 : i32 to index
          %parallel_loop3A_798 = arith.constant 224 : index
          %parallel_loop3A_799 = tpu.vector_load %arg8[%parallel_loop3A_796, %parallel_loop3A_797, %parallel_loop3A_798] {strides = array<i32>} : memref<4x56x256xbf16, #tpu.memory_space<vmem>>, vector<32xbf16>,
          %parallel_loop3A_800 = arith.addf %parallel_loop3A_792, %parallel_loop3A_799 : vector<32xbf16>
          %parallel_loop3A_801 = arith.constant 3 : i32
          %parallel_loop3A_802 = arith.addi %parallel_loop3A_548, %parallel_loop3A_801 : i32
          %parallel_loop3A_803 = arith.constant 1 : i32
          %parallel_loop3A_804 = arith.index_cast %parallel_loop3A_803 : i32 to index
          %parallel_loop3A_805 = arith.index_cast %parallel_loop3A_802 : i32 to index
          %parallel_loop3A_806 = arith.constant 224 : index
          %parallel_loop3A_807 = tpu.vector_load %arg8[%parallel_loop3A_804, %parallel_loop3A_805, %parallel_loop3A_806] {strides = array<i32>} : memref<4x56x256xbf16, #tpu.memory_space<vmem>>, vector<32xbf16>,
          %parallel_loop3A_808 = arith.addf %parallel_loop3A_800, %parallel_loop3A_807 : vector<32xbf16>
          %parallel_loop3A_809 = tpu.unpack_subelements %parallel_loop3A_808, 0 {pack_format = #tpu.pack_format<interleaved>} : vector<32xbf16> -> vector<16xf32>
          %parallel_loop3A_810 = tpu.unpack_subelements %parallel_loop3A_808, 1 {pack_format = #tpu.pack_format<interleaved>} : vector<32xbf16> -> vector<16xf32>
          %parallel_loop3A_811 = arith.addf %parallel_loop3A_545, %parallel_loop3A_809 : vector<16xf32>
          %parallel_loop3A_812 = arith.addf %parallel_loop3A_546, %parallel_loop3A_810 : vector<16xf32>
          scf.yield %parallel_loop3A_515, %parallel_loop3A_516, %parallel_loop3A_517, %parallel_loop3A_518, %parallel_loop3A_519, %parallel_loop3A_520, %parallel_loop3A_521, %parallel_loop3A_522, %parallel_loop3A_523, %parallel_loop3A_524, %parallel_loop3A_525, %parallel_loop3A_526, %parallel_loop3A_527, %parallel_loop3A_528, %parallel_loop3A_529, %parallel_loop3A_530, %parallel_loop3A_580, %parallel_loop3A_581, %parallel_loop3A_613, %parallel_loop3A_614, %parallel_loop3A_646, %parallel_loop3A_647, %parallel_loop3A_679, %parallel_loop3A_680, %parallel_loop3A_712, %parallel_loop3A_713, %parallel_loop3A_745, %parallel_loop3A_746, %parallel_loop3A_778, %parallel_loop3A_779, %parallel_loop3A_811, %parallel_loop3A_812 : vector<16xf32>, vector<16xf32>, vector<16xf32>, vector<16xf32>, vector<16xf32>, vector<16xf32>, vector<16xf32>, vector<16xf32>, vector<16xf32>, vector<16xf32>, vector<16xf32>, vector<16xf32>, vector<16xf32>, vector<16xf32>, vector<16xf32>, vector<16xf32>, vector<16xf32>, vector<16xf32>, vector<16xf32>, vector<16xf32>, vector<16xf32>, vector<16xf32>, vector<16xf32>, vector<16xf32>, vector<16xf32>, vector<16xf32>, vector<16xf32>, vector<16xf32>, vector<16xf32>, vector<16xf32>, vector<16xf32>, vector<16xf32>
        } {sc.loop_unroll_factor = 2 : i64, sc.parallel_access}
        %add3A_278 = arith.constant 1 : i32
        %add3A_279 = arith.addi %scan3A_127, %add3A_278 : i32
        %lt3A_280 = arith.constant 16 : i32
        %lt3A_281 = arith.cmpi slt, %add3A_279, %lt3A_280 : i32
        %convert_element_type3A_282 = arith.extui %lt3A_281 : i1 to i32
        %cond3A_283 = arith.constant 0 : i32
        %cond3A_284 = arith.cmpi ne, %convert_element_type3A_282, %cond3A_283 : i32
        scf.if %cond3A_284 {
          %add3A_514 = arith.constant 1 : i32
          %add3A_515 = arith.addi %scan3A_127, %add3A_514 : i32
          %dma_start3A_516 = arith.constant 1 : i32
          %dma_start3A_517 = arith.constant 0 : i32
          %dma_start3A_518 = arith.constant 0 : i32
          %dma_start3A_519 = tpu.memref_slice %arg8[%dma_start3A_516, %dma_start3A_517, %dma_start3A_518] : memref<4x56x256xbf16, #tpu.memory_space<vmem>> -> memref<1x56x256xbf16, #tpu.memory_space<vmem>>
          %dma_start3A_520 = tpu.memref_squeeze %dma_start3A_519 : memref<1x56x256xbf16, #tpu.memory_space<vmem>> -> memref<56x256xbf16, #tpu.memory_space<vmem>>
          %dma_start3A_521 = arith.constant 0 : i32
          %dma_start3A_522 = tpu.memref_slice %arg7[%add3A_515, %dma_start3A_521] : memref<16x200xi32, #tpu.memory_space<vmem>> -> memref<1x56xi32, #tpu.memory_space<vmem>>
          %dma_start3A_523 = tpu.memref_squeeze %dma_start3A_522 : memref<1x56xi32, #tpu.memory_space<vmem>> -> memref<56xi32, #tpu.memory_space<vmem>>
          %dma_start3A_524 = arith.constant 0 : i32
          %dma_start3A_525 = arith.constant 0 : i32
          %dma_start3A_526 = tpu.memref_slice %arg9[%dma_start3A_524, %dma_start3A_525] : memref<10000x256xbf16, #tpu.memory_space<vmem_shared>> -> memref<10000x256xbf16, #tpu.memory_space<vmem_shared>>
          tpu.enqueue_indirect_dma source(%dma_start3A_526 : memref<10000x256xbf16, #tpu.memory_space<vmem_shared>>) target(%dma_start3A_520 : memref<56x256xbf16, #tpu.memory_space<vmem>>) offsets(%dma_start3A_523 : memref<56xi32, #tpu.memory_space<vmem>>) semaphore(%arg14 : memref<!tpu.dma_semaphore, #tpu.memory_space<semaphore_mem>>)
        } else {
        }
        %dma_wait3A_285 = arith.constant 2 : i32
        %dma_wait3A_286 = arith.constant 0 : i32
        %dma_wait3A_287 = arith.constant 0 : i32
        %dma_wait3A_288 = tpu.memref_slice %arg8[%dma_wait3A_285, %dma_wait3A_286, %dma_wait3A_287] : memref<4x56x256xbf16, #tpu.memory_space<vmem>> -> memref<1x48x256xbf16, #tpu.memory_space<vmem>>
        %dma_wait3A_289 = tpu.memref_squeeze %dma_wait3A_288 : memref<1x48x256xbf16, #tpu.memory_space<vmem>> -> memref<48x256xbf16, #tpu.memory_space<vmem>>
        %dma_wait3A_290 = arith.constant 152 : i32
        %dma_wait3A_291 = tpu.memref_slice %arg6[%scan3A_127, %dma_wait3A_290] : memref<16x200xi32, #tpu.memory_space<vmem>> -> memref<1x48xi32, #tpu.memory_space<vmem>>
        %dma_wait3A_292 = tpu.memref_squeeze %dma_wait3A_291 : memref<1x48xi32, #tpu.memory_space<vmem>> -> memref<48xi32, #tpu.memory_space<vmem>>
        %dma_wait3A_293 = arith.constant 0 : i32
        %dma_wait3A_294 = arith.constant 0 : i32
        %dma_wait3A_295 = tpu.memref_slice %arg9[%dma_wait3A_293, %dma_wait3A_294] : memref<10000x256xbf16, #tpu.memory_space<vmem_shared>> -> memref<10000x256xbf16, #tpu.memory_space<vmem_shared>>
        tpu.wait_indirect_dma semaphore(%arg15 : memref<!tpu.dma_semaphore, #tpu.memory_space<semaphore_mem>>) src(%dma_wait3A_295 : memref<10000x256xbf16, #tpu.memory_space<vmem_shared>>) dst(%dma_wait3A_289 : memref<48x256xbf16, #tpu.memory_space<vmem>>)
        %parallel_loop3A_296 = arith.constant 0 : i32
        %parallel_loop3A_297 = arith.constant 12 : i32
        %parallel_loop3A_298 = arith.constant 1 : i32
        %parallel_loop3A_299:32 = scf.for %parallel_loop3A_514 = %parallel_loop3A_296 to %parallel_loop3A_297 step %parallel_loop3A_298 iter_args(%parallel_loop3A_515 = %parallel_loop3A_277#0, %parallel_loop3A_516 = %parallel_loop3A_277#1, %parallel_loop3A_517 = %parallel_loop3A_277#2, %parallel_loop3A_518 = %parallel_loop3A_277#3, %parallel_loop3A_519 = %parallel_loop3A_277#4, %parallel_loop3A_520 = %parallel_loop3A_277#5, %parallel_loop3A_521 = %parallel_loop3A_277#6, %parallel_loop3A_522 = %parallel_loop3A_277#7, %parallel_loop3A_523 = %parallel_loop3A_277#8, %parallel_loop3A_524 = %parallel_loop3A_277#9, %parallel_loop3A_525 = %parallel_loop3A_277#10, %parallel_loop3A_526 = %parallel_loop3A_277#11, %parallel_loop3A_527 = %parallel_loop3A_277#12, %parallel_loop3A_528 = %parallel_loop3A_277#13, %parallel_loop3A_529 = %parallel_loop3A_277#14, %parallel_loop3A_530 = %parallel_loop3A_277#15, %parallel_loop3A_531 = %parallel_loop3A_277#16, %parallel_loop3A_532 = %parallel_loop3A_277#17, %parallel_loop3A_533 = %parallel_loop3A_277#18, %parallel_loop3A_534 = %parallel_loop3A_277#19, %parallel_loop3A_535 = %parallel_loop3A_277#20, %parallel_loop3A_536 = %parallel_loop3A_277#21, %parallel_loop3A_537 = %parallel_loop3A_277#22, %parallel_loop3A_538 = %parallel_loop3A_277#23, %parallel_loop3A_539 = %parallel_loop3A_277#24, %parallel_loop3A_540 = %parallel_loop3A_277#25, %parallel_loop3A_541 = %parallel_loop3A_277#26, %parallel_loop3A_542 = %parallel_loop3A_277#27, %parallel_loop3A_543 = %parallel_loop3A_277#28, %parallel_loop3A_544 = %parallel_loop3A_277#29, %parallel_loop3A_545 = %parallel_loop3A_277#30, %parallel_loop3A_546 = %parallel_loop3A_277#31) -> (vector<16xf32>, vector<16xf32>, vector<16xf32>, vector<16xf32>, vector<16xf32>, vector<16xf32>, vector<16xf32>, vector<16xf32>, vector<16xf32>, vector<16xf32>, vector<16xf32>, vector<16xf32>, vector<16xf32>, vector<16xf32>, vector<16xf32>, vector<16xf32>, vector<16xf32>, vector<16xf32>, vector<16xf32>, vector<16xf32>, vector<16xf32>, vector<16xf32>, vector<16xf32>, vector<16xf32>, vector<16xf32>, vector<16xf32>, vector<16xf32>, vector<16xf32>, vector<16xf32>, vector<16xf32>, vector<16xf32>, vector<16xf32>)  : i32 {
          %parallel_loop3A_547 = arith.constant 4 : i32
          %parallel_loop3A_548 = arith.muli %parallel_loop3A_514, %parallel_loop3A_547 : i32
          %parallel_loop3A_549 = arith.constant 2 : i32
          %parallel_loop3A_550 = arith.index_cast %parallel_loop3A_549 : i32 to index
          %parallel_loop3A_551 = arith.index_cast %parallel_loop3A_548 : i32 to index
          %parallel_loop3A_552 = arith.constant 0 : index
          %parallel_loop3A_553 = tpu.vector_load %arg8[%parallel_loop3A_550, %parallel_loop3A_551, %parallel_loop3A_552] {strides = array<i32>} : memref<4x56x256xbf16, #tpu.memory_space<vmem>>, vector<32xbf16>,
          %parallel_loop3A_554 = arith.constant 1 : i32
          %parallel_loop3A_555 = arith.addi %parallel_loop3A_548, %parallel_loop3A_554 : i32
          %parallel_loop3A_556 = arith.constant 2 : i32
          %parallel_loop3A_557 = arith.index_cast %parallel_loop3A_556 : i32 to index
          %parallel_loop3A_558 = arith.index_cast %parallel_loop3A_555 : i32 to index
          %parallel_loop3A_559 = arith.constant 0 : index
          %parallel_loop3A_560 = tpu.vector_load %arg8[%parallel_loop3A_557, %parallel_loop3A_558, %parallel_loop3A_559] {strides = array<i32>} : memref<4x56x256xbf16, #tpu.memory_space<vmem>>, vector<32xbf16>,
          %parallel_loop3A_561 = arith.addf %parallel_loop3A_553, %parallel_loop3A_560 : vector<32xbf16>
          %parallel_loop3A_562 = arith.constant 2 : i32
          %parallel_loop3A_563 = arith.addi %parallel_loop3A_548, %parallel_loop3A_562 : i32
          %parallel_loop3A_564 = arith.constant 2 : i32
          %parallel_loop3A_565 = arith.index_cast %parallel_loop3A_564 : i32 to index
          %parallel_loop3A_566 = arith.index_cast %parallel_loop3A_563 : i32 to index
          %parallel_loop3A_567 = arith.constant 0 : index
          %parallel_loop3A_568 = tpu.vector_load %arg8[%parallel_loop3A_565, %parallel_loop3A_566, %parallel_loop3A_567] {strides = array<i32>} : memref<4x56x256xbf16, #tpu.memory_space<vmem>>, vector<32xbf16>,
          %parallel_loop3A_569 = arith.addf %parallel_loop3A_561, %parallel_loop3A_568 : vector<32xbf16>
          %parallel_loop3A_570 = arith.constant 3 : i32
          %parallel_loop3A_571 = arith.addi %parallel_loop3A_548, %parallel_loop3A_570 : i32
          %parallel_loop3A_572 = arith.constant 2 : i32
          %parallel_loop3A_573 = arith.index_cast %parallel_loop3A_572 : i32 to index
          %parallel_loop3A_574 = arith.index_cast %parallel_loop3A_571 : i32 to index
          %parallel_loop3A_575 = arith.constant 0 : index
          %parallel_loop3A_576 = tpu.vector_load %arg8[%parallel_loop3A_573, %parallel_loop3A_574, %parallel_loop3A_575] {strides = array<i32>} : memref<4x56x256xbf16, #tpu.memory_space<vmem>>, vector<32xbf16>,
          %parallel_loop3A_577 = arith.addf %parallel_loop3A_569, %parallel_loop3A_576 : vector<32xbf16>
          %parallel_loop3A_578 = tpu.unpack_subelements %parallel_loop3A_577, 0 {pack_format = #tpu.pack_format<interleaved>} : vector<32xbf16> -> vector<16xf32>
          %parallel_loop3A_579 = tpu.unpack_subelements %parallel_loop3A_577, 1 {pack_format = #tpu.pack_format<interleaved>} : vector<32xbf16> -> vector<16xf32>
          %parallel_loop3A_580 = arith.addf %parallel_loop3A_515, %parallel_loop3A_578 : vector<16xf32>
          %parallel_loop3A_581 = arith.addf %parallel_loop3A_516, %parallel_loop3A_579 : vector<16xf32>
          %parallel_loop3A_582 = arith.constant 2 : i32
          %parallel_loop3A_583 = arith.index_cast %parallel_loop3A_582 : i32 to index
          %parallel_loop3A_584 = arith.index_cast %parallel_loop3A_548 : i32 to index
          %parallel_loop3A_585 = arith.constant 32 : index
          %parallel_loop3A_586 = tpu.vector_load %arg8[%parallel_loop3A_583, %parallel_loop3A_584, %parallel_loop3A_585] {strides = array<i32>} : memref<4x56x256xbf16, #tpu.memory_space<vmem>>, vector<32xbf16>,
          %parallel_loop3A_587 = arith.constant 1 : i32
          %parallel_loop3A_588 = arith.addi %parallel_loop3A_548, %parallel_loop3A_587 : i32
          %parallel_loop3A_589 = arith.constant 2 : i32
          %parallel_loop3A_590 = arith.index_cast %parallel_loop3A_589 : i32 to index
          %parallel_loop3A_591 = arith.index_cast %parallel_loop3A_588 : i32 to index
          %parallel_loop3A_592 = arith.constant 32 : index
          %parallel_loop3A_593 = tpu.vector_load %arg8[%parallel_loop3A_590, %parallel_loop3A_591, %parallel_loop3A_592] {strides = array<i32>} : memref<4x56x256xbf16, #tpu.memory_space<vmem>>, vector<32xbf16>,
          %parallel_loop3A_594 = arith.addf %parallel_loop3A_586, %parallel_loop3A_593 : vector<32xbf16>
          %parallel_loop3A_595 = arith.constant 2 : i32
          %parallel_loop3A_596 = arith.addi %parallel_loop3A_548, %parallel_loop3A_595 : i32
          %parallel_loop3A_597 = arith.constant 2 : i32
          %parallel_loop3A_598 = arith.index_cast %parallel_loop3A_597 : i32 to index
          %parallel_loop3A_599 = arith.index_cast %parallel_loop3A_596 : i32 to index
          %parallel_loop3A_600 = arith.constant 32 : index
          %parallel_loop3A_601 = tpu.vector_load %arg8[%parallel_loop3A_598, %parallel_loop3A_599, %parallel_loop3A_600] {strides = array<i32>} : memref<4x56x256xbf16, #tpu.memory_space<vmem>>, vector<32xbf16>,
          %parallel_loop3A_602 = arith.addf %parallel_loop3A_594, %parallel_loop3A_601 : vector<32xbf16>
          %parallel_loop3A_603 = arith.constant 3 : i32
          %parallel_loop3A_604 = arith.addi %parallel_loop3A_548, %parallel_loop3A_603 : i32
          %parallel_loop3A_605 = arith.constant 2 : i32
          %parallel_loop3A_606 = arith.index_cast %parallel_loop3A_605 : i32 to index
          %parallel_loop3A_607 = arith.index_cast %parallel_loop3A_604 : i32 to index
          %parallel_loop3A_608 = arith.constant 32 : index
          %parallel_loop3A_609 = tpu.vector_load %arg8[%parallel_loop3A_606, %parallel_loop3A_607, %parallel_loop3A_608] {strides = array<i32>} : memref<4x56x256xbf16, #tpu.memory_space<vmem>>, vector<32xbf16>,
          %parallel_loop3A_610 = arith.addf %parallel_loop3A_602, %parallel_loop3A_609 : vector<32xbf16>
          %parallel_loop3A_611 = tpu.unpack_subelements %parallel_loop3A_610, 0 {pack_format = #tpu.pack_format<interleaved>} : vector<32xbf16> -> vector<16xf32>
          %parallel_loop3A_612 = tpu.unpack_subelements %parallel_loop3A_610, 1 {pack_format = #tpu.pack_format<interleaved>} : vector<32xbf16> -> vector<16xf32>
          %parallel_loop3A_613 = arith.addf %parallel_loop3A_517, %parallel_loop3A_611 : vector<16xf32>
          %parallel_loop3A_614 = arith.addf %parallel_loop3A_518, %parallel_loop3A_612 : vector<16xf32>
          %parallel_loop3A_615 = arith.constant 2 : i32
          %parallel_loop3A_616 = arith.index_cast %parallel_loop3A_615 : i32 to index
          %parallel_loop3A_617 = arith.index_cast %parallel_loop3A_548 : i32 to index
          %parallel_loop3A_618 = arith.constant 64 : index
          %parallel_loop3A_619 = tpu.vector_load %arg8[%parallel_loop3A_616, %parallel_loop3A_617, %parallel_loop3A_618] {strides = array<i32>} : memref<4x56x256xbf16, #tpu.memory_space<vmem>>, vector<32xbf16>,
          %parallel_loop3A_620 = arith.constant 1 : i32
          %parallel_loop3A_621 = arith.addi %parallel_loop3A_548, %parallel_loop3A_620 : i32
          %parallel_loop3A_622 = arith.constant 2 : i32
          %parallel_loop3A_623 = arith.index_cast %parallel_loop3A_622 : i32 to index
          %parallel_loop3A_624 = arith.index_cast %parallel_loop3A_621 : i32 to index
          %parallel_loop3A_625 = arith.constant 64 : index
          %parallel_loop3A_626 = tpu.vector_load %arg8[%parallel_loop3A_623, %parallel_loop3A_624, %parallel_loop3A_625] {strides = array<i32>} : memref<4x56x256xbf16, #tpu.memory_space<vmem>>, vector<32xbf16>,
          %parallel_loop3A_627 = arith.addf %parallel_loop3A_619, %parallel_loop3A_626 : vector<32xbf16>
          %parallel_loop3A_628 = arith.constant 2 : i32
          %parallel_loop3A_629 = arith.addi %parallel_loop3A_548, %parallel_loop3A_628 : i32
          %parallel_loop3A_630 = arith.constant 2 : i32
          %parallel_loop3A_631 = arith.index_cast %parallel_loop3A_630 : i32 to index
          %parallel_loop3A_632 = arith.index_cast %parallel_loop3A_629 : i32 to index
          %parallel_loop3A_633 = arith.constant 64 : index
          %parallel_loop3A_634 = tpu.vector_load %arg8[%parallel_loop3A_631, %parallel_loop3A_632, %parallel_loop3A_633] {strides = array<i32>} : memref<4x56x256xbf16, #tpu.memory_space<vmem>>, vector<32xbf16>,
          %parallel_loop3A_635 = arith.addf %parallel_loop3A_627, %parallel_loop3A_634 : vector<32xbf16>
          %parallel_loop3A_636 = arith.constant 3 : i32
          %parallel_loop3A_637 = arith.addi %parallel_loop3A_548, %parallel_loop3A_636 : i32
          %parallel_loop3A_638 = arith.constant 2 : i32
          %parallel_loop3A_639 = arith.index_cast %parallel_loop3A_638 : i32 to index
          %parallel_loop3A_640 = arith.index_cast %parallel_loop3A_637 : i32 to index
          %parallel_loop3A_641 = arith.constant 64 : index
          %parallel_loop3A_642 = tpu.vector_load %arg8[%parallel_loop3A_639, %parallel_loop3A_640, %parallel_loop3A_641] {strides = array<i32>} : memref<4x56x256xbf16, #tpu.memory_space<vmem>>, vector<32xbf16>,
          %parallel_loop3A_643 = arith.addf %parallel_loop3A_635, %parallel_loop3A_642 : vector<32xbf16>
          %parallel_loop3A_644 = tpu.unpack_subelements %parallel_loop3A_643, 0 {pack_format = #tpu.pack_format<interleaved>} : vector<32xbf16> -> vector<16xf32>
          %parallel_loop3A_645 = tpu.unpack_subelements %parallel_loop3A_643, 1 {pack_format = #tpu.pack_format<interleaved>} : vector<32xbf16> -> vector<16xf32>
          %parallel_loop3A_646 = arith.addf %parallel_loop3A_519, %parallel_loop3A_644 : vector<16xf32>
          %parallel_loop3A_647 = arith.addf %parallel_loop3A_520, %parallel_loop3A_645 : vector<16xf32>
          %parallel_loop3A_648 = arith.constant 2 : i32
          %parallel_loop3A_649 = arith.index_cast %parallel_loop3A_648 : i32 to index
          %parallel_loop3A_650 = arith.index_cast %parallel_loop3A_548 : i32 to index
          %parallel_loop3A_651 = arith.constant 96 : index
          %parallel_loop3A_652 = tpu.vector_load %arg8[%parallel_loop3A_649, %parallel_loop3A_650, %parallel_loop3A_651] {strides = array<i32>} : memref<4x56x256xbf16, #tpu.memory_space<vmem>>, vector<32xbf16>,
          %parallel_loop3A_653 = arith.constant 1 : i32
          %parallel_loop3A_654 = arith.addi %parallel_loop3A_548, %parallel_loop3A_653 : i32
          %parallel_loop3A_655 = arith.constant 2 : i32
          %parallel_loop3A_656 = arith.index_cast %parallel_loop3A_655 : i32 to index
          %parallel_loop3A_657 = arith.index_cast %parallel_loop3A_654 : i32 to index
          %parallel_loop3A_658 = arith.constant 96 : index
          %parallel_loop3A_659 = tpu.vector_load %arg8[%parallel_loop3A_656, %parallel_loop3A_657, %parallel_loop3A_658] {strides = array<i32>} : memref<4x56x256xbf16, #tpu.memory_space<vmem>>, vector<32xbf16>,
          %parallel_loop3A_660 = arith.addf %parallel_loop3A_652, %parallel_loop3A_659 : vector<32xbf16>
          %parallel_loop3A_661 = arith.constant 2 : i32
          %parallel_loop3A_662 = arith.addi %parallel_loop3A_548, %parallel_loop3A_661 : i32
          %parallel_loop3A_663 = arith.constant 2 : i32
          %parallel_loop3A_664 = arith.index_cast %parallel_loop3A_663 : i32 to index
          %parallel_loop3A_665 = arith.index_cast %parallel_loop3A_662 : i32 to index
          %parallel_loop3A_666 = arith.constant 96 : index
          %parallel_loop3A_667 = tpu.vector_load %arg8[%parallel_loop3A_664, %parallel_loop3A_665, %parallel_loop3A_666] {strides = array<i32>} : memref<4x56x256xbf16, #tpu.memory_space<vmem>>, vector<32xbf16>,
          %parallel_loop3A_668 = arith.addf %parallel_loop3A_660, %parallel_loop3A_667 : vector<32xbf16>
          %parallel_loop3A_669 = arith.constant 3 : i32
          %parallel_loop3A_670 = arith.addi %parallel_loop3A_548, %parallel_loop3A_669 : i32
          %parallel_loop3A_671 = arith.constant 2 : i32
          %parallel_loop3A_672 = arith.index_cast %parallel_loop3A_671 : i32 to index
          %parallel_loop3A_673 = arith.index_cast %parallel_loop3A_670 : i32 to index
          %parallel_loop3A_674 = arith.constant 96 : index
          %parallel_loop3A_675 = tpu.vector_load %arg8[%parallel_loop3A_672, %parallel_loop3A_673, %parallel_loop3A_674] {strides = array<i32>} : memref<4x56x256xbf16, #tpu.memory_space<vmem>>, vector<32xbf16>,
          %parallel_loop3A_676 = arith.addf %parallel_loop3A_668, %parallel_loop3A_675 : vector<32xbf16>
          %parallel_loop3A_677 = tpu.unpack_subelements %parallel_loop3A_676, 0 {pack_format = #tpu.pack_format<interleaved>} : vector<32xbf16> -> vector<16xf32>
          %parallel_loop3A_678 = tpu.unpack_subelements %parallel_loop3A_676, 1 {pack_format = #tpu.pack_format<interleaved>} : vector<32xbf16> -> vector<16xf32>
          %parallel_loop3A_679 = arith.addf %parallel_loop3A_521, %parallel_loop3A_677 : vector<16xf32>
          %parallel_loop3A_680 = arith.addf %parallel_loop3A_522, %parallel_loop3A_678 : vector<16xf32>
          %parallel_loop3A_681 = arith.constant 2 : i32
          %parallel_loop3A_682 = arith.index_cast %parallel_loop3A_681 : i32 to index
          %parallel_loop3A_683 = arith.index_cast %parallel_loop3A_548 : i32 to index
          %parallel_loop3A_684 = arith.constant 128 : index
          %parallel_loop3A_685 = tpu.vector_load %arg8[%parallel_loop3A_682, %parallel_loop3A_683, %parallel_loop3A_684] {strides = array<i32>} : memref<4x56x256xbf16, #tpu.memory_space<vmem>>, vector<32xbf16>,
          %parallel_loop3A_686 = arith.constant 1 : i32
          %parallel_loop3A_687 = arith.addi %parallel_loop3A_548, %parallel_loop3A_686 : i32
          %parallel_loop3A_688 = arith.constant 2 : i32
          %parallel_loop3A_689 = arith.index_cast %parallel_loop3A_688 : i32 to index
          %parallel_loop3A_690 = arith.index_cast %parallel_loop3A_687 : i32 to index
          %parallel_loop3A_691 = arith.constant 128 : index
          %parallel_loop3A_692 = tpu.vector_load %arg8[%parallel_loop3A_689, %parallel_loop3A_690, %parallel_loop3A_691] {strides = array<i32>} : memref<4x56x256xbf16, #tpu.memory_space<vmem>>, vector<32xbf16>,
          %parallel_loop3A_693 = arith.addf %parallel_loop3A_685, %parallel_loop3A_692 : vector<32xbf16>
          %parallel_loop3A_694 = arith.constant 2 : i32
          %parallel_loop3A_695 = arith.addi %parallel_loop3A_548, %parallel_loop3A_694 : i32
          %parallel_loop3A_696 = arith.constant 2 : i32
          %parallel_loop3A_697 = arith.index_cast %parallel_loop3A_696 : i32 to index
          %parallel_loop3A_698 = arith.index_cast %parallel_loop3A_695 : i32 to index
          %parallel_loop3A_699 = arith.constant 128 : index
          %parallel_loop3A_700 = tpu.vector_load %arg8[%parallel_loop3A_697, %parallel_loop3A_698, %parallel_loop3A_699] {strides = array<i32>} : memref<4x56x256xbf16, #tpu.memory_space<vmem>>, vector<32xbf16>,
          %parallel_loop3A_701 = arith.addf %parallel_loop3A_693, %parallel_loop3A_700 : vector<32xbf16>
          %parallel_loop3A_702 = arith.constant 3 : i32
          %parallel_loop3A_703 = arith.addi %parallel_loop3A_548, %parallel_loop3A_702 : i32
          %parallel_loop3A_704 = arith.constant 2 : i32
          %parallel_loop3A_705 = arith.index_cast %parallel_loop3A_704 : i32 to index
          %parallel_loop3A_706 = arith.index_cast %parallel_loop3A_703 : i32 to index
          %parallel_loop3A_707 = arith.constant 128 : index
          %parallel_loop3A_708 = tpu.vector_load %arg8[%parallel_loop3A_705, %parallel_loop3A_706, %parallel_loop3A_707] {strides = array<i32>} : memref<4x56x256xbf16, #tpu.memory_space<vmem>>, vector<32xbf16>,
          %parallel_loop3A_709 = arith.addf %parallel_loop3A_701, %parallel_loop3A_708 : vector<32xbf16>
          %parallel_loop3A_710 = tpu.unpack_subelements %parallel_loop3A_709, 0 {pack_format = #tpu.pack_format<interleaved>} : vector<32xbf16> -> vector<16xf32>
          %parallel_loop3A_711 = tpu.unpack_subelements %parallel_loop3A_709, 1 {pack_format = #tpu.pack_format<interleaved>} : vector<32xbf16> -> vector<16xf32>
          %parallel_loop3A_712 = arith.addf %parallel_loop3A_523, %parallel_loop3A_710 : vector<16xf32>
          %parallel_loop3A_713 = arith.addf %parallel_loop3A_524, %parallel_loop3A_711 : vector<16xf32>
          %parallel_loop3A_714 = arith.constant 2 : i32
          %parallel_loop3A_715 = arith.index_cast %parallel_loop3A_714 : i32 to index
          %parallel_loop3A_716 = arith.index_cast %parallel_loop3A_548 : i32 to index
          %parallel_loop3A_717 = arith.constant 160 : index
          %parallel_loop3A_718 = tpu.vector_load %arg8[%parallel_loop3A_715, %parallel_loop3A_716, %parallel_loop3A_717] {strides = array<i32>} : memref<4x56x256xbf16, #tpu.memory_space<vmem>>, vector<32xbf16>,
          %parallel_loop3A_719 = arith.constant 1 : i32
          %parallel_loop3A_720 = arith.addi %parallel_loop3A_548, %parallel_loop3A_719 : i32
          %parallel_loop3A_721 = arith.constant 2 : i32
          %parallel_loop3A_722 = arith.index_cast %parallel_loop3A_721 : i32 to index
          %parallel_loop3A_723 = arith.index_cast %parallel_loop3A_720 : i32 to index
          %parallel_loop3A_724 = arith.constant 160 : index
          %parallel_loop3A_725 = tpu.vector_load %arg8[%parallel_loop3A_722, %parallel_loop3A_723, %parallel_loop3A_724] {strides = array<i32>} : memref<4x56x256xbf16, #tpu.memory_space<vmem>>, vector<32xbf16>,
          %parallel_loop3A_726 = arith.addf %parallel_loop3A_718, %parallel_loop3A_725 : vector<32xbf16>
          %parallel_loop3A_727 = arith.constant 2 : i32
          %parallel_loop3A_728 = arith.addi %parallel_loop3A_548, %parallel_loop3A_727 : i32
          %parallel_loop3A_729 = arith.constant 2 : i32
          %parallel_loop3A_730 = arith.index_cast %parallel_loop3A_729 : i32 to index
          %parallel_loop3A_731 = arith.index_cast %parallel_loop3A_728 : i32 to index
          %parallel_loop3A_732 = arith.constant 160 : index
          %parallel_loop3A_733 = tpu.vector_load %arg8[%parallel_loop3A_730, %parallel_loop3A_731, %parallel_loop3A_732] {strides = array<i32>} : memref<4x56x256xbf16, #tpu.memory_space<vmem>>, vector<32xbf16>,
          %parallel_loop3A_734 = arith.addf %parallel_loop3A_726, %parallel_loop3A_733 : vector<32xbf16>
          %parallel_loop3A_735 = arith.constant 3 : i32
          %parallel_loop3A_736 = arith.addi %parallel_loop3A_548, %parallel_loop3A_735 : i32
          %parallel_loop3A_737 = arith.constant 2 : i32
          %parallel_loop3A_738 = arith.index_cast %parallel_loop3A_737 : i32 to index
          %parallel_loop3A_739 = arith.index_cast %parallel_loop3A_736 : i32 to index
          %parallel_loop3A_740 = arith.constant 160 : index
          %parallel_loop3A_741 = tpu.vector_load %arg8[%parallel_loop3A_738, %parallel_loop3A_739, %parallel_loop3A_740] {strides = array<i32>} : memref<4x56x256xbf16, #tpu.memory_space<vmem>>, vector<32xbf16>,
          %parallel_loop3A_742 = arith.addf %parallel_loop3A_734, %parallel_loop3A_741 : vector<32xbf16>
          %parallel_loop3A_743 = tpu.unpack_subelements %parallel_loop3A_742, 0 {pack_format = #tpu.pack_format<interleaved>} : vector<32xbf16> -> vector<16xf32>
          %parallel_loop3A_744 = tpu.unpack_subelements %parallel_loop3A_742, 1 {pack_format = #tpu.pack_format<interleaved>} : vector<32xbf16> -> vector<16xf32>
          %parallel_loop3A_745 = arith.addf %parallel_loop3A_525, %parallel_loop3A_743 : vector<16xf32>
          %parallel_loop3A_746 = arith.addf %parallel_loop3A_526, %parallel_loop3A_744 : vector<16xf32>
          %parallel_loop3A_747 = arith.constant 2 : i32
          %parallel_loop3A_748 = arith.index_cast %parallel_loop3A_747 : i32 to index
          %parallel_loop3A_749 = arith.index_cast %parallel_loop3A_548 : i32 to index
          %parallel_loop3A_750 = arith.constant 192 : index
          %parallel_loop3A_751 = tpu.vector_load %arg8[%parallel_loop3A_748, %parallel_loop3A_749, %parallel_loop3A_750] {strides = array<i32>} : memref<4x56x256xbf16, #tpu.memory_space<vmem>>, vector<32xbf16>,
          %parallel_loop3A_752 = arith.constant 1 : i32
          %parallel_loop3A_753 = arith.addi %parallel_loop3A_548, %parallel_loop3A_752 : i32
          %parallel_loop3A_754 = arith.constant 2 : i32
          %parallel_loop3A_755 = arith.index_cast %parallel_loop3A_754 : i32 to index
          %parallel_loop3A_756 = arith.index_cast %parallel_loop3A_753 : i32 to index
          %parallel_loop3A_757 = arith.constant 192 : index
          %parallel_loop3A_758 = tpu.vector_load %arg8[%parallel_loop3A_755, %parallel_loop3A_756, %parallel_loop3A_757] {strides = array<i32>} : memref<4x56x256xbf16, #tpu.memory_space<vmem>>, vector<32xbf16>,
          %parallel_loop3A_759 = arith.addf %parallel_loop3A_751, %parallel_loop3A_758 : vector<32xbf16>
          %parallel_loop3A_760 = arith.constant 2 : i32
          %parallel_loop3A_761 = arith.addi %parallel_loop3A_548, %parallel_loop3A_760 : i32
          %parallel_loop3A_762 = arith.constant 2 : i32
          %parallel_loop3A_763 = arith.index_cast %parallel_loop3A_762 : i32 to index
          %parallel_loop3A_764 = arith.index_cast %parallel_loop3A_761 : i32 to index
          %parallel_loop3A_765 = arith.constant 192 : index
          %parallel_loop3A_766 = tpu.vector_load %arg8[%parallel_loop3A_763, %parallel_loop3A_764, %parallel_loop3A_765] {strides = array<i32>} : memref<4x56x256xbf16, #tpu.memory_space<vmem>>, vector<32xbf16>,
          %parallel_loop3A_767 = arith.addf %parallel_loop3A_759, %parallel_loop3A_766 : vector<32xbf16>
          %parallel_loop3A_768 = arith.constant 3 : i32
          %parallel_loop3A_769 = arith.addi %parallel_loop3A_548, %parallel_loop3A_768 : i32
          %parallel_loop3A_770 = arith.constant 2 : i32
          %parallel_loop3A_771 = arith.index_cast %parallel_loop3A_770 : i32 to index
          %parallel_loop3A_772 = arith.index_cast %parallel_loop3A_769 : i32 to index
          %parallel_loop3A_773 = arith.constant 192 : index
          %parallel_loop3A_774 = tpu.vector_load %arg8[%parallel_loop3A_771, %parallel_loop3A_772, %parallel_loop3A_773] {strides = array<i32>} : memref<4x56x256xbf16, #tpu.memory_space<vmem>>, vector<32xbf16>,
          %parallel_loop3A_775 = arith.addf %parallel_loop3A_767, %parallel_loop3A_774 : vector<32xbf16>
          %parallel_loop3A_776 = tpu.unpack_subelements %parallel_loop3A_775, 0 {pack_format = #tpu.pack_format<interleaved>} : vector<32xbf16> -> vector<16xf32>
          %parallel_loop3A_777 = tpu.unpack_subelements %parallel_loop3A_775, 1 {pack_format = #tpu.pack_format<interleaved>} : vector<32xbf16> -> vector<16xf32>
          %parallel_loop3A_778 = arith.addf %parallel_loop3A_527, %parallel_loop3A_776 : vector<16xf32>
          %parallel_loop3A_779 = arith.addf %parallel_loop3A_528, %parallel_loop3A_777 : vector<16xf32>
          %parallel_loop3A_780 = arith.constant 2 : i32
          %parallel_loop3A_781 = arith.index_cast %parallel_loop3A_780 : i32 to index
          %parallel_loop3A_782 = arith.index_cast %parallel_loop3A_548 : i32 to index
          %parallel_loop3A_783 = arith.constant 224 : index
          %parallel_loop3A_784 = tpu.vector_load %arg8[%parallel_loop3A_781, %parallel_loop3A_782, %parallel_loop3A_783] {strides = array<i32>} : memref<4x56x256xbf16, #tpu.memory_space<vmem>>, vector<32xbf16>,
          %parallel_loop3A_785 = arith.constant 1 : i32
          %parallel_loop3A_786 = arith.addi %parallel_loop3A_548, %parallel_loop3A_785 : i32
          %parallel_loop3A_787 = arith.constant 2 : i32
          %parallel_loop3A_788 = arith.index_cast %parallel_loop3A_787 : i32 to index
          %parallel_loop3A_789 = arith.index_cast %parallel_loop3A_786 : i32 to index
          %parallel_loop3A_790 = arith.constant 224 : index
          %parallel_loop3A_791 = tpu.vector_load %arg8[%parallel_loop3A_788, %parallel_loop3A_789, %parallel_loop3A_790] {strides = array<i32>} : memref<4x56x256xbf16, #tpu.memory_space<vmem>>, vector<32xbf16>,
          %parallel_loop3A_792 = arith.addf %parallel_loop3A_784, %parallel_loop3A_791 : vector<32xbf16>
          %parallel_loop3A_793 = arith.constant 2 : i32
          %parallel_loop3A_794 = arith.addi %parallel_loop3A_548, %parallel_loop3A_793 : i32
          %parallel_loop3A_795 = arith.constant 2 : i32
          %parallel_loop3A_796 = arith.index_cast %parallel_loop3A_795 : i32 to index
          %parallel_loop3A_797 = arith.index_cast %parallel_loop3A_794 : i32 to index
          %parallel_loop3A_798 = arith.constant 224 : index
          %parallel_loop3A_799 = tpu.vector_load %arg8[%parallel_loop3A_796, %parallel_loop3A_797, %parallel_loop3A_798] {strides = array<i32>} : memref<4x56x256xbf16, #tpu.memory_space<vmem>>, vector<32xbf16>,
          %parallel_loop3A_800 = arith.addf %parallel_loop3A_792, %parallel_loop3A_799 : vector<32xbf16>
          %parallel_loop3A_801 = arith.constant 3 : i32
          %parallel_loop3A_802 = arith.addi %parallel_loop3A_548, %parallel_loop3A_801 : i32
          %parallel_loop3A_803 = arith.constant 2 : i32
          %parallel_loop3A_804 = arith.index_cast %parallel_loop3A_803 : i32 to index
          %parallel_loop3A_805 = arith.index_cast %parallel_loop3A_802 : i32 to index
          %parallel_loop3A_806 = arith.constant 224 : index
          %parallel_loop3A_807 = tpu.vector_load %arg8[%parallel_loop3A_804, %parallel_loop3A_805, %parallel_loop3A_806] {strides = array<i32>} : memref<4x56x256xbf16, #tpu.memory_space<vmem>>, vector<32xbf16>,
          %parallel_loop3A_808 = arith.addf %parallel_loop3A_800, %parallel_loop3A_807 : vector<32xbf16>
          %parallel_loop3A_809 = tpu.unpack_subelements %parallel_loop3A_808, 0 {pack_format = #tpu.pack_format<interleaved>} : vector<32xbf16> -> vector<16xf32>
          %parallel_loop3A_810 = tpu.unpack_subelements %parallel_loop3A_808, 1 {pack_format = #tpu.pack_format<interleaved>} : vector<32xbf16> -> vector<16xf32>
          %parallel_loop3A_811 = arith.addf %parallel_loop3A_529, %parallel_loop3A_809 : vector<16xf32>
          %parallel_loop3A_812 = arith.addf %parallel_loop3A_530, %parallel_loop3A_810 : vector<16xf32>
          scf.yield %parallel_loop3A_580, %parallel_loop3A_581, %parallel_loop3A_613, %parallel_loop3A_614, %parallel_loop3A_646, %parallel_loop3A_647, %parallel_loop3A_679, %parallel_loop3A_680, %parallel_loop3A_712, %parallel_loop3A_713, %parallel_loop3A_745, %parallel_loop3A_746, %parallel_loop3A_778, %parallel_loop3A_779, %parallel_loop3A_811, %parallel_loop3A_812, %parallel_loop3A_531, %parallel_loop3A_532, %parallel_loop3A_533, %parallel_loop3A_534, %parallel_loop3A_535, %parallel_loop3A_536, %parallel_loop3A_537, %parallel_loop3A_538, %parallel_loop3A_539, %parallel_loop3A_540, %parallel_loop3A_541, %parallel_loop3A_542, %parallel_loop3A_543, %parallel_loop3A_544, %parallel_loop3A_545, %parallel_loop3A_546 : vector<16xf32>, vector<16xf32>, vector<16xf32>, vector<16xf32>, vector<16xf32>, vector<16xf32>, vector<16xf32>, vector<16xf32>, vector<16xf32>, vector<16xf32>, vector<16xf32>, vector<16xf32>, vector<16xf32>, vector<16xf32>, vector<16xf32>, vector<16xf32>, vector<16xf32>, vector<16xf32>, vector<16xf32>, vector<16xf32>, vector<16xf32>, vector<16xf32>, vector<16xf32>, vector<16xf32>, vector<16xf32>, vector<16xf32>, vector<16xf32>, vector<16xf32>, vector<16xf32>, vector<16xf32>, vector<16xf32>, vector<16xf32>
        } {sc.loop_unroll_factor = 2 : i64, sc.parallel_access}
        %add3A_300 = arith.constant 1 : i32
        %add3A_301 = arith.addi %scan3A_127, %add3A_300 : i32
        %lt3A_302 = arith.constant 16 : i32
        %lt3A_303 = arith.cmpi slt, %add3A_301, %lt3A_302 : i32
        %convert_element_type3A_304 = arith.extui %lt3A_303 : i1 to i32
        %cond3A_305 = arith.constant 0 : i32
        %cond3A_306 = arith.cmpi ne, %convert_element_type3A_304, %cond3A_305 : i32
        scf.if %cond3A_306 {
          %add3A_514 = arith.constant 1 : i32
          %add3A_515 = arith.addi %scan3A_127, %add3A_514 : i32
          %dma_start3A_516 = arith.constant 2 : i32
          %dma_start3A_517 = arith.constant 0 : i32
          %dma_start3A_518 = arith.constant 0 : i32
          %dma_start3A_519 = tpu.memref_slice %arg8[%dma_start3A_516, %dma_start3A_517, %dma_start3A_518] : memref<4x56x256xbf16, #tpu.memory_space<vmem>> -> memref<1x48x256xbf16, #tpu.memory_space<vmem>>
          %dma_start3A_520 = tpu.memref_squeeze %dma_start3A_519 : memref<1x48x256xbf16, #tpu.memory_space<vmem>> -> memref<48x256xbf16, #tpu.memory_space<vmem>>
          %dma_start3A_521 = arith.constant 56 : i32
          %dma_start3A_522 = tpu.memref_slice %arg6[%add3A_515, %dma_start3A_521] : memref<16x200xi32, #tpu.memory_space<vmem>> -> memref<1x48xi32, #tpu.memory_space<vmem>>
          %dma_start3A_523 = tpu.memref_squeeze %dma_start3A_522 : memref<1x48xi32, #tpu.memory_space<vmem>> -> memref<48xi32, #tpu.memory_space<vmem>>
          %dma_start3A_524 = arith.constant 0 : i32
          %dma_start3A_525 = arith.constant 0 : i32
          %dma_start3A_526 = tpu.memref_slice %arg9[%dma_start3A_524, %dma_start3A_525] : memref<10000x256xbf16, #tpu.memory_space<vmem_shared>> -> memref<10000x256xbf16, #tpu.memory_space<vmem_shared>>
          tpu.enqueue_indirect_dma source(%dma_start3A_526 : memref<10000x256xbf16, #tpu.memory_space<vmem_shared>>) target(%dma_start3A_520 : memref<48x256xbf16, #tpu.memory_space<vmem>>) offsets(%dma_start3A_523 : memref<48xi32, #tpu.memory_space<vmem>>) semaphore(%arg15 : memref<!tpu.dma_semaphore, #tpu.memory_space<semaphore_mem>>)
        } else {
        }
        %dma_wait3A_307 = arith.constant 3 : i32
        %dma_wait3A_308 = arith.constant 0 : i32
        %dma_wait3A_309 = arith.constant 0 : i32
        %dma_wait3A_310 = tpu.memref_slice %arg8[%dma_wait3A_307, %dma_wait3A_308, %dma_wait3A_309] : memref<4x56x256xbf16, #tpu.memory_space<vmem>> -> memref<1x48x256xbf16, #tpu.memory_space<vmem>>
        %dma_wait3A_311 = tpu.memref_squeeze %dma_wait3A_310 : memref<1x48x256xbf16, #tpu.memory_space<vmem>> -> memref<48x256xbf16, #tpu.memory_space<vmem>>
        %dma_wait3A_312 = arith.constant 152 : i32
        %dma_wait3A_313 = tpu.memref_slice %arg7[%scan3A_127, %dma_wait3A_312] : memref<16x200xi32, #tpu.memory_space<vmem>> -> memref<1x48xi32, #tpu.memory_space<vmem>>
        %dma_wait3A_314 = tpu.memref_squeeze %dma_wait3A_313 : memref<1x48xi32, #tpu.memory_space<vmem>> -> memref<48xi32, #tpu.memory_space<vmem>>
        %dma_wait3A_315 = arith.constant 0 : i32
        %dma_wait3A_316 = arith.constant 0 : i32
        %dma_wait3A_317 = tpu.memref_slice %arg9[%dma_wait3A_315, %dma_wait3A_316] : memref<10000x256xbf16, #tpu.memory_space<vmem_shared>> -> memref<10000x256xbf16, #tpu.memory_space<vmem_shared>>
        tpu.wait_indirect_dma semaphore(%arg16 : memref<!tpu.dma_semaphore, #tpu.memory_space<semaphore_mem>>) src(%dma_wait3A_317 : memref<10000x256xbf16, #tpu.memory_space<vmem_shared>>) dst(%dma_wait3A_311 : memref<48x256xbf16, #tpu.memory_space<vmem>>)
        %parallel_loop3A_318 = arith.constant 0 : i32
        %parallel_loop3A_319 = arith.constant 12 : i32
        %parallel_loop3A_320 = arith.constant 1 : i32
        %parallel_loop3A_321:32 = scf.for %parallel_loop3A_514 = %parallel_loop3A_318 to %parallel_loop3A_319 step %parallel_loop3A_320 iter_args(%parallel_loop3A_515 = %parallel_loop3A_299#0, %parallel_loop3A_516 = %parallel_loop3A_299#1, %parallel_loop3A_517 = %parallel_loop3A_299#2, %parallel_loop3A_518 = %parallel_loop3A_299#3, %parallel_loop3A_519 = %parallel_loop3A_299#4, %parallel_loop3A_520 = %parallel_loop3A_299#5, %parallel_loop3A_521 = %parallel_loop3A_299#6, %parallel_loop3A_522 = %parallel_loop3A_299#7, %parallel_loop3A_523 = %parallel_loop3A_299#8, %parallel_loop3A_524 = %parallel_loop3A_299#9, %parallel_loop3A_525 = %parallel_loop3A_299#10, %parallel_loop3A_526 = %parallel_loop3A_299#11, %parallel_loop3A_527 = %parallel_loop3A_299#12, %parallel_loop3A_528 = %parallel_loop3A_299#13, %parallel_loop3A_529 = %parallel_loop3A_299#14, %parallel_loop3A_530 = %parallel_loop3A_299#15, %parallel_loop3A_531 = %parallel_loop3A_299#16, %parallel_loop3A_532 = %parallel_loop3A_299#17, %parallel_loop3A_533 = %parallel_loop3A_299#18, %parallel_loop3A_534 = %parallel_loop3A_299#19, %parallel_loop3A_535 = %parallel_loop3A_299#20, %parallel_loop3A_536 = %parallel_loop3A_299#21, %parallel_loop3A_537 = %parallel_loop3A_299#22, %parallel_loop3A_538 = %parallel_loop3A_299#23, %parallel_loop3A_539 = %parallel_loop3A_299#24, %parallel_loop3A_540 = %parallel_loop3A_299#25, %parallel_loop3A_541 = %parallel_loop3A_299#26, %parallel_loop3A_542 = %parallel_loop3A_299#27, %parallel_loop3A_543 = %parallel_loop3A_299#28, %parallel_loop3A_544 = %parallel_loop3A_299#29, %parallel_loop3A_545 = %parallel_loop3A_299#30, %parallel_loop3A_546 = %parallel_loop3A_299#31) -> (vector<16xf32>, vector<16xf32>, vector<16xf32>, vector<16xf32>, vector<16xf32>, vector<16xf32>, vector<16xf32>, vector<16xf32>, vector<16xf32>, vector<16xf32>, vector<16xf32>, vector<16xf32>, vector<16xf32>, vector<16xf32>, vector<16xf32>, vector<16xf32>, vector<16xf32>, vector<16xf32>, vector<16xf32>, vector<16xf32>, vector<16xf32>, vector<16xf32>, vector<16xf32>, vector<16xf32>, vector<16xf32>, vector<16xf32>, vector<16xf32>, vector<16xf32>, vector<16xf32>, vector<16xf32>, vector<16xf32>, vector<16xf32>)  : i32 {
          %parallel_loop3A_547 = arith.constant 4 : i32
          %parallel_loop3A_548 = arith.muli %parallel_loop3A_514, %parallel_loop3A_547 : i32
          %parallel_loop3A_549 = arith.constant 3 : i32
          %parallel_loop3A_550 = arith.index_cast %parallel_loop3A_549 : i32 to index
          %parallel_loop3A_551 = arith.index_cast %parallel_loop3A_548 : i32 to index
          %parallel_loop3A_552 = arith.constant 0 : index
          %parallel_loop3A_553 = tpu.vector_load %arg8[%parallel_loop3A_550, %parallel_loop3A_551, %parallel_loop3A_552] {strides = array<i32>} : memref<4x56x256xbf16, #tpu.memory_space<vmem>>, vector<32xbf16>,
          %parallel_loop3A_554 = arith.constant 1 : i32
          %parallel_loop3A_555 = arith.addi %parallel_loop3A_548, %parallel_loop3A_554 : i32
          %parallel_loop3A_556 = arith.constant 3 : i32
          %parallel_loop3A_557 = arith.index_cast %parallel_loop3A_556 : i32 to index
          %parallel_loop3A_558 = arith.index_cast %parallel_loop3A_555 : i32 to index
          %parallel_loop3A_559 = arith.constant 0 : index
          %parallel_loop3A_560 = tpu.vector_load %arg8[%parallel_loop3A_557, %parallel_loop3A_558, %parallel_loop3A_559] {strides = array<i32>} : memref<4x56x256xbf16, #tpu.memory_space<vmem>>, vector<32xbf16>,
          %parallel_loop3A_561 = arith.addf %parallel_loop3A_553, %parallel_loop3A_560 : vector<32xbf16>
          %parallel_loop3A_562 = arith.constant 2 : i32
          %parallel_loop3A_563 = arith.addi %parallel_loop3A_548, %parallel_loop3A_562 : i32
          %parallel_loop3A_564 = arith.constant 3 : i32
          %parallel_loop3A_565 = arith.index_cast %parallel_loop3A_564 : i32 to index
          %parallel_loop3A_566 = arith.index_cast %parallel_loop3A_563 : i32 to index
          %parallel_loop3A_567 = arith.constant 0 : index
          %parallel_loop3A_568 = tpu.vector_load %arg8[%parallel_loop3A_565, %parallel_loop3A_566, %parallel_loop3A_567] {strides = array<i32>} : memref<4x56x256xbf16, #tpu.memory_space<vmem>>, vector<32xbf16>,
          %parallel_loop3A_569 = arith.addf %parallel_loop3A_561, %parallel_loop3A_568 : vector<32xbf16>
          %parallel_loop3A_570 = arith.constant 3 : i32
          %parallel_loop3A_571 = arith.addi %parallel_loop3A_548, %parallel_loop3A_570 : i32
          %parallel_loop3A_572 = arith.constant 3 : i32
          %parallel_loop3A_573 = arith.index_cast %parallel_loop3A_572 : i32 to index
          %parallel_loop3A_574 = arith.index_cast %parallel_loop3A_571 : i32 to index
          %parallel_loop3A_575 = arith.constant 0 : index
          %parallel_loop3A_576 = tpu.vector_load %arg8[%parallel_loop3A_573, %parallel_loop3A_574, %parallel_loop3A_575] {strides = array<i32>} : memref<4x56x256xbf16, #tpu.memory_space<vmem>>, vector<32xbf16>,
          %parallel_loop3A_577 = arith.addf %parallel_loop3A_569, %parallel_loop3A_576 : vector<32xbf16>
          %parallel_loop3A_578 = tpu.unpack_subelements %parallel_loop3A_577, 0 {pack_format = #tpu.pack_format<interleaved>} : vector<32xbf16> -> vector<16xf32>
          %parallel_loop3A_579 = tpu.unpack_subelements %parallel_loop3A_577, 1 {pack_format = #tpu.pack_format<interleaved>} : vector<32xbf16> -> vector<16xf32>
          %parallel_loop3A_580 = arith.addf %parallel_loop3A_531, %parallel_loop3A_578 : vector<16xf32>
          %parallel_loop3A_581 = arith.addf %parallel_loop3A_532, %parallel_loop3A_579 : vector<16xf32>
          %parallel_loop3A_582 = arith.constant 3 : i32
          %parallel_loop3A_583 = arith.index_cast %parallel_loop3A_582 : i32 to index
          %parallel_loop3A_584 = arith.index_cast %parallel_loop3A_548 : i32 to index
          %parallel_loop3A_585 = arith.constant 32 : index
          %parallel_loop3A_586 = tpu.vector_load %arg8[%parallel_loop3A_583, %parallel_loop3A_584, %parallel_loop3A_585] {strides = array<i32>} : memref<4x56x256xbf16, #tpu.memory_space<vmem>>, vector<32xbf16>,
          %parallel_loop3A_587 = arith.constant 1 : i32
          %parallel_loop3A_588 = arith.addi %parallel_loop3A_548, %parallel_loop3A_587 : i32
          %parallel_loop3A_589 = arith.constant 3 : i32
          %parallel_loop3A_590 = arith.index_cast %parallel_loop3A_589 : i32 to index
          %parallel_loop3A_591 = arith.index_cast %parallel_loop3A_588 : i32 to index
          %parallel_loop3A_592 = arith.constant 32 : index
          %parallel_loop3A_593 = tpu.vector_load %arg8[%parallel_loop3A_590, %parallel_loop3A_591, %parallel_loop3A_592] {strides = array<i32>} : memref<4x56x256xbf16, #tpu.memory_space<vmem>>, vector<32xbf16>,
          %parallel_loop3A_594 = arith.addf %parallel_loop3A_586, %parallel_loop3A_593 : vector<32xbf16>
          %parallel_loop3A_595 = arith.constant 2 : i32
          %parallel_loop3A_596 = arith.addi %parallel_loop3A_548, %parallel_loop3A_595 : i32
          %parallel_loop3A_597 = arith.constant 3 : i32
          %parallel_loop3A_598 = arith.index_cast %parallel_loop3A_597 : i32 to index
          %parallel_loop3A_599 = arith.index_cast %parallel_loop3A_596 : i32 to index
          %parallel_loop3A_600 = arith.constant 32 : index
          %parallel_loop3A_601 = tpu.vector_load %arg8[%parallel_loop3A_598, %parallel_loop3A_599, %parallel_loop3A_600] {strides = array<i32>} : memref<4x56x256xbf16, #tpu.memory_space<vmem>>, vector<32xbf16>,
          %parallel_loop3A_602 = arith.addf %parallel_loop3A_594, %parallel_loop3A_601 : vector<32xbf16>
          %parallel_loop3A_603 = arith.constant 3 : i32
          %parallel_loop3A_604 = arith.addi %parallel_loop3A_548, %parallel_loop3A_603 : i32
          %parallel_loop3A_605 = arith.constant 3 : i32
          %parallel_loop3A_606 = arith.index_cast %parallel_loop3A_605 : i32 to index
          %parallel_loop3A_607 = arith.index_cast %parallel_loop3A_604 : i32 to index
          %parallel_loop3A_608 = arith.constant 32 : index
          %parallel_loop3A_609 = tpu.vector_load %arg8[%parallel_loop3A_606, %parallel_loop3A_607, %parallel_loop3A_608] {strides = array<i32>} : memref<4x56x256xbf16, #tpu.memory_space<vmem>>, vector<32xbf16>,
          %parallel_loop3A_610 = arith.addf %parallel_loop3A_602, %parallel_loop3A_609 : vector<32xbf16>
          %parallel_loop3A_611 = tpu.unpack_subelements %parallel_loop3A_610, 0 {pack_format = #tpu.pack_format<interleaved>} : vector<32xbf16> -> vector<16xf32>
          %parallel_loop3A_612 = tpu.unpack_subelements %parallel_loop3A_610, 1 {pack_format = #tpu.pack_format<interleaved>} : vector<32xbf16> -> vector<16xf32>
          %parallel_loop3A_613 = arith.addf %parallel_loop3A_533, %parallel_loop3A_611 : vector<16xf32>
          %parallel_loop3A_614 = arith.addf %parallel_loop3A_534, %parallel_loop3A_612 : vector<16xf32>
          %parallel_loop3A_615 = arith.constant 3 : i32
          %parallel_loop3A_616 = arith.index_cast %parallel_loop3A_615 : i32 to index
          %parallel_loop3A_617 = arith.index_cast %parallel_loop3A_548 : i32 to index
          %parallel_loop3A_618 = arith.constant 64 : index
          %parallel_loop3A_619 = tpu.vector_load %arg8[%parallel_loop3A_616, %parallel_loop3A_617, %parallel_loop3A_618] {strides = array<i32>} : memref<4x56x256xbf16, #tpu.memory_space<vmem>>, vector<32xbf16>,
          %parallel_loop3A_620 = arith.constant 1 : i32
          %parallel_loop3A_621 = arith.addi %parallel_loop3A_548, %parallel_loop3A_620 : i32
          %parallel_loop3A_622 = arith.constant 3 : i32
          %parallel_loop3A_623 = arith.index_cast %parallel_loop3A_622 : i32 to index
          %parallel_loop3A_624 = arith.index_cast %parallel_loop3A_621 : i32 to index
          %parallel_loop3A_625 = arith.constant 64 : index
          %parallel_loop3A_626 = tpu.vector_load %arg8[%parallel_loop3A_623, %parallel_loop3A_624, %parallel_loop3A_625] {strides = array<i32>} : memref<4x56x256xbf16, #tpu.memory_space<vmem>>, vector<32xbf16>,
          %parallel_loop3A_627 = arith.addf %parallel_loop3A_619, %parallel_loop3A_626 : vector<32xbf16>
          %parallel_loop3A_628 = arith.constant 2 : i32
          %parallel_loop3A_629 = arith.addi %parallel_loop3A_548, %parallel_loop3A_628 : i32
          %parallel_loop3A_630 = arith.constant 3 : i32
          %parallel_loop3A_631 = arith.index_cast %parallel_loop3A_630 : i32 to index
          %parallel_loop3A_632 = arith.index_cast %parallel_loop3A_629 : i32 to index
          %parallel_loop3A_633 = arith.constant 64 : index
          %parallel_loop3A_634 = tpu.vector_load %arg8[%parallel_loop3A_631, %parallel_loop3A_632, %parallel_loop3A_633] {strides = array<i32>} : memref<4x56x256xbf16, #tpu.memory_space<vmem>>, vector<32xbf16>,
          %parallel_loop3A_635 = arith.addf %parallel_loop3A_627, %parallel_loop3A_634 : vector<32xbf16>
          %parallel_loop3A_636 = arith.constant 3 : i32
          %parallel_loop3A_637 = arith.addi %parallel_loop3A_548, %parallel_loop3A_636 : i32
          %parallel_loop3A_638 = arith.constant 3 : i32
          %parallel_loop3A_639 = arith.index_cast %parallel_loop3A_638 : i32 to index
          %parallel_loop3A_640 = arith.index_cast %parallel_loop3A_637 : i32 to index
          %parallel_loop3A_641 = arith.constant 64 : index
          %parallel_loop3A_642 = tpu.vector_load %arg8[%parallel_loop3A_639, %parallel_loop3A_640, %parallel_loop3A_641] {strides = array<i32>} : memref<4x56x256xbf16, #tpu.memory_space<vmem>>, vector<32xbf16>,
          %parallel_loop3A_643 = arith.addf %parallel_loop3A_635, %parallel_loop3A_642 : vector<32xbf16>
          %parallel_loop3A_644 = tpu.unpack_subelements %parallel_loop3A_643, 0 {pack_format = #tpu.pack_format<interleaved>} : vector<32xbf16> -> vector<16xf32>
          %parallel_loop3A_645 = tpu.unpack_subelements %parallel_loop3A_643, 1 {pack_format = #tpu.pack_format<interleaved>} : vector<32xbf16> -> vector<16xf32>
          %parallel_loop3A_646 = arith.addf %parallel_loop3A_535, %parallel_loop3A_644 : vector<16xf32>
          %parallel_loop3A_647 = arith.addf %parallel_loop3A_536, %parallel_loop3A_645 : vector<16xf32>
          %parallel_loop3A_648 = arith.constant 3 : i32
          %parallel_loop3A_649 = arith.index_cast %parallel_loop3A_648 : i32 to index
          %parallel_loop3A_650 = arith.index_cast %parallel_loop3A_548 : i32 to index
          %parallel_loop3A_651 = arith.constant 96 : index
          %parallel_loop3A_652 = tpu.vector_load %arg8[%parallel_loop3A_649, %parallel_loop3A_650, %parallel_loop3A_651] {strides = array<i32>} : memref<4x56x256xbf16, #tpu.memory_space<vmem>>, vector<32xbf16>,
          %parallel_loop3A_653 = arith.constant 1 : i32
          %parallel_loop3A_654 = arith.addi %parallel_loop3A_548, %parallel_loop3A_653 : i32
          %parallel_loop3A_655 = arith.constant 3 : i32
          %parallel_loop3A_656 = arith.index_cast %parallel_loop3A_655 : i32 to index
          %parallel_loop3A_657 = arith.index_cast %parallel_loop3A_654 : i32 to index
          %parallel_loop3A_658 = arith.constant 96 : index
          %parallel_loop3A_659 = tpu.vector_load %arg8[%parallel_loop3A_656, %parallel_loop3A_657, %parallel_loop3A_658] {strides = array<i32>} : memref<4x56x256xbf16, #tpu.memory_space<vmem>>, vector<32xbf16>,
          %parallel_loop3A_660 = arith.addf %parallel_loop3A_652, %parallel_loop3A_659 : vector<32xbf16>
          %parallel_loop3A_661 = arith.constant 2 : i32
          %parallel_loop3A_662 = arith.addi %parallel_loop3A_548, %parallel_loop3A_661 : i32
          %parallel_loop3A_663 = arith.constant 3 : i32
          %parallel_loop3A_664 = arith.index_cast %parallel_loop3A_663 : i32 to index
          %parallel_loop3A_665 = arith.index_cast %parallel_loop3A_662 : i32 to index
          %parallel_loop3A_666 = arith.constant 96 : index
          %parallel_loop3A_667 = tpu.vector_load %arg8[%parallel_loop3A_664, %parallel_loop3A_665, %parallel_loop3A_666] {strides = array<i32>} : memref<4x56x256xbf16, #tpu.memory_space<vmem>>, vector<32xbf16>,
          %parallel_loop3A_668 = arith.addf %parallel_loop3A_660, %parallel_loop3A_667 : vector<32xbf16>
          %parallel_loop3A_669 = arith.constant 3 : i32
          %parallel_loop3A_670 = arith.addi %parallel_loop3A_548, %parallel_loop3A_669 : i32
          %parallel_loop3A_671 = arith.constant 3 : i32
          %parallel_loop3A_672 = arith.index_cast %parallel_loop3A_671 : i32 to index
          %parallel_loop3A_673 = arith.index_cast %parallel_loop3A_670 : i32 to index
          %parallel_loop3A_674 = arith.constant 96 : index
          %parallel_loop3A_675 = tpu.vector_load %arg8[%parallel_loop3A_672, %parallel_loop3A_673, %parallel_loop3A_674] {strides = array<i32>} : memref<4x56x256xbf16, #tpu.memory_space<vmem>>, vector<32xbf16>,
          %parallel_loop3A_676 = arith.addf %parallel_loop3A_668, %parallel_loop3A_675 : vector<32xbf16>
          %parallel_loop3A_677 = tpu.unpack_subelements %parallel_loop3A_676, 0 {pack_format = #tpu.pack_format<interleaved>} : vector<32xbf16> -> vector<16xf32>
          %parallel_loop3A_678 = tpu.unpack_subelements %parallel_loop3A_676, 1 {pack_format = #tpu.pack_format<interleaved>} : vector<32xbf16> -> vector<16xf32>
          %parallel_loop3A_679 = arith.addf %parallel_loop3A_537, %parallel_loop3A_677 : vector<16xf32>
          %parallel_loop3A_680 = arith.addf %parallel_loop3A_538, %parallel_loop3A_678 : vector<16xf32>
          %parallel_loop3A_681 = arith.constant 3 : i32
          %parallel_loop3A_682 = arith.index_cast %parallel_loop3A_681 : i32 to index
          %parallel_loop3A_683 = arith.index_cast %parallel_loop3A_548 : i32 to index
          %parallel_loop3A_684 = arith.constant 128 : index
          %parallel_loop3A_685 = tpu.vector_load %arg8[%parallel_loop3A_682, %parallel_loop3A_683, %parallel_loop3A_684] {strides = array<i32>} : memref<4x56x256xbf16, #tpu.memory_space<vmem>>, vector<32xbf16>,
          %parallel_loop3A_686 = arith.constant 1 : i32
          %parallel_loop3A_687 = arith.addi %parallel_loop3A_548, %parallel_loop3A_686 : i32
          %parallel_loop3A_688 = arith.constant 3 : i32
          %parallel_loop3A_689 = arith.index_cast %parallel_loop3A_688 : i32 to index
          %parallel_loop3A_690 = arith.index_cast %parallel_loop3A_687 : i32 to index
          %parallel_loop3A_691 = arith.constant 128 : index
          %parallel_loop3A_692 = tpu.vector_load %arg8[%parallel_loop3A_689, %parallel_loop3A_690, %parallel_loop3A_691] {strides = array<i32>} : memref<4x56x256xbf16, #tpu.memory_space<vmem>>, vector<32xbf16>,
          %parallel_loop3A_693 = arith.addf %parallel_loop3A_685, %parallel_loop3A_692 : vector<32xbf16>
          %parallel_loop3A_694 = arith.constant 2 : i32
          %parallel_loop3A_695 = arith.addi %parallel_loop3A_548, %parallel_loop3A_694 : i32
          %parallel_loop3A_696 = arith.constant 3 : i32
          %parallel_loop3A_697 = arith.index_cast %parallel_loop3A_696 : i32 to index
          %parallel_loop3A_698 = arith.index_cast %parallel_loop3A_695 : i32 to index
          %parallel_loop3A_699 = arith.constant 128 : index
          %parallel_loop3A_700 = tpu.vector_load %arg8[%parallel_loop3A_697, %parallel_loop3A_698, %parallel_loop3A_699] {strides = array<i32>} : memref<4x56x256xbf16, #tpu.memory_space<vmem>>, vector<32xbf16>,
          %parallel_loop3A_701 = arith.addf %parallel_loop3A_693, %parallel_loop3A_700 : vector<32xbf16>
          %parallel_loop3A_702 = arith.constant 3 : i32
          %parallel_loop3A_703 = arith.addi %parallel_loop3A_548, %parallel_loop3A_702 : i32
          %parallel_loop3A_704 = arith.constant 3 : i32
          %parallel_loop3A_705 = arith.index_cast %parallel_loop3A_704 : i32 to index
          %parallel_loop3A_706 = arith.index_cast %parallel_loop3A_703 : i32 to index
          %parallel_loop3A_707 = arith.constant 128 : index
          %parallel_loop3A_708 = tpu.vector_load %arg8[%parallel_loop3A_705, %parallel_loop3A_706, %parallel_loop3A_707] {strides = array<i32>} : memref<4x56x256xbf16, #tpu.memory_space<vmem>>, vector<32xbf16>,
          %parallel_loop3A_709 = arith.addf %parallel_loop3A_701, %parallel_loop3A_708 : vector<32xbf16>
          %parallel_loop3A_710 = tpu.unpack_subelements %parallel_loop3A_709, 0 {pack_format = #tpu.pack_format<interleaved>} : vector<32xbf16> -> vector<16xf32>
          %parallel_loop3A_711 = tpu.unpack_subelements %parallel_loop3A_709, 1 {pack_format = #tpu.pack_format<interleaved>} : vector<32xbf16> -> vector<16xf32>
          %parallel_loop3A_712 = arith.addf %parallel_loop3A_539, %parallel_loop3A_710 : vector<16xf32>
          %parallel_loop3A_713 = arith.addf %parallel_loop3A_540, %parallel_loop3A_711 : vector<16xf32>
          %parallel_loop3A_714 = arith.constant 3 : i32
          %parallel_loop3A_715 = arith.index_cast %parallel_loop3A_714 : i32 to index
          %parallel_loop3A_716 = arith.index_cast %parallel_loop3A_548 : i32 to index
          %parallel_loop3A_717 = arith.constant 160 : index
          %parallel_loop3A_718 = tpu.vector_load %arg8[%parallel_loop3A_715, %parallel_loop3A_716, %parallel_loop3A_717] {strides = array<i32>} : memref<4x56x256xbf16, #tpu.memory_space<vmem>>, vector<32xbf16>,
          %parallel_loop3A_719 = arith.constant 1 : i32
          %parallel_loop3A_720 = arith.addi %parallel_loop3A_548, %parallel_loop3A_719 : i32
          %parallel_loop3A_721 = arith.constant 3 : i32
          %parallel_loop3A_722 = arith.index_cast %parallel_loop3A_721 : i32 to index
          %parallel_loop3A_723 = arith.index_cast %parallel_loop3A_720 : i32 to index
          %parallel_loop3A_724 = arith.constant 160 : index
          %parallel_loop3A_725 = tpu.vector_load %arg8[%parallel_loop3A_722, %parallel_loop3A_723, %parallel_loop3A_724] {strides = array<i32>} : memref<4x56x256xbf16, #tpu.memory_space<vmem>>, vector<32xbf16>,
          %parallel_loop3A_726 = arith.addf %parallel_loop3A_718, %parallel_loop3A_725 : vector<32xbf16>
          %parallel_loop3A_727 = arith.constant 2 : i32
          %parallel_loop3A_728 = arith.addi %parallel_loop3A_548, %parallel_loop3A_727 : i32
          %parallel_loop3A_729 = arith.constant 3 : i32
          %parallel_loop3A_730 = arith.index_cast %parallel_loop3A_729 : i32 to index
          %parallel_loop3A_731 = arith.index_cast %parallel_loop3A_728 : i32 to index
          %parallel_loop3A_732 = arith.constant 160 : index
          %parallel_loop3A_733 = tpu.vector_load %arg8[%parallel_loop3A_730, %parallel_loop3A_731, %parallel_loop3A_732] {strides = array<i32>} : memref<4x56x256xbf16, #tpu.memory_space<vmem>>, vector<32xbf16>,
          %parallel_loop3A_734 = arith.addf %parallel_loop3A_726, %parallel_loop3A_733 : vector<32xbf16>
          %parallel_loop3A_735 = arith.constant 3 : i32
          %parallel_loop3A_736 = arith.addi %parallel_loop3A_548, %parallel_loop3A_735 : i32
          %parallel_loop3A_737 = arith.constant 3 : i32
          %parallel_loop3A_738 = arith.index_cast %parallel_loop3A_737 : i32 to index
          %parallel_loop3A_739 = arith.index_cast %parallel_loop3A_736 : i32 to index
          %parallel_loop3A_740 = arith.constant 160 : index
          %parallel_loop3A_741 = tpu.vector_load %arg8[%parallel_loop3A_738, %parallel_loop3A_739, %parallel_loop3A_740] {strides = array<i32>} : memref<4x56x256xbf16, #tpu.memory_space<vmem>>, vector<32xbf16>,
          %parallel_loop3A_742 = arith.addf %parallel_loop3A_734, %parallel_loop3A_741 : vector<32xbf16>
          %parallel_loop3A_743 = tpu.unpack_subelements %parallel_loop3A_742, 0 {pack_format = #tpu.pack_format<interleaved>} : vector<32xbf16> -> vector<16xf32>
          %parallel_loop3A_744 = tpu.unpack_subelements %parallel_loop3A_742, 1 {pack_format = #tpu.pack_format<interleaved>} : vector<32xbf16> -> vector<16xf32>
          %parallel_loop3A_745 = arith.addf %parallel_loop3A_541, %parallel_loop3A_743 : vector<16xf32>
          %parallel_loop3A_746 = arith.addf %parallel_loop3A_542, %parallel_loop3A_744 : vector<16xf32>
          %parallel_loop3A_747 = arith.constant 3 : i32
          %parallel_loop3A_748 = arith.index_cast %parallel_loop3A_747 : i32 to index
          %parallel_loop3A_749 = arith.index_cast %parallel_loop3A_548 : i32 to index
          %parallel_loop3A_750 = arith.constant 192 : index
          %parallel_loop3A_751 = tpu.vector_load %arg8[%parallel_loop3A_748, %parallel_loop3A_749, %parallel_loop3A_750] {strides = array<i32>} : memref<4x56x256xbf16, #tpu.memory_space<vmem>>, vector<32xbf16>,
          %parallel_loop3A_752 = arith.constant 1 : i32
          %parallel_loop3A_753 = arith.addi %parallel_loop3A_548, %parallel_loop3A_752 : i32
          %parallel_loop3A_754 = arith.constant 3 : i32
          %parallel_loop3A_755 = arith.index_cast %parallel_loop3A_754 : i32 to index
          %parallel_loop3A_756 = arith.index_cast %parallel_loop3A_753 : i32 to index
          %parallel_loop3A_757 = arith.constant 192 : index
          %parallel_loop3A_758 = tpu.vector_load %arg8[%parallel_loop3A_755, %parallel_loop3A_756, %parallel_loop3A_757] {strides = array<i32>} : memref<4x56x256xbf16, #tpu.memory_space<vmem>>, vector<32xbf16>,
          %parallel_loop3A_759 = arith.addf %parallel_loop3A_751, %parallel_loop3A_758 : vector<32xbf16>
          %parallel_loop3A_760 = arith.constant 2 : i32
          %parallel_loop3A_761 = arith.addi %parallel_loop3A_548, %parallel_loop3A_760 : i32
          %parallel_loop3A_762 = arith.constant 3 : i32
          %parallel_loop3A_763 = arith.index_cast %parallel_loop3A_762 : i32 to index
          %parallel_loop3A_764 = arith.index_cast %parallel_loop3A_761 : i32 to index
          %parallel_loop3A_765 = arith.constant 192 : index
          %parallel_loop3A_766 = tpu.vector_load %arg8[%parallel_loop3A_763, %parallel_loop3A_764, %parallel_loop3A_765] {strides = array<i32>} : memref<4x56x256xbf16, #tpu.memory_space<vmem>>, vector<32xbf16>,
          %parallel_loop3A_767 = arith.addf %parallel_loop3A_759, %parallel_loop3A_766 : vector<32xbf16>
          %parallel_loop3A_768 = arith.constant 3 : i32
          %parallel_loop3A_769 = arith.addi %parallel_loop3A_548, %parallel_loop3A_768 : i32
          %parallel_loop3A_770 = arith.constant 3 : i32
          %parallel_loop3A_771 = arith.index_cast %parallel_loop3A_770 : i32 to index
          %parallel_loop3A_772 = arith.index_cast %parallel_loop3A_769 : i32 to index
          %parallel_loop3A_773 = arith.constant 192 : index
          %parallel_loop3A_774 = tpu.vector_load %arg8[%parallel_loop3A_771, %parallel_loop3A_772, %parallel_loop3A_773] {strides = array<i32>} : memref<4x56x256xbf16, #tpu.memory_space<vmem>>, vector<32xbf16>,
          %parallel_loop3A_775 = arith.addf %parallel_loop3A_767, %parallel_loop3A_774 : vector<32xbf16>
          %parallel_loop3A_776 = tpu.unpack_subelements %parallel_loop3A_775, 0 {pack_format = #tpu.pack_format<interleaved>} : vector<32xbf16> -> vector<16xf32>
          %parallel_loop3A_777 = tpu.unpack_subelements %parallel_loop3A_775, 1 {pack_format = #tpu.pack_format<interleaved>} : vector<32xbf16> -> vector<16xf32>
          %parallel_loop3A_778 = arith.addf %parallel_loop3A_543, %parallel_loop3A_776 : vector<16xf32>
          %parallel_loop3A_779 = arith.addf %parallel_loop3A_544, %parallel_loop3A_777 : vector<16xf32>
          %parallel_loop3A_780 = arith.constant 3 : i32
          %parallel_loop3A_781 = arith.index_cast %parallel_loop3A_780 : i32 to index
          %parallel_loop3A_782 = arith.index_cast %parallel_loop3A_548 : i32 to index
          %parallel_loop3A_783 = arith.constant 224 : index
          %parallel_loop3A_784 = tpu.vector_load %arg8[%parallel_loop3A_781, %parallel_loop3A_782, %parallel_loop3A_783] {strides = array<i32>} : memref<4x56x256xbf16, #tpu.memory_space<vmem>>, vector<32xbf16>,
          %parallel_loop3A_785 = arith.constant 1 : i32
          %parallel_loop3A_786 = arith.addi %parallel_loop3A_548, %parallel_loop3A_785 : i32
          %parallel_loop3A_787 = arith.constant 3 : i32
          %parallel_loop3A_788 = arith.index_cast %parallel_loop3A_787 : i32 to index
          %parallel_loop3A_789 = arith.index_cast %parallel_loop3A_786 : i32 to index
          %parallel_loop3A_790 = arith.constant 224 : index
          %parallel_loop3A_791 = tpu.vector_load %arg8[%parallel_loop3A_788, %parallel_loop3A_789, %parallel_loop3A_790] {strides = array<i32>} : memref<4x56x256xbf16, #tpu.memory_space<vmem>>, vector<32xbf16>,
          %parallel_loop3A_792 = arith.addf %parallel_loop3A_784, %parallel_loop3A_791 : vector<32xbf16>
          %parallel_loop3A_793 = arith.constant 2 : i32
          %parallel_loop3A_794 = arith.addi %parallel_loop3A_548, %parallel_loop3A_793 : i32
          %parallel_loop3A_795 = arith.constant 3 : i32
          %parallel_loop3A_796 = arith.index_cast %parallel_loop3A_795 : i32 to index
          %parallel_loop3A_797 = arith.index_cast %parallel_loop3A_794 : i32 to index
          %parallel_loop3A_798 = arith.constant 224 : index
          %parallel_loop3A_799 = tpu.vector_load %arg8[%parallel_loop3A_796, %parallel_loop3A_797, %parallel_loop3A_798] {strides = array<i32>} : memref<4x56x256xbf16, #tpu.memory_space<vmem>>, vector<32xbf16>,
          %parallel_loop3A_800 = arith.addf %parallel_loop3A_792, %parallel_loop3A_799 : vector<32xbf16>
          %parallel_loop3A_801 = arith.constant 3 : i32
          %parallel_loop3A_802 = arith.addi %parallel_loop3A_548, %parallel_loop3A_801 : i32
          %parallel_loop3A_803 = arith.constant 3 : i32
          %parallel_loop3A_804 = arith.index_cast %parallel_loop3A_803 : i32 to index
          %parallel_loop3A_805 = arith.index_cast %parallel_loop3A_802 : i32 to index
          %parallel_loop3A_806 = arith.constant 224 : index
          %parallel_loop3A_807 = tpu.vector_load %arg8[%parallel_loop3A_804, %parallel_loop3A_805, %parallel_loop3A_806] {strides = array<i32>} : memref<4x56x256xbf16, #tpu.memory_space<vmem>>, vector<32xbf16>,
          %parallel_loop3A_808 = arith.addf %parallel_loop3A_800, %parallel_loop3A_807 : vector<32xbf16>
          %parallel_loop3A_809 = tpu.unpack_subelements %parallel_loop3A_808, 0 {pack_format = #tpu.pack_format<interleaved>} : vector<32xbf16> -> vector<16xf32>
          %parallel_loop3A_810 = tpu.unpack_subelements %parallel_loop3A_808, 1 {pack_format = #tpu.pack_format<interleaved>} : vector<32xbf16> -> vector<16xf32>
          %parallel_loop3A_811 = arith.addf %parallel_loop3A_545, %parallel_loop3A_809 : vector<16xf32>
          %parallel_loop3A_812 = arith.addf %parallel_loop3A_546, %parallel_loop3A_810 : vector<16xf32>
          scf.yield %parallel_loop3A_515, %parallel_loop3A_516, %parallel_loop3A_517, %parallel_loop3A_518, %parallel_loop3A_519, %parallel_loop3A_520, %parallel_loop3A_521, %parallel_loop3A_522, %parallel_loop3A_523, %parallel_loop3A_524, %parallel_loop3A_525, %parallel_loop3A_526, %parallel_loop3A_527, %parallel_loop3A_528, %parallel_loop3A_529, %parallel_loop3A_530, %parallel_loop3A_580, %parallel_loop3A_581, %parallel_loop3A_613, %parallel_loop3A_614, %parallel_loop3A_646, %parallel_loop3A_647, %parallel_loop3A_679, %parallel_loop3A_680, %parallel_loop3A_712, %parallel_loop3A_713, %parallel_loop3A_745, %parallel_loop3A_746, %parallel_loop3A_778, %parallel_loop3A_779, %parallel_loop3A_811, %parallel_loop3A_812 : vector<16xf32>, vector<16xf32>, vector<16xf32>, vector<16xf32>, vector<16xf32>, vector<16xf32>, vector<16xf32>, vector<16xf32>, vector<16xf32>, vector<16xf32>, vector<16xf32>, vector<16xf32>, vector<16xf32>, vector<16xf32>, vector<16xf32>, vector<16xf32>, vector<16xf32>, vector<16xf32>, vector<16xf32>, vector<16xf32>, vector<16xf32>, vector<16xf32>, vector<16xf32>, vector<16xf32>, vector<16xf32>, vector<16xf32>, vector<16xf32>, vector<16xf32>, vector<16xf32>, vector<16xf32>, vector<16xf32>, vector<16xf32>
        } {sc.loop_unroll_factor = 2 : i64, sc.parallel_access}
        %mul3A_322 = arith.constant 256 : i32
        %mul3A_323 = arith.muli %scan3A_127, %mul3A_322 : i32
        %add3A_324 = arith.constant 0 : i32
        %add3A_325 = arith.addi %mul3A_323, %add3A_324 : i32
        %swap3A_326 = arith.index_cast %add3A_325 : i32 to index
        %swap3A_327 = tpu.vector_load %arg10[%swap3A_326] {strides = array<i32>} : memref<4096xf32, #tpu.memory_space<vmem>>, vector<16xf32>,
        tpu.vector_store %arg10[%swap3A_326], %parallel_loop3A_321#0 {strides = array<i32>} : memref<4096xf32, #tpu.memory_space<vmem>>, vector<16xf32>,
        %mul3A_328 = arith.constant 256 : i32
        %mul3A_329 = arith.muli %scan3A_127, %mul3A_328 : i32
        %add3A_330 = arith.constant 0 : i32
        %add3A_331 = arith.addi %mul3A_329, %add3A_330 : i32
        %swap3A_332 = arith.index_cast %add3A_331 : i32 to index
        %swap3A_333 = tpu.vector_load %arg11[%swap3A_332] {strides = array<i32>} : memref<4096xf32, #tpu.memory_space<vmem>>, vector<16xf32>,
        tpu.vector_store %arg11[%swap3A_332], %parallel_loop3A_321#16 {strides = array<i32>} : memref<4096xf32, #tpu.memory_space<vmem>>, vector<16xf32>,
        %mul3A_334 = arith.constant 256 : i32
        %mul3A_335 = arith.muli %scan3A_127, %mul3A_334 : i32
        %add3A_336 = arith.constant 16 : i32
        %add3A_337 = arith.addi %mul3A_335, %add3A_336 : i32
        %swap3A_338 = arith.index_cast %add3A_337 : i32 to index
        %swap3A_339 = tpu.vector_load %arg10[%swap3A_338] {strides = array<i32>} : memref<4096xf32, #tpu.memory_space<vmem>>, vector<16xf32>,
        tpu.vector_store %arg10[%swap3A_338], %parallel_loop3A_321#1 {strides = array<i32>} : memref<4096xf32, #tpu.memory_space<vmem>>, vector<16xf32>,
        %mul3A_340 = arith.constant 256 : i32
        %mul3A_341 = arith.muli %scan3A_127, %mul3A_340 : i32
        %add3A_342 = arith.constant 16 : i32
        %add3A_343 = arith.addi %mul3A_341, %add3A_342 : i32
        %swap3A_344 = arith.index_cast %add3A_343 : i32 to index
        %swap3A_345 = tpu.vector_load %arg11[%swap3A_344] {strides = array<i32>} : memref<4096xf32, #tpu.memory_space<vmem>>, vector<16xf32>,
        tpu.vector_store %arg11[%swap3A_344], %parallel_loop3A_321#17 {strides = array<i32>} : memref<4096xf32, #tpu.memory_space<vmem>>, vector<16xf32>,
        %mul3A_346 = arith.constant 256 : i32
        %mul3A_347 = arith.muli %scan3A_127, %mul3A_346 : i32
        %add3A_348 = arith.constant 32 : i32
        %add3A_349 = arith.addi %mul3A_347, %add3A_348 : i32
        %swap3A_350 = arith.index_cast %add3A_349 : i32 to index
        %swap3A_351 = tpu.vector_load %arg10[%swap3A_350] {strides = array<i32>} : memref<4096xf32, #tpu.memory_space<vmem>>, vector<16xf32>,
        tpu.vector_store %arg10[%swap3A_350], %parallel_loop3A_321#2 {strides = array<i32>} : memref<4096xf32, #tpu.memory_space<vmem>>, vector<16xf32>,
        %mul3A_352 = arith.constant 256 : i32
        %mul3A_353 = arith.muli %scan3A_127, %mul3A_352 : i32
        %add3A_354 = arith.constant 32 : i32
        %add3A_355 = arith.addi %mul3A_353, %add3A_354 : i32
        %swap3A_356 = arith.index_cast %add3A_355 : i32 to index
        %swap3A_357 = tpu.vector_load %arg11[%swap3A_356] {strides = array<i32>} : memref<4096xf32, #tpu.memory_space<vmem>>, vector<16xf32>,
        tpu.vector_store %arg11[%swap3A_356], %parallel_loop3A_321#18 {strides = array<i32>} : memref<4096xf32, #tpu.memory_space<vmem>>, vector<16xf32>,
        %mul3A_358 = arith.constant 256 : i32
        %mul3A_359 = arith.muli %scan3A_127, %mul3A_358 : i32
        %add3A_360 = arith.constant 48 : i32
        %add3A_361 = arith.addi %mul3A_359, %add3A_360 : i32
        %swap3A_362 = arith.index_cast %add3A_361 : i32 to index
        %swap3A_363 = tpu.vector_load %arg10[%swap3A_362] {strides = array<i32>} : memref<4096xf32, #tpu.memory_space<vmem>>, vector<16xf32>,
        tpu.vector_store %arg10[%swap3A_362], %parallel_loop3A_321#3 {strides = array<i32>} : memref<4096xf32, #tpu.memory_space<vmem>>, vector<16xf32>,
        %mul3A_364 = arith.constant 256 : i32
        %mul3A_365 = arith.muli %scan3A_127, %mul3A_364 : i32
        %add3A_366 = arith.constant 48 : i32
        %add3A_367 = arith.addi %mul3A_365, %add3A_366 : i32
        %swap3A_368 = arith.index_cast %add3A_367 : i32 to index
        %swap3A_369 = tpu.vector_load %arg11[%swap3A_368] {strides = array<i32>} : memref<4096xf32, #tpu.memory_space<vmem>>, vector<16xf32>,
        tpu.vector_store %arg11[%swap3A_368], %parallel_loop3A_321#19 {strides = array<i32>} : memref<4096xf32, #tpu.memory_space<vmem>>, vector<16xf32>,
        %mul3A_370 = arith.constant 256 : i32
        %mul3A_371 = arith.muli %scan3A_127, %mul3A_370 : i32
        %add3A_372 = arith.constant 64 : i32
        %add3A_373 = arith.addi %mul3A_371, %add3A_372 : i32
        %swap3A_374 = arith.index_cast %add3A_373 : i32 to index
        %swap3A_375 = tpu.vector_load %arg10[%swap3A_374] {strides = array<i32>} : memref<4096xf32, #tpu.memory_space<vmem>>, vector<16xf32>,
        tpu.vector_store %arg10[%swap3A_374], %parallel_loop3A_321#4 {strides = array<i32>} : memref<4096xf32, #tpu.memory_space<vmem>>, vector<16xf32>,
        %mul3A_376 = arith.constant 256 : i32
        %mul3A_377 = arith.muli %scan3A_127, %mul3A_376 : i32
        %add3A_378 = arith.constant 64 : i32
        %add3A_379 = arith.addi %mul3A_377, %add3A_378 : i32
        %swap3A_380 = arith.index_cast %add3A_379 : i32 to index
        %swap3A_381 = tpu.vector_load %arg11[%swap3A_380] {strides = array<i32>} : memref<4096xf32, #tpu.memory_space<vmem>>, vector<16xf32>,
        tpu.vector_store %arg11[%swap3A_380], %parallel_loop3A_321#20 {strides = array<i32>} : memref<4096xf32, #tpu.memory_space<vmem>>, vector<16xf32>,
        %mul3A_382 = arith.constant 256 : i32
        %mul3A_383 = arith.muli %scan3A_127, %mul3A_382 : i32
        %add3A_384 = arith.constant 80 : i32
        %add3A_385 = arith.addi %mul3A_383, %add3A_384 : i32
        %swap3A_386 = arith.index_cast %add3A_385 : i32 to index
        %swap3A_387 = tpu.vector_load %arg10[%swap3A_386] {strides = array<i32>} : memref<4096xf32, #tpu.memory_space<vmem>>, vector<16xf32>,
        tpu.vector_store %arg10[%swap3A_386], %parallel_loop3A_321#5 {strides = array<i32>} : memref<4096xf32, #tpu.memory_space<vmem>>, vector<16xf32>,
        %mul3A_388 = arith.constant 256 : i32
        %mul3A_389 = arith.muli %scan3A_127, %mul3A_388 : i32
        %add3A_390 = arith.constant 80 : i32
        %add3A_391 = arith.addi %mul3A_389, %add3A_390 : i32
        %swap3A_392 = arith.index_cast %add3A_391 : i32 to index
        %swap3A_393 = tpu.vector_load %arg11[%swap3A_392] {strides = array<i32>} : memref<4096xf32, #tpu.memory_space<vmem>>, vector<16xf32>,
        tpu.vector_store %arg11[%swap3A_392], %parallel_loop3A_321#21 {strides = array<i32>} : memref<4096xf32, #tpu.memory_space<vmem>>, vector<16xf32>,
        %mul3A_394 = arith.constant 256 : i32
        %mul3A_395 = arith.muli %scan3A_127, %mul3A_394 : i32
        %add3A_396 = arith.constant 96 : i32
        %add3A_397 = arith.addi %mul3A_395, %add3A_396 : i32
        %swap3A_398 = arith.index_cast %add3A_397 : i32 to index
        %swap3A_399 = tpu.vector_load %arg10[%swap3A_398] {strides = array<i32>} : memref<4096xf32, #tpu.memory_space<vmem>>, vector<16xf32>,
        tpu.vector_store %arg10[%swap3A_398], %parallel_loop3A_321#6 {strides = array<i32>} : memref<4096xf32, #tpu.memory_space<vmem>>, vector<16xf32>,
        %mul3A_400 = arith.constant 256 : i32
        %mul3A_401 = arith.muli %scan3A_127, %mul3A_400 : i32
        %add3A_402 = arith.constant 96 : i32
        %add3A_403 = arith.addi %mul3A_401, %add3A_402 : i32
        %swap3A_404 = arith.index_cast %add3A_403 : i32 to index
        %swap3A_405 = tpu.vector_load %arg11[%swap3A_404] {strides = array<i32>} : memref<4096xf32, #tpu.memory_space<vmem>>, vector<16xf32>,
        tpu.vector_store %arg11[%swap3A_404], %parallel_loop3A_321#22 {strides = array<i32>} : memref<4096xf32, #tpu.memory_space<vmem>>, vector<16xf32>,
        %mul3A_406 = arith.constant 256 : i32
        %mul3A_407 = arith.muli %scan3A_127, %mul3A_406 : i32
        %add3A_408 = arith.constant 112 : i32
        %add3A_409 = arith.addi %mul3A_407, %add3A_408 : i32
        %swap3A_410 = arith.index_cast %add3A_409 : i32 to index
        %swap3A_411 = tpu.vector_load %arg10[%swap3A_410] {strides = array<i32>} : memref<4096xf32, #tpu.memory_space<vmem>>, vector<16xf32>,
        tpu.vector_store %arg10[%swap3A_410], %parallel_loop3A_321#7 {strides = array<i32>} : memref<4096xf32, #tpu.memory_space<vmem>>, vector<16xf32>,
        %mul3A_412 = arith.constant 256 : i32
        %mul3A_413 = arith.muli %scan3A_127, %mul3A_412 : i32
        %add3A_414 = arith.constant 112 : i32
        %add3A_415 = arith.addi %mul3A_413, %add3A_414 : i32
        %swap3A_416 = arith.index_cast %add3A_415 : i32 to index
        %swap3A_417 = tpu.vector_load %arg11[%swap3A_416] {strides = array<i32>} : memref<4096xf32, #tpu.memory_space<vmem>>, vector<16xf32>,
        tpu.vector_store %arg11[%swap3A_416], %parallel_loop3A_321#23 {strides = array<i32>} : memref<4096xf32, #tpu.memory_space<vmem>>, vector<16xf32>,
        %mul3A_418 = arith.constant 256 : i32
        %mul3A_419 = arith.muli %scan3A_127, %mul3A_418 : i32
        %add3A_420 = arith.constant 128 : i32
        %add3A_421 = arith.addi %mul3A_419, %add3A_420 : i32
        %swap3A_422 = arith.index_cast %add3A_421 : i32 to index
        %swap3A_423 = tpu.vector_load %arg10[%swap3A_422] {strides = array<i32>} : memref<4096xf32, #tpu.memory_space<vmem>>, vector<16xf32>,
        tpu.vector_store %arg10[%swap3A_422], %parallel_loop3A_321#8 {strides = array<i32>} : memref<4096xf32, #tpu.memory_space<vmem>>, vector<16xf32>,
        %mul3A_424 = arith.constant 256 : i32
        %mul3A_425 = arith.muli %scan3A_127, %mul3A_424 : i32
        %add3A_426 = arith.constant 128 : i32
        %add3A_427 = arith.addi %mul3A_425, %add3A_426 : i32
        %swap3A_428 = arith.index_cast %add3A_427 : i32 to index
        %swap3A_429 = tpu.vector_load %arg11[%swap3A_428] {strides = array<i32>} : memref<4096xf32, #tpu.memory_space<vmem>>, vector<16xf32>,
        tpu.vector_store %arg11[%swap3A_428], %parallel_loop3A_321#24 {strides = array<i32>} : memref<4096xf32, #tpu.memory_space<vmem>>, vector<16xf32>,
        %mul3A_430 = arith.constant 256 : i32
        %mul3A_431 = arith.muli %scan3A_127, %mul3A_430 : i32
        %add3A_432 = arith.constant 144 : i32
        %add3A_433 = arith.addi %mul3A_431, %add3A_432 : i32
        %swap3A_434 = arith.index_cast %add3A_433 : i32 to index
        %swap3A_435 = tpu.vector_load %arg10[%swap3A_434] {strides = array<i32>} : memref<4096xf32, #tpu.memory_space<vmem>>, vector<16xf32>,
        tpu.vector_store %arg10[%swap3A_434], %parallel_loop3A_321#9 {strides = array<i32>} : memref<4096xf32, #tpu.memory_space<vmem>>, vector<16xf32>,
        %mul3A_436 = arith.constant 256 : i32
        %mul3A_437 = arith.muli %scan3A_127, %mul3A_436 : i32
        %add3A_438 = arith.constant 144 : i32
        %add3A_439 = arith.addi %mul3A_437, %add3A_438 : i32
        %swap3A_440 = arith.index_cast %add3A_439 : i32 to index
        %swap3A_441 = tpu.vector_load %arg11[%swap3A_440] {strides = array<i32>} : memref<4096xf32, #tpu.memory_space<vmem>>, vector<16xf32>,
        tpu.vector_store %arg11[%swap3A_440], %parallel_loop3A_321#25 {strides = array<i32>} : memref<4096xf32, #tpu.memory_space<vmem>>, vector<16xf32>,
        %mul3A_442 = arith.constant 256 : i32
        %mul3A_443 = arith.muli %scan3A_127, %mul3A_442 : i32
        %add3A_444 = arith.constant 160 : i32
        %add3A_445 = arith.addi %mul3A_443, %add3A_444 : i32
        %swap3A_446 = arith.index_cast %add3A_445 : i32 to index
        %swap3A_447 = tpu.vector_load %arg10[%swap3A_446] {strides = array<i32>} : memref<4096xf32, #tpu.memory_space<vmem>>, vector<16xf32>,
        tpu.vector_store %arg10[%swap3A_446], %parallel_loop3A_321#10 {strides = array<i32>} : memref<4096xf32, #tpu.memory_space<vmem>>, vector<16xf32>,
        %mul3A_448 = arith.constant 256 : i32
        %mul3A_449 = arith.muli %scan3A_127, %mul3A_448 : i32
        %add3A_450 = arith.constant 160 : i32
        %add3A_451 = arith.addi %mul3A_449, %add3A_450 : i32
        %swap3A_452 = arith.index_cast %add3A_451 : i32 to index
        %swap3A_453 = tpu.vector_load %arg11[%swap3A_452] {strides = array<i32>} : memref<4096xf32, #tpu.memory_space<vmem>>, vector<16xf32>,
        tpu.vector_store %arg11[%swap3A_452], %parallel_loop3A_321#26 {strides = array<i32>} : memref<4096xf32, #tpu.memory_space<vmem>>, vector<16xf32>,
        %mul3A_454 = arith.constant 256 : i32
        %mul3A_455 = arith.muli %scan3A_127, %mul3A_454 : i32
        %add3A_456 = arith.constant 176 : i32
        %add3A_457 = arith.addi %mul3A_455, %add3A_456 : i32
        %swap3A_458 = arith.index_cast %add3A_457 : i32 to index
        %swap3A_459 = tpu.vector_load %arg10[%swap3A_458] {strides = array<i32>} : memref<4096xf32, #tpu.memory_space<vmem>>, vector<16xf32>,
        tpu.vector_store %arg10[%swap3A_458], %parallel_loop3A_321#11 {strides = array<i32>} : memref<4096xf32, #tpu.memory_space<vmem>>, vector<16xf32>,
        %mul3A_460 = arith.constant 256 : i32
        %mul3A_461 = arith.muli %scan3A_127, %mul3A_460 : i32
        %add3A_462 = arith.constant 176 : i32
        %add3A_463 = arith.addi %mul3A_461, %add3A_462 : i32
        %swap3A_464 = arith.index_cast %add3A_463 : i32 to index
        %swap3A_465 = tpu.vector_load %arg11[%swap3A_464] {strides = array<i32>} : memref<4096xf32, #tpu.memory_space<vmem>>, vector<16xf32>,
        tpu.vector_store %arg11[%swap3A_464], %parallel_loop3A_321#27 {strides = array<i32>} : memref<4096xf32, #tpu.memory_space<vmem>>, vector<16xf32>,
        %mul3A_466 = arith.constant 256 : i32
        %mul3A_467 = arith.muli %scan3A_127, %mul3A_466 : i32
        %add3A_468 = arith.constant 192 : i32
        %add3A_469 = arith.addi %mul3A_467, %add3A_468 : i32
        %swap3A_470 = arith.index_cast %add3A_469 : i32 to index
        %swap3A_471 = tpu.vector_load %arg10[%swap3A_470] {strides = array<i32>} : memref<4096xf32, #tpu.memory_space<vmem>>, vector<16xf32>,
        tpu.vector_store %arg10[%swap3A_470], %parallel_loop3A_321#12 {strides = array<i32>} : memref<4096xf32, #tpu.memory_space<vmem>>, vector<16xf32>,
        %mul3A_472 = arith.constant 256 : i32
        %mul3A_473 = arith.muli %scan3A_127, %mul3A_472 : i32
        %add3A_474 = arith.constant 192 : i32
        %add3A_475 = arith.addi %mul3A_473, %add3A_474 : i32
        %swap3A_476 = arith.index_cast %add3A_475 : i32 to index
        %swap3A_477 = tpu.vector_load %arg11[%swap3A_476] {strides = array<i32>} : memref<4096xf32, #tpu.memory_space<vmem>>, vector<16xf32>,
        tpu.vector_store %arg11[%swap3A_476], %parallel_loop3A_321#28 {strides = array<i32>} : memref<4096xf32, #tpu.memory_space<vmem>>, vector<16xf32>,
        %mul3A_478 = arith.constant 256 : i32
        %mul3A_479 = arith.muli %scan3A_127, %mul3A_478 : i32
        %add3A_480 = arith.constant 208 : i32
        %add3A_481 = arith.addi %mul3A_479, %add3A_480 : i32
        %swap3A_482 = arith.index_cast %add3A_481 : i32 to index
        %swap3A_483 = tpu.vector_load %arg10[%swap3A_482] {strides = array<i32>} : memref<4096xf32, #tpu.memory_space<vmem>>, vector<16xf32>,
        tpu.vector_store %arg10[%swap3A_482], %parallel_loop3A_321#13 {strides = array<i32>} : memref<4096xf32, #tpu.memory_space<vmem>>, vector<16xf32>,
        %mul3A_484 = arith.constant 256 : i32
        %mul3A_485 = arith.muli %scan3A_127, %mul3A_484 : i32
        %add3A_486 = arith.constant 208 : i32
        %add3A_487 = arith.addi %mul3A_485, %add3A_486 : i32
        %swap3A_488 = arith.index_cast %add3A_487 : i32 to index
        %swap3A_489 = tpu.vector_load %arg11[%swap3A_488] {strides = array<i32>} : memref<4096xf32, #tpu.memory_space<vmem>>, vector<16xf32>,
        tpu.vector_store %arg11[%swap3A_488], %parallel_loop3A_321#29 {strides = array<i32>} : memref<4096xf32, #tpu.memory_space<vmem>>, vector<16xf32>,
        %mul3A_490 = arith.constant 256 : i32
        %mul3A_491 = arith.muli %scan3A_127, %mul3A_490 : i32
        %add3A_492 = arith.constant 224 : i32
        %add3A_493 = arith.addi %mul3A_491, %add3A_492 : i32
        %swap3A_494 = arith.index_cast %add3A_493 : i32 to index
        %swap3A_495 = tpu.vector_load %arg10[%swap3A_494] {strides = array<i32>} : memref<4096xf32, #tpu.memory_space<vmem>>, vector<16xf32>,
        tpu.vector_store %arg10[%swap3A_494], %parallel_loop3A_321#14 {strides = array<i32>} : memref<4096xf32, #tpu.memory_space<vmem>>, vector<16xf32>,
        %mul3A_496 = arith.constant 256 : i32
        %mul3A_497 = arith.muli %scan3A_127, %mul3A_496 : i32
        %add3A_498 = arith.constant 224 : i32
        %add3A_499 = arith.addi %mul3A_497, %add3A_498 : i32
        %swap3A_500 = arith.index_cast %add3A_499 : i32 to index
        %swap3A_501 = tpu.vector_load %arg11[%swap3A_500] {strides = array<i32>} : memref<4096xf32, #tpu.memory_space<vmem>>, vector<16xf32>,
        tpu.vector_store %arg11[%swap3A_500], %parallel_loop3A_321#30 {strides = array<i32>} : memref<4096xf32, #tpu.memory_space<vmem>>, vector<16xf32>,
        %mul3A_502 = arith.constant 256 : i32
        %mul3A_503 = arith.muli %scan3A_127, %mul3A_502 : i32
        %add3A_504 = arith.constant 240 : i32
        %add3A_505 = arith.addi %mul3A_503, %add3A_504 : i32
        %swap3A_506 = arith.index_cast %add3A_505 : i32 to index
        %swap3A_507 = tpu.vector_load %arg10[%swap3A_506] {strides = array<i32>} : memref<4096xf32, #tpu.memory_space<vmem>>, vector<16xf32>,
        tpu.vector_store %arg10[%swap3A_506], %parallel_loop3A_321#15 {strides = array<i32>} : memref<4096xf32, #tpu.memory_space<vmem>>, vector<16xf32>,
        %mul3A_508 = arith.constant 256 : i32
        %mul3A_509 = arith.muli %scan3A_127, %mul3A_508 : i32
        %add3A_510 = arith.constant 240 : i32
        %add3A_511 = arith.addi %mul3A_509, %add3A_510 : i32
        %swap3A_512 = arith.index_cast %add3A_511 : i32 to index
        %swap3A_513 = tpu.vector_load %arg11[%swap3A_512] {strides = array<i32>} : memref<4096xf32, #tpu.memory_space<vmem>>, vector<16xf32>,
        tpu.vector_store %arg11[%swap3A_512], %parallel_loop3A_321#31 {strides = array<i32>} : memref<4096xf32, #tpu.memory_space<vmem>>, vector<16xf32>,
      }
      %scan3A_57 = arith.constant 16 : i32
      %add3A_58 = arith.constant 1 : i32
      %add3A_59 = arith.addi %scan3A_51, %add3A_58 : i32
      %lt3A = arith.constant 32 : i32
      %lt3A_60 = arith.cmpi slt, %add3A_59, %lt3A : i32
      %convert_element_type3A_61 = arith.extui %lt3A_60 : i1 to i32
      %cond3A_62 = arith.constant 0 : i32
      %cond3A_63 = arith.cmpi ne, %convert_element_type3A_61, %cond3A_62 : i32
      scf.if %cond3A_63 {
        %add3A_127 = arith.constant 1 : i32
        %add3A_128 = arith.addi %scan3A_51, %add3A_127 : i32
        %mul3A_129 = arith.constant 16 : i32
        %mul3A_130 = arith.muli %add3A_128, %mul3A_129 : i32
        %add3A_131 = arith.addi %mul3A_2, %mul3A_130 : i32
        "tpu.region"() ({
          %run_scoped3A = tpu.sem_alloc : memref<!tpu.dma_semaphore, #tpu.memory_space<semaphore_mem>>
          %dma_start3A_168 = arith.constant 0 : i32
          %dma_start3A_169 = tpu.memref_slice %arg2[%add3A_131, %dma_start3A_168] : memref<16384x200xi32, #tpu.memory_space<hbm>> -> memref<16x200xi32, #tpu.memory_space<hbm>>
          %dma_start3A_170 = arith.constant 0 : i32
          %dma_start3A_171 = tpu.memref_slice %arg2[%add3A_131, %dma_start3A_170] : memref<16384x200xi32, #tpu.memory_space<hbm>> -> memref<16x200xi32, #tpu.memory_space<hbm>>
          tpu.enqueue_dma source(%dma_start3A_171 : memref<16x200xi32, #tpu.memory_space<hbm>>) target(%arg6 : memref<16x200xi32, #tpu.memory_space<vmem>>) target_semaphore(%run_scoped3A : memref<!tpu.dma_semaphore, #tpu.memory_space<semaphore_mem>>)
          %dma_wait3A = arith.constant 0 : i32
          %dma_wait3A_172 = tpu.memref_slice %arg2[%add3A_131, %dma_wait3A] : memref<16384x200xi32, #tpu.memory_space<hbm>> -> memref<16x200xi32, #tpu.memory_space<hbm>>
          %dma_wait3A_173 = arith.constant 0 : i32
          %dma_wait3A_174 = tpu.memref_slice %arg2[%add3A_131, %dma_wait3A_173] : memref<16384x200xi32, #tpu.memory_space<hbm>> -> memref<16x200xi32, #tpu.memory_space<hbm>>
          tpu.wait_dma2 semaphore(%run_scoped3A : memref<!tpu.dma_semaphore, #tpu.memory_space<semaphore_mem>>) src(%dma_wait3A_174 : memref<16x200xi32, #tpu.memory_space<hbm>>) dst(%arg6 : memref<16x200xi32, #tpu.memory_space<vmem>>)
          tpu.yield
        }) : () -> ()
        "tpu.region"() ({
          %run_scoped3A = tpu.sem_alloc : memref<!tpu.dma_semaphore, #tpu.memory_space<semaphore_mem>>
          %dma_start3A_168 = arith.constant 0 : i32
          %dma_start3A_169 = tpu.memref_slice %arg3[%add3A_131, %dma_start3A_168] : memref<16384x200xi32, #tpu.memory_space<hbm>> -> memref<16x200xi32, #tpu.memory_space<hbm>>
          %dma_start3A_170 = arith.constant 0 : i32
          %dma_start3A_171 = tpu.memref_slice %arg3[%add3A_131, %dma_start3A_170] : memref<16384x200xi32, #tpu.memory_space<hbm>> -> memref<16x200xi32, #tpu.memory_space<hbm>>
          tpu.enqueue_dma source(%dma_start3A_171 : memref<16x200xi32, #tpu.memory_space<hbm>>) target(%arg7 : memref<16x200xi32, #tpu.memory_space<vmem>>) target_semaphore(%run_scoped3A : memref<!tpu.dma_semaphore, #tpu.memory_space<semaphore_mem>>)
          %dma_wait3A = arith.constant 0 : i32
          %dma_wait3A_172 = tpu.memref_slice %arg3[%add3A_131, %dma_wait3A] : memref<16384x200xi32, #tpu.memory_space<hbm>> -> memref<16x200xi32, #tpu.memory_space<hbm>>
          %dma_wait3A_173 = arith.constant 0 : i32
          %dma_wait3A_174 = tpu.memref_slice %arg3[%add3A_131, %dma_wait3A_173] : memref<16384x200xi32, #tpu.memory_space<hbm>> -> memref<16x200xi32, #tpu.memory_space<hbm>>
          tpu.wait_dma2 semaphore(%run_scoped3A : memref<!tpu.dma_semaphore, #tpu.memory_space<semaphore_mem>>) src(%dma_wait3A_174 : memref<16x200xi32, #tpu.memory_space<hbm>>) dst(%arg7 : memref<16x200xi32, #tpu.memory_space<vmem>>)
          tpu.yield
        }) : () -> ()
        %dma_start3A_132 = arith.constant 0 : i32
        %dma_start3A_133 = arith.constant 0 : i32
        %dma_start3A_134 = arith.constant 0 : i32
        %dma_start3A_135 = arith.constant 0 : i32
        %dma_start3A_136 = tpu.memref_slice %arg8[%dma_start3A_133, %dma_start3A_134, %dma_start3A_135] : memref<4x56x256xbf16, #tpu.memory_space<vmem>> -> memref<1x56x256xbf16, #tpu.memory_space<vmem>>
        %dma_start3A_137 = tpu.memref_squeeze %dma_start3A_136 : memref<1x56x256xbf16, #tpu.memory_space<vmem>> -> memref<56x256xbf16, #tpu.memory_space<vmem>>
        %dma_start3A_138 = arith.constant 0 : i32
        %dma_start3A_139 = tpu.memref_slice %arg6[%dma_start3A_132, %dma_start3A_138] : memref<16x200xi32, #tpu.memory_space<vmem>> -> memref<1x56xi32, #tpu.memory_space<vmem>>
        %dma_start3A_140 = tpu.memref_squeeze %dma_start3A_139 : memref<1x56xi32, #tpu.memory_space<vmem>> -> memref<56xi32, #tpu.memory_space<vmem>>
        %dma_start3A_141 = arith.constant 0 : i32
        %dma_start3A_142 = arith.constant 0 : i32
        %dma_start3A_143 = tpu.memref_slice %arg9[%dma_start3A_141, %dma_start3A_142] : memref<10000x256xbf16, #tpu.memory_space<vmem_shared>> -> memref<10000x256xbf16, #tpu.memory_space<vmem_shared>>
        tpu.enqueue_indirect_dma source(%dma_start3A_143 : memref<10000x256xbf16, #tpu.memory_space<vmem_shared>>) target(%dma_start3A_137 : memref<56x256xbf16, #tpu.memory_space<vmem>>) offsets(%dma_start3A_140 : memref<56xi32, #tpu.memory_space<vmem>>) semaphore(%arg13 : memref<!tpu.dma_semaphore, #tpu.memory_space<semaphore_mem>>)
        %dma_start3A_144 = arith.constant 0 : i32
        %dma_start3A_145 = arith.constant 1 : i32
        %dma_start3A_146 = arith.constant 0 : i32
        %dma_start3A_147 = arith.constant 0 : i32
        %dma_start3A_148 = tpu.memref_slice %arg8[%dma_start3A_145, %dma_start3A_146, %dma_start3A_147] : memref<4x56x256xbf16, #tpu.memory_space<vmem>> -> memref<1x56x256xbf16, #tpu.memory_space<vmem>>
        %dma_start3A_149 = tpu.memref_squeeze %dma_start3A_148 : memref<1x56x256xbf16, #tpu.memory_space<vmem>> -> memref<56x256xbf16, #tpu.memory_space<vmem>>
        %dma_start3A_150 = arith.constant 0 : i32
        %dma_start3A_151 = tpu.memref_slice %arg7[%dma_start3A_144, %dma_start3A_150] : memref<16x200xi32, #tpu.memory_space<vmem>> -> memref<1x56xi32, #tpu.memory_space<vmem>>
        %dma_start3A_152 = tpu.memref_squeeze %dma_start3A_151 : memref<1x56xi32, #tpu.memory_space<vmem>> -> memref<56xi32, #tpu.memory_space<vmem>>
        %dma_start3A_153 = arith.constant 0 : i32
        %dma_start3A_154 = arith.constant 0 : i32
        %dma_start3A_155 = tpu.memref_slice %arg9[%dma_start3A_153, %dma_start3A_154] : memref<10000x256xbf16, #tpu.memory_space<vmem_shared>> -> memref<10000x256xbf16, #tpu.memory_space<vmem_shared>>
        tpu.enqueue_indirect_dma source(%dma_start3A_155 : memref<10000x256xbf16, #tpu.memory_space<vmem_shared>>) target(%dma_start3A_149 : memref<56x256xbf16, #tpu.memory_space<vmem>>) offsets(%dma_start3A_152 : memref<56xi32, #tpu.memory_space<vmem>>) semaphore(%arg14 : memref<!tpu.dma_semaphore, #tpu.memory_space<semaphore_mem>>)
        %dma_start3A_156 = arith.constant 0 : i32
        %dma_start3A_157 = arith.constant 2 : i32
        %dma_start3A_158 = arith.constant 0 : i32
        %dma_start3A_159 = arith.constant 0 : i32
        %dma_start3A_160 = tpu.memref_slice %arg8[%dma_start3A_157, %dma_start3A_158, %dma_start3A_159] : memref<4x56x256xbf16, #tpu.memory_space<vmem>> -> memref<1x48x256xbf16, #tpu.memory_space<vmem>>
        %dma_start3A_161 = tpu.memref_squeeze %dma_start3A_160 : memref<1x48x256xbf16, #tpu.memory_space<vmem>> -> memref<48x256xbf16, #tpu.memory_space<vmem>>
        %dma_start3A_162 = arith.constant 56 : i32
        %dma_start3A_163 = tpu.memref_slice %arg6[%dma_start3A_156, %dma_start3A_162] : memref<16x200xi32, #tpu.memory_space<vmem>> -> memref<1x48xi32, #tpu.memory_space<vmem>>
        %dma_start3A_164 = tpu.memref_squeeze %dma_start3A_163 : memref<1x48xi32, #tpu.memory_space<vmem>> -> memref<48xi32, #tpu.memory_space<vmem>>
        %dma_start3A_165 = arith.constant 0 : i32
        %dma_start3A_166 = arith.constant 0 : i32
        %dma_start3A_167 = tpu.memref_slice %arg9[%dma_start3A_165, %dma_start3A_166] : memref<10000x256xbf16, #tpu.memory_space<vmem_shared>> -> memref<10000x256xbf16, #tpu.memory_space<vmem_shared>>
        tpu.enqueue_indirect_dma source(%dma_start3A_167 : memref<10000x256xbf16, #tpu.memory_space<vmem_shared>>) target(%dma_start3A_161 : memref<48x256xbf16, #tpu.memory_space<vmem>>) offsets(%dma_start3A_164 : memref<48xi32, #tpu.memory_space<vmem>>) semaphore(%arg15 : memref<!tpu.dma_semaphore, #tpu.memory_space<semaphore_mem>>)
      } else {
      }
      %scan3A_64 = arith.constant 0 : i32
      %scan3A_65 = arith.constant 256 : i32
      %scan3A_66 = arith.addi %scan3A_64, %scan3A_65 : i32
      %scan3A_67 = arith.constant 1 : i32
      %scan3A_68:3 = scf.for %scan3A_127 = %scan3A_64 to %scan3A_66 step %scan3A_67 iter_args(%scan3A_128 = %broadcast_in_dim3A_3, %scan3A_129 = %broadcast_in_dim3A_3, %scan3A_130 = %broadcast_in_dim3A_3) -> (vector<16xf32>, vector<16xf32>, vector<16xf32>)  : i32 {
        %add3A_131 = vector.broadcast %scan3A_127 : i32 to vector<16xi32>
        %add3A_132 = arith.addi %mul3A_6, %add3A_131 : vector<16xi32>
        %gather3A = tpu.vector_load_idx %arg10[%add3A_132] : memref<4096xf32, #tpu.memory_space<vmem>>[vector<16xi32>], vector<16xf32>,
        %gather3A_133 = tpu.vector_load_idx %arg11[%add3A_132] : memref<4096xf32, #tpu.memory_space<vmem>>[vector<16xi32>], vector<16xf32>,
        %mul3A_134 = arith.mulf %gather3A, %gather3A_133 : vector<16xf32>
        %add3A_135 = arith.addf %scan3A_128, %mul3A_134 : vector<16xf32>
        %mul3A_136 = arith.mulf %gather3A, %gather3A : vector<16xf32>
        %add3A_137 = arith.addf %scan3A_129, %mul3A_136 : vector<16xf32>
        %mul3A_138 = arith.mulf %gather3A_133, %gather3A_133 : vector<16xf32>
        %add3A_139 = arith.addf %scan3A_130, %mul3A_138 : vector<16xf32>
        scf.yield %add3A_135, %add3A_137, %add3A_139 : vector<16xf32>, vector<16xf32>, vector<16xf32>
      }
      %scan3A_69 = arith.constant 256 : i32
      %mul3A_70 = arith.constant 2.500000e-05 : f32
      %mul3A_71 = vector.broadcast %mul3A_70 : f32 to vector<16xf32>
      %mul3A_72 = arith.mulf %scan3A_68#1, %mul3A_71 : vector<16xf32>
      %max3A = arith.constant 1.000000e-16 : f32
      %max3A_73 = vector.broadcast %max3A : f32 to vector<16xf32>
      %max3A_74 = arith.maximumf %mul3A_72, %max3A_73 : vector<16xf32>
      %mul3A_75 = arith.constant 2.500000e-05 : f32
      %mul3A_76 = vector.broadcast %mul3A_75 : f32 to vector<16xf32>
      %mul3A_77 = arith.mulf %scan3A_68#2, %mul3A_76 : vector<16xf32>
      %max3A_78 = arith.constant 1.000000e-16 : f32
      %max3A_79 = vector.broadcast %max3A_78 : f32 to vector<16xf32>
      %max3A_80 = arith.maximumf %mul3A_77, %max3A_79 : vector<16xf32>
      %mul3A_81 = arith.constant 2.500000e-05 : f32
      %mul3A_82 = vector.broadcast %mul3A_81 : f32 to vector<16xf32>
      %mul3A_83 = arith.mulf %scan3A_68#0, %mul3A_82 : vector<16xf32>
      %mul3A_84 = arith.mulf %max3A_74, %max3A_80 : vector<16xf32>
      %bitcast3A = vector.bitcast %mul3A_84 : vector<16xf32> to vector<16xi32>
      %shift_right_arithmetic3A = arith.constant 1 : i32
      %shift_right_arithmetic3A_85 = vector.broadcast %shift_right_arithmetic3A : i32 to vector<16xi32>
      %shift_right_arithmetic3A_86 = arith.shrsi %bitcast3A, %shift_right_arithmetic3A_85 : vector<16xi32>
      %sub3A = arith.constant 1597463007 : i32
      %sub3A_87 = vector.broadcast %sub3A : i32 to vector<16xi32>
      %sub3A_88 = arith.subi %sub3A_87, %shift_right_arithmetic3A_86 : vector<16xi32>
      %bitcast3A_89 = vector.bitcast %sub3A_88 : vector<16xi32> to vector<16xf32>
      %mul3A_90 = arith.constant 5.000000e-01 : f32
      %mul3A_91 = vector.broadcast %mul3A_90 : f32 to vector<16xf32>
      %mul3A_92 = arith.mulf %mul3A_91, %mul3A_84 : vector<16xf32>
      %mul3A_93 = arith.mulf %mul3A_92, %bitcast3A_89 : vector<16xf32>
      %mul3A_94 = arith.mulf %mul3A_93, %bitcast3A_89 : vector<16xf32>
      %sub3A_95 = arith.constant 1.500000e+00 : f32
      %sub3A_96 = vector.broadcast %sub3A_95 : f32 to vector<16xf32>
      %sub3A_97 = arith.subf %sub3A_96, %mul3A_94 : vector<16xf32>
      %mul3A_98 = arith.mulf %bitcast3A_89, %sub3A_97 : vector<16xf32>
      %mul3A_99 = arith.constant 5.000000e-01 : f32
      %mul3A_100 = vector.broadcast %mul3A_99 : f32 to vector<16xf32>
      %mul3A_101 = arith.mulf %mul3A_100, %mul3A_84 : vector<16xf32>
      %mul3A_102 = arith.mulf %mul3A_101, %mul3A_98 : vector<16xf32>
      %mul3A_103 = arith.mulf %mul3A_102, %mul3A_98 : vector<16xf32>
      %sub3A_104 = arith.constant 1.500000e+00 : f32
      %sub3A_105 = vector.broadcast %sub3A_104 : f32 to vector<16xf32>
      %sub3A_106 = arith.subf %sub3A_105, %mul3A_103 : vector<16xf32>
      %mul3A_107 = arith.mulf %mul3A_98, %sub3A_106 : vector<16xf32>
      %mul3A_108 = arith.constant 5.000000e-01 : f32
      %mul3A_109 = vector.broadcast %mul3A_108 : f32 to vector<16xf32>
      %mul3A_110 = arith.mulf %mul3A_109, %mul3A_84 : vector<16xf32>
      %mul3A_111 = arith.mulf %mul3A_110, %mul3A_107 : vector<16xf32>
      %mul3A_112 = arith.mulf %mul3A_111, %mul3A_107 : vector<16xf32>
      %sub3A_113 = arith.constant 1.500000e+00 : f32
      %sub3A_114 = vector.broadcast %sub3A_113 : f32 to vector<16xf32>
      %sub3A_115 = arith.subf %sub3A_114, %mul3A_112 : vector<16xf32>
      %mul3A_116 = arith.mulf %mul3A_107, %sub3A_115 : vector<16xf32>
      %mul3A_117 = arith.mulf %mul3A_83, %mul3A_116 : vector<16xf32>
      %max3A_118 = arith.constant 0.000000e+00 : f32
      %max3A_119 = vector.broadcast %max3A_118 : f32 to vector<16xf32>
      %max3A_120 = arith.maximumf %mul3A_117, %max3A_119 : vector<16xf32>
      %mul3A_121 = arith.constant 0.699999988 : f32
      %mul3A_122 = vector.broadcast %mul3A_121 : f32 to vector<16xf32>
      %mul3A_123 = arith.mulf %mul3A_122, %max3A_120 : vector<16xf32>
      %mul3A_124 = arith.constant 16 : i32
      %mul3A_125 = arith.muli %scan3A_51, %mul3A_124 : i32
      %swap3A = arith.index_cast %mul3A_125 : i32 to index
      %swap3A_126 = tpu.vector_load %arg12[%swap3A] {strides = array<i32>} : memref<512xf32, #tpu.memory_space<vmem>>, vector<16xf32>,
      tpu.vector_store %arg12[%swap3A], %mul3A_123 {strides = array<i32>} : memref<512xf32, #tpu.memory_space<vmem>>, vector<16xf32>,
    }
    %scan3A_50 = arith.constant 32 : i32
    "tpu.region"() ({
      %run_scoped3A = tpu.sem_alloc : memref<!tpu.dma_semaphore, #tpu.memory_space<semaphore_mem>>
      %dma_start3A_51 = tpu.memref_slice %arg5[%mul3A_2] : memref<16384xf32, #tpu.memory_space<hbm>> -> memref<512xf32, #tpu.memory_space<hbm>>
      %dma_start3A_52 = tpu.memref_slice %arg5[%mul3A_2] : memref<16384xf32, #tpu.memory_space<hbm>> -> memref<512xf32, #tpu.memory_space<hbm>>
      tpu.enqueue_dma source(%arg12 : memref<512xf32, #tpu.memory_space<vmem>>) target(%dma_start3A_52 : memref<512xf32, #tpu.memory_space<hbm>>) target_semaphore(%run_scoped3A : memref<!tpu.dma_semaphore, #tpu.memory_space<semaphore_mem>>)
      %dma_wait3A = tpu.memref_slice %arg5[%mul3A_2] : memref<16384xf32, #tpu.memory_space<hbm>> -> memref<512xf32, #tpu.memory_space<hbm>>
      %dma_wait3A_53 = tpu.memref_slice %arg5[%mul3A_2] : memref<16384xf32, #tpu.memory_space<hbm>> -> memref<512xf32, #tpu.memory_space<hbm>>
      tpu.wait_dma2 semaphore(%run_scoped3A : memref<!tpu.dma_semaphore, #tpu.memory_space<semaphore_mem>>) src(%arg12 : memref<512xf32, #tpu.memory_space<vmem>>) dst(%dma_wait3A_53 : memref<512xf32, #tpu.memory_space<hbm>>)
      tpu.yield
    }) : () -> ()
    return
  }
}

</mosaic_0001>

<sc_bundles>
// kernel: kernel.3.cloned.1.call-start
scs
__scs_entry_jumppad:
0x0: {  	(pc) =	sbr.rel $0x88, $3  }
0x1: {  	(tag) =	ssettag $0x0;
	lr =	simm.s32 $0x1  }
0x2: {  	[smem:$0x3F9E] =	sst lr;
	_ =	strace $0xD0000000  }
0x3: {  	_ = 	snop  }
0x4: {  	_ = 	snop  }
0x5: {  	_ = 	snop  }
0x6: {  	_ = 	snop  }
0x7: {  	_ = 	snop  }
__scs_overlays_trampoline_lowered:
0x8: {  	[smem:$0x3FAD] =	sst s0  }
0x9: {  	[smem:$0x3FAE] =	sst s1  }
0xa: {  	[smem:$0x3FAF] =	sst s2  }
0xb: {  	[smem:$0x3FB0] =	sst s3  }
0xc: {  	[smem:$0x3FB1] =	sst s4  }
0xd: {  	[smem:$0x3FB2] =	sst s5  }
0xe: {  	[smem:$0x3FB3] =	sst s6  }
0xf: {  	[smem:$0x3FB4] =	sst s7  }
0x10: {  	[smem:$0x3FB5] =	sst s8  }
0x11: {  	[smem:$0x3FB6] =	sst s9;
	s0 =	simm.s32 @!p0 $0x0  }
0x12: {  	s1 =	sld [smem:$0x3F9C];
	s0 =	simm.s32 @p0 $0x1  }
0x13: {  	[smem:$0x3FB7] =	sst s0;
	s0 =	simm.s32 @!p1 $0x0  }
0x14: {  	s2 =	sld [smem:$0x3F9B];
	s0 =	simm.s32 @p1 $0x1  }
0x15: {  	[smem:$0x3FB8] =	sst s0;
	s0 =	simm.s32 @!p2 $0x0  }
0x16: {  	s3 =	sld [smem:$0x3FDB];
	s0 =	simm.s32 @p2 $0x1  }
0x17: {  	s4 =	simm.s32 $0x1BF5;
	[smem:$0x3FBA] =	sst s0  }
0x18: {  	s0 =	sld [smem:$0x3F9D];
	_ =	swait.ge [sflag:s4], $0x0  }
0x19: {  	s7 =	sld [smem:$0x3F9E]  }
0x1a: {  	s8 =	sadd.s32 $0xFFFFE003, lr  }
0x1b: {  	s9 =	sadd.s32 $0xFFFFFEF7, lr;
	s5 =	simm.s32 $0xFFFFFFFF;
	p2 =	slt.u32 s8, $0xFFFFF086  }
0x1c: {  	p1 =	slt.u32 s9, $0xF7A;
	s5 =	simm.s32 @!p2 $0x0  }
0x1d: {  	s5 =	simm.s32 @p1 $0x1;
	p0 =	seq.s32 s7, s2  }
0x1e: {  	s7 =	smul.u32 @!p0 $0xF7A, s2;
	p2 =	seq.s32 @!p0 s5, $0x0  }
0x1f: {  	s9 =	smul.u32 $0xF7A, s1;
	s8 =	simm.s32 @!p0 $0x1BF5;
	p2 =	por !p2, p0  }
0x20: {  	[sflag:s8] =	ssyncset.s32 @!p0 $0xFFFFF086;
	s6 =	sadd.s32 @!p0 s3, s7;
	s7 =	simm.s32 @!p0 $0x108  }
0x21: {  	s3 =	sadd.s32 s3, s9;
	s6 =	sadd.s32 @!p0 $0x88, s6;
	s7 =	simm.s32 @p2 $0x1082  }
0x22: {  	[simem:s7], [sflag:s8] =	dma.local @!p0 [hbm:s6], $0xF7A  }
0x23: {  	s9 =	sor.u32 $0xD0000000, s2;
	s6 =	simm.s32 $0x108;
	_ =	swait.ge @!p0 [sflag:s8], $0x0  }
0x24: {  	s3 =	sadd.s32 $0x88, s3;
	s6 =	simm.s32 @!p1 $0x1082;
	[sflag:s4] =	ssyncset.s32 $0xFFFFF086  }
0x25: {  	[simem:s6], [sflag:s4] =	dma.local [hbm:s3], $0xF7A  }
0x26: {  	[smem:$0x3F9E] =	sst s1;
	(tag) =	ssettag s2;
	_ =	strace s9  }
0x27: {  	s1 =	sld [smem:$0x3FAE]  }
0x28: {  	s2 =	sld [smem:$0x3FAF]  }
0x29: {  	s4 =	sld [smem:$0x3FB1]  }
0x2a: {  	p0 =	seq.s32 s5, $0x0;
	s5 =	sld [smem:$0x3FB2]  }
0x2b: {  	s6 =	sld [smem:$0x3FB3]  }
0x2c: {  	s7 =	sld [smem:$0x3FB4]  }
0x2d: {  	s3 =	simm.s32 $0x108;
	s8 =	sld [smem:$0x3FB5]  }
0x2e: {  	s3 =	simm.s32 @!p0 $0x1082;
	s9 =	sld [smem:$0x3FB6]  }
0x2f: {  	lr =	sadd.s32 s0, s3;
	s0 =	sld [smem:$0x3FAD]  }
0x30: {  	s3 =	sld [smem:$0x3FB0]  }
0x31: {  	[smem:$0x3FB9] =	sst s10  }
0x32: {  	s10 =	sld [smem:$0x3FB7];
	_ =	sdelay $0x3  }
0x33: {  	p0 =	seq.s32 s10, $0x1;
	s10 =	sld [smem:$0x3FB9];
	_ =	sdelay $0x3  }
0x34: {  	[smem:$0x3FB9] =	sst s10  }
0x35: {  	s10 =	sld [smem:$0x3FB8];
	_ =	sdelay $0x3  }
0x36: {  	p1 =	seq.s32 s10, $0x1;
	s10 =	sld [smem:$0x3FB9];
	_ =	sdelay $0x3  }
0x37: {  	[smem:$0x3FB9] =	sst s10  }
0x38: {  	s10 =	sld [smem:$0x3FBA]  }
0x39: {  	_ = 	snop;
	(pc) =	sbr.ind lr, $3  }
0x3a: {  	_ = 	snop  }
0x3b: {  	_ = 	snop  }
0x3c: {  	p2 =	seq.s32 s10, $0x1;
	s10 =	sld [smem:$0x3FB9]  }
0x3d: {  	_ =	shalt  }
0x3e: {  	_ =	shalt  }
0x3f: {  	_ =	shalt  }
0x40: {  	_ =	shalt  }
0x41: {  	_ =	shalt  }
0x42: {  	_ =	shalt  }
0x43: {  	_ =	shalt  }
0x44: {  	_ =	shalt  }
0x45: {  	_ =	shalt  }
0x46: {  	_ =	shalt  }
0x47: {  	_ =	shalt  }
0x48: {  	_ =	shalt  }
0x49: {  	_ =	shalt  }
0x4a: {  	_ =	shalt  }
0x4b: {  	_ =	shalt  }
0x4c: {  	_ =	shalt  }
0x4d: {  	_ =	shalt  }
0x4e: {  	_ =	shalt  }
0x4f: {  	_ =	shalt  }
0x50: {  	_ =	shalt  }
0x51: {  	_ =	shalt  }
0x52: {  	_ =	shalt  }
0x53: {  	_ =	shalt  }
0x54: {  	_ =	shalt  }
0x55: {  	_ =	shalt  }
0x56: {  	_ =	shalt  }
0x57: {  	_ =	shalt  }
0x58: {  	_ =	shalt  }
0x59: {  	_ =	shalt  }
0x5a: {  	_ =	shalt  }
0x5b: {  	_ =	shalt  }
0x5c: {  	_ =	shalt  }
0x5d: {  	_ =	shalt  }
0x5e: {  	_ =	shalt  }
0x5f: {  	_ =	shalt  }
0x60: {  	_ =	shalt  }
0x61: {  	_ =	shalt  }
0x62: {  	_ =	shalt  }
0x63: {  	_ =	shalt  }
0x64: {  	_ =	shalt  }
0x65: {  	_ =	shalt  }
0x66: {  	_ =	shalt  }
0x67: {  	_ =	shalt  }
0x68: {  	_ =	shalt  }
0x69: {  	_ =	shalt  }
0x6a: {  	_ =	shalt  }
0x6b: {  	_ =	shalt  }
0x6c: {  	_ =	shalt  }
0x6d: {  	_ =	shalt  }
0x6e: {  	_ =	shalt  }
0x6f: {  	_ =	shalt  }
0x70: {  	_ =	shalt  }
0x71: {  	_ =	shalt  }
0x72: {  	_ =	shalt  }
0x73: {  	_ =	shalt  }
0x74: {  	_ =	shalt  }
0x75: {  	_ =	shalt  }
0x76: {  	_ =	shalt  }
0x77: {  	_ =	shalt  }
0x78: {  	_ =	shalt  }
0x79: {  	_ =	shalt  }
0x7a: {  	_ =	shalt  }
0x7b: {  	_ =	shalt  }
0x7c: {  	_ =	shalt  }
0x7d: {  	_ =	shalt  }
0x7e: {  	_ =	shalt  }
0x7f: {  	_ =	shalt  }
0x80: {  	_ =	shalt  }
0x81: {  	_ =	shalt  }
0x82: {  	_ =	shalt  }
0x83: {  	_ =	shalt  }
0x84: {  	_ =	shalt  }
0x85: {  	_ =	shalt  }
0x86: {  	_ =	shalt  }
0x87: {  	_ =	shalt  }
.Lfunc_end0:
.L_simem_size_0:
called_computation_lowered:
.L_overlay_start_0:
0x88: {  	s2 =	sld [smem:$0x3FD9]  }
0x89: {  	s3 =	sld [smem:$0x3FFE];
	_ =	sdelay $0x1  }
0x8a: {  	s1 =	srdreg.scid  }
0x8b: {  	s0 =	sand.u32 $0x1, s1  }
0x8c: {  	s17 =	sshll.u32 s0, $0xA;
	s2 =	sadd.s32 s3, s2  }
0x8d: {  	s2 =	sadd.s32 s2, s17  }
0x8e: {  	[smem:$0x3FC5] =	sst s2  }
0x8f: {  	_ = 	snop  }
0x90: {  	s2 =	sld [smem:$0x3FD0];
	(tm) =	ssettm $0x1  }
0x91: {  	s18 =	sld [smem:$0x3FFB];
	_ =	sdelay $0x3  }
0x92: {  	_ =	strace s18  }
0x93: {  	s3 =	sld [smem:$0x3FFC];
	_ =	sdelay $0x3  }
0x94: {  	_ =	strace s3  }
0x95: {  	s3 =	sld [smem:$0x3FFD];
	_ =	sdelay $0x3  }
0x96: {  	_ =	strace s3  }
0x97: {  	_ =	strace $0x8FFFFFFF  }
0x98: {  	s19 =	sld [smem:$0x3FDB];
	_ =	sdelay $0x1  }
0x99: {  	s4 =	simm.s32 $_scs_section_size  }
0x9a: {  	s5 =	simm.s32 $_size__tile_overlayer_lowered;
	s6 =	simm.s32 $_tile_overlayer_lowered  }
0x9b: {  	s22 =	simm.s32 $0x1BFF;
	s21 =	sshll.u32 s6, $0x1;
	s3 =	sadd.s32 s4, s19  }
0x9c: {  	s7 =	simm.s32 $0x0;
	s20 =	sshll.u32 s5, $0x1;
	s5 =	sadd.s32 s21, s3  }
0x9d: {  	[timem:s7], [sflag:s22] =	dma.local [hbm:s5], s20  }
0x9e: {  	_ =	swait.ge [sflag:s22], s20  }
0x9f: {  	s4 =	ssub.s32 $0x0, s20;
	[sflag:s22] =	ssyncset.done $0x0  }
0xa0: {  	[sflag:s22] =	ssyncadd.s32 s4;
	_ =	sdelay $0x1  }
0xa1: {  	s23 =	simm.s32 $0x1B8B  }
0xa2: {  	_ =	swait.ge [sflag:s23], $0x1  }
0xa3: {  	[sflag:s23] =	ssyncset.done $0x0  }
0xa4: {  	s25 =	simm.s32 $0x1B8E;
	s24 =	sld [smem:$0x3FFE];
	[sflag:s23] =	ssyncadd.s32 $0xFFFFFFFF  }
0xa5: {  	s26 =	simm.s32 $execute0_lowered;
	[smem:$0x3FD2] =	sst s25  }
0xa6: {  	s5 =	sshll.u32 s26, $0x1;
	_ =	strace $0x80000046;
	[dreg:$0x1] =	wrdreg $0xFFFFFFFF  }
0xa7: {  	s28 =	simm.s32 $_size_execute0_lowered;
	s3 =	sadd.s32 s3, s5;
	[dreg:$0x0] =	wrdreg $0x0  }
0xa8: {  	s5 =	sshll.u32 s28, $0x1;
	[dreg:$0x2] =	wrdreg s3  }
0xa9: {  	[dreg:$0x3] =	wrdreg s5  }
0xaa: {  	[dreg:$0x4] =	wrdreg $0xC0  }
0xab: {  	_ =	task [dreg:s7], $0x5FFFF  }
0xac: {  	[dreg:$0x1] =	wrdreg $0xFFFFFFFF  }
0xad: {  	[dreg:$0x0] =	wrdreg $0x60  }
0xae: {  	[dreg:$0x2] =	wrdreg s24  }
0xaf: {  	[dreg:$0x3] =	wrdreg s2  }
0xb0: {  	[dreg:$0x4] =	wrdreg $0x89000  }
0xb1: {  	[dreg:$0x5] =	wrdreg $0x9  }
0xb2: {  	_ =	task.clear_ibuf [dreg:s7], $0x6FFFF;
	_ =	strace $0x90000046  }
0xb3: {  	s29 =	simm.s32 $0x9;
	_ =	strace $0x80000048  }
0xb4: {  	_ =	swait.ge [sflag:s29], $0x1  }
0xb5: {  	[sflag:s29] =	ssyncadd.s32 $0xFFFFFFFF  }
0xb6: {  	_ =	strace $0x90000048  }
0xb7: {  	_ =	sfence  }
0xb8: {  	s30 =	sld [smem:$0x0];
	_ =	sdelay $0x2  }
0xb9: {  	s31 =	sshll.u32 s1, $0xD;
	s1 =	sshrl.u32 s1, $0x2  }
0xba: {  	s3 =	sand.u32 $0x4000, s31;
	s1 =	sadd.s32 s1, s30  }
0xbb: {  	s0 =	sor.u32 s3, s0;
	s1 =	sshll.u32 s1, $0x11  }
0xbc: {  	s0 =	sor.u32 s1, s0  }
0xbd: {  	s0 =	sadd.s32 $0x8F2B, s0  }
0xbe: {  	[sflag:s0] =	ssyncadd.remote.s32 $0x1  }
0xbf: {  	_ =	sfence.sel $0xFFFF  }
0xc0: {  	[dreg:$0x0] =	wrdreg $0xFFFFFFFF;
	(pc) =	sbr.abs _section_cstart, $3  }
0xc1: {  	[dreg:$0x1] =	wrdreg $0xFFFFFFFF  }
0xc2: {  	_ =	task.clear_ibuf [dreg:s7], $0x2FFFF;
	_ =	strace $0x9FFFFFFF  }
0xc3: {  	(tm) =	ssettm $0x7FFFFFFF  }
tec
execute0_lowered:
.L_overlay_start_1:
0x0: {  	(tag) =	ssettag $0x1  }
0x1: {  	s0 =	rddreg [dreg:$0x0]  }
0x2: {  	s6 =	rddreg [dreg:$0x1]  }
0x3: {  	s1 =	rddreg [dreg:$0x2];
	s3 =	srdreg.scid;
	s2 =	simm.s32 $0x0  }
0x4: {  	s10 =	stileid.u32;
	s12 =	simm.s32 $0x5;
	s14 =	simm.s32 $0x38  }
0x5: {  	s15 =	simm.s32 $0x1900;
	s16 =	simm.s32 $0x3500;
	s17 =	simm.s32 $0x30  }
0x6: {  	s18 =	simm.s32 $0x5100;
	s19 =	simm.s32 $0x6D00;
	s20 =	simm.s32 $0x1  }
0x7: {  	s21 =	simm.s32 $0x2;
	s22 =	simm.s32 $0x3;
	s23 =	simm.s32 $0x4  }
0x8: {  	s24 =	simm.s32 $0x1C180;
	s25 =	simm.s32 $0x1D180;
	s28 =	simm.s32 $0x0  }
0x9: {  	s5 =	sand.u32 $0x1, s3;
	[smem:$0x7FF] =	sst s2;
	s30 =	sshll.u32 s10, $0xA  }
0xa: {  	p0 =	sne.s32 s10, $0x0;
	s4 =	sshll.u32 s5, $0x9;
	_ =	strace $0x80000047  }
0xb: {  	s7 =	ssub.s32 $0x2, s5;
	s5 =	sadd.s32 $0x1000, s0;
	s11 =	sshrl.u32 @!p0 s1, $0x3  }
0xc: {  	v0 =	vlaneseq.u32;
	s3 =	sor.u32 s4, s30;
	s4 =	sadd.s32 $0x65000, s0;
	s0 =	sadd.s32 $0xC9000, s0  }
0xd: {  	v9 =	vmul.u32 $0x100, v0;
	s31 =	sshrl.u32 s7, $0x1;
	s8 =	smul.u32 $0x19, s3;
	s9 =	sshrl.u32 s3, $0x3  }
0xe: {  	[dreg:$0x4] =	wrdreg s0;
	s0 =	ssub.s32 s7, s31;
	s9 =	sadd.s32 s6, s9  }
0xf: {  	[tilespmem:$0x1FFF0] =	vst v9;
	s10 =	smax.u32 s0, $0x1;
	s7 =	sadd.s32 s4, s8;
	s8 =	sadd.s32 s5, s8  }
.LBB2_1:
0x10: {  	s0 =	simm.s32 @!p0 $0x1C05;
	s6 =	rddreg [dreg:$0x4]  }
0x11: {  	[spmem:s11], [sflag:s0] =	dma.local @!p0 [hbm:s6], $0x27100  }
0x12: {  	s0 =	simm.s32 @!p0 $0x5  }
0x13: {  	_ =	swait.ge @!p0 [sflag:s0], $0x27100  }
0x14: {  	[sflag:s0] =	ssyncset.done @!p0 $0x0  }
0x15: {  	[sflag:s0] =	ssyncadd.s32 @!p0 $0xFFFD8F00  }
0x16: {  	[bflag:$0x0] =	sbarrier.arrive $0xFFFF  }
0x17: {  	[tilespmem:s2], [sflag:$0x5] =	stream.linear.gather [hbm4b:s7+s2], $0xC80, $0x38;
	[tilespmem:$0x1E380] =	vst v63  }
0x18: {  	_ =	swait.ge [sflag:s12], $0xC80  }
0x19: {  	[sflag:s12] =	ssyncset.done $0x0  }
0x1a: {  	s31 =	simm.s32 $0xC80;
	[sflag:s12] =	ssyncadd.s32 $0xFFFFF380  }
0x1b: {  	[tilespmem:s31], [sflag:$0x5] =	stream.linear.gather [hbm4b:s8+s2], $0xC80, $0x38;
	[tilespmem:$0x1E380] =	vst v63  }
0x1c: {  	_ =	swait.ge [sflag:s12], $0xC80  }
0x1d: {  	[sflag:s12] =	ssyncset.done $0x0  }
0x1e: {  	[sflag:s12] =	ssyncadd.s32 $0xFFFFF380  }
0x1f: {  	[tilespmem:s15], [sflag:$0x1] =	stream.indirect.gather [spmem:s1], $0x80, s2, s14, $0xb8;
	[tilespmem:$0x1E380] =	vst v63  }
0x20: {  	_ = 	snop  }
0x21: {  	[tilespmem:s16], [sflag:$0x2] =	stream.indirect.gather [spmem:s1], $0x80, s31, s14, $0xb8;
	[tilespmem:$0x1E380] =	vst v63  }
0x22: {  	s29 =	simm.s32 $0x0  }
0x23: {  	[tilespmem:s18], [sflag:$0x3] =	stream.indirect.gather [spmem:s1], $0x80, s14, s17, $0xb8;
	[tilespmem:$0x1E380] =	vst v63  }
.LBB2_2:
0x24: {  	s30 =	simm.s32 $0x0  }
.LBB2_3:
0x25: {  	s31 =	smul.u32 $0xC8, s30;
	_ =	sdelay $0x1  }
0x26: {  	s0 =	sadd.s32 $0xCB8, s31  }
0x27: {  	[tilespmem:s19], [sflag:$0x4] =	stream.indirect.gather [spmem:s1], $0x80, s0, s17, $0xb8;
	[tilespmem:$0x1E380] =	vst v63  }
0x28: {  	_ =	swait.ge [sflag:s20], $0x1C00  }
0x29: {  	[sflag:s20] =	ssyncset.done $0x0  }
0x2a: {  	s0 =	simm.s32 $0x1B00;
	[sflag:s20] =	ssyncadd.s32 $0xFFFFE400  }
0x2b: {  	v1 =	vld [tilespmem:s0+$0x130]  }
0x2c: {  	v2 =	vld [tilespmem:s0+$0x1D0]  }
0x2d: {  	v3 =	vld [tilespmem:s0+$0x150]  }
0x2e: {  	v4 =	vld [tilespmem:s0+$0xB0]  }
0x2f: {  	v5 =	vld [tilespmem:s0+$0x30]  }
0x30: {  	v7 =	vld [tilespmem:s0+$0x180]  }
0x31: {  	v8 =	vld [tilespmem:s0+$0x100]  }
0x32: {  	v9 =	vld [tilespmem:s0+$0xFFFFFFD0]  }
0x33: {  	v11 =	vld [tilespmem:s0+$0xFFFFFFC0]  }
0x34: {  	v10 =	vld [tilespmem:s0+$0x1F0]  }
0x35: {  	v12 =	vld [tilespmem:s0+$0x170]  }
0x36: {  	v13 =	vld [tilespmem:s0+$0xFFFFFFF0]  }
0x37: {  	v6 =	vld [tilespmem:s0+$0xF0]  }
0x38: {  	v14 =	vld [tilespmem:s0+$0x70]  }
0x39: {  	v15 =	vld [tilespmem:s0+$0x1E0]  }
0x3a: {  	v16 =	vld [tilespmem:s0+$0x160]  }
0x3b: {  	v17 =	vld [tilespmem:s0+$0x1C0]  }
0x3c: {  	v18 =	vld [tilespmem:s0+$0x140]  }
0x3d: {  	v19 =	vld [tilespmem:s0+$0xFFFFFFE0]  }
0x3e: {  	v20 =	vld [tilespmem:s0+$0xD0]  }
0x3f: {  	v21 =	vld [tilespmem:s0+$0xE0]  }
0x40: {  	v22 =	vld [tilespmem:s0+$0x60]  }
0x41: {  	v23 =	vld [tilespmem:s0+$0x50]  }
0x42: {  	v24 =	vld [tilespmem:s0+$0xC0]  }
0x43: {  	v25 =	vld [tilespmem:s0+$0x40]  }
0x44: {  	v26 =	vld [tilespmem:s0+$0x80]  }
0x45: {  	v27 =	vld [tilespmem:s0+$0x0]  }
0x46: {  	v28 =	vld [tilespmem:s0+$0xFFFFFF70]  }
0x47: {  	v29 =	vld [tilespmem:s0+$0xFFFFFF60]  }
0x48: {  	v30 =	vld [tilespmem:s0+$0xFFFFFF50]  }
0x49: {  	v31 =	vld [tilespmem:s0+$0xFFFFFF40]  }
0x4a: {  	v32 =	vld [tilespmem:s0+$0xFFFFFF30]  }
0x4b: {  	v4 =	vadd.bf16 v4, v5;
	v5 =	vadd.bf16 v6, v14;
	v14 =	vld [tilespmem:s0+$0xFFFFFEF0]  }
0x4c: {  	v21 =	vadd.bf16 v21, v22;
	v22 =	vld [tilespmem:s0+$0xFFFFFE70]  }
0x4d: {  	v6 =	vadd.bf16 v1, v4;
	v1 =	vadd.bf16 v12, v5;
	v5 =	vld [tilespmem:s0+$0xFFFFFEE0]  }
0x4e: {  	v4 =	vadd.bf16 v20, v23;
	v12 =	vadd.bf16 v16, v21;
	v16 =	vld [tilespmem:s0+$0xFFFFFE60]  }
0x4f: {  	v21 =	vadd.bf16 v26, v27;
	v23 =	vld [tilespmem:s0+$0xFFFFFEC0]  }
0x50: {  	v20 =	vadd.bf16 v10, v1;
	v10 =	vld [tilespmem:s0+$0xFFFFFED0];
	v3 =	vadd.bf16 v3, v4  }
0x51: {  	v1 =	vadd.bf16 v24, v25;
	v12 =	vadd.bf16 v15, v12;
	v15 =	vld [tilespmem:s0+$0xFFFFFE50]  }
0x52: {  	v8 =	vadd.bf16 v8, v21;
	v4 =	vadd.bf16 v2, v3;
	v3 =	vld [tilespmem:s0+$0xFFFFFE40]  }
0x53: {  	v1 =	vadd.bf16 v18, v1;
	v2 =	vadd.bf16 v14, v22;
	v14 =	vld [tilespmem:s0+$0xFFFFFEB0]  }
0x54: {  	v18 =	vadd.bf16 v7, v8;
	v7 =	vld [tilespmem:s0+$0xFFFFFE20]  }
0x55: {  	v5 =	vadd.bf16 v5, v16;
	v16 =	vld [tilespmem:s0+$0xFFFFFEA0];
	v17 =	vadd.bf16 v17, v1  }
0x56: {  	v1 =	vadd.bf16 v28, v2;
	v2 =	vld [tilespmem:s0+$0xFFFFFE30];
	v15 =	vadd.bf16 v10, v15  }
0x57: {  	v33 =	vld [tilespmem:s0+$0xFFFFFF20];
	v22 =	vunpack.i.l.bf16.f32 v20;
	v5 =	vadd.bf16 v29, v5  }
0x58: {  	v34 =	vld [tilespmem:s0+$0xFFFFFE00];
	v39 =	vunpack.i.l.bf16.f32 v18;
	v1 =	vadd.bf16 v13, v1;
	v15 =	vadd.bf16 v30, v15  }
0x59: {  	v26 =	vld [tilespmem:s0+$0xFFFFFF10];
	v10 =	vimm.f32 $0.0e+00;
	v5 =	vadd.bf16 v19, v5;
	v3 =	vadd.bf16 v23, v3  }
0x5a: {  	v21 =	vld [tilespmem:s0+$0xFFFFFE80];
	v8 =	vunpack.i.u.bf16.f32 v1;
	v1 =	vunpack.i.l.bf16.f32 v1;
	v7 =	vadd.bf16 v16, v7  }
0x5b: {  	v13 =	vld [tilespmem:s0+$0xFFFFFE90];
	v2 =	vadd.bf16 v14, v2;
	v14 =	vunpack.i.u.bf16.f32 v5;
	v23 =	vadd.f32 v8, v10  }
0x5c: {  	v19 =	vld [tilespmem:s0+$0xFFFFFE10];
	v24 =	vadd.f32 v1, v10;
	v3 =	vadd.bf16 v31, v3;
	v1 =	vunpack.i.u.bf16.f32 v12  }
0x5d: {  	v25 =	vld [tilespmem:s0+$0xFFFFFF00];
	v5 =	vunpack.i.l.bf16.f32 v5;
	v9 =	vadd.bf16 v9, v15;
	v14 =	vadd.f32 v14, v10  }
0x5e: {  	v28 =	vld [tilespmem:s0+$0xFFFFFFB0];
	v8 =	vunpack.i.u.bf16.f32 v17;
	v5 =	vadd.f32 v5, v10;
	v27 =	vadd.bf16 v32, v2  }
0x5f: {  	v29 =	vld [tilespmem:s0+$0xFFFFFF80];
	v12 =	vunpack.i.l.bf16.f32 v12;
	v2 =	vadd.f32 v22, v24;
	v3 =	vadd.bf16 v11, v3  }
0x60: {  	v16 =	vld [tilespmem:s0+$0x10];
	v11 =	vadd.bf16 v21, v34;
	v24 =	vadd.bf16 v33, v7;
	v7 =	vunpack.i.u.bf16.f32 v4  }
0x61: {  	v15 =	vld [tilespmem:s0+$0x90];
	v1 =	vadd.f32 v1, v14;
	v14 =	vunpack.i.u.bf16.f32 v20;
	v13 =	vadd.bf16 v13, v19  }
0x62: {  	v19 =	vunpack.i.u.bf16.f32 v9;
	v20 =	vimm.f32 $0.0e+00;
	v22 =	vunpack.i.u.bf16.f32 v3  }
0x63: {  	v11 =	vadd.bf16 v25, v11;
	v25 =	vunpack.i.l.bf16.f32 v9;
	v14 =	vadd.f32 v14, v23  }
0x64: {  	v9 =	vld [tilespmem:s0+$0xFFFFFF90];
	v34 =	vadd.bf16 v28, v27;
	v31 =	vunpack.i.l.bf16.f32 v3;
	v3 =	vadd.f32 v19, v10  }
0x65: {  	v36 =	vld [tilespmem:s0+$0x1B0];
	v19 =	vimm.f32 $0.0e+00;
	v13 =	vadd.bf16 v26, v13;
	v11 =	vadd.bf16 v29, v11  }
0x66: {  	v35 =	vld [tilespmem:s0+$0x20];
	v29 =	vadd.bf16 v15, v16;
	v37 =	vunpack.i.l.bf16.f32 v34;
	v3 =	vadd.f32 v7, v3  }
0x67: {  	v30 =	vld [tilespmem:s0+$0x190];
	v16 =	vimm.f32 $0.0e+00;
	v32 =	vunpack.i.u.bf16.f32 v11;
	v11 =	vunpack.i.l.bf16.f32 v11  }
0x68: {  	v33 =	vld [tilespmem:s0+$0xA0];
	v15 =	vimm.f32 $0.0e+00;
	v7 =	vimm.f32 $0.0e+00;
	v23 =	vadd.f32 v11, v10  }
0x69: {  	v27 =	vld [tilespmem:s0+$0x110];
	v38 =	vadd.bf16 v9, v13;
	v13 =	vadd.f32 v12, v5;
	v12 =	vimm.f32 $0.0e+00  }
0x6a: {  	s26 =	simm.s32 $0x0;
	s13 =	simm.s32 $0x1B00;
	v26 =	vld [tilespmem:s0+$0x1A0];
	v11 =	vimm.f32 $0.0e+00;
	v9 =	vimm.f32 $0.0e+00;
	v5 =	vimm.f32 $0.0e+00  }
.LBB2_4:
0x6b: {  	s26 =	sadd.s32 $0x2, s26;
	v28 =	vld [tilespmem:s0+$0xFFFFFFA0];
	v34 =	vunpack.i.u.bf16.f32 v34;
	v21 =	vadd.f32 v39, v23;
	v6 =	vadd.bf16 v36, v6;
	s13 =	sadd.s32 $0x400, s13  }
0x6c: {  	v10 =	vadd.f32 v37, v10;
	p1 =	slt.u32 s26, $0xC;
	v23 =	vunpack.i.u.bf16.f32 v38;
	v36 =	vunpack.i.l.bf16.f32 v38;
	v37 =	vld [tilespmem:s0+$0x120];
	s0 =	smov.u32 s13  }
0x6d: {  	v16 =	vadd.f32 v34, v16;
	v38 =	vld [tilespmem:s13+$0x130];
	v20 =	vadd.f32 v23, v20;
	v23 =	vunpack.i.u.bf16.f32 v6  }
0x6e: {  	v12 =	vadd.f32 v31, v12;
	v19 =	vadd.f32 v36, v19;
	v6 =	vunpack.i.l.bf16.f32 v6;
	v34 =	vld [tilespmem:s13+$0x1D0]  }
0x6f: {  	v11 =	vadd.f32 v32, v11;
	v17 =	vunpack.i.l.bf16.f32 v17;
	v32 =	vadd.bf16 v33, v35;
	v31 =	vld [tilespmem:s13+$0x150]  }
0x70: {  	v18 =	vunpack.i.u.bf16.f32 v18;
	v12 =	vadd.f32 v17, v12;
	v16 =	vadd.f32 v23, v16;
	v33 =	vld [tilespmem:s13+$0xB0]  }
0x71: {  	v11 =	vadd.f32 v18, v11;
	v18 =	vadd.bf16 v27, v29;
	v17 =	vld [tilespmem:s13+$0x30]  }
0x72: {  	v9 =	vadd.f32 v25, v9;
	v25 =	vadd.bf16 v37, v32;
	v27 =	vld [tilespmem:s13+$0x180]  }
0x73: {  	v15 =	vadd.f32 v22, v15;
	v4 =	vunpack.i.l.bf16.f32 v4;
	v24 =	vadd.bf16 v28, v24;
	v29 =	vld [tilespmem:s13+$0x100]  }
0x74: {  	v9 =	vadd.f32 v4, v9;
	v18 =	vadd.bf16 v30, v18;
	v22 =	vld [tilespmem:s13+$0xFFFFFFD0]  }
0x75: {  	v4 =	vunpack.i.u.bf16.f32 v24;
	v24 =	vunpack.i.l.bf16.f32 v24;
	v25 =	vadd.bf16 v26, v25;
	v23 =	vld [tilespmem:s13+$0xFFFFFFC0]  }
0x76: {  	v5 =	vadd.f32 v24, v5;
	v4 =	vadd.f32 v4, v7;
	v24 =	vunpack.i.u.bf16.f32 v18;
	v26 =	vld [tilespmem:s13+$0x1F0]  }
0x77: {  	v15 =	vadd.f32 v8, v15;
	v7 =	vunpack.i.u.bf16.f32 v25;
	v25 =	vunpack.i.l.bf16.f32 v25;
	v28 =	vld [tilespmem:s13+$0x170]  }
0x78: {  	v8 =	vunpack.i.l.bf16.f32 v18;
	v5 =	vadd.f32 v25, v5;
	v7 =	vadd.f32 v7, v4;
	v30 =	vld [tilespmem:s13+$0xFFFFFFF0]  }
0x79: {  	v10 =	vadd.f32 v6, v10;
	v19 =	vadd.f32 v8, v19;
	v4 =	vld [tilespmem:s13+$0xF0]  }
0x7a: {  	v20 =	vadd.f32 v24, v20;
	v6 =	vadd.bf16 v33, v17;
	v8 =	vld [tilespmem:s13+$0x70]  }
0x7b: {  	v17 =	vld [tilespmem:s13+$0x1E0]  }
0x7c: {  	v6 =	vadd.bf16 v38, v6;
	v18 =	vld [tilespmem:s13+$0x160]  }
0x7d: {  	v24 =	vld [tilespmem:s13+$0x1C0]  }
0x7e: {  	v25 =	vld [tilespmem:s13+$0x140]  }
0x7f: {  	v32 =	vld [tilespmem:s13+$0xFFFFFFE0];
	v4 =	vadd.bf16 v4, v8  }
0x80: {  	v8 =	vld [tilespmem:s13+$0xD0]  }
0x81: {  	v33 =	vld [tilespmem:s13+$0xE0];
	v4 =	vadd.bf16 v28, v4  }
0x82: {  	v28 =	vld [tilespmem:s13+$0x60]  }
0x83: {  	v35 =	vld [tilespmem:s13+$0x50];
	v26 =	vadd.bf16 v26, v4  }
0x84: {  	v4 =	vld [tilespmem:s13+$0xC0]  }
0x85: {  	v36 =	vld [tilespmem:s13+$0x40]  }
0x86: {  	v37 =	vld [tilespmem:s13+$0x80]  }
0x87: {  	v38 =	vld [tilespmem:s13+$0x0];
	v28 =	vadd.bf16 v33, v28  }
0x88: {  	v33 =	vld [tilespmem:s13+$0xFFFFFF70];
	v8 =	vadd.bf16 v8, v35  }
0x89: {  	v35 =	vld [tilespmem:s13+$0xFFFFFF60];
	v18 =	vadd.bf16 v18, v28  }
0x8a: {  	v28 =	vld [tilespmem:s13+$0xFFFFFF50];
	v4 =	vadd.bf16 v4, v36;
	v8 =	vadd.bf16 v31, v8  }
0x8b: {  	v31 =	vld [tilespmem:s13+$0xFFFFFF40];
	v39 =	vadd.bf16 v17, v18  }
0x8c: {  	v36 =	vld [tilespmem:s13+$0xFFFFFF30];
	v17 =	vadd.bf16 v37, v38;
	v18 =	vadd.bf16 v25, v4  }
0x8d: {  	v4 =	vadd.bf16 v34, v8;
	v37 =	vld [tilespmem:s13+$0xFFFFFF20]  }
0x8e: {  	v25 =	vld [tilespmem:s13+$0xFFFFFE00];
	v8 =	vadd.bf16 v29, v17;
	v17 =	vadd.bf16 v24, v18  }
0x8f: {  	v24 =	vld [tilespmem:s13+$0xFFFFFEF0]  }
0x90: {  	v29 =	vld [tilespmem:s13+$0xFFFFFE70];
	v18 =	vadd.bf16 v27, v8;
	v8 =	vunpack.i.u.bf16.f32 v17  }
0x91: {  	v27 =	vld [tilespmem:s13+$0xFFFFFEE0]  }
0x92: {  	v34 =	vld [tilespmem:s13+$0xFFFFFE60]  }
0x93: {  	v38 =	vld [tilespmem:s13+$0xFFFFFED0]  }
0x94: {  	v40 =	vld [tilespmem:s13+$0xFFFFFE50]  }
0x95: {  	v41 =	vld [tilespmem:s13+$0xFFFFFEC0];
	v24 =	vadd.bf16 v24, v29  }
0x96: {  	v29 =	vld [tilespmem:s13+$0xFFFFFE40]  }
0x97: {  	v42 =	vld [tilespmem:s13+$0xFFFFFEB0];
	v27 =	vadd.bf16 v27, v34;
	v24 =	vadd.bf16 v33, v24  }
0x98: {  	v33 =	vld [tilespmem:s13+$0xFFFFFE30]  }
0x99: {  	v34 =	vld [tilespmem:s13+$0xFFFFFEA0];
	v38 =	vadd.bf16 v38, v40;
	v27 =	vadd.bf16 v35, v27  }
0x9a: {  	v24 =	vadd.bf16 v30, v24;
	v35 =	vld [tilespmem:s13+$0xFFFFFE20]  }
0x9b: {  	v30 =	vld [tilespmem:s13+$0xFFFFFE90];
	v28 =	vadd.bf16 v28, v38;
	v27 =	vadd.bf16 v32, v27;
	v32 =	vunpack.i.l.bf16.f32 v26  }
0x9c: {  	v29 =	vadd.bf16 v41, v29;
	v40 =	vunpack.i.u.bf16.f32 v24;
	v24 =	vunpack.i.l.bf16.f32 v24;
	v38 =	vld [tilespmem:s13+$0xFFFFFE10]  }
0x9d: {  	v14 =	vadd.f32 v40, v14;
	v41 =	vld [tilespmem:s13+$0xFFFFFE80];
	v33 =	vadd.bf16 v42, v33;
	v42 =	vunpack.i.u.bf16.f32 v27  }
0x9e: {  	v2 =	vadd.f32 v24, v2;
	v27 =	vunpack.i.l.bf16.f32 v27;
	v40 =	vld [tilespmem:s13+$0xFFFFFF10];
	v1 =	vadd.f32 v42, v1  }
0x9f: {  	v29 =	vadd.bf16 v31, v29;
	v31 =	vunpack.i.u.bf16.f32 v39;
	v24 =	vld [tilespmem:s13+$0xFFFFFF00];
	v33 =	vadd.bf16 v36, v33  }
0xa0: {  	v2 =	vadd.f32 v32, v2;
	v36 =	vld [tilespmem:s13+$0xFFFFFFB0];
	v1 =	vadd.f32 v31, v1  }
0xa1: {  	v32 =	vadd.bf16 v34, v35;
	v23 =	vadd.bf16 v23, v29;
	v31 =	vld [tilespmem:s13+$0xFFFFFF80]  }
0xa2: {  	v26 =	vunpack.i.u.bf16.f32 v26;
	v28 =	vadd.bf16 v22, v28;
	v25 =	vadd.bf16 v41, v25;
	v29 =	vld [tilespmem:s13+$0x90]  }
0xa3: {  	v13 =	vadd.f32 v27, v13;
	v30 =	vadd.bf16 v30, v38;
	v22 =	vunpack.i.u.bf16.f32 v23;
	v35 =	vld [tilespmem:s13+$0x10]  }
0xa4: {  	v38 =	vunpack.i.u.bf16.f32 v28;
	v34 =	vadd.bf16 v24, v25;
	v25 =	vunpack.i.l.bf16.f32 v28;
	v27 =	vld [tilespmem:s13+$0x110]  }
0xa5: {  	v14 =	vadd.f32 v26, v14;
	v41 =	vunpack.i.u.bf16.f32 v4;
	v24 =	vadd.bf16 v37, v32;
	v28 =	vld [tilespmem:s13+$0xFFFFFF90]  }
.Ltmp0:
0xa6: {  	v37 =	vadd.bf16 v31, v34;
	v34 =	vadd.bf16 v36, v33;
	v31 =	vunpack.i.l.bf16.f32 v23;
	v36 =	vld [tilespmem:s13+$0x1B0];
	(pc) =	sbr.rel @p1 .LBB2_4-.Ltmp0, $4  }
0xa7: {  	v3 =	vadd.f32 v38, v3;
	v30 =	vadd.bf16 v40, v30;
	v40 =	vunpack.i.l.bf16.f32 v39;
	v26 =	vld [tilespmem:s13+$0x1A0]  }
0xa8: {  	v32 =	vunpack.i.u.bf16.f32 v37;
	v23 =	vunpack.i.l.bf16.f32 v37;
	v29 =	vadd.bf16 v29, v35;
	v33 =	vld [tilespmem:s13+$0xA0]  }
0xa9: {  	v3 =	vadd.f32 v41, v3;
	v37 =	vunpack.i.l.bf16.f32 v34;
	v23 =	vadd.f32 v23, v21;
	v35 =	vld [tilespmem:s13+$0x20]  }
0xaa: {  	v39 =	vunpack.i.l.bf16.f32 v18;
	v13 =	vadd.f32 v40, v13;
	v38 =	vadd.bf16 v28, v30;
	v30 =	vld [tilespmem:s13+$0x190]  }
0xab: {  	v40 =	vld [tilespmem:s0+$0xFFFFFFA0]  }
0xac: {  	v41 =	vld [tilespmem:s0+$0x120];
	s0 =	sadd.s32 $0x68, s31  }
0xad: {  	[tilespmem:s15], [sflag:$0x1] =	stream.indirect.gather [spmem:s1], $0x80, s0, s17, $0xb8;
	[tilespmem:$0x1E380] =	vst v63  }
0xae: {  	_ =	swait.ge [sflag:s21], $0x1C00  }
0xaf: {  	[sflag:s21] =	ssyncset.done $0x0  }
0xb0: {  	s26 =	simm.s32 $0x38F0;
	[sflag:s21] =	ssyncadd.s32 $0xFFFFE400  }
0xb1: {  	v42 =	vld [tilespmem:s26+$0xFFFFFF40]  }
0xb2: {  	v43 =	vld [tilespmem:s26+$0xFFFFFFE0]  }
0xb3: {  	v44 =	vld [tilespmem:s26+$0xFFFFFF60]  }
0xb4: {  	v45 =	vld [tilespmem:s26+$0xFFFFFEC0]  }
0xb5: {  	v46 =	vld [tilespmem:s26+$0xFFFFFE40]  }
0xb6: {  	v47 =	vld [tilespmem:s26+$0xFFFFFF90]  }
0xb7: {  	v48 =	vld [tilespmem:s26+$0xFFFFFF10]  }
0xb8: {  	v21 =	vld [tilespmem:s26+$0xFFFFFDE0]  }
0xb9: {  	v28 =	vld [tilespmem:s26+$0xFFFFFDD0]  }
0xba: {  	v49 =	vld [tilespmem:s26+$0x0]  }
0xbb: {  	v50 =	vld [tilespmem:s26+$0xFFFFFF80]  }
0xbc: {  	v51 =	vld [tilespmem:s26+$0xFFFFFE00]  }
0xbd: {  	v52 =	vld [tilespmem:s26+$0xFFFFFF00]  }
0xbe: {  	v53 =	vld [tilespmem:s26+$0xFFFFFE80]  }
0xbf: {  	v54 =	vld [tilespmem:s26+$0xFFFFFFF0]  }
0xc0: {  	v0 =	vadd.f32 v39, v23;
	v55 =	vld [tilespmem:s26+$0xFFFFFF70]  }
0xc1: {  	v56 =	vld [tilespmem:s26+$0xFFFFFFD0]  }
0xc2: {  	v57 =	vld [tilespmem:s26+$0xFFFFFF50];
	[tilespmem:$0x1FFE0] =	vst v0  }
0xc3: {  	v36 =	vadd.bf16 v36, v6;
	v37 =	vadd.f32 v37, v10;
	v39 =	vld [tilespmem:s26+$0xFFFFFDF0]  }
0xc4: {  	v10 =	vunpack.i.u.bf16.f32 v34;
	v11 =	vadd.f32 v32, v11;
	v6 =	vunpack.i.u.bf16.f32 v38;
	v58 =	vld [tilespmem:s26+$0xFFFFFEE0]  }
0xc5: {  	v61 =	vunpack.i.l.bf16.f32 v38;
	v20 =	vadd.f32 v6, v20;
	v6 =	vadd.f32 v10, v16;
	v62 =	vld [tilespmem:s26+$0xFFFFFEF0]  }
0xc6: {  	v16 =	vadd.f32 v61, v19;
	v10 =	vadd.f32 v31, v12;
	v19 =	vld [tilespmem:s26+$0xFFFFFE70]  }
0xc7: {  	v17 =	vunpack.i.l.bf16.f32 v17;
	v12 =	vunpack.i.u.bf16.f32 v36;
	v31 =	vadd.bf16 v33, v35;
	v63 =	vld [tilespmem:s26+$0xFFFFFE60]  }
0xc8: {  	v12 =	vadd.f32 v12, v6;
	v6 =	vunpack.i.u.bf16.f32 v18;
	v10 =	vadd.f32 v17, v10;
	v33 =	vld [tilespmem:s26+$0xFFFFFED0]  }
0xc9: {  	v11 =	vadd.f32 v6, v11;
	v6 =	vadd.bf16 v27, v29;
	v18 =	vld [tilespmem:s26+$0xFFFFFE50]  }
0xca: {  	v17 =	vadd.bf16 v41, v31;
	v24 =	vadd.bf16 v40, v24;
	v27 =	vld [tilespmem:s26+$0xFFFFFE90]  }
0xcb: {  	v9 =	vadd.f32 v25, v9;
	v15 =	vadd.f32 v22, v15;
	v4 =	vunpack.i.l.bf16.f32 v4;
	v29 =	vld [tilespmem:s26+$0xFFFFFE10]  }
0xcc: {  	v59 =	vld [tilespmem:s26+$0xFFFFFD80];
	v30 =	vadd.bf16 v30, v6;
	v22 =	vunpack.i.l.bf16.f32 v24;
	v17 =	vadd.bf16 v26, v17  }
0xcd: {  	v60 =	vld [tilespmem:s26+$0xFFFFFD40];
	v6 =	vadd.f32 v4, v9;
	v9 =	vunpack.i.u.bf16.f32 v24;
	v5 =	vadd.f32 v22, v5  }
0xce: {  	v61 =	vld [tilespmem:s26+$0xFFFFFD00];
	v9 =	vadd.f32 v9, v7;
	v22 =	vunpack.i.u.bf16.f32 v17;
	v7 =	vunpack.i.l.bf16.f32 v17  }
0xcf: {  	v4 =	vld [tilespmem:s26+$0xFFFFFD70];
	v17 =	vadd.f32 v8, v15;
	v15 =	vunpack.i.l.bf16.f32 v30;
	v7 =	vadd.f32 v7, v5  }
0xd0: {  	v24 =	vld [tilespmem:s26+$0xFFFFFD60];
	v8 =	vadd.f32 v22, v9;
	v22 =	vadd.f32 v15, v16  }
0xd1: {  	v5 =	vunpack.i.u.bf16.f32 v30;
	v15 =	vadd.bf16 v45, v46;
	v30 =	vadd.bf16 v52, v53;
	v53 =	vld [tilespmem:s26+$0xFFFFFC20]  }
0xd2: {  	v31 =	vadd.f32 v5, v20;
	v5 =	vadd.bf16 v62, v19;
	v19 =	vld [tilespmem:s26+$0xFFFFFC80]  }
0xd3: {  	v20 =	vld [tilespmem:s26+$0xFFFFFCF0];
	v27 =	vadd.bf16 v27, v29;
	v16 =	vadd.bf16 v42, v15  }
0xd4: {  	v62 =	vld [tilespmem:s26+$0xFFFFFC70];
	v15 =	vadd.bf16 v50, v30;
	v30 =	vadd.bf16 v58, v63  }
0xd5: {  	v50 =	vld [tilespmem:s26+$0xFFFFFCC0];
	v5 =	vadd.bf16 v55, v5;
	v27 =	vadd.bf16 v48, v27  }
0xd6: {  	v63 =	vadd.bf16 v49, v15;
	v15 =	vadd.bf16 v33, v18;
	v18 =	vld [tilespmem:s26+$0xFFFFFCE0]  }
0xd7: {  	v30 =	vadd.bf16 v44, v30;
	v49 =	vld [tilespmem:s26+$0xFFFFFCD0]  }
0xd8: {  	v41 =	vadd.bf16 v54, v5;
	v5 =	vld [tilespmem:s26+$0xFFFFFC60];
	v34 =	vadd.bf16 v47, v27  }
0xd9: {  	v27 =	vld [tilespmem:s26+$0xFFFFFCA0];
	v29 =	vadd.bf16 v57, v15;
	v19 =	vadd.bf16 v61, v19  }
0xda: {  	v15 =	vadd.bf16 v43, v30;
	v30 =	vld [tilespmem:s26+$0xFFFFFC50];
	v20 =	vadd.bf16 v20, v62  }
0xdb: {  	v25 =	vunpack.i.l.bf16.f32 v36;
	v33 =	vadd.bf16 v56, v29;
	v19 =	vadd.bf16 v59, v19;
	v29 =	vld [tilespmem:s26+$0xFFFFFC40]  }
0xdc: {  	v25 =	vadd.f32 v25, v37;
	v36 =	vld [tilespmem:s26+$0xFFFFFC10];
	v4 =	vadd.bf16 v4, v20  }
0xdd: {  	v26 =	vld [tilespmem:s26+$0xFFFFFD50];
	v5 =	vadd.bf16 v18, v5;
	v20 =	vadd.bf16 v51, v19  }
0xde: {  	v32 =	vimm.f32 $0.0e+00;
	v56 =	vld [tilespmem:s26+$0xFFFFFD20];
	v39 =	vadd.bf16 v39, v4;
	v27 =	vadd.bf16 v27, v53  }
0xdf: {  	v52 =	vld [tilespmem:s26+$0xFFFFFCB0];
	v19 =	vimm.f32 $0.0e+00;
	v4 =	vadd.bf16 v49, v30;
	v24 =	vadd.bf16 v24, v5  }
0xe0: {  	v18 =	vld [tilespmem:s26+$0xFFFFFC30];
	v5 =	vunpack.i.u.bf16.f32 v20;
	v54 =	vunpack.i.u.bf16.f32 v39;
	v29 =	vadd.bf16 v50, v29  }
0xe1: {  	v30 =	vld [tilespmem:s26+$0xFFFFFC90];
	v20 =	vunpack.i.l.bf16.f32 v20;
	v55 =	vadd.f32 v5, v19;
	v37 =	vadd.f32 v54, v19  }
0xe2: {  	v35 =	vimm.f32 $0.0e+00;
	v9 =	vld [tilespmem:s26+$0xFFFFFD30];
	v20 =	vadd.f32 v20, v19;
	v58 =	vadd.bf16 v26, v4  }
0xe3: {  	v57 =	vld [tilespmem:s26+$0xFFFFFD10];
	v4 =	vunpack.i.u.bf16.f32 v41;
	v27 =	vadd.bf16 v56, v27;
	v21 =	vadd.bf16 v21, v24  }
0xe4: {  	v59 =	vld [tilespmem:s26+$0xFFFFFDC0];
	v5 =	vunpack.i.l.bf16.f32 v63;
	v29 =	vadd.bf16 v60, v29;
	v4 =	vadd.f32 v4, v37  }
0xe5: {  	v62 =	vld [tilespmem:s26+$0xFFFFFE20];
	v26 =	vunpack.i.u.bf16.f32 v33;
	v5 =	vadd.f32 v5, v20;
	v18 =	vadd.bf16 v52, v18  }
0xe6: {  	v24 =	vld [tilespmem:s26+$0xFFFFFEA0];
	v20 =	vunpack.i.l.bf16.f32 v39;
	v61 =	vadd.bf16 v28, v58;
	v28 =	vadd.bf16 v30, v36  }
0xe7: {  	v60 =	vld [tilespmem:s26+$0xFFFFFD90];
	v30 =	vunpack.i.u.bf16.f32 v63;
	v20 =	vadd.f32 v20, v19;
	v63 =	vunpack.i.u.bf16.f32 v21  }
0xe8: {  	v40 =	vunpack.i.l.bf16.f32 v21;
	v38 =	vunpack.i.u.bf16.f32 v61;
	v39 =	vadd.bf16 v9, v18  }
0xe9: {  	v21 =	vld [tilespmem:s26+$0xFFFFFDA0];
	v9 =	vunpack.i.u.bf16.f32 v15;
	v50 =	vadd.bf16 v59, v29;
	v29 =	vadd.f32 v63, v19  }
0xea: {  	v47 =	vunpack.i.l.bf16.f32 v61;
	v36 =	vadd.bf16 v57, v28;
	v28 =	vadd.f32 v30, v55  }
0xeb: {  	v46 =	vld [tilespmem:s26+$0xFFFFFFA0];
	v30 =	vunpack.i.l.bf16.f32 v41;
	v55 =	vunpack.i.l.bf16.f32 v34;
	v45 =	vadd.bf16 v24, v62  }
0xec: {  	v52 =	vld [tilespmem:s26+$0xFFFFFFC0];
	v53 =	vunpack.i.l.bf16.f32 v50;
	v9 =	vadd.f32 v9, v29;
	v18 =	vadd.bf16 v60, v36  }
0xed: {  	v42 =	vld [tilespmem:s26+$0xFFFFFF20];
	v24 =	vimm.f32 $0.0e+00;
	v29 =	vimm.f32 $0.0e+00;
	v36 =	vimm.f32 $0.0e+00  }
0xee: {  	v51 =	vld [tilespmem:s26+$0xFFFFFE30];
	v54 =	vadd.bf16 v21, v27;
	v48 =	vunpack.i.u.bf16.f32 v18;
	v18 =	vunpack.i.l.bf16.f32 v18  }
0xef: {  	v49 =	vld [tilespmem:s26+$0xFFFFFEB0];
	v27 =	vadd.f32 v30, v20;
	v21 =	vimm.f32 $0.0e+00;
	v37 =	vadd.f32 v18, v19  }
0xf0: {  	s13 =	simm.s32 $0x0;
	s6 =	simm.s32 $0x38F0;
	v41 =	vld [tilespmem:s26+$0xFFFFFFB0];
	v30 =	vimm.f32 $0.0e+00;
	v20 =	vimm.f32 $0.0e+00;
	v18 =	vimm.f32 $0.0e+00  }
.LBB2_6:
0xf1: {  	s13 =	sadd.s32 $0x2, s13;
	v43 =	vld [tilespmem:s26+$0xFFFFFDB0];
	v44 =	vunpack.i.u.bf16.f32 v50;
	v37 =	vadd.f32 v55, v37;
	v16 =	vadd.bf16 v52, v16;
	s6 =	sadd.s32 $0x400, s6  }
0xf2: {  	v19 =	vadd.f32 v53, v19;
	p1 =	slt.u32 s13, $0xC;
	v50 =	vunpack.i.u.bf16.f32 v54;
	v52 =	vunpack.i.l.bf16.f32 v54;
	v53 =	vld [tilespmem:s26+$0xFFFFFF30];
	s26 =	smov.u32 s6  }
0xf3: {  	v32 =	vadd.f32 v44, v32;
	v54 =	vld [tilespmem:s6+$0xFFFFFF40];
	v36 =	vadd.f32 v50, v36;
	v44 =	vunpack.i.u.bf16.f32 v16  }
0xf4: {  	v24 =	vadd.f32 v47, v24;
	v35 =	vadd.f32 v52, v35;
	v16 =	vunpack.i.l.bf16.f32 v16;
	v50 =	vld [tilespmem:s6+$0xFFFFFFE0]  }
0xf5: {  	v21 =	vadd.f32 v48, v21;
	v33 =	vunpack.i.l.bf16.f32 v33;
	v48 =	vadd.bf16 v49, v51;
	v47 =	vld [tilespmem:s6+$0xFFFFFF60]  }
0xf6: {  	v34 =	vunpack.i.u.bf16.f32 v34;
	v24 =	vadd.f32 v33, v24;
	v32 =	vadd.f32 v44, v32;
	v49 =	vld [tilespmem:s6+$0xFFFFFEC0]  }
0xf7: {  	v21 =	vadd.f32 v34, v21;
	v34 =	vadd.bf16 v42, v45;
	v33 =	vld [tilespmem:s6+$0xFFFFFE40]  }
0xf8: {  	v29 =	vadd.f32 v40, v29;
	v40 =	vadd.bf16 v53, v48;
	v42 =	vld [tilespmem:s6+$0xFFFFFF90]  }
0xf9: {  	v30 =	vadd.f32 v38, v30;
	v15 =	vunpack.i.l.bf16.f32 v15;
	v43 =	vadd.bf16 v43, v39;
	v44 =	vld [tilespmem:s6+$0xFFFFFF10]  }
0xfa: {  	v29 =	vadd.f32 v15, v29;
	v34 =	vadd.bf16 v46, v34;
	v38 =	vld [tilespmem:s6+$0xFFFFFDE0]  }
0xfb: {  	v15 =	vunpack.i.u.bf16.f32 v43;
	v43 =	vunpack.i.l.bf16.f32 v43;
	v40 =	vadd.bf16 v41, v40;
	v39 =	vld [tilespmem:s6+$0xFFFFFDD0]  }
0xfc: {  	v18 =	vadd.f32 v43, v18;
	v15 =	vadd.f32 v15, v20;
	v43 =	vunpack.i.u.bf16.f32 v34;
	v41 =	vld [tilespmem:s6+$0x0]  }
0xfd: {  	v30 =	vadd.f32 v26, v30;
	v20 =	vunpack.i.u.bf16.f32 v40;
	v40 =	vunpack.i.l.bf16.f32 v40;
	v45 =	vld [tilespmem:s6+$0xFFFFFF80]  }
0xfe: {  	v26 =	vunpack.i.l.bf16.f32 v34;
	v18 =	vadd.f32 v40, v18;
	v20 =	vadd.f32 v20, v15;
	v46 =	vld [tilespmem:s6+$0xFFFFFE00]  }
0xff: {  	v19 =	vadd.f32 v16, v19;
	v35 =	vadd.f32 v26, v35;
	v15 =	vld [tilespmem:s6+$0xFFFFFF00]  }
0x100: {  	v36 =	vadd.f32 v43, v36;
	v16 =	vadd.bf16 v49, v33;
	v26 =	vld [tilespmem:s6+$0xFFFFFE80]  }
0x101: {  	v33 =	vld [tilespmem:s6+$0xFFFFFFF0]  }
0x102: {  	v16 =	vadd.bf16 v54, v16;
	v34 =	vld [tilespmem:s6+$0xFFFFFF70]  }
0x103: {  	v40 =	vld [tilespmem:s6+$0xFFFFFFD0]  }
0x104: {  	v43 =	vld [tilespmem:s6+$0xFFFFFF50]  }
0x105: {  	v48 =	vld [tilespmem:s6+$0xFFFFFDF0];
	v15 =	vadd.bf16 v15, v26  }
0x106: {  	v26 =	vld [tilespmem:s6+$0xFFFFFEE0]  }
0x107: {  	v49 =	vld [tilespmem:s6+$0xFFFFFEF0];
	v15 =	vadd.bf16 v45, v15  }
0x108: {  	v45 =	vld [tilespmem:s6+$0xFFFFFE70]  }
0x109: {  	v51 =	vld [tilespmem:s6+$0xFFFFFE60];
	v41 =	vadd.bf16 v41, v15  }
0x10a: {  	v15 =	vld [tilespmem:s6+$0xFFFFFED0]  }
0x10b: {  	v52 =	vld [tilespmem:s6+$0xFFFFFE50]  }
0x10c: {  	v53 =	vld [tilespmem:s6+$0xFFFFFE90]  }
0x10d: {  	v54 =	vld [tilespmem:s6+$0xFFFFFE10];
	v45 =	vadd.bf16 v49, v45  }
0x10e: {  	v49 =	vld [tilespmem:s6+$0xFFFFFD80];
	v26 =	vadd.bf16 v26, v51  }
0x10f: {  	v51 =	vld [tilespmem:s6+$0xFFFFFD70];
	v34 =	vadd.bf16 v34, v45  }
0x110: {  	v45 =	vld [tilespmem:s6+$0xFFFFFD60];
	v15 =	vadd.bf16 v15, v52;
	v26 =	vadd.bf16 v47, v26  }
0x111: {  	v47 =	vld [tilespmem:s6+$0xFFFFFD50];
	v55 =	vadd.bf16 v33, v34  }
0x112: {  	v52 =	vld [tilespmem:s6+$0xFFFFFD40];
	v33 =	vadd.bf16 v53, v54;
	v34 =	vadd.bf16 v43, v15  }
0x113: {  	v15 =	vadd.bf16 v50, v26;
	v43 =	vld [tilespmem:s6+$0xFFFFFD30]  }
0x114: {  	v50 =	vld [tilespmem:s6+$0xFFFFFC10];
	v26 =	vadd.bf16 v44, v33;
	v33 =	vadd.bf16 v40, v34  }
0x115: {  	v40 =	vld [tilespmem:s6+$0xFFFFFD00]  }
0x116: {  	v44 =	vld [tilespmem:s6+$0xFFFFFC80];
	v34 =	vadd.bf16 v42, v26;
	v26 =	vunpack.i.u.bf16.f32 v33  }
0x117: {  	v42 =	vld [tilespmem:s6+$0xFFFFFCF0]  }
0x118: {  	v53 =	vld [tilespmem:s6+$0xFFFFFC70]  }
0x119: {  	v54 =	vld [tilespmem:s6+$0xFFFFFCE0]  }
0x11a: {  	v56 =	vld [tilespmem:s6+$0xFFFFFC60]  }
0x11b: {  	v57 =	vld [tilespmem:s6+$0xFFFFFCD0];
	v40 =	vadd.bf16 v40, v44  }
0x11c: {  	v44 =	vld [tilespmem:s6+$0xFFFFFC50]  }
0x11d: {  	v58 =	vld [tilespmem:s6+$0xFFFFFCC0];
	v42 =	vadd.bf16 v42, v53;
	v40 =	vadd.bf16 v49, v40  }
0x11e: {  	v49 =	vld [tilespmem:s6+$0xFFFFFC40]  }
0x11f: {  	v53 =	vld [tilespmem:s6+$0xFFFFFCB0];
	v54 =	vadd.bf16 v54, v56;
	v42 =	vadd.bf16 v51, v42  }
0x120: {  	v40 =	vadd.bf16 v46, v40;
	v51 =	vld [tilespmem:s6+$0xFFFFFC30]  }
0x121: {  	v46 =	vld [tilespmem:s6+$0xFFFFFCA0];
	v45 =	vadd.bf16 v45, v54;
	v42 =	vadd.bf16 v48, v42;
	v48 =	vunpack.i.l.bf16.f32 v41  }
0x122: {  	v44 =	vadd.bf16 v57, v44;
	v56 =	vunpack.i.u.bf16.f32 v40;
	v40 =	vunpack.i.l.bf16.f32 v40;
	v54 =	vld [tilespmem:s6+$0xFFFFFC20]  }
0x123: {  	v28 =	vadd.f32 v56, v28;
	v57 =	vld [tilespmem:s6+$0xFFFFFC90];
	v49 =	vadd.bf16 v58, v49;
	v58 =	vunpack.i.u.bf16.f32 v42  }
0x124: {  	v5 =	vadd.f32 v40, v5;
	v42 =	vunpack.i.l.bf16.f32 v42;
	v56 =	vld [tilespmem:s6+$0xFFFFFD20];
	v4 =	vadd.f32 v58, v4  }
0x125: {  	v44 =	vadd.bf16 v47, v44;
	v47 =	vunpack.i.u.bf16.f32 v55;
	v40 =	vld [tilespmem:s6+$0xFFFFFD10];
	v49 =	vadd.bf16 v52, v49  }
0x126: {  	v5 =	vadd.f32 v48, v5;
	v52 =	vld [tilespmem:s6+$0xFFFFFDC0];
	v4 =	vadd.f32 v47, v4  }
0x127: {  	v48 =	vadd.bf16 v53, v51;
	v44 =	vadd.bf16 v39, v44;
	v47 =	vld [tilespmem:s6+$0xFFFFFD90]  }
0x128: {  	v41 =	vunpack.i.u.bf16.f32 v41;
	v45 =	vadd.bf16 v38, v45;
	v39 =	vadd.bf16 v57, v50;
	v51 =	vld [tilespmem:s6+$0xFFFFFEA0]  }
0x129: {  	v27 =	vadd.f32 v42, v27;
	v46 =	vadd.bf16 v46, v54;
	v38 =	vunpack.i.u.bf16.f32 v44;
	v53 =	vld [tilespmem:s6+$0xFFFFFE20]  }
0x12a: {  	v54 =	vunpack.i.u.bf16.f32 v45;
	v50 =	vadd.bf16 v40, v39;
	v40 =	vunpack.i.l.bf16.f32 v45;
	v42 =	vld [tilespmem:s6+$0xFFFFFF20]  }
0x12b: {  	v28 =	vadd.f32 v41, v28;
	v39 =	vadd.bf16 v43, v48;
	v43 =	vunpack.i.u.bf16.f32 v15;
	v57 =	vld [tilespmem:s6+$0xFFFFFDA0]  }
.Ltmp1:
0x12c: {  	v45 =	vadd.bf16 v47, v50;
	v50 =	vadd.bf16 v52, v49;
	v47 =	vunpack.i.l.bf16.f32 v44;
	v52 =	vld [tilespmem:s6+$0xFFFFFFC0];
	(pc) =	sbr.rel @p1 .LBB2_6-.Ltmp1, $4  }
0x12d: {  	v9 =	vadd.f32 v54, v9;
	v44 =	vadd.bf16 v56, v46;
	v56 =	vunpack.i.l.bf16.f32 v55;
	v41 =	vld [tilespmem:s6+$0xFFFFFFB0]  }
0x12e: {  	v48 =	vunpack.i.u.bf16.f32 v45;
	v46 =	vunpack.i.l.bf16.f32 v45;
	v45 =	vadd.bf16 v51, v53;
	v49 =	vld [tilespmem:s6+$0xFFFFFEB0]  }
0x12f: {  	v9 =	vadd.f32 v43, v9;
	v53 =	vunpack.i.l.bf16.f32 v50;
	v37 =	vadd.f32 v46, v37;
	v51 =	vld [tilespmem:s6+$0xFFFFFE30]  }
0x130: {  	v55 =	vunpack.i.l.bf16.f32 v34;
	v27 =	vadd.f32 v56, v27;
	v54 =	vadd.bf16 v57, v44;
	v46 =	vld [tilespmem:s6+$0xFFFFFFA0]  }
0x131: {  	v56 =	vld [tilespmem:s26+$0xFFFFFDB0];
	s0 =	sadd.s32 $0xC80, s0  }
0x132: {  	v57 =	vld [tilespmem:s26+$0xFFFFFF30];
	[tilespmem:s16], [sflag:$0x2] =	stream.indirect.gather [spmem:s1], $0x80, s0, s17, $0xb8  }
0x133: {  	_ =	swait.ge [sflag:s22], $0x1800  }
0x134: {  	[sflag:s22] =	ssyncset.done $0x0  }
0x135: {  	s0 =	simm.s32 $0x54F0;
	[sflag:s22] =	ssyncadd.s32 $0xFFFFE800  }
0x136: {  	v0 =	vld [tilespmem:s0+$0xFFFFFFE0];
	_ =	sdelay $0x4  }
0x137: {  	v63 =	vld [tilespmem:s0+$0xFFFFFF40];
	[tilespmem:$0x1FF70] =	vst v0  }
0x138: {  	v0 =	vld [tilespmem:s0+$0xFFFFFF60];
	_ =	sdelay $0x4  }
0x139: {  	[tilespmem:$0x1FF60] =	vst v0  }
0x13a: {  	v0 =	vld [tilespmem:s0+$0xFFFFFF90];
	_ =	sdelay $0x3  }
0x13b: {  	v61 =	vld [tilespmem:s0+$0xFFFFFEC0]  }
0x13c: {  	v62 =	vld [tilespmem:s0+$0xFFFFFE40];
	[tilespmem:$0x1FFA0] =	vst v0  }
0x13d: {  	v0 =	vld [tilespmem:s0+$0xFFFFFF10];
	_ =	sdelay $0x4  }
0x13e: {  	[tilespmem:$0x1FF80] =	vst v0  }
0x13f: {  	v0 =	vld [tilespmem:s0+$0xFFFFFDE0];
	_ =	sdelay $0x4  }
0x140: {  	[tilespmem:$0x1FFD0] =	vst v0  }
0x141: {  	v0 =	vld [tilespmem:s0+$0xFFFFFDD0]  }
0x142: {  	v52 =	vadd.bf16 v52, v16;
	v53 =	vadd.f32 v53, v19;
	v16 =	vunpack.i.u.bf16.f32 v54  }
0x143: {  	v19 =	vunpack.i.u.bf16.f32 v50;
	v21 =	vadd.f32 v48, v21;
	v36 =	vadd.f32 v16, v36  }
0x144: {  	v33 =	vunpack.i.l.bf16.f32 v33;
	v16 =	vadd.f32 v19, v32;
	v19 =	vadd.f32 v47, v24  }
0x145: {  	v29 =	vadd.f32 v40, v29;
	v24 =	vunpack.i.u.bf16.f32 v52;
	v48 =	vadd.bf16 v49, v51  }
0x146: {  	v24 =	vadd.f32 v24, v16;
	v16 =	vunpack.i.u.bf16.f32 v34;
	v19 =	vadd.f32 v33, v19;
	[tilespmem:$0x1FFC0] =	vst v0  }
0x147: {  	v21 =	vadd.f32 v16, v21;
	v16 =	vadd.bf16 v42, v45;
	v0 =	vld [tilespmem:s0+$0xFFFFFE00]  }
0x148: {  	v15 =	vunpack.i.l.bf16.f32 v15;
	v51 =	vadd.bf16 v57, v48;
	v39 =	vadd.bf16 v56, v39  }
0x149: {  	v45 =	vadd.bf16 v46, v16;
	v16 =	vadd.f32 v15, v29  }
0x14a: {  	v29 =	vunpack.i.u.bf16.f32 v39;
	v39 =	vunpack.i.l.bf16.f32 v39;
	v33 =	vadd.bf16 v41, v51  }
0x14b: {  	v18 =	vadd.f32 v39, v18;
	v60 =	vld [tilespmem:s0+$0x0]  }
0x14c: {  	v51 =	vunpack.i.u.bf16.f32 v33;
	v33 =	vunpack.i.l.bf16.f32 v33;
	v44 =	vld [tilespmem:s0+$0xFFFFFF80];
	[tilespmem:$0x1FFB0] =	vst v0  }
0x14d: {  	v57 =	vunpack.i.l.bf16.f32 v52;
	v18 =	vadd.f32 v33, v18;
	v59 =	vld [tilespmem:s0+$0xFFFFFFD0]  }
0x14e: {  	v33 =	vadd.f32 v57, v53;
	v53 =	vadd.bf16 v61, v62;
	v62 =	vld [tilespmem:$0x1FF60]  }
0x14f: {  	v23 =	vld [tilespmem:s0+$0xFFFFFF00]  }
0x150: {  	v0 =	vld [tilespmem:s0+$0xFFFFFE80]  }
0x151: {  	v37 =	vadd.f32 v55, v37;
	v58 =	vld [tilespmem:s0+$0xFFFFFFF0]  }
0x152: {  	v43 =	vld [tilespmem:s0+$0xFFFFFF70];
	[tilespmem:$0x1FF90] =	vst v59  }
0x153: {  	v59 =	vld [tilespmem:s0+$0xFFFFFF50];
	[tilespmem:$0x1FF50] =	vst v37  }
0x154: {  	v55 =	vld [tilespmem:s0+$0xFFFFFDF0]  }
0x155: {  	v37 =	vld [tilespmem:s0+$0xFFFFFEE0]  }
0x156: {  	v50 =	vunpack.i.l.bf16.f32 v54;
	v54 =	vld [tilespmem:s0+$0xFFFFFEF0]  }
0x157: {  	v32 =	vadd.f32 v50, v35;
	v35 =	vld [tilespmem:s0+$0xFFFFFE70]  }
0x158: {  	v47 =	vld [tilespmem:s0+$0xFFFFFE60]  }
0x159: {  	v49 =	vld [tilespmem:s0+$0xFFFFFED0]  }
0x15a: {  	v34 =	vld [tilespmem:s0+$0xFFFFFE50]  }
0x15b: {  	v42 =	vld [tilespmem:s0+$0xFFFFFE90]  }
0x15c: {  	v40 =	vld [tilespmem:s0+$0xFFFFFE10]  }
0x15d: {  	v30 =	vadd.f32 v38, v30;
	v38 =	vld [tilespmem:s0+$0xFFFFFD80]  }
0x15e: {  	v15 =	vld [tilespmem:s0+$0xFFFFFD70]  }
0x15f: {  	v41 =	vld [tilespmem:s0+$0xFFFFFD60]  }
0x160: {  	v20 =	vadd.f32 v29, v20;
	v29 =	vld [tilespmem:s0+$0xFFFFFD50]  }
0x161: {  	v26 =	vadd.f32 v26, v30;
	v30 =	vld [tilespmem:s0+$0xFFFFFD40]  }
0x162: {  	v46 =	vld [tilespmem:s0+$0xFFFFFC10]  }
0x163: {  	v0 =	vadd.bf16 v23, v0;
	v23 =	vld [tilespmem:s0+$0xFFFFFD00]  }
0x164: {  	v56 =	vld [tilespmem:s0+$0xFFFFFC80]  }
0x165: {  	v39 =	vld [tilespmem:s0+$0xFFFFFCF0]  }
0x166: {  	v57 =	vld [tilespmem:s0+$0xFFFFFC70]  }
0x167: {  	v52 =	vunpack.i.l.bf16.f32 v45;
	v45 =	vunpack.i.u.bf16.f32 v45;
	v61 =	vld [tilespmem:s0+$0xFFFFFCE0]  }
0x168: {  	v36 =	vadd.f32 v45, v36;
	v45 =	vld [tilespmem:s0+$0xFFFFFCA0]  }
0x169: {  	v54 =	vadd.bf16 v54, v35;
	v35 =	vadd.bf16 v63, v53;
	v63 =	vld [tilespmem:s0+$0xFFFFFC60]  }
0x16a: {  	v34 =	vadd.bf16 v49, v34;
	v49 =	vld [tilespmem:s0+$0xFFFFFCD0]  }
0x16b: {  	v23 =	vadd.bf16 v23, v56;
	v56 =	vld [tilespmem:s0+$0xFFFFFC50]  }
0x16c: {  	v32 =	vadd.f32 v52, v32;
	v53 =	vld [tilespmem:$0x1FF80];
	v43 =	vadd.bf16 v43, v54  }
0x16d: {  	v0 =	vadd.bf16 v44, v0;
	v37 =	vadd.bf16 v37, v47;
	v54 =	vld [tilespmem:$0x1FF70]  }
0x16e: {  	v47 =	vadd.bf16 v58, v43;
	v43 =	vadd.bf16 v61, v63;
	v61 =	vld [tilespmem:$0x1FFB0]  }
0x16f: {  	v0 =	vadd.bf16 v60, v0;
	v44 =	vadd.bf16 v39, v57;
	v57 =	vld [tilespmem:$0x1FF90]  }
0x170: {  	v37 =	vadd.bf16 v62, v37;
	v52 =	vadd.bf16 v59, v34;
	v59 =	vld [tilespmem:$0x1FFA0]  }
0x171: {  	v23 =	vadd.bf16 v38, v23;
	v15 =	vadd.bf16 v15, v44;
	v58 =	vld [tilespmem:s0+$0xFFFFFC40]  }
0x172: {  	v40 =	vadd.bf16 v42, v40;
	v34 =	vadd.bf16 v54, v37;
	v54 =	vld [tilespmem:s0+$0xFFFFFCC0]  }
0x173: {  	v60 =	vld [tilespmem:s0+$0xFFFFFC30];
	v62 =	vadd.bf16 v55, v15;
	v23 =	vadd.bf16 v61, v23  }
0x174: {  	v42 =	vld [tilespmem:s0+$0xFFFFFCB0];
	v40 =	vadd.bf16 v53, v40;
	v39 =	vadd.bf16 v57, v52  }
0x175: {  	v63 =	vld [tilespmem:s0+$0xFFFFFC20];
	v15 =	vadd.bf16 v49, v56;
	v56 =	vunpack.i.u.bf16.f32 v23;
	v23 =	vunpack.i.l.bf16.f32 v23  }
0x176: {  	v57 =	vld [tilespmem:s0+$0xFFFFFC90];
	v40 =	vadd.bf16 v59, v40;
	v23 =	vadd.f32 v23, v2  }
0x177: {  	v52 =	vld [tilespmem:s0+$0xFFFFFD10];
	v59 =	vunpack.i.l.bf16.f32 v0;
	v29 =	vadd.bf16 v29, v15;
	v38 =	vadd.bf16 v54, v58  }
0x178: {  	v58 =	vunpack.i.u.bf16.f32 v62;
	v15 =	vadd.f32 v59, v23;
	v23 =	vunpack.i.l.bf16.f32 v62;
	v62 =	vld [tilespmem:$0x1FFD0]  }
0x179: {  	v38 =	vadd.bf16 v30, v38;
	v30 =	vadd.bf16 v42, v60;
	v60 =	vld [tilespmem:$0x1FFC0]  }
0x17a: {  	v48 =	vld [tilespmem:s0+$0xFFFFFD30]  }
0x17b: {  	v41 =	vadd.bf16 v41, v43;
	v37 =	vld [tilespmem:s0+$0xFFFFFD90];
	v61 =	vadd.bf16 v57, v46  }
0x17c: {  	v63 =	vadd.bf16 v45, v63;
	v54 =	vld [tilespmem:s0+$0xFFFFFD20];
	v14 =	vadd.f32 v56, v14  }
0x17d: {  	v53 =	vld [tilespmem:s0+$0xFFFFFDC0];
	v56 =	vadd.f32 v23, v13;
	v43 =	vadd.bf16 v62, v41  }
0x17e: {  	v0 =	vunpack.i.u.bf16.f32 v0;
	v46 =	vld [tilespmem:s0+$0xFFFFFEA0];
	v13 =	vadd.bf16 v52, v61;
	v29 =	vadd.bf16 v60, v29  }
0x17f: {  	v23 =	vld [tilespmem:s0+$0xFFFFFE20];
	v60 =	vunpack.i.u.bf16.f32 v43;
	v42 =	vunpack.i.l.bf16.f32 v43;
	v43 =	vadd.bf16 v48, v30  }
0x180: {  	v61 =	vld [tilespmem:s0+$0xFFFFFDA0];
	v41 =	vunpack.i.u.bf16.f32 v29;
	v30 =	vadd.f32 v0, v14;
	v0 =	vadd.bf16 v37, v13  }
0x181: {  	v13 =	vunpack.i.l.bf16.f32 v29;
	v29 =	vadd.bf16 v54, v63;
	v63 =	vadd.f32 v60, v3;
	v3 =	vld [tilespmem:$0x1FFE0]  }
0x182: {  	v20 =	vadd.f32 v51, v20;
	v51 =	vld [tilespmem:s0+$0xFFFFFE30];
	v50 =	vadd.f32 v58, v1  }
0x183: {  	v2 =	vunpack.i.u.bf16.f32 v47;
	v1 =	vunpack.i.u.bf16.f32 v39;
	v52 =	vadd.bf16 v53, v38;
	v53 =	vld [tilespmem:s0+$0xFFFFFFC0]  }
0x184: {  	v44 =	vld [tilespmem:s0+$0xFFFFFFB0];
	v47 =	vunpack.i.l.bf16.f32 v47;
	v2 =	vadd.f32 v2, v50;
	v38 =	vunpack.i.l.bf16.f32 v40  }
0x185: {  	v45 =	vld [tilespmem:s0+$0xFFFFFF20];
	v49 =	vadd.bf16 v46, v23;
	v14 =	vunpack.i.u.bf16.f32 v0;
	v0 =	vunpack.i.l.bf16.f32 v0  }
0x186: {  	v50 =	vld [tilespmem:s0+$0xFFFFFEB0];
	v62 =	vunpack.i.u.bf16.f32 v34;
	v55 =	vadd.bf16 v61, v29;
	v3 =	vadd.f32 v0, v3  }
0x187: {  	s13 =	simm.s32 $0x0;
	s6 =	simm.s32 $0x54F0;
	v54 =	vunpack.i.l.bf16.f32 v52;
	v48 =	vld [tilespmem:s0+$0xFFFFFFA0];
	v29 =	vadd.f32 v47, v56;
	v23 =	vadd.f32 v62, v63  }
.LBB2_8:
0x188: {  	s13 =	sadd.s32 $0x2, s13;
	v0 =	vld [tilespmem:s0+$0xFFFFFDB0];
	v37 =	vunpack.i.u.bf16.f32 v52;
	v3 =	vadd.f32 v38, v3;
	v35 =	vadd.bf16 v53, v35;
	s6 =	sadd.s32 $0x400, s6  }
0x189: {  	v25 =	vadd.f32 v54, v25;
	p1 =	slt.u32 s13, $0xA;
	v38 =	vunpack.i.u.bf16.f32 v55;
	v46 =	vunpack.i.l.bf16.f32 v55;
	v47 =	vld [tilespmem:s0+$0xFFFFFF30];
	s0 =	smov.u32 s6  }
0x18a: {  	v12 =	vadd.f32 v37, v12;
	v52 =	vld [tilespmem:s6+$0xFFFFFF40];
	v31 =	vadd.f32 v38, v31;
	v37 =	vunpack.i.u.bf16.f32 v35  }
0x18b: {  	v10 =	vadd.f32 v13, v10;
	v22 =	vadd.f32 v46, v22;
	v35 =	vunpack.i.l.bf16.f32 v35;
	v38 =	vld [tilespmem:s6+$0xFFFFFFE0]  }
0x18c: {  	v11 =	vadd.f32 v14, v11;
	v14 =	vunpack.i.l.bf16.f32 v39;
	v13 =	vadd.bf16 v50, v51;
	v46 =	vld [tilespmem:s6+$0xFFFFFF60]  }
0x18d: {  	v40 =	vunpack.i.u.bf16.f32 v40;
	v10 =	vadd.f32 v14, v10;
	v12 =	vadd.f32 v37, v12;
	v39 =	vld [tilespmem:s6+$0xFFFFFEC0]  }
0x18e: {  	v11 =	vadd.f32 v40, v11;
	v14 =	vadd.bf16 v45, v49;
	v37 =	vld [tilespmem:s6+$0xFFFFFE40]  }
0x18f: {  	v6 =	vadd.f32 v42, v6;
	v42 =	vadd.bf16 v47, v13;
	v40 =	vld [tilespmem:s6+$0xFFFFFF90]  }
0x190: {  	v17 =	vadd.f32 v41, v17;
	v34 =	vunpack.i.l.bf16.f32 v34;
	v0 =	vadd.bf16 v0, v43;
	v45 =	vld [tilespmem:s6+$0xFFFFFF10]  }
0x191: {  	v6 =	vadd.f32 v34, v6;
	v41 =	vadd.bf16 v48, v14;
	v13 =	vld [tilespmem:s6+$0xFFFFFDE0]  }
0x192: {  	v34 =	vunpack.i.u.bf16.f32 v0;
	v0 =	vunpack.i.l.bf16.f32 v0;
	v42 =	vadd.bf16 v44, v42;
	v14 =	vld [tilespmem:s6+$0xFFFFFDD0]  }
0x193: {  	v0 =	vadd.f32 v0, v7;
	v8 =	vadd.f32 v34, v8;
	v34 =	vunpack.i.u.bf16.f32 v41;
	v43 =	vld [tilespmem:s6+$0x0]  }
0x194: {  	v17 =	vadd.f32 v1, v17;
	v47 =	vunpack.i.u.bf16.f32 v42;
	v7 =	vunpack.i.l.bf16.f32 v42;
	v44 =	vld [tilespmem:s6+$0xFFFFFF80]  }
0x195: {  	v1 =	vunpack.i.l.bf16.f32 v41;
	v7 =	vadd.f32 v7, v0;
	v8 =	vadd.f32 v47, v8;
	v42 =	vld [tilespmem:s6+$0xFFFFFE00]  }
0x196: {  	v25 =	vadd.f32 v35, v25;
	v22 =	vadd.f32 v1, v22;
	v0 =	vld [tilespmem:s6+$0xFFFFFF00]  }
0x197: {  	v31 =	vadd.f32 v34, v31;
	v1 =	vadd.bf16 v39, v37;
	v37 =	vld [tilespmem:s6+$0xFFFFFE80]  }
0x198: {  	v34 =	vld [tilespmem:s6+$0xFFFFFFF0]  }
0x199: {  	v35 =	vadd.bf16 v52, v1;
	v1 =	vld [tilespmem:s6+$0xFFFFFF70]  }
0x19a: {  	v39 =	vld [tilespmem:s6+$0xFFFFFFD0]  }
0x19b: {  	v41 =	vld [tilespmem:s6+$0xFFFFFF50]  }
0x19c: {  	v47 =	vld [tilespmem:s6+$0xFFFFFDF0];
	v0 =	vadd.bf16 v0, v37  }
0x19d: {  	v37 =	vld [tilespmem:s6+$0xFFFFFEE0]  }
0x19e: {  	v48 =	vld [tilespmem:s6+$0xFFFFFEF0];
	v0 =	vadd.bf16 v44, v0  }
0x19f: {  	v44 =	vld [tilespmem:s6+$0xFFFFFE70]  }
0x1a0: {  	v49 =	vld [tilespmem:s6+$0xFFFFFE60];
	v0 =	vadd.bf16 v43, v0  }
0x1a1: {  	v43 =	vld [tilespmem:s6+$0xFFFFFED0]  }
0x1a2: {  	v50 =	vld [tilespmem:s6+$0xFFFFFE50]  }
0x1a3: {  	v51 =	vld [tilespmem:s6+$0xFFFFFE90]  }
0x1a4: {  	v52 =	vld [tilespmem:s6+$0xFFFFFE10];
	v44 =	vadd.bf16 v48, v44  }
0x1a5: {  	v48 =	vld [tilespmem:s6+$0xFFFFFD80];
	v37 =	vadd.bf16 v37, v49  }
0x1a6: {  	v49 =	vld [tilespmem:s6+$0xFFFFFD70];
	v1 =	vadd.bf16 v1, v44  }
0x1a7: {  	v44 =	vld [tilespmem:s6+$0xFFFFFD60];
	v43 =	vadd.bf16 v43, v50;
	v37 =	vadd.bf16 v46, v37  }
0x1a8: {  	v46 =	vld [tilespmem:s6+$0xFFFFFD50];
	v50 =	vadd.bf16 v34, v1  }
0x1a9: {  	v53 =	vld [tilespmem:s6+$0xFFFFFD40];
	v1 =	vadd.bf16 v51, v52;
	v41 =	vadd.bf16 v41, v43  }
0x1aa: {  	v34 =	vadd.bf16 v38, v37;
	v43 =	vld [tilespmem:s6+$0xFFFFFD30]  }
0x1ab: {  	v37 =	vld [tilespmem:s6+$0xFFFFFC10];
	v1 =	vadd.bf16 v45, v1;
	v39 =	vadd.bf16 v39, v41  }
0x1ac: {  	v38 =	vld [tilespmem:s6+$0xFFFFFD00]  }
0x1ad: {  	v41 =	vld [tilespmem:s6+$0xFFFFFC80];
	v40 =	vadd.bf16 v40, v1;
	v1 =	vunpack.i.u.bf16.f32 v39  }
0x1ae: {  	v45 =	vld [tilespmem:s6+$0xFFFFFCF0]  }
0x1af: {  	v51 =	vld [tilespmem:s6+$0xFFFFFC70]  }
0x1b0: {  	v52 =	vld [tilespmem:s6+$0xFFFFFCE0]  }
0x1b1: {  	v54 =	vld [tilespmem:s6+$0xFFFFFC60]  }
0x1b2: {  	v55 =	vld [tilespmem:s6+$0xFFFFFCD0];
	v38 =	vadd.bf16 v38, v41  }
0x1b3: {  	v41 =	vld [tilespmem:s6+$0xFFFFFC50]  }
0x1b4: {  	v56 =	vld [tilespmem:s6+$0xFFFFFCC0];
	v45 =	vadd.bf16 v45, v51;
	v38 =	vadd.bf16 v48, v38  }
0x1b5: {  	v48 =	vld [tilespmem:s6+$0xFFFFFC40]  }
0x1b6: {  	v51 =	vld [tilespmem:s6+$0xFFFFFCB0];
	v52 =	vadd.bf16 v52, v54;
	v45 =	vadd.bf16 v49, v45  }
0x1b7: {  	v38 =	vadd.bf16 v42, v38;
	v49 =	vld [tilespmem:s6+$0xFFFFFC30]  }
0x1b8: {  	v42 =	vld [tilespmem:s6+$0xFFFFFCA0];
	v44 =	vadd.bf16 v44, v52;
	v45 =	vadd.bf16 v47, v45;
	v47 =	vunpack.i.l.bf16.f32 v0  }
0x1b9: {  	v41 =	vadd.bf16 v55, v41;
	v54 =	vunpack.i.u.bf16.f32 v38;
	v38 =	vunpack.i.l.bf16.f32 v38;
	v52 =	vld [tilespmem:s6+$0xFFFFFC20]  }
0x1ba: {  	v30 =	vadd.f32 v54, v30;
	v55 =	vld [tilespmem:s6+$0xFFFFFC90];
	v48 =	vadd.bf16 v56, v48;
	v56 =	vunpack.i.u.bf16.f32 v45  }
0x1bb: {  	v15 =	vadd.f32 v38, v15;
	v45 =	vunpack.i.l.bf16.f32 v45;
	v54 =	vld [tilespmem:s6+$0xFFFFFD20];
	v2 =	vadd.f32 v56, v2  }
0x1bc: {  	v41 =	vadd.bf16 v46, v41;
	v46 =	vunpack.i.u.bf16.f32 v50;
	v38 =	vld [tilespmem:s6+$0xFFFFFD10];
	v48 =	vadd.bf16 v53, v48  }
0x1bd: {  	v15 =	vadd.f32 v47, v15;
	v53 =	vld [tilespmem:s6+$0xFFFFFDC0];
	v2 =	vadd.f32 v46, v2  }
0x1be: {  	v47 =	vadd.bf16 v51, v49;
	v14 =	vadd.bf16 v14, v41;
	v46 =	vld [tilespmem:s6+$0xFFFFFD90]  }
0x1bf: {  	v0 =	vunpack.i.u.bf16.f32 v0;
	v13 =	vadd.bf16 v13, v44;
	v37 =	vadd.bf16 v55, v37;
	v49 =	vld [tilespmem:s6+$0xFFFFFEA0]  }
0x1c0: {  	v29 =	vadd.f32 v45, v29;
	v44 =	vadd.bf16 v42, v52;
	v41 =	vunpack.i.u.bf16.f32 v14;
	v51 =	vld [tilespmem:s6+$0xFFFFFE20]  }
0x1c1: {  	v42 =	vunpack.i.l.bf16.f32 v13;
	v37 =	vadd.bf16 v38, v37;
	v38 =	vunpack.i.u.bf16.f32 v13;
	v45 =	vld [tilespmem:s6+$0xFFFFFF20]  }
0x1c2: {  	v30 =	vadd.f32 v0, v30;
	v43 =	vadd.bf16 v43, v47;
	v47 =	vunpack.i.u.bf16.f32 v34;
	v55 =	vld [tilespmem:s6+$0xFFFFFDA0]  }
.Ltmp2:
0x1c3: {  	v13 =	vunpack.i.l.bf16.f32 v14;
	v52 =	vadd.bf16 v53, v48;
	v0 =	vadd.bf16 v46, v37;
	v53 =	vld [tilespmem:s6+$0xFFFFFFC0];
	(pc) =	sbr.rel @p1 .LBB2_8-.Ltmp2, $4  }
0x1c4: {  	v23 =	vadd.f32 v38, v23;
	v37 =	vadd.bf16 v54, v44;
	v46 =	vunpack.i.l.bf16.f32 v50;
	v44 =	vld [tilespmem:s6+$0xFFFFFFB0]  }
0x1c5: {  	v14 =	vunpack.i.u.bf16.f32 v0;
	v0 =	vunpack.i.l.bf16.f32 v0;
	v49 =	vadd.bf16 v49, v51;
	v50 =	vld [tilespmem:s6+$0xFFFFFEB0]  }
0x1c6: {  	v54 =	vunpack.i.l.bf16.f32 v52;
	v23 =	vadd.f32 v47, v23;
	v3 =	vadd.f32 v0, v3;
	v51 =	vld [tilespmem:s6+$0xFFFFFE30]  }
0x1c7: {  	v38 =	vunpack.i.l.bf16.f32 v40;
	v29 =	vadd.f32 v46, v29;
	v55 =	vadd.bf16 v55, v37;
	v48 =	vld [tilespmem:s6+$0xFFFFFFA0]  }
0x1c8: {  	v46 =	vld [tilespmem:s0+$0xFFFFFDB0]  }
0x1c9: {  	v37 =	vld [tilespmem:s0+$0xFFFFFF30];
	s0 =	sadd.s32 $0x98, s31  }
0x1ca: {  	[tilespmem:s18], [sflag:$0x3] =	stream.indirect.gather [spmem:s1], $0x80, s0, s17, $0xb8;
	[tilespmem:$0x1E380] =	vst v63  }
0x1cb: {  	_ =	swait.ge [sflag:s23], $0x1800  }
0x1cc: {  	[sflag:s23] =	ssyncset.done $0x0  }
0x1cd: {  	s26 =	simm.s32 $0x6D00;
	[sflag:s23] =	ssyncadd.s32 $0xFFFFE800  }
0x1ce: {  	v0 =	vld [tilespmem:s26+$0x330];
	_ =	sdelay $0x4  }
0x1cf: {  	[tilespmem:$0x1FEC0] =	vst v0  }
0x1d0: {  	v0 =	vld [tilespmem:s26+$0x3D0];
	_ =	sdelay $0x4  }
0x1d1: {  	[tilespmem:$0x1FEE0] =	vst v0  }
0x1d2: {  	v0 =	vld [tilespmem:s26+$0x350];
	_ =	sdelay $0x4  }
0x1d3: {  	[tilespmem:$0x1FED0] =	vst v0  }
0x1d4: {  	v0 =	vld [tilespmem:s26+$0x380];
	_ =	sdelay $0x3  }
0x1d5: {  	v59 =	vld [tilespmem:s26+$0x2B0]  }
0x1d6: {  	v60 =	vld [tilespmem:s26+$0x230];
	[tilespmem:$0x1FF10] =	vst v0  }
0x1d7: {  	v0 =	vld [tilespmem:s26+$0x300];
	_ =	sdelay $0x4  }
0x1d8: {  	[tilespmem:$0x1FEF0] =	vst v0  }
0x1d9: {  	v0 =	vld [tilespmem:s26+$0x1D0];
	_ =	sdelay $0x4  }
0x1da: {  	[tilespmem:$0x1FF40] =	vst v0  }
0x1db: {  	v0 =	vld [tilespmem:s26+$0x1C0];
	_ =	sdelay $0x4  }
0x1dc: {  	[tilespmem:$0x1FF30] =	vst v0  }
0x1dd: {  	v0 =	vld [tilespmem:s26+$0x1F0];
	_ =	sdelay $0x3  }
0x1de: {  	v63 =	vld [tilespmem:s26+$0x3F0]  }
0x1df: {  	v58 =	vld [tilespmem:s26+$0x370];
	[tilespmem:$0x1FF20] =	vst v0  }
0x1e0: {  	v0 =	vld [tilespmem:s26+$0x3C0];
	_ =	sdelay $0x1  }
0x1e1: {  	v56 =	vld [tilespmem:s26+$0x2F0]  }
0x1e2: {  	v47 =	vld [tilespmem:s26+$0x270]  }
0x1e3: {  	v62 =	vld [tilespmem:s26+$0x3E0]  }
0x1e4: {  	v10 =	vadd.f32 v13, v10;
	v57 =	vld [tilespmem:s26+$0x360];
	[tilespmem:$0x1FF00] =	vst v0;
	v0 =	vadd.f32 v38, v3  }
0x1e5: {  	v11 =	vadd.f32 v14, v11;
	v14 =	vunpack.i.l.bf16.f32 v39;
	v6 =	vadd.f32 v42, v6  }
0x1e6: {  	v3 =	vadd.bf16 v53, v35;
	v53 =	vadd.f32 v54, v25;
	v25 =	vunpack.i.u.bf16.f32 v52;
	v61 =	vld [tilespmem:s26+$0x340];
	[tilespmem:$0x1FEB0] =	vst v0  }
0x1e7: {  	v35 =	vunpack.i.u.bf16.f32 v55;
	v52 =	vunpack.i.l.bf16.f32 v55;
	v12 =	vadd.f32 v25, v12;
	v38 =	vld [tilespmem:s26+$0x1E0]  }
0x1e8: {  	v35 =	vadd.f32 v35, v31;
	v31 =	vadd.f32 v52, v22;
	v13 =	vunpack.i.u.bf16.f32 v3;
	v54 =	vld [tilespmem:s26+$0x2D0]  }
0x1e9: {  	v25 =	vadd.bf16 v50, v51;
	v55 =	vld [tilespmem:s26+$0x2E0];
	v22 =	vadd.f32 v13, v12;
	v12 =	vunpack.i.u.bf16.f32 v40  }
0x1ea: {  	v52 =	vld [tilespmem:s26+$0x260];
	v13 =	vadd.f32 v14, v10;
	v14 =	vadd.f32 v12, v11  }
0x1eb: {  	v0 =	vld [tilespmem:s26+$0x250];
	v12 =	vadd.bf16 v37, v25;
	v25 =	vadd.bf16 v46, v43  }
0x1ec: {  	v17 =	vadd.f32 v41, v17;
	v39 =	vld [tilespmem:s26+$0x2C0];
	v10 =	vadd.bf16 v45, v49  }
0x1ed: {  	v40 =	vld [tilespmem:s26+$0x240];
	v50 =	vunpack.i.u.bf16.f32 v25;
	v25 =	vunpack.i.l.bf16.f32 v25;
	v12 =	vadd.bf16 v44, v12  }
0x1ee: {  	v34 =	vunpack.i.l.bf16.f32 v34;
	v41 =	vld [tilespmem:s26+$0x170];
	v49 =	vadd.bf16 v48, v10;
	v7 =	vadd.f32 v25, v7  }
0x1ef: {  	v45 =	vld [tilespmem:s26+$0x0];
	v10 =	vadd.f32 v34, v6;
	v34 =	vadd.f32 v50, v8;
	v8 =	vunpack.i.l.bf16.f32 v12  }
0x1f0: {  	v11 =	vld [tilespmem:s26+$0x280];
	v8 =	vadd.f32 v8, v7;
	v7 =	vunpack.i.l.bf16.f32 v49  }
0x1f1: {  	v37 =	vld [tilespmem:s26+$0x200];
	v31 =	vadd.f32 v7, v31;
	v7 =	vunpack.i.u.bf16.f32 v49  }
0x1f2: {  	v35 =	vadd.f32 v7, v35;
	v7 =	vld [tilespmem:$0x1FEC0]  }
0x1f3: {  	v3 =	vunpack.i.l.bf16.f32 v3;
	v43 =	vld [tilespmem:s26+$0x150];
	v51 =	vunpack.i.u.bf16.f32 v12  }
0x1f4: {  	v46 =	vld [tilespmem:s26+$0xF0];
	v12 =	vadd.f32 v51, v34;
	v34 =	vadd.f32 v3, v53  }
0x1f5: {  	v6 =	vld [tilespmem:s26+$0x160];
	v3 =	vadd.bf16 v59, v60;
	v53 =	vadd.bf16 v56, v47  }
0x1f6: {  	v48 =	vld [tilespmem:s26+$0x70]  }
0x1f7: {  	v44 =	vld [tilespmem:s26+$0x140];
	v7 =	vadd.bf16 v7, v3;
	v3 =	vadd.bf16 v58, v53  }
0x1f8: {  	v25 =	vadd.f32 v1, v17;
	v1 =	vld [tilespmem:s26+$0x130]  }
0x1f9: {  	v53 =	vld [tilespmem:$0x1FED0];
	v50 =	vadd.bf16 v63, v3;
	v3 =	vadd.bf16 v39, v40  }
0x1fa: {  	v0 =	vadd.bf16 v54, v0;
	v54 =	vld [tilespmem:s26+$0x50]  }
0x1fb: {  	v56 =	vadd.bf16 v55, v52;
	v55 =	vadd.bf16 v61, v3;
	v3 =	vld [tilespmem:$0x1FEE0]  }
0x1fc: {  	v58 =	vld [tilespmem:$0x1FEF0]  }
0x1fd: {  	v59 =	vld [tilespmem:s26+$0xE0]  }
0x1fe: {  	v60 =	vld [tilespmem:s26+$0x60];
	v0 =	vadd.bf16 v53, v0  }
0x1ff: {  	v11 =	vadd.bf16 v11, v37;
	v52 =	vld [tilespmem:s26+$0x1B0]  }
0x200: {  	v47 =	vadd.bf16 v57, v56;
	v56 =	vld [tilespmem:s26+$0xC0];
	v3 =	vadd.bf16 v3, v0  }
0x201: {  	v0 =	vadd.bf16 v46, v48;
	v48 =	vadd.bf16 v58, v11;
	v11 =	vld [tilespmem:$0x1FF00]  }
0x202: {  	v57 =	vld [tilespmem:s26+$0x40]  }
0x203: {  	v42 =	vadd.bf16 v59, v60;
	v59 =	vld [tilespmem:s26+$0xB0]  }
0x204: {  	v60 =	vld [tilespmem:s26+$0x30]  }
0x205: {  	v63 =	vld [tilespmem:s26+$0xD0]  }
0x206: {  	v6 =	vadd.bf16 v6, v42;
	v11 =	vadd.bf16 v11, v55;
	v55 =	vld [tilespmem:$0x1FF20]  }
0x207: {  	v47 =	vadd.bf16 v62, v47;
	v62 =	vld [tilespmem:$0x1FF10]  }
0x208: {  	v38 =	vadd.bf16 v38, v6;
	v6 =	vadd.bf16 v56, v57;
	v57 =	vld [tilespmem:s26+$0x80]  }
0x209: {  	v37 =	vadd.bf16 v59, v60;
	v60 =	vld [tilespmem:s26+$0x100];
	v0 =	vadd.bf16 v41, v0  }
0x20a: {  	v61 =	vld [tilespmem:s26+$0xA0];
	v40 =	vadd.bf16 v63, v54  }
0x20b: {  	v63 =	vld [tilespmem:s26+$0x20];
	v0 =	vadd.bf16 v55, v0  }
0x20c: {  	v40 =	vadd.bf16 v43, v40;
	v43 =	vld [tilespmem:s26+$0x10]  }
0x20d: {  	v39 =	vadd.bf16 v62, v48;
	v48 =	vld [tilespmem:s26+$0x90];
	v56 =	vunpack.i.u.bf16.f32 v0;
	v0 =	vunpack.i.l.bf16.f32 v0  }
0x20e: {  	v44 =	vadd.bf16 v44, v6;
	v58 =	vunpack.i.u.bf16.f32 v38;
	v62 =	vld [tilespmem:$0x1FF30];
	v0 =	vadd.f32 v0, v5  }
0x20f: {  	v59 =	vunpack.i.l.bf16.f32 v50;
	v4 =	vadd.f32 v58, v4;
	v55 =	vadd.bf16 v57, v45;
	v57 =	vld [tilespmem:s26+$0x290]  }
0x210: {  	v28 =	vadd.f32 v56, v28;
	v56 =	vld [tilespmem:$0x1FF40];
	v6 =	vadd.f32 v59, v0;
	v0 =	vunpack.i.l.bf16.f32 v38  }
0x211: {  	v37 =	vadd.bf16 v1, v37;
	v1 =	vunpack.i.u.bf16.f32 v47;
	v0 =	vadd.f32 v0, v27;
	v27 =	vld [tilespmem:s26+$0x210]  }
0x212: {  	v1 =	vadd.f32 v1, v4;
	v4 =	vld [tilespmem:s26+$0x180]  }
0x213: {  	v17 =	vld [tilespmem:s26+$0x120];
	v52 =	vadd.bf16 v52, v37  }
0x214: {  	v50 =	vunpack.i.u.bf16.f32 v50;
	v54 =	vld [tilespmem:s26+$0x110];
	v61 =	vadd.bf16 v61, v63;
	v63 =	vadd.bf16 v62, v44  }
0x215: {  	v37 =	vunpack.i.l.bf16.f32 v39;
	v43 =	vadd.bf16 v48, v43;
	v58 =	vadd.bf16 v60, v55;
	v60 =	vld [tilespmem:s26+$0x190]  }
0x216: {  	v49 =	vunpack.i.l.bf16.f32 v63;
	v42 =	vadd.bf16 v56, v40;
	v48 =	vadd.bf16 v57, v27;
	v27 =	vld [tilespmem:$0x1FF50]  }
0x217: {  	v51 =	vld [tilespmem:s26+$0x220];
	v5 =	vunpack.i.u.bf16.f32 v11;
	v4 =	vadd.bf16 v4, v58;
	v28 =	vadd.f32 v50, v28  }
0x218: {  	v53 =	vld [tilespmem:s26+$0x3B0];
	v40 =	vunpack.i.u.bf16.f32 v63;
	v63 =	vunpack.i.l.bf16.f32 v47;
	v59 =	vunpack.i.u.bf16.f32 v42  }
0x219: {  	v44 =	vld [tilespmem:s26+$0x310];
	v41 =	vunpack.i.l.bf16.f32 v42;
	v42 =	vadd.bf16 v17, v61;
	v61 =	vadd.bf16 v54, v43  }
0x21a: {  	v50 =	vld [tilespmem:s26+$0x2A0];
	v62 =	vadd.f32 v59, v9;
	v9 =	vunpack.i.u.bf16.f32 v4;
	v4 =	vunpack.i.l.bf16.f32 v4  }
0x21b: {  	v47 =	vld [tilespmem:s26+$0x390];
	v17 =	vunpack.i.u.bf16.f32 v3;
	v55 =	vadd.bf16 v60, v61;
	v4 =	vadd.f32 v4, v27  }
0x21c: {  	s13 =	simm.s32 $0x0;
	s6 =	simm.s32 $0x6D00;
	v43 =	vld [tilespmem:s26+$0x3A0];
	v54 =	vunpack.i.l.bf16.f32 v52;
	v17 =	vadd.f32 v17, v62;
	v27 =	vadd.f32 v63, v0  }
.LBB2_10:
0x21d: {  	s13 =	sadd.s32 $0x2, s13;
	v0 =	vld [tilespmem:s26+$0x1A0];
	v38 =	vunpack.i.u.bf16.f32 v52;
	v4 =	vadd.f32 v37, v4;
	v7 =	vadd.bf16 v53, v7;
	s6 =	sadd.s32 $0x400, s6  }
0x21e: {  	v33 =	vadd.f32 v54, v33;
	p1 =	slt.u32 s13, $0xA;
	v37 =	vunpack.i.u.bf16.f32 v55;
	v45 =	vunpack.i.l.bf16.f32 v55;
	v46 =	vld [tilespmem:s26+$0x320];
	s26 =	smov.u32 s6  }
0x21f: {  	v24 =	vadd.f32 v38, v24;
	v52 =	vld [tilespmem:s6+$0x330];
	v36 =	vadd.f32 v37, v36;
	v37 =	vunpack.i.u.bf16.f32 v7  }
0x220: {  	v19 =	vadd.f32 v49, v19;
	v32 =	vadd.f32 v45, v32;
	v7 =	vunpack.i.l.bf16.f32 v7;
	v38 =	vld [tilespmem:s6+$0x3D0]  }
0x221: {  	v9 =	vadd.f32 v9, v21;
	v11 =	vunpack.i.l.bf16.f32 v11;
	v49 =	vadd.bf16 v50, v51;
	v45 =	vld [tilespmem:s6+$0x350]  }
0x222: {  	v21 =	vunpack.i.u.bf16.f32 v39;
	v19 =	vadd.f32 v11, v19;
	v24 =	vadd.f32 v37, v24;
	v50 =	vld [tilespmem:s6+$0x2B0]  }
0x223: {  	v21 =	vadd.f32 v21, v9;
	v37 =	vadd.bf16 v44, v48;
	v11 =	vld [tilespmem:s6+$0x230]  }
0x224: {  	v16 =	vadd.f32 v41, v16;
	v41 =	vadd.bf16 v46, v49;
	v39 =	vld [tilespmem:s6+$0x380]  }
0x225: {  	v26 =	vadd.f32 v40, v26;
	v3 =	vunpack.i.l.bf16.f32 v3;
	v0 =	vadd.bf16 v0, v42;
	v44 =	vld [tilespmem:s6+$0x300]  }
0x226: {  	v16 =	vadd.f32 v3, v16;
	v40 =	vadd.bf16 v47, v37;
	v9 =	vld [tilespmem:s6+$0x1D0]  }
0x227: {  	v3 =	vunpack.i.u.bf16.f32 v0;
	v0 =	vunpack.i.l.bf16.f32 v0;
	v41 =	vadd.bf16 v43, v41;
	v37 =	vld [tilespmem:s6+$0x1C0]  }
0x228: {  	v0 =	vadd.f32 v0, v18;
	v3 =	vadd.f32 v3, v20;
	v43 =	vunpack.i.u.bf16.f32 v40;
	v42 =	vld [tilespmem:s6+$0x3F0]  }
0x229: {  	v26 =	vadd.f32 v5, v26;
	v20 =	vunpack.i.u.bf16.f32 v41;
	v18 =	vunpack.i.l.bf16.f32 v41;
	v46 =	vld [tilespmem:s6+$0x370]  }
0x22a: {  	v5 =	vunpack.i.l.bf16.f32 v40;
	v18 =	vadd.f32 v18, v0;
	v20 =	vadd.f32 v20, v3;
	v41 =	vld [tilespmem:s6+$0x1F0]  }
0x22b: {  	v33 =	vadd.f32 v7, v33;
	v32 =	vadd.f32 v5, v32;
	v0 =	vld [tilespmem:s6+$0x2F0]  }
0x22c: {  	v36 =	vadd.f32 v43, v36;
	v3 =	vadd.bf16 v50, v11;
	v5 =	vld [tilespmem:s6+$0x270]  }
0x22d: {  	v11 =	vld [tilespmem:s6+$0x3E0]  }
0x22e: {  	v7 =	vadd.bf16 v52, v3;
	v3 =	vld [tilespmem:s6+$0x360]  }
0x22f: {  	v40 =	vld [tilespmem:s6+$0x3C0]  }
0x230: {  	v43 =	vld [tilespmem:s6+$0x340]  }
0x231: {  	v47 =	vld [tilespmem:s6+$0x1E0];
	v0 =	vadd.bf16 v0, v5  }
0x232: {  	v5 =	vld [tilespmem:s6+$0x2D0]  }
0x233: {  	v48 =	vld [tilespmem:s6+$0x2E0];
	v0 =	vadd.bf16 v46, v0  }
0x234: {  	v46 =	vld [tilespmem:s6+$0x260]  }
0x235: {  	v49 =	vld [tilespmem:s6+$0x250];
	v0 =	vadd.bf16 v42, v0  }
0x236: {  	v42 =	vld [tilespmem:s6+$0x2C0]  }
0x237: {  	v50 =	vld [tilespmem:s6+$0x240]  }
0x238: {  	v51 =	vld [tilespmem:s6+$0x280]  }
0x239: {  	v52 =	vld [tilespmem:s6+$0x200];
	v46 =	vadd.bf16 v48, v46  }
0x23a: {  	v48 =	vld [tilespmem:s6+$0x170];
	v5 =	vadd.bf16 v5, v49  }
0x23b: {  	v49 =	vld [tilespmem:s6+$0x160];
	v3 =	vadd.bf16 v3, v46  }
0x23c: {  	v46 =	vld [tilespmem:s6+$0x150];
	v42 =	vadd.bf16 v42, v50;
	v5 =	vadd.bf16 v45, v5  }
0x23d: {  	v45 =	vld [tilespmem:s6+$0x140];
	v50 =	vadd.bf16 v11, v3  }
0x23e: {  	v53 =	vld [tilespmem:s6+$0x130];
	v11 =	vadd.bf16 v51, v52;
	v42 =	vadd.bf16 v43, v42  }
0x23f: {  	v3 =	vadd.bf16 v38, v5;
	v43 =	vld [tilespmem:s6+$0x120]  }
0x240: {  	v38 =	vld [tilespmem:s6+$0x0];
	v5 =	vadd.bf16 v44, v11;
	v11 =	vadd.bf16 v40, v42  }
0x241: {  	v40 =	vld [tilespmem:s6+$0xF0]  }
0x242: {  	v42 =	vld [tilespmem:s6+$0x70];
	v39 =	vadd.bf16 v39, v5;
	v5 =	vunpack.i.u.bf16.f32 v11  }
0x243: {  	v44 =	vld [tilespmem:s6+$0xE0]  }
0x244: {  	v51 =	vld [tilespmem:s6+$0x60]  }
0x245: {  	v52 =	vld [tilespmem:s6+$0xD0]  }
0x246: {  	v54 =	vld [tilespmem:s6+$0x50]  }
0x247: {  	v55 =	vld [tilespmem:s6+$0xC0];
	v40 =	vadd.bf16 v40, v42  }
0x248: {  	v42 =	vld [tilespmem:s6+$0x40]  }
0x249: {  	v56 =	vld [tilespmem:s6+$0xB0];
	v44 =	vadd.bf16 v44, v51;
	v40 =	vadd.bf16 v48, v40  }
0x24a: {  	v48 =	vld [tilespmem:s6+$0x30]  }
0x24b: {  	v51 =	vld [tilespmem:s6+$0xA0];
	v52 =	vadd.bf16 v52, v54;
	v44 =	vadd.bf16 v49, v44  }
0x24c: {  	v40 =	vadd.bf16 v41, v40;
	v49 =	vld [tilespmem:s6+$0x20]  }
0x24d: {  	v41 =	vld [tilespmem:s6+$0x90];
	v46 =	vadd.bf16 v46, v52;
	v44 =	vadd.bf16 v47, v44;
	v47 =	vunpack.i.l.bf16.f32 v0  }
0x24e: {  	v42 =	vadd.bf16 v55, v42;
	v54 =	vunpack.i.u.bf16.f32 v40;
	v40 =	vunpack.i.l.bf16.f32 v40;
	v52 =	vld [tilespmem:s6+$0x10]  }
0x24f: {  	v28 =	vadd.f32 v54, v28;
	v55 =	vld [tilespmem:s6+$0x80];
	v48 =	vadd.bf16 v56, v48;
	v56 =	vunpack.i.u.bf16.f32 v44  }
0x250: {  	v6 =	vadd.f32 v40, v6;
	v44 =	vunpack.i.l.bf16.f32 v44;
	v54 =	vld [tilespmem:s6+$0x110];
	v1 =	vadd.f32 v56, v1  }
0x251: {  	v40 =	vadd.bf16 v45, v42;
	v42 =	vunpack.i.u.bf16.f32 v50;
	v56 =	vld [tilespmem:s6+$0x100];
	v48 =	vadd.bf16 v53, v48  }
0x252: {  	v6 =	vadd.f32 v47, v6;
	v45 =	vld [tilespmem:s6+$0x1B0];
	v1 =	vadd.f32 v42, v1  }
0x253: {  	v37 =	vadd.bf16 v37, v40;
	v42 =	vadd.bf16 v51, v49;
	v47 =	vld [tilespmem:s6+$0x180]  }
0x254: {  	v0 =	vunpack.i.u.bf16.f32 v0;
	v9 =	vadd.bf16 v9, v46;
	v38 =	vadd.bf16 v55, v38;
	v46 =	vld [tilespmem:s6+$0x290]  }
0x255: {  	v27 =	vadd.f32 v44, v27;
	v51 =	vadd.bf16 v41, v52;
	v40 =	vunpack.i.u.bf16.f32 v37;
	v55 =	vld [tilespmem:s6+$0x210]  }
0x256: {  	v41 =	vunpack.i.l.bf16.f32 v9;
	v38 =	vadd.bf16 v56, v38;
	v56 =	vunpack.i.u.bf16.f32 v9;
	v44 =	vld [tilespmem:s6+$0x310]  }
0x257: {  	v58 =	vunpack.i.u.bf16.f32 v3;
	v28 =	vadd.f32 v0, v28;
	v42 =	vadd.bf16 v43, v42;
	v57 =	vld [tilespmem:s6+$0x190]  }
.Ltmp3:
0x258: {  	v49 =	vunpack.i.l.bf16.f32 v37;
	v52 =	vadd.bf16 v45, v48;
	v0 =	vadd.bf16 v47, v38;
	v53 =	vld [tilespmem:s6+$0x3B0];
	(pc) =	sbr.rel @p1 .LBB2_10-.Ltmp3, $4  }
0x259: {  	v37 =	vadd.bf16 v54, v51;
	v17 =	vadd.f32 v56, v17;
	v38 =	vunpack.i.l.bf16.f32 v50;
	v43 =	vld [tilespmem:s6+$0x3A0]  }
0x25a: {  	v9 =	vunpack.i.u.bf16.f32 v0;
	v0 =	vunpack.i.l.bf16.f32 v0;
	v48 =	vadd.bf16 v46, v55;
	v50 =	vld [tilespmem:s6+$0x2A0]  }
0x25b: {  	v54 =	vunpack.i.l.bf16.f32 v52;
	v17 =	vadd.f32 v58, v17;
	v4 =	vadd.f32 v0, v4;
	v51 =	vld [tilespmem:s6+$0x220]  }
0x25c: {  	v27 =	vadd.f32 v38, v27;
	v55 =	vadd.bf16 v57, v37;
	v37 =	vunpack.i.l.bf16.f32 v39;
	v47 =	vld [tilespmem:s6+$0x390]  }
0x25d: {  	v0 =	vld [tilespmem:s26+$0x1A0];
	s0 =	sadd.s32 $0xC80, s0  }
0x25e: {  	v38 =	vld [tilespmem:s26+$0x320];
	[tilespmem:s19], [sflag:$0x4] =	stream.indirect.gather [spmem:s1], $0x80, s0, s17, $0xb8  }
0x25f: {  	_ =	swait.ge [sflag:s20], $0x1800  }
0x260: {  	[sflag:s20] =	ssyncset.done $0x0  }
0x261: {  	s0 =	simm.s32 $0x1B00;
	[sflag:s20] =	ssyncadd.s32 $0xFFFFE800  }
0x262: {  	v45 =	vld [tilespmem:s0+$0x1D0];
	_ =	sdelay $0x4  }
0x263: {  	v62 =	vld [tilespmem:s0+$0x130];
	[tilespmem:$0x1FE40] =	vst v45  }
0x264: {  	v45 =	vld [tilespmem:s0+$0x150];
	_ =	sdelay $0x4  }
0x265: {  	[tilespmem:$0x1FE30] =	vst v45  }
0x266: {  	v45 =	vld [tilespmem:s0+$0x180];
	_ =	sdelay $0x3  }
0x267: {  	v59 =	vld [tilespmem:s0+$0xB0]  }
0x268: {  	v60 =	vld [tilespmem:s0+$0x30];
	[tilespmem:$0x1FE70] =	vst v45  }
0x269: {  	v45 =	vld [tilespmem:s0+$0x100];
	_ =	sdelay $0x4  }
0x26a: {  	[tilespmem:$0x1FE50] =	vst v45  }
0x26b: {  	v45 =	vld [tilespmem:s0+$0xFFFFFFD0];
	_ =	sdelay $0x4  }
0x26c: {  	[tilespmem:$0x1FEA0] =	vst v45  }
0x26d: {  	v45 =	vld [tilespmem:s0+$0xFFFFFFC0];
	_ =	sdelay $0x4  }
0x26e: {  	[tilespmem:$0x1FE90] =	vst v45  }
0x26f: {  	v45 =	vld [tilespmem:s0+$0xFFFFFFF0];
	_ =	sdelay $0x3  }
0x270: {  	v63 =	vld [tilespmem:s0+$0x1F0]  }
0x271: {  	v57 =	vld [tilespmem:s0+$0x170];
	[tilespmem:$0x1FE80] =	vst v45  }
0x272: {  	v61 =	vld [tilespmem:s0+$0x1C0];
	_ =	sdelay $0x1  }
0x273: {  	v46 =	vld [tilespmem:s0+$0xF0]  }
0x274: {  	v45 =	vld [tilespmem:s0+$0x70]  }
0x275: {  	v4 =	vadd.f32 v37, v4;
	v58 =	vld [tilespmem:s0+$0x1E0]  }
0x276: {  	v56 =	vld [tilespmem:s0+$0x160];
	[tilespmem:$0x1FE60] =	vst v61  }
0x277: {  	v61 =	vld [tilespmem:s0+$0x140];
	[tilespmem:$0x1FE20] =	vst v4  }
0x278: {  	v37 =	vld [tilespmem:s0+$0xFFFFFFE0]  }
0x279: {  	v7 =	vadd.bf16 v53, v7;
	v33 =	vadd.f32 v54, v33;
	v52 =	vunpack.i.u.bf16.f32 v52;
	v53 =	vld [tilespmem:s0+$0xD0]  }
0x27a: {  	v54 =	vunpack.i.l.bf16.f32 v55;
	v50 =	vadd.bf16 v50, v51;
	v4 =	vunpack.i.u.bf16.f32 v55;
	v55 =	vld [tilespmem:s0+$0xE0]  }
0x27b: {  	v36 =	vadd.f32 v4, v36;
	v4 =	vadd.f32 v52, v24;
	v52 =	vld [tilespmem:s0+$0x60]  }
0x27c: {  	v24 =	vadd.f32 v54, v32;
	v54 =	vadd.f32 v49, v19;
	v49 =	vld [tilespmem:s0+$0x50]  }
0x27d: {  	v51 =	vld [tilespmem:s0+$0xC0]  }
0x27e: {  	v50 =	vadd.bf16 v38, v50;
	v38 =	vld [tilespmem:s0+$0x0]  }
0x27f: {  	v26 =	vadd.f32 v40, v26;
	v40 =	vld [tilespmem:s0+$0xFFFFFF70]  }
0x280: {  	v21 =	vadd.f32 v9, v21;
	v0 =	vadd.bf16 v0, v42;
	v42 =	vld [tilespmem:s0+$0xFFFFFF50]  }
0x281: {  	v11 =	vunpack.i.l.bf16.f32 v11;
	v9 =	vunpack.i.u.bf16.f32 v7;
	v32 =	vadd.bf16 v43, v50;
	v43 =	vld [tilespmem:s0+$0xFFFFFEE0]  }
0x282: {  	v19 =	vadd.f32 v9, v4;
	v4 =	vunpack.i.u.bf16.f32 v39;
	v9 =	vadd.f32 v11, v54;
	v39 =	vld [tilespmem:s0+$0x40]  }
0x283: {  	v11 =	vadd.f32 v4, v21;
	v4 =	vadd.bf16 v44, v48;
	v21 =	vld [tilespmem:s0+$0x80]  }
0x284: {  	v16 =	vadd.f32 v41, v16;
	v44 =	vld [tilespmem:s0+$0xFFFFFF40]  }
0x285: {  	v3 =	vunpack.i.l.bf16.f32 v3;
	v54 =	vunpack.i.l.bf16.f32 v7;
	v48 =	vld [tilespmem:s0+$0xFFFFFF20];
	v41 =	vadd.bf16 v47, v4  }
0x286: {  	v4 =	vadd.f32 v3, v16;
	v3 =	vld [tilespmem:s0+$0xFFFFFF60];
	v16 =	vunpack.i.u.bf16.f32 v0;
	v0 =	vunpack.i.l.bf16.f32 v0  }
0x287: {  	v47 =	vld [tilespmem:s0+$0xFFFFFF30];
	v0 =	vadd.f32 v0, v18;
	v7 =	vadd.f32 v16, v20;
	v16 =	vunpack.i.u.bf16.f32 v32  }
0x288: {  	v18 =	vunpack.i.l.bf16.f32 v32;
	v20 =	vadd.f32 v5, v26;
	v39 =	vadd.bf16 v51, v39;
	v51 =	vld [tilespmem:s0+$0x90]  }
0x289: {  	v5 =	vadd.f32 v18, v0;
	v0 =	vunpack.i.l.bf16.f32 v41;
	v18 =	vunpack.i.u.bf16.f32 v41;
	v41 =	vld [tilespmem:s0+$0xFFFFFEF0]  }
0x28a: {  	v7 =	vadd.f32 v16, v7;
	v16 =	vadd.bf16 v59, v60;
	v59 =	vld [tilespmem:s0+$0xFFFFFE60]  }
0x28b: {  	v60 =	vld [tilespmem:$0x1FE30]  }
0x28c: {  	v26 =	vadd.f32 v0, v24;
	v0 =	vld [tilespmem:s0+$0xFFFFFE00]  }
0x28d: {  	v32 =	vadd.f32 v54, v33;
	v33 =	vadd.f32 v18, v36;
	v36 =	vld [tilespmem:s0+$0xFFFFFE70]  }
0x28e: {  	v24 =	vadd.bf16 v46, v45;
	v18 =	vadd.bf16 v55, v52;
	v55 =	vld [tilespmem:$0x1FE80]  }
0x28f: {  	v46 =	vld [tilespmem:s0+$0xFFFFFE10]  }
0x290: {  	v16 =	vadd.bf16 v62, v16;
	v62 =	vld [tilespmem:s0+$0xFFFFFE50];
	v24 =	vadd.bf16 v57, v24  }
0x291: {  	v57 =	vadd.bf16 v53, v49;
	v18 =	vadd.bf16 v56, v18;
	v49 =	vld [tilespmem:s0+$0xFFFFFED0]  }
0x292: {  	v56 =	vld [tilespmem:s0+$0xFFFFFEC0]  }
0x293: {  	v50 =	vadd.bf16 v58, v18;
	v18 =	vadd.bf16 v21, v38;
	v21 =	vld [tilespmem:$0x1FE40]  }
0x294: {  	v45 =	vadd.bf16 v60, v57;
	v57 =	vld [tilespmem:s0+$0xFFFFFE40]  }
0x295: {  	v58 =	vld [tilespmem:$0x1FE50]  }
0x296: {  	v43 =	vadd.bf16 v43, v59;
	v59 =	vld [tilespmem:s0+$0xFFFFFEB0];
	v36 =	vadd.bf16 v41, v36  }
0x297: {  	v24 =	vadd.bf16 v63, v24;
	v60 =	vld [tilespmem:s0+$0xFFFFFE30]  }
0x298: {  	v3 =	vadd.bf16 v3, v43;
	v36 =	vadd.bf16 v40, v36;
	v40 =	vld [tilespmem:s0+$0xFFFFFEA0]  }
0x299: {  	v63 =	vadd.bf16 v61, v39;
	v61 =	vadd.bf16 v49, v62;
	v62 =	vld [tilespmem:$0x1FE70]  }
0x29a: {  	v37 =	vadd.bf16 v37, v3;
	v39 =	vadd.bf16 v58, v18;
	v18 =	vld [tilespmem:$0x1FE60]  }
0x29b: {  	v49 =	vld [tilespmem:s0+$0xFFFFFE90];
	v36 =	vadd.bf16 v55, v36;
	v42 =	vadd.bf16 v42, v61  }
0x29c: {  	v3 =	vadd.bf16 v56, v57;
	v57 =	vld [tilespmem:s0+$0xFFFFFE80];
	v38 =	vadd.bf16 v59, v60;
	v58 =	vunpack.i.u.bf16.f32 v37  }
0x29d: {  	v60 =	vld [tilespmem:s0+$0xFFFFFF00];
	v56 =	vunpack.i.u.bf16.f32 v36;
	v36 =	vunpack.i.l.bf16.f32 v36;
	v2 =	vadd.f32 v58, v2  }
0x29e: {  	v59 =	vunpack.i.l.bf16.f32 v24;
	v61 =	vld [tilespmem:$0x1FE90];
	v44 =	vadd.bf16 v44, v3;
	v15 =	vadd.f32 v36, v15  }
0x29f: {  	v3 =	vunpack.i.u.bf16.f32 v50;
	v39 =	vadd.bf16 v62, v39;
	v18 =	vadd.bf16 v18, v63;
	v63 =	vld [tilespmem:s0+$0xFFFFFE20]  }
0x2a0: {  	v62 =	vld [tilespmem:$0x1FEA0];
	v2 =	vadd.f32 v3, v2;
	v3 =	vadd.f32 v59, v15;
	v15 =	vunpack.i.l.bf16.f32 v37  }
0x2a1: {  	v52 =	vadd.f32 v56, v30;
	v56 =	vadd.f32 v15, v29;
	v15 =	vld [tilespmem:s0+$0x10]  }
0x2a2: {  	v21 =	vadd.bf16 v21, v45;
	v45 =	vld [tilespmem:s0+$0xFFFFFFB0];
	v38 =	vadd.bf16 v47, v38  }
0x2a3: {  	v37 =	vld [tilespmem:s0+$0xFFFFFF80];
	v47 =	vadd.bf16 v61, v44;
	v0 =	vadd.bf16 v57, v0  }
0x2a4: {  	v54 =	vld [tilespmem:s0+$0xFFFFFF10];
	v24 =	vunpack.i.u.bf16.f32 v24;
	v46 =	vadd.bf16 v49, v46;
	v43 =	vadd.bf16 v40, v63  }
0x2a5: {  	v0 =	vadd.bf16 v60, v0;
	v60 =	vld [tilespmem:s0+$0xFFFFFF90];
	v63 =	vadd.bf16 v62, v42;
	v40 =	vunpack.i.u.bf16.f32 v47  }
0x2a6: {  	v42 =	vadd.bf16 v48, v43;
	v48 =	vunpack.i.l.bf16.f32 v47;
	v47 =	vadd.bf16 v51, v15;
	v15 =	vld [tilespmem:$0x1FEB0]  }
0x2a7: {  	v53 =	vld [tilespmem:s0+$0x1B0];
	v61 =	vunpack.i.u.bf16.f32 v21;
	v24 =	vadd.f32 v24, v52;
	v52 =	vadd.bf16 v45, v38  }
0x2a8: {  	v44 =	vld [tilespmem:s0+$0x110];
	v36 =	vunpack.i.l.bf16.f32 v39;
	v30 =	vunpack.i.u.bf16.f32 v18;
	v0 =	vadd.bf16 v37, v0  }
0x2a9: {  	v38 =	vld [tilespmem:s0+$0x190];
	v62 =	vadd.bf16 v54, v46;
	v29 =	vunpack.i.u.bf16.f32 v63;
	v41 =	vunpack.i.l.bf16.f32 v63  }
0x2aa: {  	v43 =	vld [tilespmem:s0+$0x1A0];
	v49 =	vunpack.i.u.bf16.f32 v0;
	v0 =	vunpack.i.l.bf16.f32 v0;
	v23 =	vadd.f32 v29, v23  }
0x2ab: {  	v63 =	vunpack.i.l.bf16.f32 v50;
	v50 =	vld [tilespmem:s0+$0xA0];
	v55 =	vadd.bf16 v60, v62;
	v29 =	vadd.f32 v0, v15  }
0x2ac: {  	s13 =	simm.s32 $0x0;
	s6 =	simm.s32 $0x1B00;
	v54 =	vunpack.i.l.bf16.f32 v52;
	v51 =	vld [tilespmem:s0+$0x20];
	v15 =	vadd.f32 v61, v23;
	v23 =	vadd.f32 v63, v56  }
.LBB2_12:
0x2ad: {  	s13 =	sadd.s32 $0x2, s13;
	v0 =	vld [tilespmem:s0+$0xFFFFFFA0];
	v37 =	vunpack.i.u.bf16.f32 v52;
	v29 =	vadd.f32 v36, v29;
	v16 =	vadd.bf16 v53, v16;
	s6 =	sadd.s32 $0x400, s6  }
0x2ae: {  	v34 =	vadd.f32 v54, v34;
	p1 =	slt.u32 s13, $0xA;
	v36 =	vunpack.i.u.bf16.f32 v55;
	v45 =	vunpack.i.l.bf16.f32 v55;
	v46 =	vld [tilespmem:s0+$0x120];
	s0 =	smov.u32 s6  }
0x2af: {  	v22 =	vadd.f32 v37, v22;
	v52 =	vld [tilespmem:s6+$0x130];
	v35 =	vadd.f32 v36, v35;
	v36 =	vunpack.i.u.bf16.f32 v16  }
0x2b0: {  	v13 =	vadd.f32 v48, v13;
	v31 =	vadd.f32 v45, v31;
	v16 =	vunpack.i.l.bf16.f32 v16;
	v37 =	vld [tilespmem:s6+$0x1D0]  }
0x2b1: {  	v14 =	vadd.f32 v49, v14;
	v18 =	vunpack.i.l.bf16.f32 v18;
	v48 =	vadd.bf16 v50, v51;
	v45 =	vld [tilespmem:s6+$0x150]  }
0x2b2: {  	v39 =	vunpack.i.u.bf16.f32 v39;
	v13 =	vadd.f32 v18, v13;
	v22 =	vadd.f32 v36, v22;
	v49 =	vld [tilespmem:s6+$0xB0]  }
0x2b3: {  	v14 =	vadd.f32 v39, v14;
	v39 =	vadd.bf16 v44, v47;
	v18 =	vld [tilespmem:s6+$0x30]  }
0x2b4: {  	v10 =	vadd.f32 v41, v10;
	v41 =	vadd.bf16 v46, v48;
	v44 =	vld [tilespmem:s6+$0x180]  }
0x2b5: {  	v25 =	vadd.f32 v40, v25;
	v21 =	vunpack.i.l.bf16.f32 v21;
	v0 =	vadd.bf16 v0, v42;
	v46 =	vld [tilespmem:s6+$0x100]  }
0x2b6: {  	v10 =	vadd.f32 v21, v10;
	v39 =	vadd.bf16 v38, v39;
	v36 =	vld [tilespmem:s6+$0xFFFFFFD0]  }
0x2b7: {  	v21 =	vunpack.i.u.bf16.f32 v0;
	v0 =	vunpack.i.l.bf16.f32 v0;
	v40 =	vadd.bf16 v43, v41;
	v38 =	vld [tilespmem:s6+$0xFFFFFFC0]  }
0x2b8: {  	v0 =	vadd.f32 v0, v8;
	v12 =	vadd.f32 v21, v12;
	v21 =	vunpack.i.u.bf16.f32 v39;
	v41 =	vld [tilespmem:s6+$0x1F0]  }
0x2b9: {  	v25 =	vadd.f32 v30, v25;
	v43 =	vunpack.i.u.bf16.f32 v40;
	v8 =	vunpack.i.l.bf16.f32 v40;
	v42 =	vld [tilespmem:s6+$0x170]  }
0x2ba: {  	v30 =	vunpack.i.l.bf16.f32 v39;
	v8 =	vadd.f32 v8, v0;
	v12 =	vadd.f32 v43, v12;
	v40 =	vld [tilespmem:s6+$0xFFFFFFF0]  }
0x2bb: {  	v34 =	vadd.f32 v16, v34;
	v31 =	vadd.f32 v30, v31;
	v0 =	vld [tilespmem:s6+$0xF0]  }
0x2bc: {  	v35 =	vadd.f32 v21, v35;
	v16 =	vadd.bf16 v49, v18;
	v18 =	vld [tilespmem:s6+$0x70]  }
0x2bd: {  	v21 =	vld [tilespmem:s6+$0x1E0]  }
0x2be: {  	v16 =	vadd.bf16 v52, v16;
	v30 =	vld [tilespmem:s6+$0x160]  }
0x2bf: {  	v39 =	vld [tilespmem:s6+$0x1C0]  }
0x2c0: {  	v43 =	vld [tilespmem:s6+$0x140]  }
0x2c1: {  	v47 =	vld [tilespmem:s6+$0xFFFFFFE0];
	v0 =	vadd.bf16 v0, v18  }
0x2c2: {  	v18 =	vld [tilespmem:s6+$0xD0]  }
0x2c3: {  	v48 =	vld [tilespmem:s6+$0xE0];
	v0 =	vadd.bf16 v42, v0  }
0x2c4: {  	v42 =	vld [tilespmem:s6+$0x60]  }
0x2c5: {  	v49 =	vld [tilespmem:s6+$0x50];
	v0 =	vadd.bf16 v41, v0  }
0x2c6: {  	v41 =	vld [tilespmem:s6+$0xC0]  }
0x2c7: {  	v50 =	vld [tilespmem:s6+$0x40]  }
0x2c8: {  	v51 =	vld [tilespmem:s6+$0x80]  }
0x2c9: {  	v52 =	vld [tilespmem:s6+$0x0];
	v42 =	vadd.bf16 v48, v42  }
0x2ca: {  	v48 =	vld [tilespmem:s6+$0xFFFFFF70];
	v18 =	vadd.bf16 v18, v49  }
0x2cb: {  	v49 =	vld [tilespmem:s6+$0xFFFFFF60];
	v30 =	vadd.bf16 v30, v42  }
0x2cc: {  	v42 =	vld [tilespmem:s6+$0xFFFFFF50];
	v41 =	vadd.bf16 v41, v50;
	v18 =	vadd.bf16 v45, v18  }
0x2cd: {  	v45 =	vld [tilespmem:s6+$0xFFFFFF40];
	v50 =	vadd.bf16 v21, v30  }
0x2ce: {  	v53 =	vld [tilespmem:s6+$0xFFFFFF30];
	v30 =	vadd.bf16 v51, v52;
	v41 =	vadd.bf16 v43, v41  }
0x2cf: {  	v21 =	vadd.bf16 v37, v18;
	v43 =	vld [tilespmem:s6+$0xFFFFFF20]  }
0x2d0: {  	v37 =	vld [tilespmem:s6+$0xFFFFFE00];
	v30 =	vadd.bf16 v46, v30;
	v18 =	vadd.bf16 v39, v41  }
0x2d1: {  	v41 =	vld [tilespmem:s6+$0xFFFFFEF0]  }
0x2d2: {  	v46 =	vld [tilespmem:s6+$0xFFFFFE70];
	v39 =	vadd.bf16 v44, v30;
	v30 =	vunpack.i.u.bf16.f32 v18  }
0x2d3: {  	v44 =	vld [tilespmem:s6+$0xFFFFFEE0]  }
0x2d4: {  	v51 =	vld [tilespmem:s6+$0xFFFFFE60]  }
0x2d5: {  	v52 =	vld [tilespmem:s6+$0xFFFFFED0]  }
0x2d6: {  	v54 =	vld [tilespmem:s6+$0xFFFFFE50]  }
0x2d7: {  	v55 =	vld [tilespmem:s6+$0xFFFFFEC0];
	v41 =	vadd.bf16 v41, v46  }
0x2d8: {  	v46 =	vld [tilespmem:s6+$0xFFFFFE40]  }
0x2d9: {  	v56 =	vld [tilespmem:s6+$0xFFFFFEB0];
	v44 =	vadd.bf16 v44, v51;
	v41 =	vadd.bf16 v48, v41  }
0x2da: {  	v48 =	vld [tilespmem:s6+$0xFFFFFE30]  }
0x2db: {  	v51 =	vld [tilespmem:s6+$0xFFFFFEA0];
	v52 =	vadd.bf16 v52, v54;
	v44 =	vadd.bf16 v49, v44  }
0x2dc: {  	v40 =	vadd.bf16 v40, v41;
	v49 =	vld [tilespmem:s6+$0xFFFFFE20]  }
0x2dd: {  	v41 =	vld [tilespmem:s6+$0xFFFFFE90];
	v42 =	vadd.bf16 v42, v52;
	v44 =	vadd.bf16 v47, v44;
	v47 =	vunpack.i.l.bf16.f32 v0  }
0x2de: {  	v46 =	vadd.bf16 v55, v46;
	v54 =	vunpack.i.u.bf16.f32 v40;
	v40 =	vunpack.i.l.bf16.f32 v40;
	v52 =	vld [tilespmem:s6+$0xFFFFFE10]  }
0x2df: {  	v24 =	vadd.f32 v54, v24;
	v55 =	vld [tilespmem:s6+$0xFFFFFE80];
	v48 =	vadd.bf16 v56, v48;
	v56 =	vunpack.i.u.bf16.f32 v44  }
0x2e0: {  	v3 =	vadd.f32 v40, v3;
	v44 =	vunpack.i.l.bf16.f32 v44;
	v54 =	vld [tilespmem:s6+$0xFFFFFF10];
	v2 =	vadd.f32 v56, v2  }
0x2e1: {  	v40 =	vadd.bf16 v45, v46;
	v45 =	vunpack.i.u.bf16.f32 v50;
	v56 =	vld [tilespmem:s6+$0xFFFFFF00];
	v48 =	vadd.bf16 v53, v48  }
0x2e2: {  	v3 =	vadd.f32 v47, v3;
	v46 =	vld [tilespmem:s6+$0xFFFFFFB0];
	v2 =	vadd.f32 v45, v2  }
0x2e3: {  	v47 =	vadd.bf16 v51, v49;
	v38 =	vadd.bf16 v38, v40;
	v45 =	vld [tilespmem:s6+$0xFFFFFF80]  }
0x2e4: {  	v0 =	vunpack.i.u.bf16.f32 v0;
	v36 =	vadd.bf16 v36, v42;
	v37 =	vadd.bf16 v55, v37;
	v51 =	vld [tilespmem:s6+$0x90]  }
0x2e5: {  	v23 =	vadd.f32 v44, v23;
	v49 =	vadd.bf16 v41, v52;
	v40 =	vunpack.i.u.bf16.f32 v38;
	v55 =	vld [tilespmem:s6+$0x10]  }
0x2e6: {  	v41 =	vunpack.i.l.bf16.f32 v36;
	v37 =	vadd.bf16 v56, v37;
	v56 =	vunpack.i.u.bf16.f32 v36;
	v44 =	vld [tilespmem:s6+$0x110]  }
0x2e7: {  	v57 =	vunpack.i.u.bf16.f32 v21;
	v24 =	vadd.f32 v0, v24;
	v42 =	vadd.bf16 v43, v47;
	v36 =	vld [tilespmem:s6+$0xFFFFFF90]  }
.Ltmp4:
0x2e8: {  	v52 =	vadd.bf16 v46, v48;
	v48 =	vunpack.i.l.bf16.f32 v38;
	v0 =	vadd.bf16 v45, v37;
	v53 =	vld [tilespmem:s6+$0x1B0];
	(pc) =	sbr.rel @p1 .LBB2_12-.Ltmp4, $4  }
0x2e9: {  	v15 =	vadd.f32 v56, v15;
	v37 =	vadd.bf16 v54, v49;
	v45 =	vunpack.i.l.bf16.f32 v50;
	v43 =	vld [tilespmem:s6+$0x1A0]  }
0x2ea: {  	v49 =	vunpack.i.u.bf16.f32 v0;
	v0 =	vunpack.i.l.bf16.f32 v0;
	v47 =	vadd.bf16 v51, v55;
	v50 =	vld [tilespmem:s6+$0xA0]  }
0x2eb: {  	v54 =	vunpack.i.l.bf16.f32 v52;
	v15 =	vadd.f32 v57, v15;
	v29 =	vadd.f32 v0, v29;
	v51 =	vld [tilespmem:s6+$0x20]  }
0x2ec: {  	v23 =	vadd.f32 v45, v23;
	v55 =	vadd.bf16 v36, v37;
	v36 =	vunpack.i.l.bf16.f32 v39;
	v38 =	vld [tilespmem:s6+$0x190]  }
0x2ed: {  	s31 =	sadd.s32 $0x1, s30;
	p1 =	seq.s32 s30, $0xF  }
0x2ee: {  	s6 =	smul.u32 @!p1 $0x320, s31  }
0x2ef: {  	v0 =	vld [tilespmem:s0+$0xFFFFFFA0]  }
0x2f0: {  	v37 =	vld [tilespmem:s0+$0x120];
	s13 =	simm.s32 @!p1 $0x1900;
	s0 =	sshra.s32 @!p1 s6, $0x2;
	s6 =	simm.s32 @!p1 $0x38  }
0x2f1: {  	[tilespmem:s13], [sflag:$0x1] =	stream.indirect.gather @!p1 [spmem:s1], $0x80, s0, s6, $0xb8;
	[tilespmem:$0x1E380] =	vst v63  }
0x2f2: {  	_ =	swait.ge [sflag:s21], $0x1800  }
0x2f3: {  	[sflag:s21] =	ssyncset.done $0x0  }
0x2f4: {  	s26 =	simm.s32 $0x38F0;
	[sflag:s21] =	ssyncadd.s32 $0xFFFFE800  }
0x2f5: {  	v45 =	vld [tilespmem:s26+$0xFFFFFFE0];
	_ =	sdelay $0x4  }
0x2f6: {  	v62 =	vld [tilespmem:s26+$0xFFFFFF40];
	[tilespmem:$0x1FDB0] =	vst v45  }
0x2f7: {  	v45 =	vld [tilespmem:s26+$0xFFFFFF60];
	_ =	sdelay $0x4  }
0x2f8: {  	[tilespmem:$0x1FDA0] =	vst v45  }
0x2f9: {  	v45 =	vld [tilespmem:s26+$0xFFFFFF90];
	_ =	sdelay $0x3  }
0x2fa: {  	v59 =	vld [tilespmem:s26+$0xFFFFFEC0]  }
0x2fb: {  	v60 =	vld [tilespmem:s26+$0xFFFFFE40];
	[tilespmem:$0x1FDE0] =	vst v45  }
0x2fc: {  	v45 =	vld [tilespmem:s26+$0xFFFFFF10];
	_ =	sdelay $0x4  }
0x2fd: {  	[tilespmem:$0x1FDC0] =	vst v45  }
0x2fe: {  	v45 =	vld [tilespmem:s26+$0xFFFFFDE0];
	_ =	sdelay $0x4  }
0x2ff: {  	[tilespmem:$0x1FE10] =	vst v45  }
0x300: {  	v45 =	vld [tilespmem:s26+$0xFFFFFDD0];
	_ =	sdelay $0x4  }
0x301: {  	[tilespmem:$0x1FE00] =	vst v45  }
0x302: {  	v45 =	vld [tilespmem:s26+$0xFFFFFE00];
	_ =	sdelay $0x3  }
0x303: {  	v63 =	vld [tilespmem:s26+$0x0]  }
0x304: {  	v57 =	vld [tilespmem:s26+$0xFFFFFF80];
	[tilespmem:$0x1FDF0] =	vst v45  }
0x305: {  	v61 =	vld [tilespmem:s26+$0xFFFFFFD0];
	_ =	sdelay $0x1  }
0x306: {  	v46 =	vld [tilespmem:s26+$0xFFFFFF00]  }
0x307: {  	v45 =	vld [tilespmem:s26+$0xFFFFFE80]  }
0x308: {  	v29 =	vadd.f32 v36, v29;
	v58 =	vld [tilespmem:s26+$0xFFFFFFF0]  }
0x309: {  	v56 =	vld [tilespmem:s26+$0xFFFFFF70];
	[tilespmem:$0x1FDD0] =	vst v61  }
0x30a: {  	v61 =	vld [tilespmem:s26+$0xFFFFFF50];
	[tilespmem:$0x1FD90] =	vst v29  }
0x30b: {  	v36 =	vld [tilespmem:s26+$0xFFFFFDF0]  }
0x30c: {  	v34 =	vadd.f32 v54, v34;
	v29 =	vadd.bf16 v53, v16;
	v53 =	vld [tilespmem:s26+$0xFFFFFEE0]  }
0x30d: {  	v52 =	vunpack.i.u.bf16.f32 v52;
	v54 =	vunpack.i.l.bf16.f32 v55;
	v16 =	vunpack.i.u.bf16.f32 v55;
	v55 =	vld [tilespmem:s26+$0xFFFFFEF0]  }
0x30e: {  	v35 =	vadd.f32 v16, v35;
	v16 =	vadd.f32 v52, v22;
	v52 =	vld [tilespmem:s26+$0xFFFFFE70]  }
0x30f: {  	v13 =	vadd.f32 v48, v13;
	v22 =	vadd.f32 v54, v31;
	v48 =	vld [tilespmem:s26+$0xFFFFFE60]  }
0x310: {  	v31 =	vadd.f32 v49, v14;
	v49 =	vadd.bf16 v50, v51;
	v51 =	vld [tilespmem:s26+$0xFFFFFED0]  }
0x311: {  	v25 =	vadd.f32 v40, v25;
	v40 =	vld [tilespmem:s26+$0xFFFFFD80]  }
0x312: {  	v10 =	vadd.f32 v41, v10;
	v41 =	vld [tilespmem:s26+$0xFFFFFD70]  }
0x313: {  	v0 =	vadd.bf16 v0, v42;
	v42 =	vld [tilespmem:s26+$0xFFFFFD60];
	v14 =	vunpack.i.u.bf16.f32 v29  }
0x314: {  	v54 =	vunpack.i.l.bf16.f32 v18;
	v50 =	vld [tilespmem:s26+$0xFFFFFCE0];
	v18 =	vadd.f32 v14, v16  }
0x315: {  	v16 =	vunpack.i.u.bf16.f32 v39;
	v14 =	vadd.f32 v54, v13;
	v39 =	vld [tilespmem:s26+$0xFFFFFE50];
	v13 =	vadd.bf16 v44, v47  }
0x316: {  	v21 =	vunpack.i.l.bf16.f32 v21;
	v44 =	vld [tilespmem:s26+$0xFFFFFE90];
	v16 =	vadd.f32 v16, v31;
	v31 =	vadd.bf16 v37, v49  }
0x317: {  	v10 =	vadd.f32 v21, v10;
	v47 =	vld [tilespmem:s26+$0xFFFFFD30];
	v38 =	vadd.bf16 v38, v13  }
0x318: {  	v37 =	vld [tilespmem:s26+$0xFFFFFE10];
	v13 =	vunpack.i.u.bf16.f32 v0;
	v0 =	vunpack.i.l.bf16.f32 v0;
	v21 =	vadd.bf16 v43, v31  }
0x319: {  	v0 =	vadd.f32 v0, v8;
	v8 =	vadd.f32 v13, v12;
	v43 =	vld [tilespmem:s26+$0xFFFFFD50]  }
0x31a: {  	v13 =	vunpack.i.u.bf16.f32 v21;
	v12 =	vunpack.i.l.bf16.f32 v21;
	v21 =	vadd.f32 v30, v25;
	v25 =	vld [tilespmem:s26+$0xFFFFFD40]  }
0x31b: {  	v13 =	vadd.f32 v13, v8;
	v8 =	vadd.bf16 v59, v60;
	v59 =	vld [tilespmem:s26+$0xFFFFFD00]  }
0x31c: {  	v54 =	vadd.bf16 v46, v45;
	v31 =	vunpack.i.l.bf16.f32 v29;
	v60 =	vld [tilespmem:s26+$0xFFFFFC80]  }
0x31d: {  	v12 =	vadd.f32 v12, v0;
	v0 =	vunpack.i.l.bf16.f32 v38;
	v37 =	vadd.bf16 v44, v37;
	v44 =	vld [tilespmem:s26+$0xFFFFFCD0]  }
0x31e: {  	v30 =	vadd.f32 v31, v34;
	v29 =	vadd.f32 v0, v22;
	v0 =	vld [tilespmem:s26+$0xFFFFFC10];
	v22 =	vunpack.i.u.bf16.f32 v38  }
0x31f: {  	v31 =	vadd.f32 v22, v35;
	v35 =	vadd.bf16 v62, v8;
	v62 =	vld [tilespmem:s26+$0xFFFFFCF0]  }
0x320: {  	v22 =	vadd.bf16 v55, v52;
	v55 =	vld [tilespmem:s26+$0xFFFFFC70]  }
0x321: {  	v8 =	vadd.bf16 v57, v54;
	v57 =	vld [tilespmem:s26+$0xFFFFFC60]  }
0x322: {  	v22 =	vadd.bf16 v56, v22;
	v56 =	vld [tilespmem:$0x1FDA0]  }
0x323: {  	v52 =	vld [tilespmem:s26+$0xFFFFFCB0]  }
0x324: {  	v49 =	vadd.bf16 v63, v8;
	v63 =	vld [tilespmem:s26+$0xFFFFFC40]  }
0x325: {  	v54 =	vadd.bf16 v53, v48;
	v46 =	vadd.bf16 v62, v55;
	v62 =	vld [tilespmem:$0x1FDD0]  }
0x326: {  	v8 =	vadd.bf16 v51, v39;
	v38 =	vadd.bf16 v59, v60;
	v59 =	vld [tilespmem:s26+$0xFFFFFC50]  }
0x327: {  	v34 =	vadd.bf16 v56, v54;
	v56 =	vld [tilespmem:$0x1FDF0]  }
0x328: {  	v60 =	vld [tilespmem:$0x1FDC0];
	v8 =	vadd.bf16 v61, v8  }
0x329: {  	v22 =	vadd.bf16 v58, v22;
	v58 =	vld [tilespmem:$0x1FDB0]  }
0x32a: {  	v61 =	vld [tilespmem:s26+$0xFFFFFCC0];
	v39 =	vadd.bf16 v62, v8;
	v8 =	vadd.bf16 v40, v38  }
0x32b: {  	v50 =	vadd.bf16 v50, v57;
	v55 =	vld [tilespmem:$0x1FDE0]  }
0x32c: {  	v57 =	vld [tilespmem:s26+$0xFFFFFCA0];
	v41 =	vadd.bf16 v41, v46;
	v8 =	vadd.bf16 v56, v8  }
0x32d: {  	v42 =	vadd.bf16 v42, v50;
	v50 =	vld [tilespmem:s26+$0xFFFFFEA0];
	v37 =	vadd.bf16 v60, v37  }
0x32e: {  	v44 =	vadd.bf16 v44, v59;
	v60 =	vld [tilespmem:s26+$0xFFFFFC90];
	v36 =	vadd.bf16 v36, v41;
	v59 =	vunpack.i.u.bf16.f32 v8  }
0x32f: {  	v28 =	vadd.f32 v59, v28;
	v59 =	vld [tilespmem:$0x1FE00]  }
0x330: {  	v34 =	vadd.bf16 v58, v34;
	v58 =	vld [tilespmem:s26+$0xFFFFFC20];
	v38 =	vadd.bf16 v61, v63;
	v61 =	vunpack.i.u.bf16.f32 v36  }
0x331: {  	v40 =	vadd.bf16 v55, v37;
	v37 =	vld [tilespmem:s26+$0xFFFFFC30];
	v1 =	vadd.f32 v61, v1  }
0x332: {  	v63 =	vld [tilespmem:s26+$0xFFFFFD10];
	v53 =	vadd.bf16 v25, v38;
	v25 =	vadd.bf16 v43, v44;
	v8 =	vunpack.i.l.bf16.f32 v8  }
0x333: {  	v43 =	vld [tilespmem:s26+$0xFFFFFDC0];
	v8 =	vadd.f32 v8, v6;
	v6 =	vunpack.i.u.bf16.f32 v22  }
0x334: {  	v6 =	vadd.f32 v6, v1;
	v1 =	vunpack.i.l.bf16.f32 v36;
	v45 =	vadd.bf16 v59, v25;
	v25 =	vld [tilespmem:$0x1FE10]  }
0x335: {  	v0 =	vadd.bf16 v60, v0;
	v60 =	vadd.f32 v1, v27;
	v1 =	vld [tilespmem:s26+$0xFFFFFE20];
	_ =	sdelay $0x1  }
0x336: {  	v62 =	vunpack.i.l.bf16.f32 v49;
	v46 =	vadd.bf16 v57, v58;
	v36 =	vld [tilespmem:s26+$0xFFFFFD90]  }
0x337: {  	v51 =	vld [tilespmem:s26+$0xFFFFFD20];
	v49 =	vunpack.i.u.bf16.f32 v49;
	v37 =	vadd.bf16 v52, v37;
	v0 =	vadd.bf16 v63, v0  }
0x338: {  	v38 =	vunpack.i.u.bf16.f32 v39;
	v44 =	vld [tilespmem:s26+$0xFFFFFF20];
	v52 =	vadd.bf16 v43, v53;
	v25 =	vadd.bf16 v25, v42  }
0x339: {  	v63 =	vunpack.i.u.bf16.f32 v34;
	v42 =	vadd.bf16 v47, v37;
	v47 =	vadd.bf16 v50, v1;
	v1 =	vld [tilespmem:$0x1FE20]  }
0x33a: {  	v22 =	vunpack.i.l.bf16.f32 v22;
	v8 =	vadd.f32 v62, v8;
	v62 =	vld [tilespmem:s26+$0xFFFFFDA0];
	v54 =	vunpack.i.l.bf16.f32 v52  }
0x33b: {  	v53 =	vld [tilespmem:s26+$0xFFFFFFC0];
	v22 =	vadd.f32 v22, v60;
	v0 =	vadd.bf16 v36, v0;
	v61 =	vunpack.i.u.bf16.f32 v25  }
0x33c: {  	v43 =	vld [tilespmem:s26+$0xFFFFFFB0];
	v27 =	vunpack.i.l.bf16.f32 v25;
	v25 =	vadd.f32 v49, v28;
	v28 =	vadd.bf16 v51, v46  }
0x33d: {  	v50 =	vld [tilespmem:s26+$0xFFFFFEB0];
	v49 =	vunpack.i.u.bf16.f32 v0;
	v0 =	vunpack.i.l.bf16.f32 v0;
	v17 =	vadd.f32 v61, v17  }
0x33e: {  	v41 =	vunpack.i.u.bf16.f32 v45;
	v48 =	vunpack.i.l.bf16.f32 v45;
	v37 =	vld [tilespmem:s26+$0xFFFFFFA0];
	v1 =	vadd.f32 v0, v1  }
0x33f: {  	s13 =	simm.s32 $0x0;
	s6 =	simm.s32 $0x38F0;
	v51 =	vld [tilespmem:s26+$0xFFFFFE30];
	v55 =	vadd.bf16 v62, v28;
	v28 =	vunpack.i.l.bf16.f32 v40;
	v17 =	vadd.f32 v63, v17  }
.LBB2_14:
0x340: {  	s13 =	sadd.s32 $0x2, s13;
	v0 =	vld [tilespmem:s26+$0xFFFFFDB0];
	v36 =	vunpack.i.u.bf16.f32 v52;
	v1 =	vadd.f32 v28, v1;
	v28 =	vadd.bf16 v53, v35;
	s6 =	sadd.s32 $0x400, s6  }
0x341: {  	v32 =	vadd.f32 v54, v32;
	p2 =	slt.u32 s13, $0xA;
	v35 =	vunpack.i.u.bf16.f32 v55;
	v45 =	vunpack.i.l.bf16.f32 v55;
	v46 =	vld [tilespmem:s26+$0xFFFFFF30];
	s26 =	smov.u32 s6  }
0x342: {  	v19 =	vadd.f32 v36, v19;
	v52 =	vld [tilespmem:s6+$0xFFFFFF40];
	v33 =	vadd.f32 v35, v33;
	v35 =	vunpack.i.u.bf16.f32 v28  }
0x343: {  	v9 =	vadd.f32 v48, v9;
	v26 =	vadd.f32 v45, v26;
	v45 =	vunpack.i.l.bf16.f32 v28;
	v36 =	vld [tilespmem:s6+$0xFFFFFFE0]  }
0x344: {  	v11 =	vadd.f32 v49, v11;
	v39 =	vunpack.i.l.bf16.f32 v39;
	v28 =	vadd.bf16 v50, v51;
	v48 =	vld [tilespmem:s6+$0xFFFFFF60]  }
0x345: {  	v40 =	vunpack.i.u.bf16.f32 v40;
	v9 =	vadd.f32 v39, v9;
	v19 =	vadd.f32 v35, v19;
	v49 =	vld [tilespmem:s6+$0xFFFFFEC0]  }
0x346: {  	v11 =	vadd.f32 v40, v11;
	v39 =	vadd.bf16 v44, v47;
	v35 =	vld [tilespmem:s6+$0xFFFFFE40]  }
0x347: {  	v4 =	vadd.f32 v27, v4;
	v44 =	vadd.bf16 v46, v28;
	v40 =	vld [tilespmem:s6+$0xFFFFFF90]  }
0x348: {  	v20 =	vadd.f32 v41, v20;
	v0 =	vadd.bf16 v0, v42;
	v28 =	vunpack.i.l.bf16.f32 v34;
	v46 =	vld [tilespmem:s6+$0xFFFFFF10]  }
0x349: {  	v34 =	vadd.bf16 v37, v39;
	v4 =	vadd.f32 v28, v4;
	v27 =	vld [tilespmem:s6+$0xFFFFFDE0]  }
0x34a: {  	v37 =	vunpack.i.u.bf16.f32 v0;
	v0 =	vunpack.i.l.bf16.f32 v0;
	v39 =	vadd.bf16 v43, v44;
	v28 =	vld [tilespmem:s6+$0xFFFFFDD0]  }
0x34b: {  	v0 =	vadd.f32 v0, v5;
	v7 =	vadd.f32 v37, v7;
	v37 =	vunpack.i.u.bf16.f32 v34;
	v41 =	vld [tilespmem:s6+$0x0]  }
0x34c: {  	v20 =	vadd.f32 v38, v20;
	v43 =	vunpack.i.u.bf16.f32 v39;
	v5 =	vunpack.i.l.bf16.f32 v39;
	v42 =	vld [tilespmem:s6+$0xFFFFFF80]  }
0x34d: {  	v34 =	vunpack.i.l.bf16.f32 v34;
	v5 =	vadd.f32 v5, v0;
	v7 =	vadd.f32 v43, v7;
	v44 =	vld [tilespmem:s6+$0xFFFFFE00]  }
0x34e: {  	v32 =	vadd.f32 v45, v32;
	v26 =	vadd.f32 v34, v26;
	v0 =	vld [tilespmem:s6+$0xFFFFFF00]  }
0x34f: {  	v33 =	vadd.f32 v37, v33;
	v34 =	vadd.bf16 v49, v35;
	v38 =	vld [tilespmem:s6+$0xFFFFFE80]  }
0x350: {  	v37 =	vld [tilespmem:s6+$0xFFFFFFF0]  }
0x351: {  	v35 =	vadd.bf16 v52, v34;
	v34 =	vld [tilespmem:s6+$0xFFFFFF70]  }
0x352: {  	v39 =	vld [tilespmem:s6+$0xFFFFFFD0]  }
0x353: {  	v43 =	vld [tilespmem:s6+$0xFFFFFF50]  }
0x354: {  	v45 =	vld [tilespmem:s6+$0xFFFFFDF0];
	v0 =	vadd.bf16 v0, v38  }
0x355: {  	v38 =	vld [tilespmem:s6+$0xFFFFFEE0]  }
0x356: {  	v47 =	vld [tilespmem:s6+$0xFFFFFEF0];
	v0 =	vadd.bf16 v42, v0  }
0x357: {  	v42 =	vld [tilespmem:s6+$0xFFFFFE70]  }
0x358: {  	v49 =	vld [tilespmem:s6+$0xFFFFFE60];
	v0 =	vadd.bf16 v41, v0  }
0x359: {  	v41 =	vld [tilespmem:s6+$0xFFFFFED0]  }
0x35a: {  	v50 =	vld [tilespmem:s6+$0xFFFFFE50]  }
0x35b: {  	v51 =	vld [tilespmem:s6+$0xFFFFFE90]  }
0x35c: {  	v52 =	vld [tilespmem:s6+$0xFFFFFE10];
	v42 =	vadd.bf16 v47, v42  }
0x35d: {  	v47 =	vld [tilespmem:s6+$0xFFFFFD80];
	v38 =	vadd.bf16 v38, v49  }
0x35e: {  	v49 =	vld [tilespmem:s6+$0xFFFFFD70];
	v34 =	vadd.bf16 v34, v42  }
0x35f: {  	v42 =	vld [tilespmem:s6+$0xFFFFFD60];
	v41 =	vadd.bf16 v41, v50;
	v38 =	vadd.bf16 v48, v38  }
0x360: {  	v48 =	vld [tilespmem:s6+$0xFFFFFD50];
	v37 =	vadd.bf16 v37, v34  }
0x361: {  	v50 =	vld [tilespmem:s6+$0xFFFFFD40];
	v51 =	vadd.bf16 v51, v52;
	v41 =	vadd.bf16 v43, v41  }
0x362: {  	v34 =	vadd.bf16 v36, v38;
	v43 =	vld [tilespmem:s6+$0xFFFFFD30]  }
0x363: {  	v36 =	vld [tilespmem:s6+$0xFFFFFC10];
	v38 =	vadd.bf16 v46, v51;
	v39 =	vadd.bf16 v39, v41  }
0x364: {  	v41 =	vld [tilespmem:s6+$0xFFFFFD00]  }
0x365: {  	v46 =	vld [tilespmem:s6+$0xFFFFFC80];
	v40 =	vadd.bf16 v40, v38;
	v38 =	vunpack.i.u.bf16.f32 v39  }
0x366: {  	v51 =	vld [tilespmem:s6+$0xFFFFFCF0]  }
0x367: {  	v52 =	vld [tilespmem:s6+$0xFFFFFC70]  }
0x368: {  	v53 =	vld [tilespmem:s6+$0xFFFFFCE0]  }
0x369: {  	v54 =	vld [tilespmem:s6+$0xFFFFFC60]  }
0x36a: {  	v55 =	vld [tilespmem:s6+$0xFFFFFCD0];
	v41 =	vadd.bf16 v41, v46  }
0x36b: {  	v46 =	vld [tilespmem:s6+$0xFFFFFC50]  }
0x36c: {  	v56 =	vld [tilespmem:s6+$0xFFFFFCC0];
	v51 =	vadd.bf16 v51, v52;
	v41 =	vadd.bf16 v47, v41  }
0x36d: {  	v47 =	vld [tilespmem:s6+$0xFFFFFC40]  }
0x36e: {  	v52 =	vld [tilespmem:s6+$0xFFFFFCB0];
	v53 =	vadd.bf16 v53, v54;
	v49 =	vadd.bf16 v49, v51  }
0x36f: {  	v41 =	vadd.bf16 v44, v41;
	v51 =	vld [tilespmem:s6+$0xFFFFFC30]  }
0x370: {  	v44 =	vld [tilespmem:s6+$0xFFFFFCA0];
	v42 =	vadd.bf16 v42, v53;
	v45 =	vadd.bf16 v45, v49;
	v49 =	vunpack.i.l.bf16.f32 v0  }
0x371: {  	v46 =	vadd.bf16 v55, v46;
	v54 =	vunpack.i.u.bf16.f32 v41;
	v41 =	vunpack.i.l.bf16.f32 v41;
	v53 =	vld [tilespmem:s6+$0xFFFFFC20]  }
0x372: {  	v25 =	vadd.f32 v54, v25;
	v55 =	vld [tilespmem:s6+$0xFFFFFC90];
	v47 =	vadd.bf16 v56, v47;
	v56 =	vunpack.i.u.bf16.f32 v45  }
0x373: {  	v8 =	vadd.f32 v41, v8;
	v45 =	vunpack.i.l.bf16.f32 v45;
	v54 =	vld [tilespmem:s6+$0xFFFFFD20];
	v6 =	vadd.f32 v56, v6  }
0x374: {  	v41 =	vadd.bf16 v48, v46;
	v46 =	vunpack.i.u.bf16.f32 v37;
	v56 =	vld [tilespmem:s6+$0xFFFFFD10];
	v47 =	vadd.bf16 v50, v47  }
0x375: {  	v8 =	vadd.f32 v49, v8;
	v48 =	vld [tilespmem:s6+$0xFFFFFDC0];
	v6 =	vadd.f32 v46, v6  }
0x376: {  	v49 =	vadd.bf16 v52, v51;
	v28 =	vadd.bf16 v28, v41;
	v46 =	vld [tilespmem:s6+$0xFFFFFD90]  }
0x377: {  	v0 =	vunpack.i.u.bf16.f32 v0;
	v27 =	vadd.bf16 v27, v42;
	v36 =	vadd.bf16 v55, v36;
	v50 =	vld [tilespmem:s6+$0xFFFFFEA0]  }
0x378: {  	v22 =	vadd.f32 v45, v22;
	v51 =	vadd.bf16 v44, v53;
	v41 =	vunpack.i.u.bf16.f32 v28;
	v45 =	vld [tilespmem:s6+$0xFFFFFE20]  }
0x379: {  	v55 =	vunpack.i.u.bf16.f32 v27;
	v27 =	vunpack.i.l.bf16.f32 v27;
	v36 =	vadd.bf16 v56, v36;
	v44 =	vld [tilespmem:s6+$0xFFFFFF20]  }
0x37a: {  	v57 =	vunpack.i.u.bf16.f32 v34;
	v25 =	vadd.f32 v0, v25;
	v42 =	vadd.bf16 v43, v49;
	v56 =	vld [tilespmem:s6+$0xFFFFFDA0]  }
.Ltmp5:
0x37b: {  	v52 =	vadd.bf16 v48, v47;
	v48 =	vunpack.i.l.bf16.f32 v28;
	v0 =	vadd.bf16 v46, v36;
	v53 =	vld [tilespmem:s6+$0xFFFFFFC0];
	(pc) =	sbr.rel @p2 .LBB2_14-.Ltmp5, $4  }
0x37c: {  	v17 =	vadd.f32 v55, v17;
	v28 =	vadd.bf16 v54, v51;
	v36 =	vunpack.i.l.bf16.f32 v37;
	v43 =	vld [tilespmem:s6+$0xFFFFFFB0]  }
0x37d: {  	v49 =	vunpack.i.u.bf16.f32 v0;
	v0 =	vunpack.i.l.bf16.f32 v0;
	v47 =	vadd.bf16 v50, v45;
	v50 =	vld [tilespmem:s6+$0xFFFFFEB0]  }
0x37e: {  	v17 =	vadd.f32 v57, v17;
	v54 =	vunpack.i.l.bf16.f32 v52;
	v1 =	vadd.f32 v0, v1;
	v51 =	vld [tilespmem:s6+$0xFFFFFE30]  }
0x37f: {  	v22 =	vadd.f32 v36, v22;
	v55 =	vadd.bf16 v56, v28;
	v28 =	vunpack.i.l.bf16.f32 v40;
	v37 =	vld [tilespmem:s6+$0xFFFFFFA0]  }
0x380: {  	v0 =	vld [tilespmem:s26+$0xFFFFFDB0]  }
0x381: {  	v36 =	vld [tilespmem:s26+$0xFFFFFF30];
	s6 =	sadd.s32 @!p1 $0xC80, s0;
	s13 =	simm.s32 @!p1 $0x38;
	s26 =	simm.s32 @!p1 $0x3500  }
0x382: {  	[tilespmem:s26], [sflag:$0x2] =	stream.indirect.gather @!p1 [spmem:s1], $0x80, s6, s13, $0xb8;
	[tilespmem:$0x1E380] =	vst v63  }
0x383: {  	_ =	swait.ge [sflag:s22], $0x1800  }
0x384: {  	[sflag:s22] =	ssyncset.done $0x0  }
0x385: {  	s26 =	simm.s32 $0x54F0;
	[sflag:s22] =	ssyncadd.s32 $0xFFFFE800  }
0x386: {  	v45 =	vld [tilespmem:s26+$0xFFFFFFE0];
	_ =	sdelay $0x4  }
0x387: {  	v62 =	vld [tilespmem:s26+$0xFFFFFF40];
	[tilespmem:$0x1FD20] =	vst v45  }
0x388: {  	v45 =	vld [tilespmem:s26+$0xFFFFFF60];
	_ =	sdelay $0x4  }
0x389: {  	[tilespmem:$0x1FD10] =	vst v45  }
0x38a: {  	v45 =	vld [tilespmem:s26+$0xFFFFFF90];
	_ =	sdelay $0x3  }
0x38b: {  	v59 =	vld [tilespmem:s26+$0xFFFFFEC0]  }
0x38c: {  	v60 =	vld [tilespmem:s26+$0xFFFFFE40];
	[tilespmem:$0x1FD50] =	vst v45  }
0x38d: {  	v45 =	vld [tilespmem:s26+$0xFFFFFF10];
	_ =	sdelay $0x4  }
0x38e: {  	[tilespmem:$0x1FD30] =	vst v45  }
0x38f: {  	v45 =	vld [tilespmem:s26+$0xFFFFFDE0];
	_ =	sdelay $0x4  }
0x390: {  	[tilespmem:$0x1FD80] =	vst v45  }
0x391: {  	v45 =	vld [tilespmem:s26+$0xFFFFFDD0];
	_ =	sdelay $0x4  }
0x392: {  	[tilespmem:$0x1FD70] =	vst v45  }
0x393: {  	v45 =	vld [tilespmem:s26+$0xFFFFFE00];
	_ =	sdelay $0x3  }
0x394: {  	v11 =	vadd.f32 v49, v11;
	v63 =	vld [tilespmem:s26+$0x0]  }
0x395: {  	v4 =	vadd.f32 v27, v4;
	v49 =	vadd.bf16 v59, v60;
	v57 =	vld [tilespmem:s26+$0xFFFFFF80];
	[tilespmem:$0x1FD60] =	vst v45  }
0x396: {  	v34 =	vunpack.i.l.bf16.f32 v34;
	v61 =	vld [tilespmem:s26+$0xFFFFFFD0]  }
0x397: {  	v4 =	vadd.f32 v34, v4;
	v34 =	vadd.bf16 v62, v49;
	v62 =	vld [tilespmem:$0x1FD10]  }
0x398: {  	v46 =	vld [tilespmem:s26+$0xFFFFFF00]  }
0x399: {  	v45 =	vld [tilespmem:s26+$0xFFFFFE80]  }
0x39a: {  	v1 =	vadd.f32 v28, v1;
	v58 =	vld [tilespmem:s26+$0xFFFFFFF0]  }
0x39b: {  	v56 =	vld [tilespmem:s26+$0xFFFFFF70];
	[tilespmem:$0x1FD40] =	vst v61  }
0x39c: {  	v61 =	vld [tilespmem:s26+$0xFFFFFF50];
	[tilespmem:$0x1FD00] =	vst v1  }
0x39d: {  	v28 =	vld [tilespmem:s26+$0xFFFFFDF0]  }
0x39e: {  	v35 =	vadd.bf16 v53, v35;
	v32 =	vadd.f32 v54, v32;
	v53 =	vld [tilespmem:s26+$0xFFFFFEE0]  }
0x39f: {  	v52 =	vunpack.i.u.bf16.f32 v52;
	v54 =	vunpack.i.l.bf16.f32 v55;
	v1 =	vunpack.i.u.bf16.f32 v55;
	v55 =	vld [tilespmem:s26+$0xFFFFFEF0]  }
0x3a0: {  	v33 =	vadd.f32 v1, v33;
	v1 =	vadd.f32 v52, v19;
	v52 =	vld [tilespmem:s26+$0xFFFFFE70]  }
0x3a1: {  	v19 =	vadd.f32 v48, v9;
	v48 =	vld [tilespmem:s26+$0xFFFFFE60]  }
0x3a2: {  	v40 =	vunpack.i.u.bf16.f32 v40;
	v26 =	vadd.f32 v54, v26;
	v54 =	vadd.bf16 v50, v51;
	v50 =	vld [tilespmem:s26+$0xFFFFFED0]  }
0x3a3: {  	v11 =	vadd.f32 v40, v11;
	v40 =	vld [tilespmem:s26+$0xFFFFFE90]  }
0x3a4: {  	v27 =	vadd.bf16 v36, v54;
	v36 =	vld [tilespmem:s26+$0xFFFFFE10]  }
0x3a5: {  	v20 =	vadd.f32 v41, v20;
	v41 =	vld [tilespmem:s26+$0xFFFFFD80]  }
0x3a6: {  	v0 =	vadd.bf16 v0, v42;
	v42 =	vld [tilespmem:s26+$0xFFFFFD70]  }
0x3a7: {  	v27 =	vadd.bf16 v43, v27;
	v43 =	vld [tilespmem:s26+$0xFFFFFD60]  }
0x3a8: {  	v51 =	vunpack.i.l.bf16.f32 v35;
	v9 =	vunpack.i.u.bf16.f32 v35;
	v35 =	vld [tilespmem:s26+$0xFFFFFD50]  }
0x3a9: {  	v60 =	vld [tilespmem:s26+$0xFFFFFC70]  }
0x3aa: {  	v39 =	vunpack.i.l.bf16.f32 v39;
	v49 =	vld [tilespmem:s26+$0xFFFFFCE0];
	v9 =	vadd.f32 v9, v1  }
0x3ab: {  	v1 =	vadd.f32 v39, v19;
	v39 =	vld [tilespmem:s26+$0xFFFFFE50];
	v19 =	vadd.bf16 v44, v47  }
0x3ac: {  	v47 =	vld [tilespmem:s26+$0xFFFFFD40]  }
0x3ad: {  	v44 =	vld [tilespmem:s26+$0xFFFFFD30];
	v37 =	vadd.bf16 v37, v19;
	v19 =	vunpack.i.u.bf16.f32 v0;
	v0 =	vunpack.i.l.bf16.f32 v0  }
0x3ae: {  	v0 =	vadd.f32 v0, v5;
	v5 =	vadd.f32 v38, v20;
	v38 =	vld [tilespmem:s26+$0xFFFFFD00]  }
0x3af: {  	v7 =	vadd.f32 v19, v7;
	v36 =	vadd.bf16 v40, v36;
	v40 =	vld [tilespmem:s26+$0xFFFFFCD0]  }
0x3b0: {  	v20 =	vadd.f32 v51, v32;
	v51 =	vadd.bf16 v46, v45;
	v45 =	vld [tilespmem:s26+$0xFFFFFC50]  }
0x3b1: {  	v54 =	vunpack.i.u.bf16.f32 v27;
	v59 =	vadd.bf16 v53, v48;
	v48 =	vld [tilespmem:s26+$0xFFFFFCC0]  }
0x3b2: {  	v52 =	vadd.bf16 v55, v52;
	v7 =	vadd.f32 v54, v7;
	v54 =	vld [tilespmem:s26+$0xFFFFFC80]  }
0x3b3: {  	v19 =	vunpack.i.l.bf16.f32 v27;
	v27 =	vunpack.i.u.bf16.f32 v37;
	v55 =	vadd.bf16 v57, v51;
	v57 =	vld [tilespmem:s26+$0xFFFFFCF0]  }
0x3b4: {  	v27 =	vadd.f32 v27, v33;
	v33 =	vadd.bf16 v56, v52;
	v56 =	vld [tilespmem:$0x1FD30]  }
0x3b5: {  	v19 =	vadd.f32 v19, v0;
	v0 =	vunpack.i.l.bf16.f32 v37;
	v46 =	vadd.bf16 v62, v59;
	v62 =	vld [tilespmem:$0x1FD50]  }
0x3b6: {  	v26 =	vadd.f32 v0, v26;
	v0 =	vld [tilespmem:s26+$0xFFFFFC10]  }
0x3b7: {  	v32 =	vadd.bf16 v63, v55;
	v63 =	vld [tilespmem:s26+$0xFFFFFC60]  }
0x3b8: {  	v39 =	vadd.bf16 v50, v39;
	v55 =	vld [tilespmem:$0x1FD20]  }
0x3b9: {  	v50 =	vadd.bf16 v58, v33;
	v58 =	vld [tilespmem:$0x1FD40]  }
0x3ba: {  	v39 =	vadd.bf16 v61, v39;
	v61 =	vld [tilespmem:s26+$0xFFFFFCB0]  }
0x3bb: {  	v57 =	vadd.bf16 v57, v60;
	v60 =	vld [tilespmem:s26+$0xFFFFFC40]  }
0x3bc: {  	v40 =	vadd.bf16 v40, v45;
	v49 =	vadd.bf16 v49, v63;
	v63 =	vld [tilespmem:s26+$0xFFFFFC30]  }
0x3bd: {  	v38 =	vadd.bf16 v38, v54;
	v33 =	vadd.bf16 v55, v46;
	v55 =	vld [tilespmem:$0x1FD60]  }
0x3be: {  	v36 =	vadd.bf16 v56, v36;
	v42 =	vadd.bf16 v42, v57;
	v46 =	vld [tilespmem:s26+$0xFFFFFCA0]  }
0x3bf: {  	v40 =	vadd.bf16 v35, v40;
	v59 =	vadd.bf16 v41, v38;
	v57 =	vld [tilespmem:s26+$0xFFFFFC90]  }
0x3c0: {  	v38 =	vadd.bf16 v62, v36;
	v62 =	vld [tilespmem:$0x1FD80];
	v28 =	vadd.bf16 v28, v42  }
0x3c1: {  	v37 =	vadd.bf16 v58, v39;
	v42 =	vld [tilespmem:s26+$0xFFFFFC20];
	v41 =	vadd.bf16 v48, v60  }
0x3c2: {  	v53 =	vld [tilespmem:s26+$0xFFFFFD20];
	v43 =	vadd.bf16 v43, v49;
	v58 =	vunpack.i.u.bf16.f32 v28;
	v39 =	vadd.bf16 v55, v59  }
0x3c3: {  	v60 =	vld [tilespmem:s26+$0xFFFFFD10];
	v2 =	vadd.f32 v58, v2;
	v47 =	vadd.bf16 v47, v41  }
0x3c4: {  	v51 =	vld [tilespmem:s26+$0xFFFFFDC0];
	v28 =	vunpack.i.l.bf16.f32 v28;
	v36 =	vadd.bf16 v61, v63;
	v0 =	vadd.bf16 v57, v0  }
0x3c5: {  	v35 =	vunpack.i.u.bf16.f32 v37;
	v61 =	vld [tilespmem:$0x1FD70];
	v63 =	vadd.bf16 v62, v43;
	v28 =	vadd.f32 v28, v23  }
0x3c6: {  	v45 =	vld [tilespmem:s26+$0xFFFFFD90];
	v56 =	vunpack.i.u.bf16.f32 v39;
	v39 =	vunpack.i.l.bf16.f32 v39;
	v42 =	vadd.bf16 v46, v42  }
0x3c7: {  	v59 =	vunpack.i.l.bf16.f32 v32;
	v57 =	vld [tilespmem:s26+$0xFFFFFEA0];
	v41 =	vadd.bf16 v44, v36;
	v39 =	vadd.f32 v39, v3  }
0x3c8: {  	v58 =	vld [tilespmem:s26+$0xFFFFFE20];
	v24 =	vadd.f32 v56, v24;
	v3 =	vunpack.i.u.bf16.f32 v50;
	v0 =	vadd.bf16 v60, v0  }
0x3c9: {  	v32 =	vunpack.i.u.bf16.f32 v32;
	v43 =	vld [tilespmem:s26+$0xFFFFFF20];
	v3 =	vadd.f32 v3, v2;
	v2 =	vadd.f32 v59, v39  }
0x3ca: {  	v52 =	vadd.bf16 v61, v40;
	v59 =	vunpack.i.u.bf16.f32 v63;
	v40 =	vunpack.i.l.bf16.f32 v63;
	v63 =	vld [tilespmem:$0x1FD90]  }
0x3cb: {  	v62 =	vunpack.i.l.bf16.f32 v50;
	v51 =	vadd.bf16 v51, v47;
	v60 =	vld [tilespmem:s26+$0xFFFFFDA0];
	v23 =	vadd.f32 v32, v24  }
0x3cc: {  	v0 =	vadd.bf16 v45, v0;
	v39 =	vunpack.i.u.bf16.f32 v52;
	v48 =	vunpack.i.l.bf16.f32 v52;
	v52 =	vld [tilespmem:s26+$0xFFFFFFC0]  }
0x3cd: {  	v36 =	vld [tilespmem:s26+$0xFFFFFE30];
	v61 =	vunpack.i.u.bf16.f32 v33;
	v24 =	vadd.bf16 v53, v42;
	v15 =	vadd.f32 v59, v15  }
0x3ce: {  	v46 =	vld [tilespmem:s26+$0xFFFFFFA0];
	v47 =	vadd.bf16 v57, v58;
	v49 =	vunpack.i.u.bf16.f32 v0;
	v0 =	vunpack.i.l.bf16.f32 v0  }
0x3cf: {  	v55 =	vunpack.i.l.bf16.f32 v38;
	v50 =	vld [tilespmem:s26+$0xFFFFFEB0];
	v15 =	vadd.f32 v61, v15;
	v32 =	vadd.f32 v0, v63  }
0x3d0: {  	s13 =	simm.s32 $0x0;
	s6 =	simm.s32 $0x54F0;
	v42 =	vld [tilespmem:s26+$0xFFFFFFB0];
	v53 =	vunpack.i.l.bf16.f32 v51;
	v54 =	vadd.bf16 v60, v24;
	v24 =	vadd.f32 v62, v28  }
.LBB2_16:
0x3d1: {  	s13 =	sadd.s32 $0x2, s13;
	v0 =	vld [tilespmem:s26+$0xFFFFFDB0];
	v28 =	vunpack.i.u.bf16.f32 v51;
	v32 =	vadd.f32 v55, v32;
	v34 =	vadd.bf16 v52, v34;
	s6 =	sadd.s32 $0x400, s6  }
0x3d2: {  	v30 =	vadd.f32 v53, v30;
	p2 =	slt.u32 s13, $0xA;
	v44 =	vunpack.i.u.bf16.f32 v54;
	v45 =	vunpack.i.l.bf16.f32 v54;
	v51 =	vld [tilespmem:s26+$0xFFFFFF30];
	s26 =	smov.u32 s6  }
0x3d3: {  	v18 =	vadd.f32 v28, v18;
	v52 =	vld [tilespmem:s6+$0xFFFFFF40];
	v31 =	vadd.f32 v44, v31;
	v28 =	vunpack.i.u.bf16.f32 v34  }
0x3d4: {  	v14 =	vadd.f32 v48, v14;
	v29 =	vadd.f32 v45, v29;
	v34 =	vunpack.i.l.bf16.f32 v34;
	v44 =	vld [tilespmem:s6+$0xFFFFFFE0]  }
0x3d5: {  	v16 =	vadd.f32 v49, v16;
	v37 =	vunpack.i.l.bf16.f32 v37;
	v36 =	vadd.bf16 v50, v36;
	v45 =	vld [tilespmem:s6+$0xFFFFFF60]  }
0x3d6: {  	v38 =	vunpack.i.u.bf16.f32 v38;
	v14 =	vadd.f32 v37, v14;
	v18 =	vadd.f32 v28, v18;
	v48 =	vld [tilespmem:s6+$0xFFFFFEC0]  }
0x3d7: {  	v16 =	vadd.f32 v38, v16;
	v37 =	vadd.bf16 v43, v47;
	v28 =	vld [tilespmem:s6+$0xFFFFFE40]  }
0x3d8: {  	v10 =	vadd.f32 v40, v10;
	v40 =	vadd.bf16 v51, v36;
	v38 =	vld [tilespmem:s6+$0xFFFFFF90]  }
0x3d9: {  	v21 =	vadd.f32 v39, v21;
	v33 =	vunpack.i.l.bf16.f32 v33;
	v0 =	vadd.bf16 v0, v41;
	v43 =	vld [tilespmem:s6+$0xFFFFFF10]  }
0x3da: {  	v10 =	vadd.f32 v33, v10;
	v37 =	vadd.bf16 v46, v37;
	v36 =	vld [tilespmem:s6+$0xFFFFFDE0]  }
0x3db: {  	v33 =	vunpack.i.u.bf16.f32 v0;
	v0 =	vunpack.i.l.bf16.f32 v0;
	v40 =	vadd.bf16 v42, v40;
	v39 =	vld [tilespmem:s6+$0xFFFFFDD0]  }
0x3dc: {  	v0 =	vadd.f32 v0, v12;
	v13 =	vadd.f32 v33, v13;
	v33 =	vunpack.i.u.bf16.f32 v37;
	v41 =	vld [tilespmem:s6+$0x0]  }
0x3dd: {  	v21 =	vadd.f32 v35, v21;
	v46 =	vunpack.i.u.bf16.f32 v40;
	v12 =	vunpack.i.l.bf16.f32 v40;
	v42 =	vld [tilespmem:s6+$0xFFFFFF80]  }
0x3de: {  	v35 =	vunpack.i.l.bf16.f32 v37;
	v12 =	vadd.f32 v12, v0;
	v13 =	vadd.f32 v46, v13;
	v40 =	vld [tilespmem:s6+$0xFFFFFE00]  }
0x3df: {  	v30 =	vadd.f32 v34, v30;
	v29 =	vadd.f32 v35, v29;
	v0 =	vld [tilespmem:s6+$0xFFFFFF00]  }
0x3e0: {  	v31 =	vadd.f32 v33, v31;
	v28 =	vadd.bf16 v48, v28;
	v35 =	vld [tilespmem:s6+$0xFFFFFE80]  }
0x3e1: {  	v33 =	vld [tilespmem:s6+$0xFFFFFFF0]  }
0x3e2: {  	v34 =	vadd.bf16 v52, v28;
	v28 =	vld [tilespmem:s6+$0xFFFFFF70]  }
0x3e3: {  	v37 =	vld [tilespmem:s6+$0xFFFFFFD0]  }
0x3e4: {  	v46 =	vld [tilespmem:s6+$0xFFFFFF50]  }
0x3e5: {  	v47 =	vld [tilespmem:s6+$0xFFFFFDF0];
	v0 =	vadd.bf16 v0, v35  }
0x3e6: {  	v35 =	vld [tilespmem:s6+$0xFFFFFEE0]  }
0x3e7: {  	v48 =	vld [tilespmem:s6+$0xFFFFFEF0];
	v0 =	vadd.bf16 v42, v0  }
0x3e8: {  	v42 =	vld [tilespmem:s6+$0xFFFFFE70]  }
0x3e9: {  	v49 =	vld [tilespmem:s6+$0xFFFFFE60];
	v0 =	vadd.bf16 v41, v0  }
0x3ea: {  	v41 =	vld [tilespmem:s6+$0xFFFFFED0]  }
0x3eb: {  	v50 =	vld [tilespmem:s6+$0xFFFFFE50]  }
0x3ec: {  	v51 =	vld [tilespmem:s6+$0xFFFFFE90]  }
0x3ed: {  	v52 =	vld [tilespmem:s6+$0xFFFFFE10];
	v42 =	vadd.bf16 v48, v42  }
0x3ee: {  	v48 =	vld [tilespmem:s6+$0xFFFFFD80];
	v35 =	vadd.bf16 v35, v49  }
0x3ef: {  	v49 =	vld [tilespmem:s6+$0xFFFFFD70];
	v28 =	vadd.bf16 v28, v42  }
0x3f0: {  	v42 =	vld [tilespmem:s6+$0xFFFFFD60];
	v41 =	vadd.bf16 v41, v50;
	v35 =	vadd.bf16 v45, v35  }
0x3f1: {  	v45 =	vld [tilespmem:s6+$0xFFFFFD50];
	v28 =	vadd.bf16 v33, v28  }
0x3f2: {  	v50 =	vld [tilespmem:s6+$0xFFFFFD40];
	v51 =	vadd.bf16 v51, v52;
	v41 =	vadd.bf16 v46, v41  }
0x3f3: {  	v33 =	vadd.bf16 v44, v35;
	v46 =	vld [tilespmem:s6+$0xFFFFFD30]  }
0x3f4: {  	v44 =	vld [tilespmem:s6+$0xFFFFFC10];
	v35 =	vadd.bf16 v43, v51;
	v37 =	vadd.bf16 v37, v41  }
0x3f5: {  	v41 =	vld [tilespmem:s6+$0xFFFFFD00]  }
0x3f6: {  	v43 =	vld [tilespmem:s6+$0xFFFFFC80];
	v38 =	vadd.bf16 v38, v35;
	v35 =	vunpack.i.u.bf16.f32 v37  }
0x3f7: {  	v51 =	vld [tilespmem:s6+$0xFFFFFCF0]  }
0x3f8: {  	v52 =	vld [tilespmem:s6+$0xFFFFFC70]  }
0x3f9: {  	v53 =	vld [tilespmem:s6+$0xFFFFFCE0]  }
0x3fa: {  	v54 =	vld [tilespmem:s6+$0xFFFFFC60]  }
0x3fb: {  	v55 =	vld [tilespmem:s6+$0xFFFFFCD0];
	v41 =	vadd.bf16 v41, v43  }
0x3fc: {  	v43 =	vld [tilespmem:s6+$0xFFFFFC50]  }
0x3fd: {  	v56 =	vld [tilespmem:s6+$0xFFFFFCC0];
	v51 =	vadd.bf16 v51, v52;
	v41 =	vadd.bf16 v48, v41  }
0x3fe: {  	v48 =	vld [tilespmem:s6+$0xFFFFFC40]  }
0x3ff: {  	v52 =	vld [tilespmem:s6+$0xFFFFFCB0];
	v53 =	vadd.bf16 v53, v54;
	v49 =	vadd.bf16 v49, v51  }
0x400: {  	v40 =	vadd.bf16 v40, v41;
	v51 =	vld [tilespmem:s6+$0xFFFFFC30]  }
0x401: {  	v41 =	vld [tilespmem:s6+$0xFFFFFCA0];
	v42 =	vadd.bf16 v42, v53;
	v47 =	vadd.bf16 v47, v49;
	v49 =	vunpack.i.l.bf16.f32 v0  }
0x402: {  	v43 =	vadd.bf16 v55, v43;
	v54 =	vunpack.i.u.bf16.f32 v40;
	v40 =	vunpack.i.l.bf16.f32 v40;
	v53 =	vld [tilespmem:s6+$0xFFFFFC20]  }
0x403: {  	v23 =	vadd.f32 v54, v23;
	v55 =	vld [tilespmem:s6+$0xFFFFFC90];
	v48 =	vadd.bf16 v56, v48;
	v56 =	vunpack.i.u.bf16.f32 v47  }
0x404: {  	v2 =	vadd.f32 v40, v2;
	v47 =	vunpack.i.l.bf16.f32 v47;
	v54 =	vld [tilespmem:s6+$0xFFFFFD20];
	v3 =	vadd.f32 v56, v3  }
0x405: {  	v43 =	vadd.bf16 v45, v43;
	v45 =	vunpack.i.u.bf16.f32 v28;
	v40 =	vld [tilespmem:s6+$0xFFFFFD10];
	v48 =	vadd.bf16 v50, v48  }
0x406: {  	v2 =	vadd.f32 v49, v2;
	v50 =	vld [tilespmem:s6+$0xFFFFFDC0];
	v3 =	vadd.f32 v45, v3  }
0x407: {  	v49 =	vadd.bf16 v52, v51;
	v52 =	vadd.bf16 v39, v43;
	v45 =	vld [tilespmem:s6+$0xFFFFFD90]  }
0x408: {  	v0 =	vunpack.i.u.bf16.f32 v0;
	v36 =	vadd.bf16 v36, v42;
	v43 =	vadd.bf16 v55, v44;
	v44 =	vld [tilespmem:s6+$0xFFFFFEA0]  }
0x409: {  	v24 =	vadd.f32 v47, v24;
	v42 =	vadd.bf16 v41, v53;
	v39 =	vunpack.i.u.bf16.f32 v52;
	v47 =	vld [tilespmem:s6+$0xFFFFFE20]  }
0x40a: {  	v53 =	vunpack.i.u.bf16.f32 v36;
	v51 =	vadd.bf16 v40, v43;
	v40 =	vunpack.i.l.bf16.f32 v36;
	v43 =	vld [tilespmem:s6+$0xFFFFFF20]  }
0x40b: {  	v23 =	vadd.f32 v0, v23;
	v41 =	vadd.bf16 v46, v49;
	v46 =	vunpack.i.u.bf16.f32 v33;
	v55 =	vld [tilespmem:s6+$0xFFFFFDA0]  }
.Ltmp6:
0x40c: {  	v0 =	vadd.bf16 v45, v51;
	v51 =	vadd.bf16 v50, v48;
	v48 =	vunpack.i.l.bf16.f32 v52;
	v52 =	vld [tilespmem:s6+$0xFFFFFFC0];
	(pc) =	sbr.rel @p2 .LBB2_16-.Ltmp6, $4  }
0x40d: {  	v28 =	vunpack.i.l.bf16.f32 v28;
	v15 =	vadd.f32 v53, v15;
	v45 =	vadd.bf16 v54, v42;
	v42 =	vld [tilespmem:s6+$0xFFFFFFB0]  }
0x40e: {  	v49 =	vunpack.i.u.bf16.f32 v0;
	v0 =	vunpack.i.l.bf16.f32 v0;
	v47 =	vadd.bf16 v44, v47;
	v50 =	vld [tilespmem:s6+$0xFFFFFEB0]  }
0x40f: {  	v15 =	vadd.f32 v46, v15;
	v53 =	vunpack.i.l.bf16.f32 v51;
	v32 =	vadd.f32 v0, v32;
	v36 =	vld [tilespmem:s6+$0xFFFFFE30]  }
0x410: {  	v24 =	vadd.f32 v28, v24;
	v54 =	vadd.bf16 v55, v45;
	v55 =	vunpack.i.l.bf16.f32 v38;
	v46 =	vld [tilespmem:s6+$0xFFFFFFA0]  }
0x411: {  	v0 =	vld [tilespmem:s26+$0xFFFFFDB0];
	s0 =	sadd.s32 @!p1 $0x38, s0;
	s6 =	simm.s32 @!p1 $0x30;
	s13 =	simm.s32 @!p1 $0x5100  }
0x412: {  	v28 =	vld [tilespmem:s26+$0xFFFFFF30];
	[tilespmem:s13], [sflag:$0x3] =	stream.indirect.gather @!p1 [spmem:s1], $0x80, s0, s6, $0xb8  }
0x413: {  	_ =	swait.ge [sflag:s23], $0x1800  }
0x414: {  	[sflag:s23] =	ssyncset.done $0x0  }
0x415: {  	s0 =	simm.s32 $0x6D00;
	[sflag:s23] =	ssyncadd.s32 $0xFFFFE800  }
0x416: {  	v44 =	vld [tilespmem:s0+$0x3D0];
	_ =	sdelay $0x4  }
0x417: {  	v62 =	vld [tilespmem:s0+$0x330];
	[tilespmem:$0x1FC90] =	vst v44  }
0x418: {  	v44 =	vld [tilespmem:s0+$0x350];
	_ =	sdelay $0x4  }
0x419: {  	[tilespmem:$0x1FC80] =	vst v44  }
0x41a: {  	v44 =	vld [tilespmem:s0+$0x380];
	_ =	sdelay $0x3  }
0x41b: {  	v59 =	vld [tilespmem:s0+$0x2B0]  }
0x41c: {  	v60 =	vld [tilespmem:s0+$0x230];
	[tilespmem:$0x1FCC0] =	vst v44  }
0x41d: {  	v44 =	vld [tilespmem:s0+$0x300];
	_ =	sdelay $0x4  }
0x41e: {  	[tilespmem:$0x1FCA0] =	vst v44  }
0x41f: {  	v44 =	vld [tilespmem:s0+$0x1D0];
	_ =	sdelay $0x4  }
0x420: {  	[tilespmem:$0x1FCF0] =	vst v44  }
0x421: {  	v44 =	vld [tilespmem:s0+$0x1C0];
	_ =	sdelay $0x4  }
0x422: {  	[tilespmem:$0x1FCE0] =	vst v44  }
0x423: {  	v34 =	vadd.bf16 v52, v34;
	v53 =	vadd.f32 v53, v30;
	v30 =	vunpack.i.u.bf16.f32 v51;
	v44 =	vld [tilespmem:s0+$0x1F0]  }
0x424: {  	v51 =	vunpack.i.l.bf16.f32 v54;
	v18 =	vadd.f32 v30, v18  }
0x425: {  	v30 =	vadd.f32 v51, v29;
	v29 =	vadd.f32 v49, v16;
	v16 =	vunpack.i.u.bf16.f32 v34  }
0x426: {  	v16 =	vadd.f32 v16, v18;
	v18 =	vunpack.i.u.bf16.f32 v38  }
0x427: {  	v36 =	vadd.bf16 v50, v36;
	v18 =	vadd.f32 v18, v29;
	v63 =	vld [tilespmem:s0+$0x3F0]  }
0x428: {  	v29 =	vadd.bf16 v43, v47;
	v50 =	vadd.bf16 v59, v60;
	v57 =	vld [tilespmem:s0+$0x370];
	[tilespmem:$0x1FCD0] =	vst v44  }
0x429: {  	v52 =	vunpack.i.u.bf16.f32 v54;
	v61 =	vld [tilespmem:s0+$0x3C0]  }
0x42a: {  	v54 =	vadd.bf16 v46, v29;
	v46 =	vunpack.i.l.bf16.f32 v34;
	v34 =	vadd.bf16 v62, v50;
	v62 =	vld [tilespmem:$0x1FCA0]  }
0x42b: {  	v45 =	vld [tilespmem:s0+$0x2F0]  }
0x42c: {  	v44 =	vld [tilespmem:s0+$0x270]  }
0x42d: {  	v32 =	vadd.f32 v55, v32;
	v58 =	vld [tilespmem:s0+$0x3E0]  }
0x42e: {  	v56 =	vld [tilespmem:s0+$0x360];
	[tilespmem:$0x1FCB0] =	vst v61  }
0x42f: {  	v61 =	vld [tilespmem:s0+$0x340];
	[tilespmem:$0x1FC70] =	vst v32  }
0x430: {  	v55 =	vld [tilespmem:s0+$0x1E0]  }
0x431: {  	v32 =	vld [tilespmem:s0+$0x2D0]  }
0x432: {  	v31 =	vadd.f32 v52, v31;
	v52 =	vld [tilespmem:s0+$0x2E0]  }
0x433: {  	v51 =	vld [tilespmem:s0+$0x260]  }
0x434: {  	v14 =	vadd.f32 v48, v14;
	v48 =	vld [tilespmem:s0+$0x250]  }
0x435: {  	v37 =	vunpack.i.l.bf16.f32 v37;
	v49 =	vld [tilespmem:s0+$0x2C0]  }
0x436: {  	v14 =	vadd.f32 v37, v14;
	v37 =	vld [tilespmem:s0+$0x240]  }
0x437: {  	v38 =	vld [tilespmem:s0+$0x280]  }
0x438: {  	v28 =	vadd.bf16 v28, v36;
	v36 =	vld [tilespmem:s0+$0x200]  }
0x439: {  	v21 =	vadd.f32 v39, v21;
	v0 =	vadd.bf16 v0, v41;
	v39 =	vld [tilespmem:s0+$0x170]  }
0x43a: {  	v41 =	vld [tilespmem:s0+$0x160]  }
0x43b: {  	v29 =	vunpack.i.u.bf16.f32 v0;
	v0 =	vunpack.i.l.bf16.f32 v0;
	v28 =	vadd.bf16 v42, v28;
	v42 =	vld [tilespmem:s0+$0x150]  }
0x43c: {  	v0 =	vadd.f32 v0, v12;
	v13 =	vadd.f32 v29, v13;
	v43 =	vld [tilespmem:s0+$0x140]  }
0x43d: {  	v12 =	vadd.f32 v35, v21;
	v47 =	vunpack.i.u.bf16.f32 v28;
	v28 =	vunpack.i.l.bf16.f32 v28;
	v35 =	vld [tilespmem:s0+$0x130]  }
0x43e: {  	v10 =	vadd.f32 v40, v10;
	v29 =	vadd.f32 v28, v0;
	v28 =	vld [tilespmem:s0+$0x120]  }
0x43f: {  	v21 =	vadd.f32 v47, v13;
	v13 =	vadd.f32 v46, v53;
	v53 =	vunpack.i.u.bf16.f32 v54;
	v40 =	vld [tilespmem:s0+$0xE0]  }
0x440: {  	v0 =	vunpack.i.l.bf16.f32 v54;
	v31 =	vadd.f32 v53, v31;
	v53 =	vld [tilespmem:s0+$0x60]  }
0x441: {  	v30 =	vadd.f32 v0, v30;
	v0 =	vld [tilespmem:s0+$0x0]  }
0x442: {  	v54 =	vadd.bf16 v45, v44;
	v44 =	vld [tilespmem:s0+$0xF0]  }
0x443: {  	v60 =	vld [tilespmem:s0+$0x70]  }
0x444: {  	v59 =	vadd.bf16 v52, v51;
	v52 =	vadd.bf16 v57, v54;
	v54 =	vld [tilespmem:$0x1FC80]  }
0x445: {  	v40 =	vadd.bf16 v40, v53;
	v53 =	vld [tilespmem:$0x1FCB0]  }
0x446: {  	v51 =	vld [tilespmem:s0+$0x290]  }
0x447: {  	v32 =	vadd.bf16 v32, v48;
	v48 =	vadd.bf16 v63, v52;
	v52 =	vld [tilespmem:s0+$0xD0]  }
0x448: {  	v45 =	vadd.bf16 v56, v59;
	v56 =	vld [tilespmem:s0+$0x50]  }
0x449: {  	v59 =	vld [tilespmem:$0x1FC90]  }
0x44a: {  	v63 =	vadd.bf16 v49, v37;
	v40 =	vadd.bf16 v41, v40;
	v41 =	vld [tilespmem:s0+$0x20]  }
0x44b: {  	v49 =	vadd.bf16 v58, v45;
	v58 =	vld [tilespmem:s0+$0xC0]  }
0x44c: {  	v33 =	vunpack.i.l.bf16.f32 v33;
	v36 =	vadd.bf16 v38, v36;
	v57 =	vadd.bf16 v61, v63;
	v61 =	vld [tilespmem:s0+$0x40]  }
0x44d: {  	v10 =	vadd.f32 v33, v10;
	v60 =	vadd.bf16 v44, v60;
	v63 =	vld [tilespmem:s0+$0xB0]  }
0x44e: {  	v46 =	vadd.bf16 v62, v36;
	v32 =	vadd.bf16 v54, v32;
	v54 =	vld [tilespmem:s0+$0x30]  }
0x44f: {  	v40 =	vadd.bf16 v55, v40;
	v36 =	vadd.bf16 v53, v57;
	v57 =	vld [tilespmem:$0x1FCD0]  }
0x450: {  	v33 =	vadd.bf16 v59, v32;
	v32 =	vadd.bf16 v39, v60;
	v39 =	vld [tilespmem:s0+$0xA0]  }
0x451: {  	v45 =	vadd.bf16 v52, v56;
	v56 =	vld [tilespmem:$0x1FCC0]  }
0x452: {  	v62 =	vunpack.i.u.bf16.f32 v40;
	v59 =	vld [tilespmem:s0+$0x80]  }
0x453: {  	v6 =	vadd.f32 v62, v6;
	v62 =	vld [tilespmem:$0x1FCE0];
	v44 =	vadd.bf16 v58, v61  }
0x454: {  	v42 =	vadd.bf16 v42, v45;
	v45 =	vld [tilespmem:s0+$0x10];
	v38 =	vadd.bf16 v63, v54  }
0x455: {  	v32 =	vadd.bf16 v57, v32;
	v60 =	vadd.bf16 v43, v44;
	v44 =	vld [tilespmem:s0+$0x1B0]  }
0x456: {  	v63 =	vunpack.i.l.bf16.f32 v48;
	v57 =	vld [tilespmem:$0x1FCF0];
	v37 =	vadd.bf16 v56, v46;
	v53 =	vadd.bf16 v35, v38  }
0x457: {  	v46 =	vld [tilespmem:s0+$0x90];
	v41 =	vadd.bf16 v39, v41;
	v58 =	vunpack.i.u.bf16.f32 v32;
	v32 =	vunpack.i.l.bf16.f32 v32  }
0x458: {  	v56 =	vld [tilespmem:s0+$0x100];
	v0 =	vadd.bf16 v59, v0;
	v59 =	vunpack.i.u.bf16.f32 v48;
	v32 =	vadd.f32 v32, v8  }
0x459: {  	v48 =	vld [tilespmem:s0+$0x210];
	v25 =	vadd.f32 v58, v25;
	v8 =	vunpack.i.u.bf16.f32 v49;
	v41 =	vadd.bf16 v28, v41  }
0x45a: {  	v61 =	vunpack.i.l.bf16.f32 v40;
	v40 =	vld [tilespmem:s0+$0x180];
	v8 =	vadd.f32 v8, v6;
	v6 =	vadd.f32 v63, v32  }
0x45b: {  	v52 =	vld [tilespmem:s0+$0x110];
	v63 =	vadd.bf16 v62, v60;
	v58 =	vadd.bf16 v57, v42  }
0x45c: {  	v50 =	vld [tilespmem:s0+$0x2A0];
	v35 =	vunpack.i.u.bf16.f32 v36;
	v32 =	vadd.f32 v61, v22;
	v22 =	vadd.f32 v59, v25  }
0x45d: {  	v28 =	vld [tilespmem:$0x1FD00];
	v62 =	vunpack.i.u.bf16.f32 v33;
	v44 =	vadd.bf16 v44, v53;
	v0 =	vadd.bf16 v56, v0  }
0x45e: {  	v61 =	vld [tilespmem:s0+$0x190];
	v53 =	vunpack.i.l.bf16.f32 v37;
	v46 =	vadd.bf16 v46, v45;
	v47 =	vadd.bf16 v51, v48  }
0x45f: {  	v45 =	vld [tilespmem:s0+$0x3B0];
	v38 =	vunpack.i.u.bf16.f32 v63;
	v60 =	vunpack.i.u.bf16.f32 v58;
	v0 =	vadd.bf16 v40, v0  }
0x460: {  	v43 =	vld [tilespmem:s0+$0x310];
	v40 =	vunpack.i.l.bf16.f32 v63;
	v25 =	vadd.bf16 v52, v46;
	v17 =	vadd.f32 v60, v17  }
0x461: {  	v42 =	vld [tilespmem:s0+$0x3A0];
	v63 =	vunpack.i.l.bf16.f32 v49;
	v49 =	vunpack.i.u.bf16.f32 v0;
	v0 =	vunpack.i.l.bf16.f32 v0  }
0x462: {  	v51 =	vld [tilespmem:s0+$0x220];
	v39 =	vunpack.i.l.bf16.f32 v58;
	v17 =	vadd.f32 v62, v17;
	v28 =	vadd.f32 v0, v28  }
0x463: {  	s13 =	simm.s32 $0x0;
	s6 =	simm.s32 $0x6D00;
	v48 =	vld [tilespmem:s0+$0x390];
	v46 =	vunpack.i.l.bf16.f32 v44;
	v52 =	vadd.bf16 v61, v25;
	v25 =	vadd.f32 v63, v32  }
.LBB2_18:
0x464: {  	s13 =	sadd.s32 $0x2, s13;
	v0 =	vld [tilespmem:s0+$0x1A0];
	v32 =	vunpack.i.u.bf16.f32 v44;
	v28 =	vadd.f32 v53, v28;
	v34 =	vadd.bf16 v45, v34;
	s6 =	sadd.s32 $0x400, s6  }
0x465: {  	v20 =	vadd.f32 v46, v20;
	p1 =	slt.u32 s13, $0xA;
	v44 =	vunpack.i.u.bf16.f32 v52;
	v45 =	vunpack.i.l.bf16.f32 v52;
	v46 =	vld [tilespmem:s0+$0x320];
	s0 =	smov.u32 s6  }
0x466: {  	v9 =	vadd.f32 v32, v9;
	v52 =	vld [tilespmem:s6+$0x330];
	v27 =	vadd.f32 v44, v27;
	v32 =	vunpack.i.u.bf16.f32 v34  }
0x467: {  	v1 =	vadd.f32 v40, v1;
	v26 =	vadd.f32 v45, v26;
	v34 =	vunpack.i.l.bf16.f32 v34;
	v44 =	vld [tilespmem:s6+$0x3D0]  }
0x468: {  	v11 =	vadd.f32 v49, v11;
	v36 =	vunpack.i.l.bf16.f32 v36;
	v45 =	vadd.bf16 v50, v51;
	v40 =	vld [tilespmem:s6+$0x350]  }
0x469: {  	v37 =	vunpack.i.u.bf16.f32 v37;
	v1 =	vadd.f32 v36, v1;
	v9 =	vadd.f32 v32, v9;
	v49 =	vld [tilespmem:s6+$0x2B0]  }
0x46a: {  	v11 =	vadd.f32 v37, v11;
	v36 =	vadd.bf16 v43, v47;
	v32 =	vld [tilespmem:s6+$0x230]  }
0x46b: {  	v4 =	vadd.f32 v39, v4;
	v43 =	vadd.bf16 v46, v45;
	v37 =	vld [tilespmem:s6+$0x380]  }
0x46c: {  	v5 =	vadd.f32 v38, v5;
	v33 =	vunpack.i.l.bf16.f32 v33;
	v0 =	vadd.bf16 v0, v41;
	v45 =	vld [tilespmem:s6+$0x300]  }
0x46d: {  	v4 =	vadd.f32 v33, v4;
	v36 =	vadd.bf16 v48, v36;
	v38 =	vld [tilespmem:s6+$0x1D0]  }
0x46e: {  	v33 =	vunpack.i.u.bf16.f32 v0;
	v0 =	vunpack.i.l.bf16.f32 v0;
	v41 =	vadd.bf16 v42, v43;
	v39 =	vld [tilespmem:s6+$0x1C0]  }
0x46f: {  	v0 =	vadd.f32 v0, v19;
	v7 =	vadd.f32 v33, v7;
	v33 =	vunpack.i.u.bf16.f32 v36;
	v42 =	vld [tilespmem:s6+$0x3F0]  }
0x470: {  	v5 =	vadd.f32 v35, v5;
	v46 =	vunpack.i.u.bf16.f32 v41;
	v19 =	vunpack.i.l.bf16.f32 v41;
	v43 =	vld [tilespmem:s6+$0x370]  }
0x471: {  	v35 =	vunpack.i.l.bf16.f32 v36;
	v19 =	vadd.f32 v19, v0;
	v7 =	vadd.f32 v46, v7;
	v41 =	vld [tilespmem:s6+$0x1F0]  }
0x472: {  	v20 =	vadd.f32 v34, v20;
	v26 =	vadd.f32 v35, v26;
	v0 =	vld [tilespmem:s6+$0x2F0]  }
0x473: {  	v27 =	vadd.f32 v33, v27;
	v32 =	vadd.bf16 v49, v32;
	v35 =	vld [tilespmem:s6+$0x270]  }
0x474: {  	v33 =	vld [tilespmem:s6+$0x3E0]  }
0x475: {  	v34 =	vadd.bf16 v52, v32;
	v32 =	vld [tilespmem:s6+$0x360]  }
0x476: {  	v36 =	vld [tilespmem:s6+$0x3C0]  }
0x477: {  	v46 =	vld [tilespmem:s6+$0x340]  }
0x478: {  	v47 =	vld [tilespmem:s6+$0x1E0];
	v0 =	vadd.bf16 v0, v35  }
0x479: {  	v35 =	vld [tilespmem:s6+$0x2D0]  }
0x47a: {  	v48 =	vld [tilespmem:s6+$0x2E0];
	v0 =	vadd.bf16 v43, v0  }
0x47b: {  	v43 =	vld [tilespmem:s6+$0x260]  }
0x47c: {  	v49 =	vld [tilespmem:s6+$0x250];
	v0 =	vadd.bf16 v42, v0  }
0x47d: {  	v42 =	vld [tilespmem:s6+$0x2C0]  }
0x47e: {  	v50 =	vld [tilespmem:s6+$0x240]  }
0x47f: {  	v51 =	vld [tilespmem:s6+$0x280]  }
0x480: {  	v52 =	vld [tilespmem:s6+$0x200];
	v43 =	vadd.bf16 v48, v43  }
0x481: {  	v48 =	vld [tilespmem:s6+$0x170];
	v35 =	vadd.bf16 v35, v49  }
0x482: {  	v49 =	vld [tilespmem:s6+$0x160];
	v32 =	vadd.bf16 v32, v43  }
0x483: {  	v43 =	vld [tilespmem:s6+$0x150];
	v42 =	vadd.bf16 v42, v50;
	v35 =	vadd.bf16 v40, v35  }
0x484: {  	v40 =	vld [tilespmem:s6+$0x140];
	v32 =	vadd.bf16 v33, v32  }
0x485: {  	v50 =	vld [tilespmem:s6+$0x130];
	v51 =	vadd.bf16 v51, v52;
	v42 =	vadd.bf16 v46, v42  }
0x486: {  	v33 =	vadd.bf16 v44, v35;
	v46 =	vld [tilespmem:s6+$0x120]  }
0x487: {  	v44 =	vld [tilespmem:s6+$0x0];
	v35 =	vadd.bf16 v45, v51;
	v36 =	vadd.bf16 v36, v42  }
0x488: {  	v42 =	vld [tilespmem:s6+$0xF0]  }
0x489: {  	v45 =	vld [tilespmem:s6+$0x70];
	v37 =	vadd.bf16 v37, v35;
	v35 =	vunpack.i.u.bf16.f32 v36  }
0x48a: {  	v51 =	vld [tilespmem:s6+$0xE0]  }
0x48b: {  	v52 =	vld [tilespmem:s6+$0x60]  }
0x48c: {  	v53 =	vld [tilespmem:s6+$0xD0]  }
0x48d: {  	v54 =	vld [tilespmem:s6+$0x50]  }
0x48e: {  	v55 =	vld [tilespmem:s6+$0xC0];
	v42 =	vadd.bf16 v42, v45  }
0x48f: {  	v45 =	vld [tilespmem:s6+$0x40]  }
0x490: {  	v56 =	vld [tilespmem:s6+$0xB0];
	v51 =	vadd.bf16 v51, v52;
	v42 =	vadd.bf16 v48, v42  }
0x491: {  	v48 =	vld [tilespmem:s6+$0x30]  }
0x492: {  	v52 =	vld [tilespmem:s6+$0xA0];
	v53 =	vadd.bf16 v53, v54;
	v49 =	vadd.bf16 v49, v51  }
0x493: {  	v41 =	vadd.bf16 v41, v42;
	v51 =	vld [tilespmem:s6+$0x20]  }
0x494: {  	v42 =	vld [tilespmem:s6+$0x90];
	v43 =	vadd.bf16 v43, v53;
	v47 =	vadd.bf16 v47, v49;
	v49 =	vunpack.i.l.bf16.f32 v0  }
0x495: {  	v45 =	vadd.bf16 v55, v45;
	v54 =	vunpack.i.u.bf16.f32 v41;
	v41 =	vunpack.i.l.bf16.f32 v41;
	v53 =	vld [tilespmem:s6+$0x10]  }
0x496: {  	v22 =	vadd.f32 v54, v22;
	v55 =	vld [tilespmem:s6+$0x80];
	v48 =	vadd.bf16 v56, v48;
	v56 =	vunpack.i.u.bf16.f32 v47  }
0x497: {  	v6 =	vadd.f32 v41, v6;
	v47 =	vunpack.i.l.bf16.f32 v47;
	v54 =	vld [tilespmem:s6+$0x110];
	v8 =	vadd.f32 v56, v8  }
0x498: {  	v40 =	vadd.bf16 v40, v45;
	v45 =	vunpack.i.u.bf16.f32 v32;
	v41 =	vld [tilespmem:s6+$0x100];
	v48 =	vadd.bf16 v50, v48  }
0x499: {  	v6 =	vadd.f32 v49, v6;
	v50 =	vld [tilespmem:s6+$0x1B0];
	v8 =	vadd.f32 v45, v8  }
0x49a: {  	v49 =	vadd.bf16 v52, v51;
	v40 =	vadd.bf16 v39, v40;
	v45 =	vld [tilespmem:s6+$0x180]  }
0x49b: {  	v0 =	vunpack.i.u.bf16.f32 v0;
	v43 =	vadd.bf16 v38, v43;
	v39 =	vadd.bf16 v55, v44;
	v51 =	vld [tilespmem:s6+$0x290]  }
0x49c: {  	v25 =	vadd.f32 v47, v25;
	v42 =	vadd.bf16 v42, v53;
	v38 =	vunpack.i.u.bf16.f32 v40;
	v47 =	vld [tilespmem:s6+$0x210]  }
0x49d: {  	v52 =	vunpack.i.u.bf16.f32 v43;
	v44 =	vadd.bf16 v41, v39;
	v39 =	vunpack.i.l.bf16.f32 v43;
	v43 =	vld [tilespmem:s6+$0x310]  }
0x49e: {  	v22 =	vadd.f32 v0, v22;
	v55 =	vunpack.i.u.bf16.f32 v33;
	v41 =	vadd.bf16 v46, v49;
	v53 =	vld [tilespmem:s6+$0x190]  }
.Ltmp7:
0x49f: {  	v40 =	vunpack.i.l.bf16.f32 v40;
	v0 =	vadd.bf16 v45, v44;
	v44 =	vadd.bf16 v50, v48;
	v45 =	vld [tilespmem:s6+$0x3B0];
	(pc) =	sbr.rel @p1 .LBB2_18-.Ltmp7, $4  }
0x4a0: {  	v32 =	vunpack.i.l.bf16.f32 v32;
	v17 =	vadd.f32 v52, v17;
	v48 =	vadd.bf16 v54, v42;
	v42 =	vld [tilespmem:s6+$0x3A0]  }
0x4a1: {  	v49 =	vunpack.i.u.bf16.f32 v0;
	v0 =	vunpack.i.l.bf16.f32 v0;
	v47 =	vadd.bf16 v51, v47;
	v50 =	vld [tilespmem:s6+$0x2A0]  }
0x4a2: {  	v17 =	vadd.f32 v55, v17;
	v46 =	vunpack.i.l.bf16.f32 v44;
	v28 =	vadd.f32 v0, v28;
	v51 =	vld [tilespmem:s6+$0x220]  }
0x4a3: {  	v25 =	vadd.f32 v32, v25;
	v52 =	vadd.bf16 v53, v48;
	v53 =	vunpack.i.l.bf16.f32 v37;
	v48 =	vld [tilespmem:s6+$0x390]  }
0x4a4: {  	v0 =	vld [tilespmem:s0+$0x1A0];
	s26 =	sshll.u32 s30, $0x8  }
0x4a5: {  	v32 =	vld [tilespmem:s0+$0x320];
	[tilespmem:s26+$0x1C190] =	vst v18  }
0x4a6: {  	[tilespmem:s26+$0x1C1A0] =	vst v30  }
0x4a7: {  	[tilespmem:s26+$0x1C1B0] =	vst v31  }
0x4a8: {  	[tilespmem:s26+$0x1C1C0] =	vst v29  }
0x4a9: {  	[tilespmem:s26+$0x1C1D0] =	vst v21  }
0x4aa: {  	[tilespmem:s26+$0x1C1E0] =	vst v13  }
0x4ab: {  	[tilespmem:s26+$0x1C1F0] =	vst v16  }
0x4ac: {  	[tilespmem:s26+$0x1C200] =	vst v14  }
0x4ad: {  	[tilespmem:s26+$0x1C210] =	vst v12  }
0x4ae: {  	[tilespmem:s26+$0x1C220] =	vst v10  }
0x4af: {  	[tilespmem:s26+$0x1C230] =	vst v15  }
0x4b0: {  	[tilespmem:s26+$0x1D230] =	vst v17  }
0x4b1: {  	[tilespmem:s26+$0x1C240] =	vst v24  }
0x4b2: {  	[tilespmem:s26+$0x1D240] =	vst v25  }
0x4b3: {  	v43 =	vadd.bf16 v43, v47;
	[tilespmem:s26+$0x1C250] =	vst v3  }
0x4b4: {  	v28 =	vadd.f32 v53, v28;
	v11 =	vadd.f32 v49, v11;
	[tilespmem:s26+$0x1D250] =	vst v8  }
0x4b5: {  	v37 =	vunpack.i.u.bf16.f32 v37;
	v53 =	vadd.bf16 v45, v34;
	v55 =	vadd.f32 v46, v20;
	[tilespmem:s26+$0x1C260] =	vst v2  }
0x4b6: {  	v62 =	vld [tilespmem:$0x1FC70];
	v1 =	vadd.f32 v40, v1;
	v5 =	vadd.f32 v38, v5;
	v60 =	vunpack.i.l.bf16.f32 v52;
	[tilespmem:s26+$0x1D260] =	vst v6  }
0x4b7: {  	[tilespmem:s26+$0x1C270] =	vst v23;
	v26 =	vadd.f32 v60, v26;
	v57 =	vunpack.i.l.bf16.f32 v53;
	v61 =	vadd.bf16 v50, v51  }
0x4b8: {  	v56 =	vunpack.i.u.bf16.f32 v44;
	[tilespmem:s26+$0x1D270] =	vst v22;
	v11 =	vadd.f32 v37, v11;
	v58 =	vadd.f32 v57, v55  }
0x4b9: {  	[tilespmem:s26+$0x1D180] =	vst v28;
	v60 =	vunpack.i.l.bf16.f32 v36;
	v37 =	vadd.bf16 v32, v61;
	v0 =	vadd.bf16 v0, v41  }
0x4ba: {  	v63 =	vunpack.i.u.bf16.f32 v52;
	v1 =	vadd.f32 v60, v1;
	v43 =	vadd.bf16 v48, v43;
	[tilespmem:s26+$0x1D190] =	vst v11  }
0x4bb: {  	[tilespmem:s26+$0x1C180] =	vst v62;
	v48 =	vunpack.i.l.bf16.f32 v0;
	v49 =	vadd.bf16 v42, v37;
	v0 =	vunpack.i.u.bf16.f32 v0  }
0x4bc: {  	[tilespmem:s26+$0x1D1E0] =	vst v58;
	v62 =	vadd.f32 v35, v5;
	v41 =	vunpack.i.l.bf16.f32 v43;
	v0 =	vadd.f32 v0, v7  }
0x4bd: {  	v47 =	vadd.f32 v63, v27;
	[tilespmem:s26+$0x1D200] =	vst v1;
	v26 =	vadd.f32 v41, v26;
	v54 =	vunpack.i.u.bf16.f32 v49  }
0x4be: {  	v50 =	vunpack.i.u.bf16.f32 v43;
	[tilespmem:s26+$0x1D210] =	vst v62;
	v7 =	vadd.f32 v56, v9;
	v0 =	vadd.f32 v54, v0  }
0x4bf: {  	p1 =	sne.s32 s31, $0x10;
	v59 =	vunpack.i.u.bf16.f32 v53;
	v18 =	vadd.f32 v50, v47;
	v11 =	vadd.f32 v48, v19;
	[tilespmem:s26+$0x1D1A0] =	vst v26  }
.Ltmp8:
0x4c0: {  	v61 =	vadd.f32 v39, v4;
	v51 =	vunpack.i.l.bf16.f32 v49;
	[tilespmem:s26+$0x1D1D0] =	vst v0;
	v0 =	vadd.f32 v59, v7;
	(pc) =	sbr.rel @p1 .LBB2_3-.Ltmp8, $4  }
0x4c1: {  	v63 =	vunpack.i.l.bf16.f32 v33;
	[tilespmem:s26+$0x1D1B0] =	vst v18;
	v52 =	vadd.f32 v51, v11  }
0x4c2: {  	[tilespmem:s26+$0x1D1F0] =	vst v0;
	v0 =	vadd.f32 v63, v61  }
0x4c3: {  	[tilespmem:s26+$0x1D1C0] =	vst v52  }
0x4c4: {  	s30 =	smov.u32 s31;
	[tilespmem:s26+$0x1D220] =	vst v0  }
0x4c5: {  	s0 =	sadd.s32 $0x1, s29;
	p1 =	seq.s32 s29, $0x1F  }
0x4c6: {  	s6 =	sshll.u32 @!p1 s0, $0x4  }
0x4c7: {  	s6 =	sadd.s32 @!p1 s3, s6  }
0x4c8: {  	s6 =	smul.u32 @!p1 $0x19, s6;
	_ =	sdelay $0x1  }
0x4c9: {  	s26 =	simm.s32 @!p1 $0x0;
	s13 =	sadd.s32 @!p1 s4, s6  }
0x4ca: {  	[tilespmem:s26], [sflag:$0x5] =	stream.linear.gather @!p1 [hbm4b:s13+s26], $0xC80, $0x38;
	[tilespmem:$0x1E380] =	vst v63  }
0x4cb: {  	s13 =	simm.s32 @!p1 $0x5  }
0x4cc: {  	_ =	swait.ge @!p1 [sflag:s13], $0xC80  }
0x4cd: {  	[sflag:s13] =	ssyncset.done @!p1 $0x0  }
0x4ce: {  	s30 =	simm.s32 @!p1 $0xC80;
	s6 =	sadd.s32 @!p1 s5, s6;
	[sflag:s13] =	ssyncadd.s32 @!p1 $0xFFFFF380  }
0x4cf: {  	[tilespmem:s30], [sflag:$0x5] =	stream.linear.gather @!p1 [hbm4b:s6+s26], $0xC80, $0x38;
	[tilespmem:$0x1E380] =	vst v63  }
0x4d0: {  	_ =	swait.ge @!p1 [sflag:s13], $0xC80  }
0x4d1: {  	v9 =	vld [tilespmem:$0x1FFF0];
	_ =	sdelay $0x2  }
0x4d2: {  	s31 =	simm.s32 $0x0;
	[sflag:s13] =	ssyncset.done @!p1 $0x0  }
0x4d3: {  	s6 =	simm.s32 @!p1 $0x38;
	[sflag:s13] =	ssyncadd.s32 @!p1 $0xFFFFF380;
	s13 =	simm.s32 @!p1 $0x1900  }
0x4d4: {  	[tilespmem:s13], [sflag:$0x1] =	stream.indirect.gather @!p1 [spmem:s1], $0x80, s26, s6, $0xb8;
	v0 =	vor.u32 s31, v9;
	[tilespmem:$0x1E380] =	vst v63  }
0x4d5: {  	s26 =	simm.s32 @!p1 $0x3500  }
0x4d6: {  	[tilespmem:s26], [sflag:$0x2] =	stream.indirect.gather @!p1 [spmem:s1], $0x80, s30, s6, $0xb8;
	[tilespmem:$0x1E380] =	vst v63  }
0x4d7: {  	s13 =	simm.s32 @!p1 $0x30;
	s26 =	simm.s32 @!p1 $0x5100;
	s31 =	simm.s32 $0x1  }
0x4d8: {  	[tilespmem:s26], [sflag:$0x3] =	stream.indirect.gather @!p1 [spmem:s1], $0x80, s6, s13, $0xb8;
	[tilespmem:$0x1E380] =	vst v63  }
0x4d9: {  	v6 =	vor.u32 s31, v9;
	v4 =	vld.idx.msk [tilespmem:v0+s25+$0x0], $0xffff  }
0x4da: {  	v2 =	vld.idx.msk [tilespmem:v0+s24+$0x0], $0xffff;
	_ =	sdelay $0x2  }
0x4db: {  	v5 =	vimm.f32 $0.0e+00  }
0x4dc: {  	v3 =	vimm.f32 $0.0e+00;
	v7 =	vimm.f32 $0.0e+00;
	s6 =	simm.s32 $0x2;
	v1 =	vld.idx.msk [tilespmem:v6+s25+$0x0], $0xffff;
	v8 =	vmul.f32 v4, v4  }
.LBB2_21:
0x4dd: {  	p1 =	sne.s32 s6, $0xFF;
	v0 =	vmul.f32 v4, v2;
	v4 =	vmul.f32 v2, v2;
	v2 =	vld.idx.msk [tilespmem:v6+s24+$0x0], $0xffff;
	v6 =	vor.u32 s6, v9;
	s6 =	sadd.s32 $0x1, s6  }
.Ltmp9:
0x4de: {  	v5 =	vadd.f32 v8, v5;
	(pc) =	sbr.rel @p1 .LBB2_21-.Ltmp9, $2  }
0x4df: {  	v3 =	vadd.f32 v0, v3;
	v7 =	vadd.f32 v4, v7;
	_ =	sdelay $0x2  }
0x4e0: {  	v8 =	vmul.f32 v1, v1;
	v4 =	vmov v1;
	v1 =	vld.idx.msk [tilespmem:v6+s25+$0x0], $0xffff  }
0x4e1: {  	_ =	sdelay $0x3  }
0x4e2: {  	v0 =	vld.idx.msk [tilespmem:v6+s24+$0x0], $0xffff;
	_ =	sdelay $0x2  }
0x4e3: {  	v57 =	vmul.f32 v2, v2  }
0x4e4: {  	v5 =	vadd.f32 v8, v5  }
0x4e5: {  	v6 =	vadd.f32 v57, v7;
	v58 =	vmul.f32 v1, v1;
	v59 =	vmul.f32 v0, v0;
	_ =	sdelay $0x1  }
0x4e6: {  	v5 =	vadd.f32 v58, v5;
	v6 =	vadd.f32 v59, v6;
	_ =	sdelay $0x1  }
0x4e7: {  	v5 =	vmul.f32 $2.499999940e-05, v5;
	v6 =	vmul.f32 $2.499999940e-05, v6;
	_ =	sdelay $0x1  }
0x4e8: {  	v5 =	vmax.f32 v5, $1.000000020e-16;
	v6 =	vmax.f32 v6, $1.000000020e-16  }
0x4e9: {  	v5 =	vmul.f32 v5, v6;
	_ =	sdelay $0x1  }
0x4ea: {  	v6 =	vshra.s32 v5, $0x1;
	v5 =	vmul.f32 $5.000000000e-01, v5  }
0x4eb: {  	v6 =	vsub.s32 $0x5F3759DF, v6  }
0x4ec: {  	v60 =	vmul.f32 v6, v5;
	_ =	sdelay $0x1  }
0x4ed: {  	v7 =	vmul.f32 v6, v60;
	_ =	sdelay $0x1  }
0x4ee: {  	v7 =	vsub.f32 $1.500000000e+00, v7;
	_ =	sdelay $0x1  }
0x4ef: {  	v6 =	vmul.f32 v6, v7;
	_ =	sdelay $0x1  }
0x4f0: {  	v7 =	vmul.f32 v6, v5;
	_ =	sdelay $0x1  }
0x4f1: {  	v7 =	vmul.f32 v7, v6;
	_ =	sdelay $0x1  }
0x4f2: {  	v7 =	vsub.f32 $1.500000000e+00, v7;
	_ =	sdelay $0x1  }
0x4f3: {  	v6 =	vmul.f32 v7, v6;
	_ =	sdelay $0x1  }
0x4f4: {  	v61 =	vmul.f32 v4, v2;
	v62 =	vmul.f32 v6, v5;
	_ =	sdelay $0x1  }
0x4f5: {  	v2 =	vadd.f32 v61, v3;
	v0 =	vmul.f32 v1, v0;
	v63 =	vmul.f32 v62, v6;
	_ =	sdelay $0x1  }
0x4f6: {  	v0 =	vadd.f32 v0, v2;
	v1 =	vsub.f32 $1.500000000e+00, v63;
	_ =	sdelay $0x1  }
0x4f7: {  	v0 =	vmul.f32 $2.499999940e-05, v0;
	v1 =	vmul.f32 v1, v6;
	_ =	sdelay $0x1  }
0x4f8: {  	p1 =	sne.s32 s0, $0x20;
	v0 =	vmul.f32 v1, v0  }
.Ltmp10:
0x4f9: {  	_ = 	snop;
	(pc) =	sbr.rel @p1 .LBB2_2-.Ltmp10, $4  }
0x4fa: {  	v0 =	vmax.f32 v0, $0.0e+00  }
0x4fb: {  	s6 =	sshll.u32 s29, $0x4;
	v0 =	vmul.f32 $6.999999880e-01, v0  }
0x4fc: {  	s6 =	sand.u32 $0x3FFFFFF0, s6  }
0x4fd: {  	s29 =	smov.u32 s0;
	[tilespmem:s6+$0x1E180] =	vst v0  }
0x4fe: {  	s28 =	sadd.s32 $0x1, s28  }
0x4ff: {  	p1 =	sne.s32 s28, s10  }
.Ltmp11:
0x500: {  	s0 =	simm.s32 $0x1E180;
	(pc) =	sbr.rel @p1 .LBB2_1-.Ltmp11, $4  }
0x501: {  	[hbm4b:s9+s2] =	stream.linear.scatter [tilespmem:s0], [sflag:$0x5], $0x200, $0x38;
	[tilespmem:$0x1E380] =	vst v63  }
0x502: {  	_ =	swait.ge [sflag:s12], $0x200  }
0x503: {  	[sflag:s12] =	ssyncset.done $0x0  }
0x504: {  	[sflag:s12] =	ssyncadd.s32 $0xFFFFFE00  }
0x505: {  	_ =	sfence.sel $0x180000  }
0x506: {  	[bflag:$0x0] =	sbarrier.arrive $0xFFFF  }
0x507: {  	_ =	strace $0x90000047  }
0x508: {  	[bflag:$0x2] =	sbarrier.arrive $0xFFFF  }
0x509: {  	s0 =	rddreg [dreg:$0x3]  }
0x50a: {  	s0 =	sadd.s32 @!p0 $0x100000, s0  }
0x50b: {  	[sflag:s0] =	ssyncadd.tile.s32 @!p0 $0x1;
	_ =	shalt  }
.Lfunc_end2:
_tile_overlayer_lowered:
.L_overlay_start_2:
0x50c: {  	(tag) =	ssettag $0x2  }
0x50d: {  	s0 =	rddreg [dreg:$0x0];
	s2 =	stileid.u32  }
0x50e: {  	s1 =	rddreg [dreg:$0x1];
	p0 =	sne.s32 s2, $0x0  }
0x50f: {  	s3 =	rddreg [dreg:$0x2];
	[bflag:$0x3] =	sbarrier.arrive $0xFFFF;
	s2 =	simm.s32 @!p0 $0x1C05  }
0x510: {  	[timem:s3], [sflag:s2] =	dma.local @!p0 [hbm:s0], s1  }
0x511: {  	s0 =	simm.s32 @!p0 $0x5  }
0x512: {  	_ =	swait.ge @!p0 [sflag:s0], s1  }
0x513: {  	s1 =	ssub.s32 @!p0 $0x0, s1;
	[sflag:s0] =	ssyncset.done @!p0 $0x0  }
0x514: {  	[sflag:s0] =	ssyncadd.s32 @!p0 s1  }
0x515: {  	[bflag:$0x3] =	sbarrier.arrive $0xFFFF  }
0x516: {  	_ =	shalt  }

</sc_bundles>
